<compile_context>
chip_gen: v7x
topology: tpu7x:2x2x1
jax: 0.10.2.dev20260603
libtpu: 0.0.44.dev20260713+nightly
codegen_flags: <defaults>
</compile_context>

<pallas_src>
import functools

import jax
import jax.numpy as jnp
from jax import lax
from jax.experimental import pallas as pl
from jax.experimental.pallas import tpu as pltpu
from jax.experimental.pallas import tpu_sc as plsc

N = 10000
E = 320000
D = 128
H = 128
C = 16

NC = 2
NS = 16
NW = NC * NS
EPT = E // NW
TROWS = N // NS
DEGPAD = NS * 640
ZDEG = DEGPAD // NS

_mesh = lambda: plsc.VectorSubcoreMesh(
    core_axis_name="c", subcore_axis_name="s", num_cores=NC, num_subcores=NS)


def _zero_vmem_2d(buf, rows, cols):
    z16 = jnp.zeros((16,), jnp.float32)

    @pl.loop(0, rows)
    def _(i):
        for j in range(cols // 16):
            buf[i, pl.ds(j * 16, 16)] = z16


def _deg_kernel_body(ei_hbm, out_hbm, didx, ones_v, zbuf, agg, sem):
    cb = 128
    nch = EPT // cb
    tail = EPT - nch * cb
    ci = lax.axis_index("c")
    si = lax.axis_index("s")
    base = (ci * NS + si) * EPT
    pltpu.sync_copy(ei_hbm.at[1, pl.ds(base, EPT)], didx)

    for r in range(cb // 16):
        ones_v[pl.ds(r * 16, 16)] = jnp.ones((16,), jnp.float32)

    @pl.loop(0, ZDEG // 16)
    def _(i):
        zbuf[pl.ds(i * 16, 16)] = jnp.zeros((16,), jnp.float32)

    pltpu.sync_copy(zbuf, agg.at[pl.ds(si * ZDEG, ZDEG)])
    plsc.subcore_barrier()

    K = 26

    @pl.loop(0, nch // K)
    def _(g):
        @pl.loop(0, K)
        def _(j):
            pltpu.make_async_copy(
                ones_v, agg.at[didx.at[pl.ds((g * K + j) * cb, cb)]], sem) \
                .start(add=True)

        @pl.loop(0, K)
        def _(j):
            pltpu.make_async_copy(
                ones_v, agg.at[didx.at[pl.ds((g * K + j) * cb, cb)]], sem).wait()

    if tail:
        pltpu.sync_copy(ones_v.at[pl.ds(0, tail)],
                        agg.at[didx.at[pl.ds(nch * cb, tail)]], add=True)

    plsc.subcore_barrier()
    pltpu.sync_copy(agg.at[pl.ds(si * ZDEG, ZDEG)],
                    out_hbm.at[pl.ds(ci * DEGPAD + si * ZDEG, ZDEG)])


def _make_deg():
    return pl.kernel(
        _deg_kernel_body,
        out_type=jax.ShapeDtypeStruct((NC * DEGPAD,), jnp.float32),
        mesh=_mesh(),
        scratch_types=[
            pltpu.VMEM((EPT,), jnp.int32),
            pltpu.VMEM((128,), jnp.float32),
            pltpu.VMEM((ZDEG,), jnp.float32),
            pltpu.VMEM_SHARED((DEGPAD,), jnp.float32),
            pltpu.SemaphoreType.DMA,
        ],
        compiler_params=pltpu.CompilerParams(use_tc_tiling_on_sc=False),
    )


def _spmm_body(hdim, cb, nb, arows, wide, table_hbm, ei_hbm, out_hbm,
               sidx, didx, bufs, gsems, ssems, zsem, agg):
    nch = EPT // cb
    tail = EPT - nch * cb
    la = nb // 2
    trows = arows // NS
    ci = lax.axis_index("c")
    si = lax.axis_index("s")
    base = (ci * NS + si) * EPT
    pltpu.make_async_copy(ei_hbm.at[0, pl.ds(base, EPT)], sidx, gsems.at[0]) \
        .start()
    pltpu.make_async_copy(ei_hbm.at[1, pl.ds(base, EPT)], didx, gsems.at[1]) \
        .start()

    zrows = min(cb, trows)
    _zero_vmem_2d(bufs.at[0], zrows, hdim)
    nz = -(-trows // zrows)
    zstarts = [min(k * zrows, trows - zrows) for k in range(nz)]
    for r in zstarts:
        pltpu.make_async_copy(
            bufs.at[0].at[pl.ds(0, zrows)],
            agg.at[pl.ds(si * trows + r, zrows)], zsem).start()
    for r in zstarts:
        pltpu.make_async_copy(
            bufs.at[0].at[pl.ds(0, zrows)],
            agg.at[pl.ds(si * trows + r, zrows)], zsem).wait()
    pltpu.make_async_copy(ei_hbm.at[0, pl.ds(base, EPT)], sidx, gsems.at[0]) \
        .wait()
    pltpu.make_async_copy(ei_hbm.at[1, pl.ds(base, EPT)], didx, gsems.at[1]) \
        .wait()
    plsc.subcore_barrier()

    def gath(c, b):
        return pltpu.make_async_copy(
            table_hbm.at[sidx.at[pl.ds(c * cb, cb)]], bufs.at[b], gsems.at[b])

    def scat(c, b):
        return pltpu.make_async_copy(
            bufs.at[b], agg.at[didx.at[pl.ds(c * cb, cb)]], ssems.at[b])

    for c in range(la):
        gath(c, c).start()

    @pl.loop(0, nch + nb - 1 - ((nch - 1) % nb), step=nb)
    def _(g):
        for b in range(nb):
            c = g + b
            bn = (b + la) % nb

            @pl.when(jnp.logical_and(c >= la, c + la < nch))
            def _():
                scat(c - la, bn).wait()

            @pl.when(c + la < nch)
            def _():
                gath(c + la, bn).start()

            @pl.when(c < nch)
            def _():
                gath(c, b).wait()
                scat(c, b).start(add=True)

    for c in range(nch - nb, nch):
        scat(c, c % nb).wait()

    if tail:
        t0 = nch * cb
        pltpu.sync_copy(table_hbm.at[sidx.at[pl.ds(t0, tail)]],
                        bufs.at[0].at[pl.ds(0, tail)])
        pltpu.sync_copy(bufs.at[0].at[pl.ds(0, tail)],
                        agg.at[didx.at[pl.ds(t0, tail)]], add=True)

    plsc.subcore_barrier()
    r0 = si * trows
    if wide:
        pltpu.sync_copy(agg.at[pl.ds(r0, trows), :],
                        out_hbm.at[pl.ds(ci * arows + r0, trows), pl.ds(0, hdim)])
    else:
        pltpu.sync_copy(agg.at[pl.ds(r0, trows)],
                        out_hbm.at[pl.ds(ci * arows + r0, trows)])


def _make_spmm(hdim, cb, nb, arows=N, wide=False):
    return pl.kernel(
        functools.partial(_spmm_body, hdim, cb, nb, arows, wide),
        out_type=jax.ShapeDtypeStruct(
            (NC * arows, 128) if wide else (NC * arows, hdim), jnp.float32),
        mesh=_mesh(),
        scratch_types=[
            pltpu.VMEM((EPT,), jnp.int32),
            pltpu.VMEM((EPT,), jnp.int32),
            pltpu.VMEM((nb, cb, hdim), jnp.float32),
            pltpu.SemaphoreType.DMA((nb,)),
            pltpu.SemaphoreType.DMA((nb,)),
            pltpu.SemaphoreType.DMA,
            pltpu.VMEM_SHARED((arows, hdim), jnp.float32),
        ],
        compiler_params=pltpu.CompilerParams(use_tc_tiling_on_sc=False),
    )




def _dinv_bcast(degp_ref, width):
    d2 = jnp.reshape(degp_ref[...], (NC, DEGPAD))
    deg = d2[0] + d2[1]
    safe = jnp.where(deg > 0.0, deg, 1.0)
    dinvr = jnp.where(deg > 0.0, lax.rsqrt(safe), 0.0)
    return lax.broadcast_in_dim(dinvr, (DEGPAD, width), (0,))[:N]


def _tc1_body(degp_ref, x_ref, w_ref, t1_ref):
    db = _dinv_bcast(degp_ref, H)
    h = jnp.dot(x_ref[...], w_ref[...], preferred_element_type=jnp.float32)
    t1_ref[...] = h * db


def _tc1(degp, x, W1):
    return pl.pallas_call(
        _tc1_body,
        out_shape=jax.ShapeDtypeStruct((N, H), jnp.float32),
    )(degp, x, W1)


def _tc2_body(degp_ref, p0_ref, p1_ref, b1_ref, w_ref, t2_ref):
    db = _dinv_bcast(degp_ref, H)
    agg = p0_ref[...] + p1_ref[...]
    z = jnp.maximum(agg * db + b1_ref[...], 0.0)
    h2 = jnp.dot(z, w_ref[...], preferred_element_type=jnp.float32)
    t2_ref[...] = h2 * db[:, :C]


def _tc2(degp, p, b1, W2):
    return pl.pallas_call(
        _tc2_body,
        grid=(1,),
        in_specs=[
            pl.BlockSpec((NC * DEGPAD // 128, 128), lambda i: (0, 0)),
            pl.BlockSpec((N, H), lambda i: (0, 0)),
            pl.BlockSpec((N, H), lambda i: (1, 0)),
            pl.BlockSpec((1, H), lambda i: (0, 0)),
            pl.BlockSpec((H, C), lambda i: (0, 0)),
        ],
        out_specs=pl.BlockSpec((N, C), lambda i: (0, 0)),
        out_shape=jax.ShapeDtypeStruct((N, C), jnp.float32),
    )(degp, p, p, b1, W2)


_QROWS = 10240


def _tc3_body(degp_ref, q0_ref, q1_ref, b2_ref, out_ref):
    db = _dinv_bcast(degp_ref, C)
    qs = q0_ref[...][:N, :C] + q1_ref[...][:N, :C]
    out_ref[...] = qs * db + b2_ref[...]


def _tc3(degp, q, b2):
    return pl.pallas_call(
        _tc3_body,
        grid=(1,),
        in_specs=[
            pl.BlockSpec((NC * DEGPAD // 128, 128), lambda i: (0, 0)),
            pl.BlockSpec((_QROWS, 128), lambda i: (0, 0)),
            pl.BlockSpec((_QROWS, 128), lambda i: (1, 0)),
            pl.BlockSpec((1, C), lambda i: (0, 0)),
        ],
        out_specs=pl.BlockSpec((N, C), lambda i: (0, 0)),
        out_shape=jax.ShapeDtypeStruct((N, C), jnp.float32),
    )(degp, q, q, b2)


def kernel(x, edge_index, W1, b1, W2, b2):
    ei = edge_index.astype(jnp.int32)
    degf = _make_deg()(ei)
    degp = degf.reshape(NC * DEGPAD // 128, 128)
    t1 = _tc1(degp, x, W1)
    p = _make_spmm(H, 48, 4)(t1, ei)
    t2 = _tc2(degp, p, b1.reshape(1, H), W2)
    q = _make_spmm(C, 1000, 4, arows=_QROWS, wide=True)(t2, ei)
    return _tc3(degp, q, b2.reshape(1, C))

# --- scband reference (transcript-rebuilt; emitter-appended) ---
"""Pipeline reference for scband-small-gcn-21655225106952 (READ-ONLY COPY).

The authoritative reference and input builder live on the scoring server;
editing this copy changes nothing except your own understanding.
"""

import jax, jax.numpy as jnp
import numpy as np

N = 10000
E = 320000
D = 128
H = 128
C = 16


def setup_inputs(seed: int = 0) -> dict:
    key = jax.random.key(seed)
    k1, k2, k3, k4, k5, k6 = jax.random.split(key, 6)
    x = jax.random.normal(k1, (N, D), dtype=jnp.float32)
    edge_index = jax.random.randint(k2, (2, E), 0, N)
    # GCNConv params: lin weight (no bias in lin), separate additive bias per layer
    W1 = jax.random.normal(k3, (D, H), dtype=jnp.float32) * (1.0 / np.sqrt(D))
    b1 = jnp.zeros((H,), dtype=jnp.float32)
    W2 = jax.random.normal(k4, (H, C), dtype=jnp.float32) * (1.0 / np.sqrt(H))
    b2 = jnp.zeros((C,), dtype=jnp.float32)
    return {"x": x, "edge_index": edge_index, "W1": W1, "b1": b1, "W2": W2, "b2": b2}


def _gcn_layer(x, edge_index, W, b):
    # PyG GCNConv with add_self_loops=False, edge_weight=None (ones):
    # gcn_norm: deg = scatter_add(ones, col); norm = d^-1/2[row] * d^-1/2[col]
    src = edge_index[0]
    dst = edge_index[1]
    ones = jnp.ones((edge_index.shape[1],), dtype=x.dtype)
    deg = jax.ops.segment_sum(ones, dst, num_segments=N)
    dinv = jnp.where(deg > 0, jax.lax.rsqrt(jnp.where(deg > 0, deg, 1.0)), 0.0)
    norm = dinv[src] * dinv[dst]
    h = x @ W
    msg = h[src] * norm[:, None]
    out = jnp.zeros((N, W.shape[1]), dtype=x.dtype).at[dst].add(msg)
    return out + b


def reference(x, edge_index, W1, b1, W2, b2):
    # eval mode: dropout is identity
    h = _gcn_layer(x, edge_index, W1, b1)
    h = jax.nn.relu(h)
    out = _gcn_layer(h, edge_index, W2, b2)
    return out

if __name__ == "__main__":
    import jax
    _d = setup_inputs()
    print(jax.jit(kernel)(*tuple(_d.values())))

</pallas_src>

<mosaic_0001>
#map = affine_map<(d0, d1) -> (0, 0)>
module attributes {stable_mosaic.version = 14 : i64} {
  func.func @_spmm_body(%arg0: i32, %arg1: i32, %arg2: memref<10000x128xf32, #tpu.memory_space<hbm>>, %arg3: memref<2x320000xi32, #tpu.memory_space<hbm>>, %arg4: memref<20000x128xf32, #tpu.memory_space<hbm>>, %arg5: memref<10000xi32, #tpu.memory_space<vmem>>, %arg6: memref<10000xi32, #tpu.memory_space<vmem>>, %arg7: memref<4x48x128xf32, #tpu.memory_space<vmem>>, %arg8: memref<4x!tpu.dma_semaphore, #tpu.memory_space<semaphore_mem>>, %arg9: memref<4x!tpu.dma_semaphore, #tpu.memory_space<semaphore_mem>>, %arg10: memref<!tpu.dma_semaphore, #tpu.memory_space<semaphore_mem>>, %arg11: memref<10000x128xf32, #tpu.memory_space<vmem_shared>>) attributes {dimension_semantics = [#tpu.dimension_semantics<core_parallel>, #tpu.dimension_semantics<subcore_parallel>], iteration_bounds = array<i64: 2, 16>, scalar_prefetch = 0 : i64, scratch_operands = 7 : i64, tpu.core_type = #tpu.core_type<sc_vector_subcore>, window_params = [{transform_indices = #map}, {transform_indices = #map}, {transform_indices = #map}]} {
    %mul3A = arith.constant 16 : i32
    %mul3A_0 = arith.muli %arg0, %mul3A : i32
    %add3A = arith.addi %mul3A_0, %arg1 : i32
    %mul3A_1 = arith.constant 10000 : i32
    %mul3A_2 = arith.muli %add3A, %mul3A_1 : i32
    %dma_start3A = arith.constant 0 : i32
    %dma_start3A_3 = arith.constant 0 : i32
    %dma_start3A_4 = tpu.memref_slice %arg3[%dma_start3A, %mul3A_2] : memref<2x320000xi32, #tpu.memory_space<hbm>> -> memref<1x10000xi32, #tpu.memory_space<hbm>>
    %dma_start3A_5 = tpu.memref_squeeze %dma_start3A_4 : memref<1x10000xi32, #tpu.memory_space<hbm>> -> memref<10000xi32, #tpu.memory_space<hbm>>
    %dma_start3A_6 = tpu.memref_slice %arg8[%dma_start3A_3] : memref<4x!tpu.dma_semaphore, #tpu.memory_space<semaphore_mem>> -> memref<1x!tpu.dma_semaphore, #tpu.memory_space<semaphore_mem>>
    %dma_start3A_7 = tpu.memref_squeeze %dma_start3A_6 : memref<1x!tpu.dma_semaphore, #tpu.memory_space<semaphore_mem>> -> memref<!tpu.dma_semaphore, #tpu.memory_space<semaphore_mem>>
    %dma_start3A_8 = tpu.memref_slice %arg3[%dma_start3A, %mul3A_2] : memref<2x320000xi32, #tpu.memory_space<hbm>> -> memref<1x10000xi32, #tpu.memory_space<hbm>>
    %dma_start3A_9 = tpu.memref_squeeze %dma_start3A_8 : memref<1x10000xi32, #tpu.memory_space<hbm>> -> memref<10000xi32, #tpu.memory_space<hbm>>
    tpu.enqueue_dma source(%dma_start3A_9 : memref<10000xi32, #tpu.memory_space<hbm>>) target(%arg5 : memref<10000xi32, #tpu.memory_space<vmem>>) target_semaphore(%dma_start3A_7 : memref<!tpu.dma_semaphore, #tpu.memory_space<semaphore_mem>>)
    %dma_start3A_10 = arith.constant 1 : i32
    %dma_start3A_11 = arith.constant 1 : i32
    %dma_start3A_12 = tpu.memref_slice %arg3[%dma_start3A_10, %mul3A_2] : memref<2x320000xi32, #tpu.memory_space<hbm>> -> memref<1x10000xi32, #tpu.memory_space<hbm>>
    %dma_start3A_13 = tpu.memref_squeeze %dma_start3A_12 : memref<1x10000xi32, #tpu.memory_space<hbm>> -> memref<10000xi32, #tpu.memory_space<hbm>>
    %dma_start3A_14 = tpu.memref_slice %arg8[%dma_start3A_11] : memref<4x!tpu.dma_semaphore, #tpu.memory_space<semaphore_mem>> -> memref<1x!tpu.dma_semaphore, #tpu.memory_space<semaphore_mem>>
    %dma_start3A_15 = tpu.memref_squeeze %dma_start3A_14 : memref<1x!tpu.dma_semaphore, #tpu.memory_space<semaphore_mem>> -> memref<!tpu.dma_semaphore, #tpu.memory_space<semaphore_mem>>
    %dma_start3A_16 = tpu.memref_slice %arg3[%dma_start3A_10, %mul3A_2] : memref<2x320000xi32, #tpu.memory_space<hbm>> -> memref<1x10000xi32, #tpu.memory_space<hbm>>
    %dma_start3A_17 = tpu.memref_squeeze %dma_start3A_16 : memref<1x10000xi32, #tpu.memory_space<hbm>> -> memref<10000xi32, #tpu.memory_space<hbm>>
    tpu.enqueue_dma source(%dma_start3A_17 : memref<10000xi32, #tpu.memory_space<hbm>>) target(%arg6 : memref<10000xi32, #tpu.memory_space<vmem>>) target_semaphore(%dma_start3A_15 : memref<!tpu.dma_semaphore, #tpu.memory_space<semaphore_mem>>)
    %broadcast_in_dim3A = arith.constant 0.000000e+00 : f32
    %broadcast_in_dim3A_18 = vector.broadcast %broadcast_in_dim3A : f32 to vector<16xf32>
    %scan3A = arith.constant 0 : i32
    %scan3A_19 = arith.constant 0 : i32
    %scan3A_20 = arith.constant 48 : i32
    %scan3A_21 = arith.addi %scan3A_19, %scan3A_20 : i32
    %scan3A_22 = arith.constant 1 : i32
    scf.for %scan3A_773 = %scan3A_19 to %scan3A_21 step %scan3A_22  : i32 {
      %mul3A_774 = arith.constant 1 : i32
      %mul3A_775 = arith.muli %scan3A_773, %mul3A_774 : i32
      %add3A_776 = arith.constant 0 : i32
      %add3A_777 = arith.addi %add3A_776, %mul3A_775 : i32
      %swap3A = arith.constant 0 : i32
      %swap3A_778 = arith.constant 0 : i32
      %swap3A_779 = tpu.memref_slice %arg7[%scan3A, %swap3A, %swap3A_778] : memref<4x48x128xf32, #tpu.memory_space<vmem>> -> memref<1x48x128xf32, #tpu.memory_space<vmem>>
      %swap3A_780 = tpu.memref_squeeze %swap3A_779 : memref<1x48x128xf32, #tpu.memory_space<vmem>> -> memref<48x128xf32, #tpu.memory_space<vmem>>
      %swap3A_781 = arith.index_cast %add3A_777 : i32 to index
      %swap3A_782 = arith.constant 0 : index
      %swap3A_783 = tpu.vector_load %swap3A_780[%swap3A_781, %swap3A_782] {strides = array<i32>} : memref<48x128xf32, #tpu.memory_space<vmem>>, vector<1x16xf32>,
      %swap3A_784 = vector.shape_cast %swap3A_783 : vector<1x16xf32> to vector<16xf32>
      %swap3A_785 = vector.shape_cast %broadcast_in_dim3A_18 : vector<16xf32> to vector<1x16xf32>
      tpu.vector_store %swap3A_780[%swap3A_781, %swap3A_782], %swap3A_785 {strides = array<i32>} : memref<48x128xf32, #tpu.memory_space<vmem>>, vector<1x16xf32>,
      %swap3A_786 = arith.constant 0 : i32
      %swap3A_787 = arith.constant 0 : i32
      %swap3A_788 = tpu.memref_slice %arg7[%scan3A, %swap3A_786, %swap3A_787] : memref<4x48x128xf32, #tpu.memory_space<vmem>> -> memref<1x48x128xf32, #tpu.memory_space<vmem>>
      %swap3A_789 = tpu.memref_squeeze %swap3A_788 : memref<1x48x128xf32, #tpu.memory_space<vmem>> -> memref<48x128xf32, #tpu.memory_space<vmem>>
      %swap3A_790 = arith.index_cast %add3A_777 : i32 to index
      %swap3A_791 = arith.constant 16 : index
      %swap3A_792 = tpu.vector_load %swap3A_789[%swap3A_790, %swap3A_791] {strides = array<i32>} : memref<48x128xf32, #tpu.memory_space<vmem>>, vector<1x16xf32>,
      %swap3A_793 = vector.shape_cast %swap3A_792 : vector<1x16xf32> to vector<16xf32>
      %swap3A_794 = vector.shape_cast %broadcast_in_dim3A_18 : vector<16xf32> to vector<1x16xf32>
      tpu.vector_store %swap3A_789[%swap3A_790, %swap3A_791], %swap3A_794 {strides = array<i32>} : memref<48x128xf32, #tpu.memory_space<vmem>>, vector<1x16xf32>,
      %swap3A_795 = arith.constant 0 : i32
      %swap3A_796 = arith.constant 0 : i32
      %swap3A_797 = tpu.memref_slice %arg7[%scan3A, %swap3A_795, %swap3A_796] : memref<4x48x128xf32, #tpu.memory_space<vmem>> -> memref<1x48x128xf32, #tpu.memory_space<vmem>>
      %swap3A_798 = tpu.memref_squeeze %swap3A_797 : memref<1x48x128xf32, #tpu.memory_space<vmem>> -> memref<48x128xf32, #tpu.memory_space<vmem>>
      %swap3A_799 = arith.index_cast %add3A_777 : i32 to index
      %swap3A_800 = arith.constant 32 : index
      %swap3A_801 = tpu.vector_load %swap3A_798[%swap3A_799, %swap3A_800] {strides = array<i32>} : memref<48x128xf32, #tpu.memory_space<vmem>>, vector<1x16xf32>,
      %swap3A_802 = vector.shape_cast %swap3A_801 : vector<1x16xf32> to vector<16xf32>
      %swap3A_803 = vector.shape_cast %broadcast_in_dim3A_18 : vector<16xf32> to vector<1x16xf32>
      tpu.vector_store %swap3A_798[%swap3A_799, %swap3A_800], %swap3A_803 {strides = array<i32>} : memref<48x128xf32, #tpu.memory_space<vmem>>, vector<1x16xf32>,
      %swap3A_804 = arith.constant 0 : i32
      %swap3A_805 = arith.constant 0 : i32
      %swap3A_806 = tpu.memref_slice %arg7[%scan3A, %swap3A_804, %swap3A_805] : memref<4x48x128xf32, #tpu.memory_space<vmem>> -> memref<1x48x128xf32, #tpu.memory_space<vmem>>
      %swap3A_807 = tpu.memref_squeeze %swap3A_806 : memref<1x48x128xf32, #tpu.memory_space<vmem>> -> memref<48x128xf32, #tpu.memory_space<vmem>>
      %swap3A_808 = arith.index_cast %add3A_777 : i32 to index
      %swap3A_809 = arith.constant 48 : index
      %swap3A_810 = tpu.vector_load %swap3A_807[%swap3A_808, %swap3A_809] {strides = array<i32>} : memref<48x128xf32, #tpu.memory_space<vmem>>, vector<1x16xf32>,
      %swap3A_811 = vector.shape_cast %swap3A_810 : vector<1x16xf32> to vector<16xf32>
      %swap3A_812 = vector.shape_cast %broadcast_in_dim3A_18 : vector<16xf32> to vector<1x16xf32>
      tpu.vector_store %swap3A_807[%swap3A_808, %swap3A_809], %swap3A_812 {strides = array<i32>} : memref<48x128xf32, #tpu.memory_space<vmem>>, vector<1x16xf32>,
      %swap3A_813 = arith.constant 0 : i32
      %swap3A_814 = arith.constant 0 : i32
      %swap3A_815 = tpu.memref_slice %arg7[%scan3A, %swap3A_813, %swap3A_814] : memref<4x48x128xf32, #tpu.memory_space<vmem>> -> memref<1x48x128xf32, #tpu.memory_space<vmem>>
      %swap3A_816 = tpu.memref_squeeze %swap3A_815 : memref<1x48x128xf32, #tpu.memory_space<vmem>> -> memref<48x128xf32, #tpu.memory_space<vmem>>
      %swap3A_817 = arith.index_cast %add3A_777 : i32 to index
      %swap3A_818 = arith.constant 64 : index
      %swap3A_819 = tpu.vector_load %swap3A_816[%swap3A_817, %swap3A_818] {strides = array<i32>} : memref<48x128xf32, #tpu.memory_space<vmem>>, vector<1x16xf32>,
      %swap3A_820 = vector.shape_cast %swap3A_819 : vector<1x16xf32> to vector<16xf32>
      %swap3A_821 = vector.shape_cast %broadcast_in_dim3A_18 : vector<16xf32> to vector<1x16xf32>
      tpu.vector_store %swap3A_816[%swap3A_817, %swap3A_818], %swap3A_821 {strides = array<i32>} : memref<48x128xf32, #tpu.memory_space<vmem>>, vector<1x16xf32>,
      %swap3A_822 = arith.constant 0 : i32
      %swap3A_823 = arith.constant 0 : i32
      %swap3A_824 = tpu.memref_slice %arg7[%scan3A, %swap3A_822, %swap3A_823] : memref<4x48x128xf32, #tpu.memory_space<vmem>> -> memref<1x48x128xf32, #tpu.memory_space<vmem>>
      %swap3A_825 = tpu.memref_squeeze %swap3A_824 : memref<1x48x128xf32, #tpu.memory_space<vmem>> -> memref<48x128xf32, #tpu.memory_space<vmem>>
      %swap3A_826 = arith.index_cast %add3A_777 : i32 to index
      %swap3A_827 = arith.constant 80 : index
      %swap3A_828 = tpu.vector_load %swap3A_825[%swap3A_826, %swap3A_827] {strides = array<i32>} : memref<48x128xf32, #tpu.memory_space<vmem>>, vector<1x16xf32>,
      %swap3A_829 = vector.shape_cast %swap3A_828 : vector<1x16xf32> to vector<16xf32>
      %swap3A_830 = vector.shape_cast %broadcast_in_dim3A_18 : vector<16xf32> to vector<1x16xf32>
      tpu.vector_store %swap3A_825[%swap3A_826, %swap3A_827], %swap3A_830 {strides = array<i32>} : memref<48x128xf32, #tpu.memory_space<vmem>>, vector<1x16xf32>,
      %swap3A_831 = arith.constant 0 : i32
      %swap3A_832 = arith.constant 0 : i32
      %swap3A_833 = tpu.memref_slice %arg7[%scan3A, %swap3A_831, %swap3A_832] : memref<4x48x128xf32, #tpu.memory_space<vmem>> -> memref<1x48x128xf32, #tpu.memory_space<vmem>>
      %swap3A_834 = tpu.memref_squeeze %swap3A_833 : memref<1x48x128xf32, #tpu.memory_space<vmem>> -> memref<48x128xf32, #tpu.memory_space<vmem>>
      %swap3A_835 = arith.index_cast %add3A_777 : i32 to index
      %swap3A_836 = arith.constant 96 : index
      %swap3A_837 = tpu.vector_load %swap3A_834[%swap3A_835, %swap3A_836] {strides = array<i32>} : memref<48x128xf32, #tpu.memory_space<vmem>>, vector<1x16xf32>,
      %swap3A_838 = vector.shape_cast %swap3A_837 : vector<1x16xf32> to vector<16xf32>
      %swap3A_839 = vector.shape_cast %broadcast_in_dim3A_18 : vector<16xf32> to vector<1x16xf32>
      tpu.vector_store %swap3A_834[%swap3A_835, %swap3A_836], %swap3A_839 {strides = array<i32>} : memref<48x128xf32, #tpu.memory_space<vmem>>, vector<1x16xf32>,
      %swap3A_840 = arith.constant 0 : i32
      %swap3A_841 = arith.constant 0 : i32
      %swap3A_842 = tpu.memref_slice %arg7[%scan3A, %swap3A_840, %swap3A_841] : memref<4x48x128xf32, #tpu.memory_space<vmem>> -> memref<1x48x128xf32, #tpu.memory_space<vmem>>
      %swap3A_843 = tpu.memref_squeeze %swap3A_842 : memref<1x48x128xf32, #tpu.memory_space<vmem>> -> memref<48x128xf32, #tpu.memory_space<vmem>>
      %swap3A_844 = arith.index_cast %add3A_777 : i32 to index
      %swap3A_845 = arith.constant 112 : index
      %swap3A_846 = tpu.vector_load %swap3A_843[%swap3A_844, %swap3A_845] {strides = array<i32>} : memref<48x128xf32, #tpu.memory_space<vmem>>, vector<1x16xf32>,
      %swap3A_847 = vector.shape_cast %swap3A_846 : vector<1x16xf32> to vector<16xf32>
      %swap3A_848 = vector.shape_cast %broadcast_in_dim3A_18 : vector<16xf32> to vector<1x16xf32>
      tpu.vector_store %swap3A_843[%swap3A_844, %swap3A_845], %swap3A_848 {strides = array<i32>} : memref<48x128xf32, #tpu.memory_space<vmem>>, vector<1x16xf32>,
    }
    %scan3A_23 = arith.constant 48 : i32
    %mul3A_24 = arith.constant 625 : i32
    %mul3A_25 = arith.muli %arg1, %mul3A_24 : i32
    %add3A_26 = arith.constant 0 : i32
    %add3A_27 = arith.addi %mul3A_25, %add3A_26 : i32
    %dma_start3A_28 = arith.constant 0 : i32
    %dma_start3A_29 = arith.constant 0 : i32
    %dma_start3A_30 = arith.constant 0 : i32
    %dma_start3A_31 = tpu.memref_slice %arg7[%dma_start3A_28, %dma_start3A_29, %dma_start3A_30] : memref<4x48x128xf32, #tpu.memory_space<vmem>> -> memref<1x48x128xf32, #tpu.memory_space<vmem>>
    %dma_start3A_32 = tpu.memref_squeeze %dma_start3A_31 : memref<1x48x128xf32, #tpu.memory_space<vmem>> -> memref<48x128xf32, #tpu.memory_space<vmem>>
    %dma_start3A_33 = arith.constant 0 : i32
    %dma_start3A_34 = arith.constant 0 : i32
    %dma_start3A_35 = tpu.memref_slice %dma_start3A_32[%dma_start3A_33, %dma_start3A_34] : memref<48x128xf32, #tpu.memory_space<vmem>> -> memref<48x128xf32, #tpu.memory_space<vmem>>
    %dma_start3A_36 = arith.constant 0 : i32
    %dma_start3A_37 = tpu.memref_slice %arg11[%add3A_27, %dma_start3A_36] : memref<10000x128xf32, #tpu.memory_space<vmem_shared>> -> memref<48x128xf32, #tpu.memory_space<vmem_shared>>
    %dma_start3A_38 = arith.constant 0 : i32
    %dma_start3A_39 = tpu.memref_slice %arg11[%add3A_27, %dma_start3A_38] : memref<10000x128xf32, #tpu.memory_space<vmem_shared>> -> memref<48x128xf32, #tpu.memory_space<vmem_shared>>
    %dma_start3A_40 = arith.constant 0 : i32
    %dma_start3A_41 = arith.constant 0 : i32
    %dma_start3A_42 = tpu.memref_slice %arg7[%dma_start3A_28, %dma_start3A_40, %dma_start3A_41] : memref<4x48x128xf32, #tpu.memory_space<vmem>> -> memref<1x48x128xf32, #tpu.memory_space<vmem>>
    %dma_start3A_43 = tpu.memref_squeeze %dma_start3A_42 : memref<1x48x128xf32, #tpu.memory_space<vmem>> -> memref<48x128xf32, #tpu.memory_space<vmem>>
    %dma_start3A_44 = arith.constant 0 : i32
    %dma_start3A_45 = arith.constant 0 : i32
    %dma_start3A_46 = tpu.memref_slice %dma_start3A_43[%dma_start3A_44, %dma_start3A_45] : memref<48x128xf32, #tpu.memory_space<vmem>> -> memref<48x128xf32, #tpu.memory_space<vmem>>
    tpu.enqueue_dma source(%dma_start3A_46 : memref<48x128xf32, #tpu.memory_space<vmem>>) target(%dma_start3A_39 : memref<48x128xf32, #tpu.memory_space<vmem_shared>>) target_semaphore(%arg10 : memref<!tpu.dma_semaphore, #tpu.memory_space<semaphore_mem>>)
    %mul3A_47 = arith.constant 625 : i32
    %mul3A_48 = arith.muli %arg1, %mul3A_47 : i32
    %add3A_49 = arith.constant 48 : i32
    %add3A_50 = arith.addi %mul3A_48, %add3A_49 : i32
    %dma_start3A_51 = arith.constant 0 : i32
    %dma_start3A_52 = arith.constant 0 : i32
    %dma_start3A_53 = arith.constant 0 : i32
    %dma_start3A_54 = tpu.memref_slice %arg7[%dma_start3A_51, %dma_start3A_52, %dma_start3A_53] : memref<4x48x128xf32, #tpu.memory_space<vmem>> -> memref<1x48x128xf32, #tpu.memory_space<vmem>>
    %dma_start3A_55 = tpu.memref_squeeze %dma_start3A_54 : memref<1x48x128xf32, #tpu.memory_space<vmem>> -> memref<48x128xf32, #tpu.memory_space<vmem>>
    %dma_start3A_56 = arith.constant 0 : i32
    %dma_start3A_57 = arith.constant 0 : i32
    %dma_start3A_58 = tpu.memref_slice %dma_start3A_55[%dma_start3A_56, %dma_start3A_57] : memref<48x128xf32, #tpu.memory_space<vmem>> -> memref<48x128xf32, #tpu.memory_space<vmem>>
    %dma_start3A_59 = arith.constant 0 : i32
    %dma_start3A_60 = tpu.memref_slice %arg11[%add3A_50, %dma_start3A_59] : memref<10000x128xf32, #tpu.memory_space<vmem_shared>> -> memref<48x128xf32, #tpu.memory_space<vmem_shared>>
    %dma_start3A_61 = arith.constant 0 : i32
    %dma_start3A_62 = tpu.memref_slice %arg11[%add3A_50, %dma_start3A_61] : memref<10000x128xf32, #tpu.memory_space<vmem_shared>> -> memref<48x128xf32, #tpu.memory_space<vmem_shared>>
    %dma_start3A_63 = arith.constant 0 : i32
    %dma_start3A_64 = arith.constant 0 : i32
    %dma_start3A_65 = tpu.memref_slice %arg7[%dma_start3A_51, %dma_start3A_63, %dma_start3A_64] : memref<4x48x128xf32, #tpu.memory_space<vmem>> -> memref<1x48x128xf32, #tpu.memory_space<vmem>>
    %dma_start3A_66 = tpu.memref_squeeze %dma_start3A_65 : memref<1x48x128xf32, #tpu.memory_space<vmem>> -> memref<48x128xf32, #tpu.memory_space<vmem>>
    %dma_start3A_67 = arith.constant 0 : i32
    %dma_start3A_68 = arith.constant 0 : i32
    %dma_start3A_69 = tpu.memref_slice %dma_start3A_66[%dma_start3A_67, %dma_start3A_68] : memref<48x128xf32, #tpu.memory_space<vmem>> -> memref<48x128xf32, #tpu.memory_space<vmem>>
    tpu.enqueue_dma source(%dma_start3A_69 : memref<48x128xf32, #tpu.memory_space<vmem>>) target(%dma_start3A_62 : memref<48x128xf32, #tpu.memory_space<vmem_shared>>) target_semaphore(%arg10 : memref<!tpu.dma_semaphore, #tpu.memory_space<semaphore_mem>>)
    %mul3A_70 = arith.constant 625 : i32
    %mul3A_71 = arith.muli %arg1, %mul3A_70 : i32
    %add3A_72 = arith.constant 96 : i32
    %add3A_73 = arith.addi %mul3A_71, %add3A_72 : i32
    %dma_start3A_74 = arith.constant 0 : i32
    %dma_start3A_75 = arith.constant 0 : i32
    %dma_start3A_76 = arith.constant 0 : i32
    %dma_start3A_77 = tpu.memref_slice %arg7[%dma_start3A_74, %dma_start3A_75, %dma_start3A_76] : memref<4x48x128xf32, #tpu.memory_space<vmem>> -> memref<1x48x128xf32, #tpu.memory_space<vmem>>
    %dma_start3A_78 = tpu.memref_squeeze %dma_start3A_77 : memref<1x48x128xf32, #tpu.memory_space<vmem>> -> memref<48x128xf32, #tpu.memory_space<vmem>>
    %dma_start3A_79 = arith.constant 0 : i32
    %dma_start3A_80 = arith.constant 0 : i32
    %dma_start3A_81 = tpu.memref_slice %dma_start3A_78[%dma_start3A_79, %dma_start3A_80] : memref<48x128xf32, #tpu.memory_space<vmem>> -> memref<48x128xf32, #tpu.memory_space<vmem>>
    %dma_start3A_82 = arith.constant 0 : i32
    %dma_start3A_83 = tpu.memref_slice %arg11[%add3A_73, %dma_start3A_82] : memref<10000x128xf32, #tpu.memory_space<vmem_shared>> -> memref<48x128xf32, #tpu.memory_space<vmem_shared>>
    %dma_start3A_84 = arith.constant 0 : i32
    %dma_start3A_85 = tpu.memref_slice %arg11[%add3A_73, %dma_start3A_84] : memref<10000x128xf32, #tpu.memory_space<vmem_shared>> -> memref<48x128xf32, #tpu.memory_space<vmem_shared>>
    %dma_start3A_86 = arith.constant 0 : i32
    %dma_start3A_87 = arith.constant 0 : i32
    %dma_start3A_88 = tpu.memref_slice %arg7[%dma_start3A_74, %dma_start3A_86, %dma_start3A_87] : memref<4x48x128xf32, #tpu.memory_space<vmem>> -> memref<1x48x128xf32, #tpu.memory_space<vmem>>
    %dma_start3A_89 = tpu.memref_squeeze %dma_start3A_88 : memref<1x48x128xf32, #tpu.memory_space<vmem>> -> memref<48x128xf32, #tpu.memory_space<vmem>>
    %dma_start3A_90 = arith.constant 0 : i32
    %dma_start3A_91 = arith.constant 0 : i32
    %dma_start3A_92 = tpu.memref_slice %dma_start3A_89[%dma_start3A_90, %dma_start3A_91] : memref<48x128xf32, #tpu.memory_space<vmem>> -> memref<48x128xf32, #tpu.memory_space<vmem>>
    tpu.enqueue_dma source(%dma_start3A_92 : memref<48x128xf32, #tpu.memory_space<vmem>>) target(%dma_start3A_85 : memref<48x128xf32, #tpu.memory_space<vmem_shared>>) target_semaphore(%arg10 : memref<!tpu.dma_semaphore, #tpu.memory_space<semaphore_mem>>)
    %mul3A_93 = arith.constant 625 : i32
    %mul3A_94 = arith.muli %arg1, %mul3A_93 : i32
    %add3A_95 = arith.constant 144 : i32
    %add3A_96 = arith.addi %mul3A_94, %add3A_95 : i32
    %dma_start3A_97 = arith.constant 0 : i32
    %dma_start3A_98 = arith.constant 0 : i32
    %dma_start3A_99 = arith.constant 0 : i32
    %dma_start3A_100 = tpu.memref_slice %arg7[%dma_start3A_97, %dma_start3A_98, %dma_start3A_99] : memref<4x48x128xf32, #tpu.memory_space<vmem>> -> memref<1x48x128xf32, #tpu.memory_space<vmem>>
    %dma_start3A_101 = tpu.memref_squeeze %dma_start3A_100 : memref<1x48x128xf32, #tpu.memory_space<vmem>> -> memref<48x128xf32, #tpu.memory_space<vmem>>
    %dma_start3A_102 = arith.constant 0 : i32
    %dma_start3A_103 = arith.constant 0 : i32
    %dma_start3A_104 = tpu.memref_slice %dma_start3A_101[%dma_start3A_102, %dma_start3A_103] : memref<48x128xf32, #tpu.memory_space<vmem>> -> memref<48x128xf32, #tpu.memory_space<vmem>>
    %dma_start3A_105 = arith.constant 0 : i32
    %dma_start3A_106 = tpu.memref_slice %arg11[%add3A_96, %dma_start3A_105] : memref<10000x128xf32, #tpu.memory_space<vmem_shared>> -> memref<48x128xf32, #tpu.memory_space<vmem_shared>>
    %dma_start3A_107 = arith.constant 0 : i32
    %dma_start3A_108 = tpu.memref_slice %arg11[%add3A_96, %dma_start3A_107] : memref<10000x128xf32, #tpu.memory_space<vmem_shared>> -> memref<48x128xf32, #tpu.memory_space<vmem_shared>>
    %dma_start3A_109 = arith.constant 0 : i32
    %dma_start3A_110 = arith.constant 0 : i32
    %dma_start3A_111 = tpu.memref_slice %arg7[%dma_start3A_97, %dma_start3A_109, %dma_start3A_110] : memref<4x48x128xf32, #tpu.memory_space<vmem>> -> memref<1x48x128xf32, #tpu.memory_space<vmem>>
    %dma_start3A_112 = tpu.memref_squeeze %dma_start3A_111 : memref<1x48x128xf32, #tpu.memory_space<vmem>> -> memref<48x128xf32, #tpu.memory_space<vmem>>
    %dma_start3A_113 = arith.constant 0 : i32
    %dma_start3A_114 = arith.constant 0 : i32
    %dma_start3A_115 = tpu.memref_slice %dma_start3A_112[%dma_start3A_113, %dma_start3A_114] : memref<48x128xf32, #tpu.memory_space<vmem>> -> memref<48x128xf32, #tpu.memory_space<vmem>>
    tpu.enqueue_dma source(%dma_start3A_115 : memref<48x128xf32, #tpu.memory_space<vmem>>) target(%dma_start3A_108 : memref<48x128xf32, #tpu.memory_space<vmem_shared>>) target_semaphore(%arg10 : memref<!tpu.dma_semaphore, #tpu.memory_space<semaphore_mem>>)
    %mul3A_116 = arith.constant 625 : i32
    %mul3A_117 = arith.muli %arg1, %mul3A_116 : i32
    %add3A_118 = arith.constant 192 : i32
    %add3A_119 = arith.addi %mul3A_117, %add3A_118 : i32
    %dma_start3A_120 = arith.constant 0 : i32
    %dma_start3A_121 = arith.constant 0 : i32
    %dma_start3A_122 = arith.constant 0 : i32
    %dma_start3A_123 = tpu.memref_slice %arg7[%dma_start3A_120, %dma_start3A_121, %dma_start3A_122] : memref<4x48x128xf32, #tpu.memory_space<vmem>> -> memref<1x48x128xf32, #tpu.memory_space<vmem>>
    %dma_start3A_124 = tpu.memref_squeeze %dma_start3A_123 : memref<1x48x128xf32, #tpu.memory_space<vmem>> -> memref<48x128xf32, #tpu.memory_space<vmem>>
    %dma_start3A_125 = arith.constant 0 : i32
    %dma_start3A_126 = arith.constant 0 : i32
    %dma_start3A_127 = tpu.memref_slice %dma_start3A_124[%dma_start3A_125, %dma_start3A_126] : memref<48x128xf32, #tpu.memory_space<vmem>> -> memref<48x128xf32, #tpu.memory_space<vmem>>
    %dma_start3A_128 = arith.constant 0 : i32
    %dma_start3A_129 = tpu.memref_slice %arg11[%add3A_119, %dma_start3A_128] : memref<10000x128xf32, #tpu.memory_space<vmem_shared>> -> memref<48x128xf32, #tpu.memory_space<vmem_shared>>
    %dma_start3A_130 = arith.constant 0 : i32
    %dma_start3A_131 = tpu.memref_slice %arg11[%add3A_119, %dma_start3A_130] : memref<10000x128xf32, #tpu.memory_space<vmem_shared>> -> memref<48x128xf32, #tpu.memory_space<vmem_shared>>
    %dma_start3A_132 = arith.constant 0 : i32
    %dma_start3A_133 = arith.constant 0 : i32
    %dma_start3A_134 = tpu.memref_slice %arg7[%dma_start3A_120, %dma_start3A_132, %dma_start3A_133] : memref<4x48x128xf32, #tpu.memory_space<vmem>> -> memref<1x48x128xf32, #tpu.memory_space<vmem>>
    %dma_start3A_135 = tpu.memref_squeeze %dma_start3A_134 : memref<1x48x128xf32, #tpu.memory_space<vmem>> -> memref<48x128xf32, #tpu.memory_space<vmem>>
    %dma_start3A_136 = arith.constant 0 : i32
    %dma_start3A_137 = arith.constant 0 : i32
    %dma_start3A_138 = tpu.memref_slice %dma_start3A_135[%dma_start3A_136, %dma_start3A_137] : memref<48x128xf32, #tpu.memory_space<vmem>> -> memref<48x128xf32, #tpu.memory_space<vmem>>
    tpu.enqueue_dma source(%dma_start3A_138 : memref<48x128xf32, #tpu.memory_space<vmem>>) target(%dma_start3A_131 : memref<48x128xf32, #tpu.memory_space<vmem_shared>>) target_semaphore(%arg10 : memref<!tpu.dma_semaphore, #tpu.memory_space<semaphore_mem>>)
    %mul3A_139 = arith.constant 625 : i32
    %mul3A_140 = arith.muli %arg1, %mul3A_139 : i32
    %add3A_141 = arith.constant 240 : i32
    %add3A_142 = arith.addi %mul3A_140, %add3A_141 : i32
    %dma_start3A_143 = arith.constant 0 : i32
    %dma_start3A_144 = arith.constant 0 : i32
    %dma_start3A_145 = arith.constant 0 : i32
    %dma_start3A_146 = tpu.memref_slice %arg7[%dma_start3A_143, %dma_start3A_144, %dma_start3A_145] : memref<4x48x128xf32, #tpu.memory_space<vmem>> -> memref<1x48x128xf32, #tpu.memory_space<vmem>>
    %dma_start3A_147 = tpu.memref_squeeze %dma_start3A_146 : memref<1x48x128xf32, #tpu.memory_space<vmem>> -> memref<48x128xf32, #tpu.memory_space<vmem>>
    %dma_start3A_148 = arith.constant 0 : i32
    %dma_start3A_149 = arith.constant 0 : i32
    %dma_start3A_150 = tpu.memref_slice %dma_start3A_147[%dma_start3A_148, %dma_start3A_149] : memref<48x128xf32, #tpu.memory_space<vmem>> -> memref<48x128xf32, #tpu.memory_space<vmem>>
    %dma_start3A_151 = arith.constant 0 : i32
    %dma_start3A_152 = tpu.memref_slice %arg11[%add3A_142, %dma_start3A_151] : memref<10000x128xf32, #tpu.memory_space<vmem_shared>> -> memref<48x128xf32, #tpu.memory_space<vmem_shared>>
    %dma_start3A_153 = arith.constant 0 : i32
    %dma_start3A_154 = tpu.memref_slice %arg11[%add3A_142, %dma_start3A_153] : memref<10000x128xf32, #tpu.memory_space<vmem_shared>> -> memref<48x128xf32, #tpu.memory_space<vmem_shared>>
    %dma_start3A_155 = arith.constant 0 : i32
    %dma_start3A_156 = arith.constant 0 : i32
    %dma_start3A_157 = tpu.memref_slice %arg7[%dma_start3A_143, %dma_start3A_155, %dma_start3A_156] : memref<4x48x128xf32, #tpu.memory_space<vmem>> -> memref<1x48x128xf32, #tpu.memory_space<vmem>>
    %dma_start3A_158 = tpu.memref_squeeze %dma_start3A_157 : memref<1x48x128xf32, #tpu.memory_space<vmem>> -> memref<48x128xf32, #tpu.memory_space<vmem>>
    %dma_start3A_159 = arith.constant 0 : i32
    %dma_start3A_160 = arith.constant 0 : i32
    %dma_start3A_161 = tpu.memref_slice %dma_start3A_158[%dma_start3A_159, %dma_start3A_160] : memref<48x128xf32, #tpu.memory_space<vmem>> -> memref<48x128xf32, #tpu.memory_space<vmem>>
    tpu.enqueue_dma source(%dma_start3A_161 : memref<48x128xf32, #tpu.memory_space<vmem>>) target(%dma_start3A_154 : memref<48x128xf32, #tpu.memory_space<vmem_shared>>) target_semaphore(%arg10 : memref<!tpu.dma_semaphore, #tpu.memory_space<semaphore_mem>>)
    %mul3A_162 = arith.constant 625 : i32
    %mul3A_163 = arith.muli %arg1, %mul3A_162 : i32
    %add3A_164 = arith.constant 288 : i32
    %add3A_165 = arith.addi %mul3A_163, %add3A_164 : i32
    %dma_start3A_166 = arith.constant 0 : i32
    %dma_start3A_167 = arith.constant 0 : i32
    %dma_start3A_168 = arith.constant 0 : i32
    %dma_start3A_169 = tpu.memref_slice %arg7[%dma_start3A_166, %dma_start3A_167, %dma_start3A_168] : memref<4x48x128xf32, #tpu.memory_space<vmem>> -> memref<1x48x128xf32, #tpu.memory_space<vmem>>
    %dma_start3A_170 = tpu.memref_squeeze %dma_start3A_169 : memref<1x48x128xf32, #tpu.memory_space<vmem>> -> memref<48x128xf32, #tpu.memory_space<vmem>>
    %dma_start3A_171 = arith.constant 0 : i32
    %dma_start3A_172 = arith.constant 0 : i32
    %dma_start3A_173 = tpu.memref_slice %dma_start3A_170[%dma_start3A_171, %dma_start3A_172] : memref<48x128xf32, #tpu.memory_space<vmem>> -> memref<48x128xf32, #tpu.memory_space<vmem>>
    %dma_start3A_174 = arith.constant 0 : i32
    %dma_start3A_175 = tpu.memref_slice %arg11[%add3A_165, %dma_start3A_174] : memref<10000x128xf32, #tpu.memory_space<vmem_shared>> -> memref<48x128xf32, #tpu.memory_space<vmem_shared>>
    %dma_start3A_176 = arith.constant 0 : i32
    %dma_start3A_177 = tpu.memref_slice %arg11[%add3A_165, %dma_start3A_176] : memref<10000x128xf32, #tpu.memory_space<vmem_shared>> -> memref<48x128xf32, #tpu.memory_space<vmem_shared>>
    %dma_start3A_178 = arith.constant 0 : i32
    %dma_start3A_179 = arith.constant 0 : i32
    %dma_start3A_180 = tpu.memref_slice %arg7[%dma_start3A_166, %dma_start3A_178, %dma_start3A_179] : memref<4x48x128xf32, #tpu.memory_space<vmem>> -> memref<1x48x128xf32, #tpu.memory_space<vmem>>
    %dma_start3A_181 = tpu.memref_squeeze %dma_start3A_180 : memref<1x48x128xf32, #tpu.memory_space<vmem>> -> memref<48x128xf32, #tpu.memory_space<vmem>>
    %dma_start3A_182 = arith.constant 0 : i32
    %dma_start3A_183 = arith.constant 0 : i32
    %dma_start3A_184 = tpu.memref_slice %dma_start3A_181[%dma_start3A_182, %dma_start3A_183] : memref<48x128xf32, #tpu.memory_space<vmem>> -> memref<48x128xf32, #tpu.memory_space<vmem>>
    tpu.enqueue_dma source(%dma_start3A_184 : memref<48x128xf32, #tpu.memory_space<vmem>>) target(%dma_start3A_177 : memref<48x128xf32, #tpu.memory_space<vmem_shared>>) target_semaphore(%arg10 : memref<!tpu.dma_semaphore, #tpu.memory_space<semaphore_mem>>)
    %mul3A_185 = arith.constant 625 : i32
    %mul3A_186 = arith.muli %arg1, %mul3A_185 : i32
    %add3A_187 = arith.constant 336 : i32
    %add3A_188 = arith.addi %mul3A_186, %add3A_187 : i32
    %dma_start3A_189 = arith.constant 0 : i32
    %dma_start3A_190 = arith.constant 0 : i32
    %dma_start3A_191 = arith.constant 0 : i32
    %dma_start3A_192 = tpu.memref_slice %arg7[%dma_start3A_189, %dma_start3A_190, %dma_start3A_191] : memref<4x48x128xf32, #tpu.memory_space<vmem>> -> memref<1x48x128xf32, #tpu.memory_space<vmem>>
    %dma_start3A_193 = tpu.memref_squeeze %dma_start3A_192 : memref<1x48x128xf32, #tpu.memory_space<vmem>> -> memref<48x128xf32, #tpu.memory_space<vmem>>
    %dma_start3A_194 = arith.constant 0 : i32
    %dma_start3A_195 = arith.constant 0 : i32
    %dma_start3A_196 = tpu.memref_slice %dma_start3A_193[%dma_start3A_194, %dma_start3A_195] : memref<48x128xf32, #tpu.memory_space<vmem>> -> memref<48x128xf32, #tpu.memory_space<vmem>>
    %dma_start3A_197 = arith.constant 0 : i32
    %dma_start3A_198 = tpu.memref_slice %arg11[%add3A_188, %dma_start3A_197] : memref<10000x128xf32, #tpu.memory_space<vmem_shared>> -> memref<48x128xf32, #tpu.memory_space<vmem_shared>>
    %dma_start3A_199 = arith.constant 0 : i32
    %dma_start3A_200 = tpu.memref_slice %arg11[%add3A_188, %dma_start3A_199] : memref<10000x128xf32, #tpu.memory_space<vmem_shared>> -> memref<48x128xf32, #tpu.memory_space<vmem_shared>>
    %dma_start3A_201 = arith.constant 0 : i32
    %dma_start3A_202 = arith.constant 0 : i32
    %dma_start3A_203 = tpu.memref_slice %arg7[%dma_start3A_189, %dma_start3A_201, %dma_start3A_202] : memref<4x48x128xf32, #tpu.memory_space<vmem>> -> memref<1x48x128xf32, #tpu.memory_space<vmem>>
    %dma_start3A_204 = tpu.memref_squeeze %dma_start3A_203 : memref<1x48x128xf32, #tpu.memory_space<vmem>> -> memref<48x128xf32, #tpu.memory_space<vmem>>
    %dma_start3A_205 = arith.constant 0 : i32
    %dma_start3A_206 = arith.constant 0 : i32
    %dma_start3A_207 = tpu.memref_slice %dma_start3A_204[%dma_start3A_205, %dma_start3A_206] : memref<48x128xf32, #tpu.memory_space<vmem>> -> memref<48x128xf32, #tpu.memory_space<vmem>>
    tpu.enqueue_dma source(%dma_start3A_207 : memref<48x128xf32, #tpu.memory_space<vmem>>) target(%dma_start3A_200 : memref<48x128xf32, #tpu.memory_space<vmem_shared>>) target_semaphore(%arg10 : memref<!tpu.dma_semaphore, #tpu.memory_space<semaphore_mem>>)
    %mul3A_208 = arith.constant 625 : i32
    %mul3A_209 = arith.muli %arg1, %mul3A_208 : i32
    %add3A_210 = arith.constant 384 : i32
    %add3A_211 = arith.addi %mul3A_209, %add3A_210 : i32
    %dma_start3A_212 = arith.constant 0 : i32
    %dma_start3A_213 = arith.constant 0 : i32
    %dma_start3A_214 = arith.constant 0 : i32
    %dma_start3A_215 = tpu.memref_slice %arg7[%dma_start3A_212, %dma_start3A_213, %dma_start3A_214] : memref<4x48x128xf32, #tpu.memory_space<vmem>> -> memref<1x48x128xf32, #tpu.memory_space<vmem>>
    %dma_start3A_216 = tpu.memref_squeeze %dma_start3A_215 : memref<1x48x128xf32, #tpu.memory_space<vmem>> -> memref<48x128xf32, #tpu.memory_space<vmem>>
    %dma_start3A_217 = arith.constant 0 : i32
    %dma_start3A_218 = arith.constant 0 : i32
    %dma_start3A_219 = tpu.memref_slice %dma_start3A_216[%dma_start3A_217, %dma_start3A_218] : memref<48x128xf32, #tpu.memory_space<vmem>> -> memref<48x128xf32, #tpu.memory_space<vmem>>
    %dma_start3A_220 = arith.constant 0 : i32
    %dma_start3A_221 = tpu.memref_slice %arg11[%add3A_211, %dma_start3A_220] : memref<10000x128xf32, #tpu.memory_space<vmem_shared>> -> memref<48x128xf32, #tpu.memory_space<vmem_shared>>
    %dma_start3A_222 = arith.constant 0 : i32
    %dma_start3A_223 = tpu.memref_slice %arg11[%add3A_211, %dma_start3A_222] : memref<10000x128xf32, #tpu.memory_space<vmem_shared>> -> memref<48x128xf32, #tpu.memory_space<vmem_shared>>
    %dma_start3A_224 = arith.constant 0 : i32
    %dma_start3A_225 = arith.constant 0 : i32
    %dma_start3A_226 = tpu.memref_slice %arg7[%dma_start3A_212, %dma_start3A_224, %dma_start3A_225] : memref<4x48x128xf32, #tpu.memory_space<vmem>> -> memref<1x48x128xf32, #tpu.memory_space<vmem>>
    %dma_start3A_227 = tpu.memref_squeeze %dma_start3A_226 : memref<1x48x128xf32, #tpu.memory_space<vmem>> -> memref<48x128xf32, #tpu.memory_space<vmem>>
    %dma_start3A_228 = arith.constant 0 : i32
    %dma_start3A_229 = arith.constant 0 : i32
    %dma_start3A_230 = tpu.memref_slice %dma_start3A_227[%dma_start3A_228, %dma_start3A_229] : memref<48x128xf32, #tpu.memory_space<vmem>> -> memref<48x128xf32, #tpu.memory_space<vmem>>
    tpu.enqueue_dma source(%dma_start3A_230 : memref<48x128xf32, #tpu.memory_space<vmem>>) target(%dma_start3A_223 : memref<48x128xf32, #tpu.memory_space<vmem_shared>>) target_semaphore(%arg10 : memref<!tpu.dma_semaphore, #tpu.memory_space<semaphore_mem>>)
    %mul3A_231 = arith.constant 625 : i32
    %mul3A_232 = arith.muli %arg1, %mul3A_231 : i32
    %add3A_233 = arith.constant 432 : i32
    %add3A_234 = arith.addi %mul3A_232, %add3A_233 : i32
    %dma_start3A_235 = arith.constant 0 : i32
    %dma_start3A_236 = arith.constant 0 : i32
    %dma_start3A_237 = arith.constant 0 : i32
    %dma_start3A_238 = tpu.memref_slice %arg7[%dma_start3A_235, %dma_start3A_236, %dma_start3A_237] : memref<4x48x128xf32, #tpu.memory_space<vmem>> -> memref<1x48x128xf32, #tpu.memory_space<vmem>>
    %dma_start3A_239 = tpu.memref_squeeze %dma_start3A_238 : memref<1x48x128xf32, #tpu.memory_space<vmem>> -> memref<48x128xf32, #tpu.memory_space<vmem>>
    %dma_start3A_240 = arith.constant 0 : i32
    %dma_start3A_241 = arith.constant 0 : i32
    %dma_start3A_242 = tpu.memref_slice %dma_start3A_239[%dma_start3A_240, %dma_start3A_241] : memref<48x128xf32, #tpu.memory_space<vmem>> -> memref<48x128xf32, #tpu.memory_space<vmem>>
    %dma_start3A_243 = arith.constant 0 : i32
    %dma_start3A_244 = tpu.memref_slice %arg11[%add3A_234, %dma_start3A_243] : memref<10000x128xf32, #tpu.memory_space<vmem_shared>> -> memref<48x128xf32, #tpu.memory_space<vmem_shared>>
    %dma_start3A_245 = arith.constant 0 : i32
    %dma_start3A_246 = tpu.memref_slice %arg11[%add3A_234, %dma_start3A_245] : memref<10000x128xf32, #tpu.memory_space<vmem_shared>> -> memref<48x128xf32, #tpu.memory_space<vmem_shared>>
    %dma_start3A_247 = arith.constant 0 : i32
    %dma_start3A_248 = arith.constant 0 : i32
    %dma_start3A_249 = tpu.memref_slice %arg7[%dma_start3A_235, %dma_start3A_247, %dma_start3A_248] : memref<4x48x128xf32, #tpu.memory_space<vmem>> -> memref<1x48x128xf32, #tpu.memory_space<vmem>>
    %dma_start3A_250 = tpu.memref_squeeze %dma_start3A_249 : memref<1x48x128xf32, #tpu.memory_space<vmem>> -> memref<48x128xf32, #tpu.memory_space<vmem>>
    %dma_start3A_251 = arith.constant 0 : i32
    %dma_start3A_252 = arith.constant 0 : i32
    %dma_start3A_253 = tpu.memref_slice %dma_start3A_250[%dma_start3A_251, %dma_start3A_252] : memref<48x128xf32, #tpu.memory_space<vmem>> -> memref<48x128xf32, #tpu.memory_space<vmem>>
    tpu.enqueue_dma source(%dma_start3A_253 : memref<48x128xf32, #tpu.memory_space<vmem>>) target(%dma_start3A_246 : memref<48x128xf32, #tpu.memory_space<vmem_shared>>) target_semaphore(%arg10 : memref<!tpu.dma_semaphore, #tpu.memory_space<semaphore_mem>>)
    %mul3A_254 = arith.constant 625 : i32
    %mul3A_255 = arith.muli %arg1, %mul3A_254 : i32
    %add3A_256 = arith.constant 480 : i32
    %add3A_257 = arith.addi %mul3A_255, %add3A_256 : i32
    %dma_start3A_258 = arith.constant 0 : i32
    %dma_start3A_259 = arith.constant 0 : i32
    %dma_start3A_260 = arith.constant 0 : i32
    %dma_start3A_261 = tpu.memref_slice %arg7[%dma_start3A_258, %dma_start3A_259, %dma_start3A_260] : memref<4x48x128xf32, #tpu.memory_space<vmem>> -> memref<1x48x128xf32, #tpu.memory_space<vmem>>
    %dma_start3A_262 = tpu.memref_squeeze %dma_start3A_261 : memref<1x48x128xf32, #tpu.memory_space<vmem>> -> memref<48x128xf32, #tpu.memory_space<vmem>>
    %dma_start3A_263 = arith.constant 0 : i32
    %dma_start3A_264 = arith.constant 0 : i32
    %dma_start3A_265 = tpu.memref_slice %dma_start3A_262[%dma_start3A_263, %dma_start3A_264] : memref<48x128xf32, #tpu.memory_space<vmem>> -> memref<48x128xf32, #tpu.memory_space<vmem>>
    %dma_start3A_266 = arith.constant 0 : i32
    %dma_start3A_267 = tpu.memref_slice %arg11[%add3A_257, %dma_start3A_266] : memref<10000x128xf32, #tpu.memory_space<vmem_shared>> -> memref<48x128xf32, #tpu.memory_space<vmem_shared>>
    %dma_start3A_268 = arith.constant 0 : i32
    %dma_start3A_269 = tpu.memref_slice %arg11[%add3A_257, %dma_start3A_268] : memref<10000x128xf32, #tpu.memory_space<vmem_shared>> -> memref<48x128xf32, #tpu.memory_space<vmem_shared>>
    %dma_start3A_270 = arith.constant 0 : i32
    %dma_start3A_271 = arith.constant 0 : i32
    %dma_start3A_272 = tpu.memref_slice %arg7[%dma_start3A_258, %dma_start3A_270, %dma_start3A_271] : memref<4x48x128xf32, #tpu.memory_space<vmem>> -> memref<1x48x128xf32, #tpu.memory_space<vmem>>
    %dma_start3A_273 = tpu.memref_squeeze %dma_start3A_272 : memref<1x48x128xf32, #tpu.memory_space<vmem>> -> memref<48x128xf32, #tpu.memory_space<vmem>>
    %dma_start3A_274 = arith.constant 0 : i32
    %dma_start3A_275 = arith.constant 0 : i32
    %dma_start3A_276 = tpu.memref_slice %dma_start3A_273[%dma_start3A_274, %dma_start3A_275] : memref<48x128xf32, #tpu.memory_space<vmem>> -> memref<48x128xf32, #tpu.memory_space<vmem>>
    tpu.enqueue_dma source(%dma_start3A_276 : memref<48x128xf32, #tpu.memory_space<vmem>>) target(%dma_start3A_269 : memref<48x128xf32, #tpu.memory_space<vmem_shared>>) target_semaphore(%arg10 : memref<!tpu.dma_semaphore, #tpu.memory_space<semaphore_mem>>)
    %mul3A_277 = arith.constant 625 : i32
    %mul3A_278 = arith.muli %arg1, %mul3A_277 : i32
    %add3A_279 = arith.constant 528 : i32
    %add3A_280 = arith.addi %mul3A_278, %add3A_279 : i32
    %dma_start3A_281 = arith.constant 0 : i32
    %dma_start3A_282 = arith.constant 0 : i32
    %dma_start3A_283 = arith.constant 0 : i32
    %dma_start3A_284 = tpu.memref_slice %arg7[%dma_start3A_281, %dma_start3A_282, %dma_start3A_283] : memref<4x48x128xf32, #tpu.memory_space<vmem>> -> memref<1x48x128xf32, #tpu.memory_space<vmem>>
    %dma_start3A_285 = tpu.memref_squeeze %dma_start3A_284 : memref<1x48x128xf32, #tpu.memory_space<vmem>> -> memref<48x128xf32, #tpu.memory_space<vmem>>
    %dma_start3A_286 = arith.constant 0 : i32
    %dma_start3A_287 = arith.constant 0 : i32
    %dma_start3A_288 = tpu.memref_slice %dma_start3A_285[%dma_start3A_286, %dma_start3A_287] : memref<48x128xf32, #tpu.memory_space<vmem>> -> memref<48x128xf32, #tpu.memory_space<vmem>>
    %dma_start3A_289 = arith.constant 0 : i32
    %dma_start3A_290 = tpu.memref_slice %arg11[%add3A_280, %dma_start3A_289] : memref<10000x128xf32, #tpu.memory_space<vmem_shared>> -> memref<48x128xf32, #tpu.memory_space<vmem_shared>>
    %dma_start3A_291 = arith.constant 0 : i32
    %dma_start3A_292 = tpu.memref_slice %arg11[%add3A_280, %dma_start3A_291] : memref<10000x128xf32, #tpu.memory_space<vmem_shared>> -> memref<48x128xf32, #tpu.memory_space<vmem_shared>>
    %dma_start3A_293 = arith.constant 0 : i32
    %dma_start3A_294 = arith.constant 0 : i32
    %dma_start3A_295 = tpu.memref_slice %arg7[%dma_start3A_281, %dma_start3A_293, %dma_start3A_294] : memref<4x48x128xf32, #tpu.memory_space<vmem>> -> memref<1x48x128xf32, #tpu.memory_space<vmem>>
    %dma_start3A_296 = tpu.memref_squeeze %dma_start3A_295 : memref<1x48x128xf32, #tpu.memory_space<vmem>> -> memref<48x128xf32, #tpu.memory_space<vmem>>
    %dma_start3A_297 = arith.constant 0 : i32
    %dma_start3A_298 = arith.constant 0 : i32
    %dma_start3A_299 = tpu.memref_slice %dma_start3A_296[%dma_start3A_297, %dma_start3A_298] : memref<48x128xf32, #tpu.memory_space<vmem>> -> memref<48x128xf32, #tpu.memory_space<vmem>>
    tpu.enqueue_dma source(%dma_start3A_299 : memref<48x128xf32, #tpu.memory_space<vmem>>) target(%dma_start3A_292 : memref<48x128xf32, #tpu.memory_space<vmem_shared>>) target_semaphore(%arg10 : memref<!tpu.dma_semaphore, #tpu.memory_space<semaphore_mem>>)
    %mul3A_300 = arith.constant 625 : i32
    %mul3A_301 = arith.muli %arg1, %mul3A_300 : i32
    %add3A_302 = arith.constant 576 : i32
    %add3A_303 = arith.addi %mul3A_301, %add3A_302 : i32
    %dma_start3A_304 = arith.constant 0 : i32
    %dma_start3A_305 = arith.constant 0 : i32
    %dma_start3A_306 = arith.constant 0 : i32
    %dma_start3A_307 = tpu.memref_slice %arg7[%dma_start3A_304, %dma_start3A_305, %dma_start3A_306] : memref<4x48x128xf32, #tpu.memory_space<vmem>> -> memref<1x48x128xf32, #tpu.memory_space<vmem>>
    %dma_start3A_308 = tpu.memref_squeeze %dma_start3A_307 : memref<1x48x128xf32, #tpu.memory_space<vmem>> -> memref<48x128xf32, #tpu.memory_space<vmem>>
    %dma_start3A_309 = arith.constant 0 : i32
    %dma_start3A_310 = arith.constant 0 : i32
    %dma_start3A_311 = tpu.memref_slice %dma_start3A_308[%dma_start3A_309, %dma_start3A_310] : memref<48x128xf32, #tpu.memory_space<vmem>> -> memref<48x128xf32, #tpu.memory_space<vmem>>
    %dma_start3A_312 = arith.constant 0 : i32
    %dma_start3A_313 = tpu.memref_slice %arg11[%add3A_303, %dma_start3A_312] : memref<10000x128xf32, #tpu.memory_space<vmem_shared>> -> memref<48x128xf32, #tpu.memory_space<vmem_shared>>
    %dma_start3A_314 = arith.constant 0 : i32
    %dma_start3A_315 = tpu.memref_slice %arg11[%add3A_303, %dma_start3A_314] : memref<10000x128xf32, #tpu.memory_space<vmem_shared>> -> memref<48x128xf32, #tpu.memory_space<vmem_shared>>
    %dma_start3A_316 = arith.constant 0 : i32
    %dma_start3A_317 = arith.constant 0 : i32
    %dma_start3A_318 = tpu.memref_slice %arg7[%dma_start3A_304, %dma_start3A_316, %dma_start3A_317] : memref<4x48x128xf32, #tpu.memory_space<vmem>> -> memref<1x48x128xf32, #tpu.memory_space<vmem>>
    %dma_start3A_319 = tpu.memref_squeeze %dma_start3A_318 : memref<1x48x128xf32, #tpu.memory_space<vmem>> -> memref<48x128xf32, #tpu.memory_space<vmem>>
    %dma_start3A_320 = arith.constant 0 : i32
    %dma_start3A_321 = arith.constant 0 : i32
    %dma_start3A_322 = tpu.memref_slice %dma_start3A_319[%dma_start3A_320, %dma_start3A_321] : memref<48x128xf32, #tpu.memory_space<vmem>> -> memref<48x128xf32, #tpu.memory_space<vmem>>
    tpu.enqueue_dma source(%dma_start3A_322 : memref<48x128xf32, #tpu.memory_space<vmem>>) target(%dma_start3A_315 : memref<48x128xf32, #tpu.memory_space<vmem_shared>>) target_semaphore(%arg10 : memref<!tpu.dma_semaphore, #tpu.memory_space<semaphore_mem>>)
    %mul3A_323 = arith.constant 625 : i32
    %mul3A_324 = arith.muli %arg1, %mul3A_323 : i32
    %add3A_325 = arith.constant 577 : i32
    %add3A_326 = arith.addi %mul3A_324, %add3A_325 : i32
    %dma_start3A_327 = arith.constant 0 : i32
    %dma_start3A_328 = arith.constant 0 : i32
    %dma_start3A_329 = arith.constant 0 : i32
    %dma_start3A_330 = tpu.memref_slice %arg7[%dma_start3A_327, %dma_start3A_328, %dma_start3A_329] : memref<4x48x128xf32, #tpu.memory_space<vmem>> -> memref<1x48x128xf32, #tpu.memory_space<vmem>>
    %dma_start3A_331 = tpu.memref_squeeze %dma_start3A_330 : memref<1x48x128xf32, #tpu.memory_space<vmem>> -> memref<48x128xf32, #tpu.memory_space<vmem>>
    %dma_start3A_332 = arith.constant 0 : i32
    %dma_start3A_333 = arith.constant 0 : i32
    %dma_start3A_334 = tpu.memref_slice %dma_start3A_331[%dma_start3A_332, %dma_start3A_333] : memref<48x128xf32, #tpu.memory_space<vmem>> -> memref<48x128xf32, #tpu.memory_space<vmem>>
    %dma_start3A_335 = arith.constant 0 : i32
    %dma_start3A_336 = tpu.memref_slice %arg11[%add3A_326, %dma_start3A_335] : memref<10000x128xf32, #tpu.memory_space<vmem_shared>> -> memref<48x128xf32, #tpu.memory_space<vmem_shared>>
    %dma_start3A_337 = arith.constant 0 : i32
    %dma_start3A_338 = tpu.memref_slice %arg11[%add3A_326, %dma_start3A_337] : memref<10000x128xf32, #tpu.memory_space<vmem_shared>> -> memref<48x128xf32, #tpu.memory_space<vmem_shared>>
    %dma_start3A_339 = arith.constant 0 : i32
    %dma_start3A_340 = arith.constant 0 : i32
    %dma_start3A_341 = tpu.memref_slice %arg7[%dma_start3A_327, %dma_start3A_339, %dma_start3A_340] : memref<4x48x128xf32, #tpu.memory_space<vmem>> -> memref<1x48x128xf32, #tpu.memory_space<vmem>>
    %dma_start3A_342 = tpu.memref_squeeze %dma_start3A_341 : memref<1x48x128xf32, #tpu.memory_space<vmem>> -> memref<48x128xf32, #tpu.memory_space<vmem>>
    %dma_start3A_343 = arith.constant 0 : i32
    %dma_start3A_344 = arith.constant 0 : i32
    %dma_start3A_345 = tpu.memref_slice %dma_start3A_342[%dma_start3A_343, %dma_start3A_344] : memref<48x128xf32, #tpu.memory_space<vmem>> -> memref<48x128xf32, #tpu.memory_space<vmem>>
    tpu.enqueue_dma source(%dma_start3A_345 : memref<48x128xf32, #tpu.memory_space<vmem>>) target(%dma_start3A_338 : memref<48x128xf32, #tpu.memory_space<vmem_shared>>) target_semaphore(%arg10 : memref<!tpu.dma_semaphore, #tpu.memory_space<semaphore_mem>>)
    %mul3A_346 = arith.constant 625 : i32
    %mul3A_347 = arith.muli %arg1, %mul3A_346 : i32
    %add3A_348 = arith.constant 0 : i32
    %add3A_349 = arith.addi %mul3A_347, %add3A_348 : i32
    %dma_wait3A = arith.constant 0 : i32
    %dma_wait3A_350 = arith.constant 0 : i32
    %dma_wait3A_351 = arith.constant 0 : i32
    %dma_wait3A_352 = tpu.memref_slice %arg7[%dma_wait3A, %dma_wait3A_350, %dma_wait3A_351] : memref<4x48x128xf32, #tpu.memory_space<vmem>> -> memref<1x48x128xf32, #tpu.memory_space<vmem>>
    %dma_wait3A_353 = tpu.memref_squeeze %dma_wait3A_352 : memref<1x48x128xf32, #tpu.memory_space<vmem>> -> memref<48x128xf32, #tpu.memory_space<vmem>>
    %dma_wait3A_354 = arith.constant 0 : i32
    %dma_wait3A_355 = arith.constant 0 : i32
    %dma_wait3A_356 = tpu.memref_slice %dma_wait3A_353[%dma_wait3A_354, %dma_wait3A_355] : memref<48x128xf32, #tpu.memory_space<vmem>> -> memref<48x128xf32, #tpu.memory_space<vmem>>
    %dma_wait3A_357 = arith.constant 0 : i32
    %dma_wait3A_358 = tpu.memref_slice %arg11[%add3A_349, %dma_wait3A_357] : memref<10000x128xf32, #tpu.memory_space<vmem_shared>> -> memref<48x128xf32, #tpu.memory_space<vmem_shared>>
    %dma_wait3A_359 = arith.constant 0 : i32
    %dma_wait3A_360 = tpu.memref_slice %arg11[%add3A_349, %dma_wait3A_359] : memref<10000x128xf32, #tpu.memory_space<vmem_shared>> -> memref<48x128xf32, #tpu.memory_space<vmem_shared>>
    %dma_wait3A_361 = arith.constant 0 : i32
    %dma_wait3A_362 = arith.constant 0 : i32
    %dma_wait3A_363 = tpu.memref_slice %arg7[%dma_wait3A, %dma_wait3A_361, %dma_wait3A_362] : memref<4x48x128xf32, #tpu.memory_space<vmem>> -> memref<1x48x128xf32, #tpu.memory_space<vmem>>
    %dma_wait3A_364 = tpu.memref_squeeze %dma_wait3A_363 : memref<1x48x128xf32, #tpu.memory_space<vmem>> -> memref<48x128xf32, #tpu.memory_space<vmem>>
    %dma_wait3A_365 = arith.constant 0 : i32
    %dma_wait3A_366 = arith.constant 0 : i32
    %dma_wait3A_367 = tpu.memref_slice %dma_wait3A_364[%dma_wait3A_365, %dma_wait3A_366] : memref<48x128xf32, #tpu.memory_space<vmem>> -> memref<48x128xf32, #tpu.memory_space<vmem>>
    tpu.wait_dma2 semaphore(%arg10 : memref<!tpu.dma_semaphore, #tpu.memory_space<semaphore_mem>>) src(%dma_wait3A_367 : memref<48x128xf32, #tpu.memory_space<vmem>>) dst(%dma_wait3A_360 : memref<48x128xf32, #tpu.memory_space<vmem_shared>>)
    %mul3A_368 = arith.constant 625 : i32
    %mul3A_369 = arith.muli %arg1, %mul3A_368 : i32
    %add3A_370 = arith.constant 48 : i32
    %add3A_371 = arith.addi %mul3A_369, %add3A_370 : i32
    %dma_wait3A_372 = arith.constant 0 : i32
    %dma_wait3A_373 = arith.constant 0 : i32
    %dma_wait3A_374 = arith.constant 0 : i32
    %dma_wait3A_375 = tpu.memref_slice %arg7[%dma_wait3A_372, %dma_wait3A_373, %dma_wait3A_374] : memref<4x48x128xf32, #tpu.memory_space<vmem>> -> memref<1x48x128xf32, #tpu.memory_space<vmem>>
    %dma_wait3A_376 = tpu.memref_squeeze %dma_wait3A_375 : memref<1x48x128xf32, #tpu.memory_space<vmem>> -> memref<48x128xf32, #tpu.memory_space<vmem>>
    %dma_wait3A_377 = arith.constant 0 : i32
    %dma_wait3A_378 = arith.constant 0 : i32
    %dma_wait3A_379 = tpu.memref_slice %dma_wait3A_376[%dma_wait3A_377, %dma_wait3A_378] : memref<48x128xf32, #tpu.memory_space<vmem>> -> memref<48x128xf32, #tpu.memory_space<vmem>>
    %dma_wait3A_380 = arith.constant 0 : i32
    %dma_wait3A_381 = tpu.memref_slice %arg11[%add3A_371, %dma_wait3A_380] : memref<10000x128xf32, #tpu.memory_space<vmem_shared>> -> memref<48x128xf32, #tpu.memory_space<vmem_shared>>
    %dma_wait3A_382 = arith.constant 0 : i32
    %dma_wait3A_383 = tpu.memref_slice %arg11[%add3A_371, %dma_wait3A_382] : memref<10000x128xf32, #tpu.memory_space<vmem_shared>> -> memref<48x128xf32, #tpu.memory_space<vmem_shared>>
    %dma_wait3A_384 = arith.constant 0 : i32
    %dma_wait3A_385 = arith.constant 0 : i32
    %dma_wait3A_386 = tpu.memref_slice %arg7[%dma_wait3A_372, %dma_wait3A_384, %dma_wait3A_385] : memref<4x48x128xf32, #tpu.memory_space<vmem>> -> memref<1x48x128xf32, #tpu.memory_space<vmem>>
    %dma_wait3A_387 = tpu.memref_squeeze %dma_wait3A_386 : memref<1x48x128xf32, #tpu.memory_space<vmem>> -> memref<48x128xf32, #tpu.memory_space<vmem>>
    %dma_wait3A_388 = arith.constant 0 : i32
    %dma_wait3A_389 = arith.constant 0 : i32
    %dma_wait3A_390 = tpu.memref_slice %dma_wait3A_387[%dma_wait3A_388, %dma_wait3A_389] : memref<48x128xf32, #tpu.memory_space<vmem>> -> memref<48x128xf32, #tpu.memory_space<vmem>>
    tpu.wait_dma2 semaphore(%arg10 : memref<!tpu.dma_semaphore, #tpu.memory_space<semaphore_mem>>) src(%dma_wait3A_390 : memref<48x128xf32, #tpu.memory_space<vmem>>) dst(%dma_wait3A_383 : memref<48x128xf32, #tpu.memory_space<vmem_shared>>)
    %mul3A_391 = arith.constant 625 : i32
    %mul3A_392 = arith.muli %arg1, %mul3A_391 : i32
    %add3A_393 = arith.constant 96 : i32
    %add3A_394 = arith.addi %mul3A_392, %add3A_393 : i32
    %dma_wait3A_395 = arith.constant 0 : i32
    %dma_wait3A_396 = arith.constant 0 : i32
    %dma_wait3A_397 = arith.constant 0 : i32
    %dma_wait3A_398 = tpu.memref_slice %arg7[%dma_wait3A_395, %dma_wait3A_396, %dma_wait3A_397] : memref<4x48x128xf32, #tpu.memory_space<vmem>> -> memref<1x48x128xf32, #tpu.memory_space<vmem>>
    %dma_wait3A_399 = tpu.memref_squeeze %dma_wait3A_398 : memref<1x48x128xf32, #tpu.memory_space<vmem>> -> memref<48x128xf32, #tpu.memory_space<vmem>>
    %dma_wait3A_400 = arith.constant 0 : i32
    %dma_wait3A_401 = arith.constant 0 : i32
    %dma_wait3A_402 = tpu.memref_slice %dma_wait3A_399[%dma_wait3A_400, %dma_wait3A_401] : memref<48x128xf32, #tpu.memory_space<vmem>> -> memref<48x128xf32, #tpu.memory_space<vmem>>
    %dma_wait3A_403 = arith.constant 0 : i32
    %dma_wait3A_404 = tpu.memref_slice %arg11[%add3A_394, %dma_wait3A_403] : memref<10000x128xf32, #tpu.memory_space<vmem_shared>> -> memref<48x128xf32, #tpu.memory_space<vmem_shared>>
    %dma_wait3A_405 = arith.constant 0 : i32
    %dma_wait3A_406 = tpu.memref_slice %arg11[%add3A_394, %dma_wait3A_405] : memref<10000x128xf32, #tpu.memory_space<vmem_shared>> -> memref<48x128xf32, #tpu.memory_space<vmem_shared>>
    %dma_wait3A_407 = arith.constant 0 : i32
    %dma_wait3A_408 = arith.constant 0 : i32
    %dma_wait3A_409 = tpu.memref_slice %arg7[%dma_wait3A_395, %dma_wait3A_407, %dma_wait3A_408] : memref<4x48x128xf32, #tpu.memory_space<vmem>> -> memref<1x48x128xf32, #tpu.memory_space<vmem>>
    %dma_wait3A_410 = tpu.memref_squeeze %dma_wait3A_409 : memref<1x48x128xf32, #tpu.memory_space<vmem>> -> memref<48x128xf32, #tpu.memory_space<vmem>>
    %dma_wait3A_411 = arith.constant 0 : i32
    %dma_wait3A_412 = arith.constant 0 : i32
    %dma_wait3A_413 = tpu.memref_slice %dma_wait3A_410[%dma_wait3A_411, %dma_wait3A_412] : memref<48x128xf32, #tpu.memory_space<vmem>> -> memref<48x128xf32, #tpu.memory_space<vmem>>
    tpu.wait_dma2 semaphore(%arg10 : memref<!tpu.dma_semaphore, #tpu.memory_space<semaphore_mem>>) src(%dma_wait3A_413 : memref<48x128xf32, #tpu.memory_space<vmem>>) dst(%dma_wait3A_406 : memref<48x128xf32, #tpu.memory_space<vmem_shared>>)
    %mul3A_414 = arith.constant 625 : i32
    %mul3A_415 = arith.muli %arg1, %mul3A_414 : i32
    %add3A_416 = arith.constant 144 : i32
    %add3A_417 = arith.addi %mul3A_415, %add3A_416 : i32
    %dma_wait3A_418 = arith.constant 0 : i32
    %dma_wait3A_419 = arith.constant 0 : i32
    %dma_wait3A_420 = arith.constant 0 : i32
    %dma_wait3A_421 = tpu.memref_slice %arg7[%dma_wait3A_418, %dma_wait3A_419, %dma_wait3A_420] : memref<4x48x128xf32, #tpu.memory_space<vmem>> -> memref<1x48x128xf32, #tpu.memory_space<vmem>>
    %dma_wait3A_422 = tpu.memref_squeeze %dma_wait3A_421 : memref<1x48x128xf32, #tpu.memory_space<vmem>> -> memref<48x128xf32, #tpu.memory_space<vmem>>
    %dma_wait3A_423 = arith.constant 0 : i32
    %dma_wait3A_424 = arith.constant 0 : i32
    %dma_wait3A_425 = tpu.memref_slice %dma_wait3A_422[%dma_wait3A_423, %dma_wait3A_424] : memref<48x128xf32, #tpu.memory_space<vmem>> -> memref<48x128xf32, #tpu.memory_space<vmem>>
    %dma_wait3A_426 = arith.constant 0 : i32
    %dma_wait3A_427 = tpu.memref_slice %arg11[%add3A_417, %dma_wait3A_426] : memref<10000x128xf32, #tpu.memory_space<vmem_shared>> -> memref<48x128xf32, #tpu.memory_space<vmem_shared>>
    %dma_wait3A_428 = arith.constant 0 : i32
    %dma_wait3A_429 = tpu.memref_slice %arg11[%add3A_417, %dma_wait3A_428] : memref<10000x128xf32, #tpu.memory_space<vmem_shared>> -> memref<48x128xf32, #tpu.memory_space<vmem_shared>>
    %dma_wait3A_430 = arith.constant 0 : i32
    %dma_wait3A_431 = arith.constant 0 : i32
    %dma_wait3A_432 = tpu.memref_slice %arg7[%dma_wait3A_418, %dma_wait3A_430, %dma_wait3A_431] : memref<4x48x128xf32, #tpu.memory_space<vmem>> -> memref<1x48x128xf32, #tpu.memory_space<vmem>>
    %dma_wait3A_433 = tpu.memref_squeeze %dma_wait3A_432 : memref<1x48x128xf32, #tpu.memory_space<vmem>> -> memref<48x128xf32, #tpu.memory_space<vmem>>
    %dma_wait3A_434 = arith.constant 0 : i32
    %dma_wait3A_435 = arith.constant 0 : i32
    %dma_wait3A_436 = tpu.memref_slice %dma_wait3A_433[%dma_wait3A_434, %dma_wait3A_435] : memref<48x128xf32, #tpu.memory_space<vmem>> -> memref<48x128xf32, #tpu.memory_space<vmem>>
    tpu.wait_dma2 semaphore(%arg10 : memref<!tpu.dma_semaphore, #tpu.memory_space<semaphore_mem>>) src(%dma_wait3A_436 : memref<48x128xf32, #tpu.memory_space<vmem>>) dst(%dma_wait3A_429 : memref<48x128xf32, #tpu.memory_space<vmem_shared>>)
    %mul3A_437 = arith.constant 625 : i32
    %mul3A_438 = arith.muli %arg1, %mul3A_437 : i32
    %add3A_439 = arith.constant 192 : i32
    %add3A_440 = arith.addi %mul3A_438, %add3A_439 : i32
    %dma_wait3A_441 = arith.constant 0 : i32
    %dma_wait3A_442 = arith.constant 0 : i32
    %dma_wait3A_443 = arith.constant 0 : i32
    %dma_wait3A_444 = tpu.memref_slice %arg7[%dma_wait3A_441, %dma_wait3A_442, %dma_wait3A_443] : memref<4x48x128xf32, #tpu.memory_space<vmem>> -> memref<1x48x128xf32, #tpu.memory_space<vmem>>
    %dma_wait3A_445 = tpu.memref_squeeze %dma_wait3A_444 : memref<1x48x128xf32, #tpu.memory_space<vmem>> -> memref<48x128xf32, #tpu.memory_space<vmem>>
    %dma_wait3A_446 = arith.constant 0 : i32
    %dma_wait3A_447 = arith.constant 0 : i32
    %dma_wait3A_448 = tpu.memref_slice %dma_wait3A_445[%dma_wait3A_446, %dma_wait3A_447] : memref<48x128xf32, #tpu.memory_space<vmem>> -> memref<48x128xf32, #tpu.memory_space<vmem>>
    %dma_wait3A_449 = arith.constant 0 : i32
    %dma_wait3A_450 = tpu.memref_slice %arg11[%add3A_440, %dma_wait3A_449] : memref<10000x128xf32, #tpu.memory_space<vmem_shared>> -> memref<48x128xf32, #tpu.memory_space<vmem_shared>>
    %dma_wait3A_451 = arith.constant 0 : i32
    %dma_wait3A_452 = tpu.memref_slice %arg11[%add3A_440, %dma_wait3A_451] : memref<10000x128xf32, #tpu.memory_space<vmem_shared>> -> memref<48x128xf32, #tpu.memory_space<vmem_shared>>
    %dma_wait3A_453 = arith.constant 0 : i32
    %dma_wait3A_454 = arith.constant 0 : i32
    %dma_wait3A_455 = tpu.memref_slice %arg7[%dma_wait3A_441, %dma_wait3A_453, %dma_wait3A_454] : memref<4x48x128xf32, #tpu.memory_space<vmem>> -> memref<1x48x128xf32, #tpu.memory_space<vmem>>
    %dma_wait3A_456 = tpu.memref_squeeze %dma_wait3A_455 : memref<1x48x128xf32, #tpu.memory_space<vmem>> -> memref<48x128xf32, #tpu.memory_space<vmem>>
    %dma_wait3A_457 = arith.constant 0 : i32
    %dma_wait3A_458 = arith.constant 0 : i32
    %dma_wait3A_459 = tpu.memref_slice %dma_wait3A_456[%dma_wait3A_457, %dma_wait3A_458] : memref<48x128xf32, #tpu.memory_space<vmem>> -> memref<48x128xf32, #tpu.memory_space<vmem>>
    tpu.wait_dma2 semaphore(%arg10 : memref<!tpu.dma_semaphore, #tpu.memory_space<semaphore_mem>>) src(%dma_wait3A_459 : memref<48x128xf32, #tpu.memory_space<vmem>>) dst(%dma_wait3A_452 : memref<48x128xf32, #tpu.memory_space<vmem_shared>>)
    %mul3A_460 = arith.constant 625 : i32
    %mul3A_461 = arith.muli %arg1, %mul3A_460 : i32
    %add3A_462 = arith.constant 240 : i32
    %add3A_463 = arith.addi %mul3A_461, %add3A_462 : i32
    %dma_wait3A_464 = arith.constant 0 : i32
    %dma_wait3A_465 = arith.constant 0 : i32
    %dma_wait3A_466 = arith.constant 0 : i32
    %dma_wait3A_467 = tpu.memref_slice %arg7[%dma_wait3A_464, %dma_wait3A_465, %dma_wait3A_466] : memref<4x48x128xf32, #tpu.memory_space<vmem>> -> memref<1x48x128xf32, #tpu.memory_space<vmem>>
    %dma_wait3A_468 = tpu.memref_squeeze %dma_wait3A_467 : memref<1x48x128xf32, #tpu.memory_space<vmem>> -> memref<48x128xf32, #tpu.memory_space<vmem>>
    %dma_wait3A_469 = arith.constant 0 : i32
    %dma_wait3A_470 = arith.constant 0 : i32
    %dma_wait3A_471 = tpu.memref_slice %dma_wait3A_468[%dma_wait3A_469, %dma_wait3A_470] : memref<48x128xf32, #tpu.memory_space<vmem>> -> memref<48x128xf32, #tpu.memory_space<vmem>>
    %dma_wait3A_472 = arith.constant 0 : i32
    %dma_wait3A_473 = tpu.memref_slice %arg11[%add3A_463, %dma_wait3A_472] : memref<10000x128xf32, #tpu.memory_space<vmem_shared>> -> memref<48x128xf32, #tpu.memory_space<vmem_shared>>
    %dma_wait3A_474 = arith.constant 0 : i32
    %dma_wait3A_475 = tpu.memref_slice %arg11[%add3A_463, %dma_wait3A_474] : memref<10000x128xf32, #tpu.memory_space<vmem_shared>> -> memref<48x128xf32, #tpu.memory_space<vmem_shared>>
    %dma_wait3A_476 = arith.constant 0 : i32
    %dma_wait3A_477 = arith.constant 0 : i32
    %dma_wait3A_478 = tpu.memref_slice %arg7[%dma_wait3A_464, %dma_wait3A_476, %dma_wait3A_477] : memref<4x48x128xf32, #tpu.memory_space<vmem>> -> memref<1x48x128xf32, #tpu.memory_space<vmem>>
    %dma_wait3A_479 = tpu.memref_squeeze %dma_wait3A_478 : memref<1x48x128xf32, #tpu.memory_space<vmem>> -> memref<48x128xf32, #tpu.memory_space<vmem>>
    %dma_wait3A_480 = arith.constant 0 : i32
    %dma_wait3A_481 = arith.constant 0 : i32
    %dma_wait3A_482 = tpu.memref_slice %dma_wait3A_479[%dma_wait3A_480, %dma_wait3A_481] : memref<48x128xf32, #tpu.memory_space<vmem>> -> memref<48x128xf32, #tpu.memory_space<vmem>>
    tpu.wait_dma2 semaphore(%arg10 : memref<!tpu.dma_semaphore, #tpu.memory_space<semaphore_mem>>) src(%dma_wait3A_482 : memref<48x128xf32, #tpu.memory_space<vmem>>) dst(%dma_wait3A_475 : memref<48x128xf32, #tpu.memory_space<vmem_shared>>)
    %mul3A_483 = arith.constant 625 : i32
    %mul3A_484 = arith.muli %arg1, %mul3A_483 : i32
    %add3A_485 = arith.constant 288 : i32
    %add3A_486 = arith.addi %mul3A_484, %add3A_485 : i32
    %dma_wait3A_487 = arith.constant 0 : i32
    %dma_wait3A_488 = arith.constant 0 : i32
    %dma_wait3A_489 = arith.constant 0 : i32
    %dma_wait3A_490 = tpu.memref_slice %arg7[%dma_wait3A_487, %dma_wait3A_488, %dma_wait3A_489] : memref<4x48x128xf32, #tpu.memory_space<vmem>> -> memref<1x48x128xf32, #tpu.memory_space<vmem>>
    %dma_wait3A_491 = tpu.memref_squeeze %dma_wait3A_490 : memref<1x48x128xf32, #tpu.memory_space<vmem>> -> memref<48x128xf32, #tpu.memory_space<vmem>>
    %dma_wait3A_492 = arith.constant 0 : i32
    %dma_wait3A_493 = arith.constant 0 : i32
    %dma_wait3A_494 = tpu.memref_slice %dma_wait3A_491[%dma_wait3A_492, %dma_wait3A_493] : memref<48x128xf32, #tpu.memory_space<vmem>> -> memref<48x128xf32, #tpu.memory_space<vmem>>
    %dma_wait3A_495 = arith.constant 0 : i32
    %dma_wait3A_496 = tpu.memref_slice %arg11[%add3A_486, %dma_wait3A_495] : memref<10000x128xf32, #tpu.memory_space<vmem_shared>> -> memref<48x128xf32, #tpu.memory_space<vmem_shared>>
    %dma_wait3A_497 = arith.constant 0 : i32
    %dma_wait3A_498 = tpu.memref_slice %arg11[%add3A_486, %dma_wait3A_497] : memref<10000x128xf32, #tpu.memory_space<vmem_shared>> -> memref<48x128xf32, #tpu.memory_space<vmem_shared>>
    %dma_wait3A_499 = arith.constant 0 : i32
    %dma_wait3A_500 = arith.constant 0 : i32
    %dma_wait3A_501 = tpu.memref_slice %arg7[%dma_wait3A_487, %dma_wait3A_499, %dma_wait3A_500] : memref<4x48x128xf32, #tpu.memory_space<vmem>> -> memref<1x48x128xf32, #tpu.memory_space<vmem>>
    %dma_wait3A_502 = tpu.memref_squeeze %dma_wait3A_501 : memref<1x48x128xf32, #tpu.memory_space<vmem>> -> memref<48x128xf32, #tpu.memory_space<vmem>>
    %dma_wait3A_503 = arith.constant 0 : i32
    %dma_wait3A_504 = arith.constant 0 : i32
    %dma_wait3A_505 = tpu.memref_slice %dma_wait3A_502[%dma_wait3A_503, %dma_wait3A_504] : memref<48x128xf32, #tpu.memory_space<vmem>> -> memref<48x128xf32, #tpu.memory_space<vmem>>
    tpu.wait_dma2 semaphore(%arg10 : memref<!tpu.dma_semaphore, #tpu.memory_space<semaphore_mem>>) src(%dma_wait3A_505 : memref<48x128xf32, #tpu.memory_space<vmem>>) dst(%dma_wait3A_498 : memref<48x128xf32, #tpu.memory_space<vmem_shared>>)
    %mul3A_506 = arith.constant 625 : i32
    %mul3A_507 = arith.muli %arg1, %mul3A_506 : i32
    %add3A_508 = arith.constant 336 : i32
    %add3A_509 = arith.addi %mul3A_507, %add3A_508 : i32
    %dma_wait3A_510 = arith.constant 0 : i32
    %dma_wait3A_511 = arith.constant 0 : i32
    %dma_wait3A_512 = arith.constant 0 : i32
    %dma_wait3A_513 = tpu.memref_slice %arg7[%dma_wait3A_510, %dma_wait3A_511, %dma_wait3A_512] : memref<4x48x128xf32, #tpu.memory_space<vmem>> -> memref<1x48x128xf32, #tpu.memory_space<vmem>>
    %dma_wait3A_514 = tpu.memref_squeeze %dma_wait3A_513 : memref<1x48x128xf32, #tpu.memory_space<vmem>> -> memref<48x128xf32, #tpu.memory_space<vmem>>
    %dma_wait3A_515 = arith.constant 0 : i32
    %dma_wait3A_516 = arith.constant 0 : i32
    %dma_wait3A_517 = tpu.memref_slice %dma_wait3A_514[%dma_wait3A_515, %dma_wait3A_516] : memref<48x128xf32, #tpu.memory_space<vmem>> -> memref<48x128xf32, #tpu.memory_space<vmem>>
    %dma_wait3A_518 = arith.constant 0 : i32
    %dma_wait3A_519 = tpu.memref_slice %arg11[%add3A_509, %dma_wait3A_518] : memref<10000x128xf32, #tpu.memory_space<vmem_shared>> -> memref<48x128xf32, #tpu.memory_space<vmem_shared>>
    %dma_wait3A_520 = arith.constant 0 : i32
    %dma_wait3A_521 = tpu.memref_slice %arg11[%add3A_509, %dma_wait3A_520] : memref<10000x128xf32, #tpu.memory_space<vmem_shared>> -> memref<48x128xf32, #tpu.memory_space<vmem_shared>>
    %dma_wait3A_522 = arith.constant 0 : i32
    %dma_wait3A_523 = arith.constant 0 : i32
    %dma_wait3A_524 = tpu.memref_slice %arg7[%dma_wait3A_510, %dma_wait3A_522, %dma_wait3A_523] : memref<4x48x128xf32, #tpu.memory_space<vmem>> -> memref<1x48x128xf32, #tpu.memory_space<vmem>>
    %dma_wait3A_525 = tpu.memref_squeeze %dma_wait3A_524 : memref<1x48x128xf32, #tpu.memory_space<vmem>> -> memref<48x128xf32, #tpu.memory_space<vmem>>
    %dma_wait3A_526 = arith.constant 0 : i32
    %dma_wait3A_527 = arith.constant 0 : i32
    %dma_wait3A_528 = tpu.memref_slice %dma_wait3A_525[%dma_wait3A_526, %dma_wait3A_527] : memref<48x128xf32, #tpu.memory_space<vmem>> -> memref<48x128xf32, #tpu.memory_space<vmem>>
    tpu.wait_dma2 semaphore(%arg10 : memref<!tpu.dma_semaphore, #tpu.memory_space<semaphore_mem>>) src(%dma_wait3A_528 : memref<48x128xf32, #tpu.memory_space<vmem>>) dst(%dma_wait3A_521 : memref<48x128xf32, #tpu.memory_space<vmem_shared>>)
    %mul3A_529 = arith.constant 625 : i32
    %mul3A_530 = arith.muli %arg1, %mul3A_529 : i32
    %add3A_531 = arith.constant 384 : i32
    %add3A_532 = arith.addi %mul3A_530, %add3A_531 : i32
    %dma_wait3A_533 = arith.constant 0 : i32
    %dma_wait3A_534 = arith.constant 0 : i32
    %dma_wait3A_535 = arith.constant 0 : i32
    %dma_wait3A_536 = tpu.memref_slice %arg7[%dma_wait3A_533, %dma_wait3A_534, %dma_wait3A_535] : memref<4x48x128xf32, #tpu.memory_space<vmem>> -> memref<1x48x128xf32, #tpu.memory_space<vmem>>
    %dma_wait3A_537 = tpu.memref_squeeze %dma_wait3A_536 : memref<1x48x128xf32, #tpu.memory_space<vmem>> -> memref<48x128xf32, #tpu.memory_space<vmem>>
    %dma_wait3A_538 = arith.constant 0 : i32
    %dma_wait3A_539 = arith.constant 0 : i32
    %dma_wait3A_540 = tpu.memref_slice %dma_wait3A_537[%dma_wait3A_538, %dma_wait3A_539] : memref<48x128xf32, #tpu.memory_space<vmem>> -> memref<48x128xf32, #tpu.memory_space<vmem>>
    %dma_wait3A_541 = arith.constant 0 : i32
    %dma_wait3A_542 = tpu.memref_slice %arg11[%add3A_532, %dma_wait3A_541] : memref<10000x128xf32, #tpu.memory_space<vmem_shared>> -> memref<48x128xf32, #tpu.memory_space<vmem_shared>>
    %dma_wait3A_543 = arith.constant 0 : i32
    %dma_wait3A_544 = tpu.memref_slice %arg11[%add3A_532, %dma_wait3A_543] : memref<10000x128xf32, #tpu.memory_space<vmem_shared>> -> memref<48x128xf32, #tpu.memory_space<vmem_shared>>
    %dma_wait3A_545 = arith.constant 0 : i32
    %dma_wait3A_546 = arith.constant 0 : i32
    %dma_wait3A_547 = tpu.memref_slice %arg7[%dma_wait3A_533, %dma_wait3A_545, %dma_wait3A_546] : memref<4x48x128xf32, #tpu.memory_space<vmem>> -> memref<1x48x128xf32, #tpu.memory_space<vmem>>
    %dma_wait3A_548 = tpu.memref_squeeze %dma_wait3A_547 : memref<1x48x128xf32, #tpu.memory_space<vmem>> -> memref<48x128xf32, #tpu.memory_space<vmem>>
    %dma_wait3A_549 = arith.constant 0 : i32
    %dma_wait3A_550 = arith.constant 0 : i32
    %dma_wait3A_551 = tpu.memref_slice %dma_wait3A_548[%dma_wait3A_549, %dma_wait3A_550] : memref<48x128xf32, #tpu.memory_space<vmem>> -> memref<48x128xf32, #tpu.memory_space<vmem>>
    tpu.wait_dma2 semaphore(%arg10 : memref<!tpu.dma_semaphore, #tpu.memory_space<semaphore_mem>>) src(%dma_wait3A_551 : memref<48x128xf32, #tpu.memory_space<vmem>>) dst(%dma_wait3A_544 : memref<48x128xf32, #tpu.memory_space<vmem_shared>>)
    %mul3A_552 = arith.constant 625 : i32
    %mul3A_553 = arith.muli %arg1, %mul3A_552 : i32
    %add3A_554 = arith.constant 432 : i32
    %add3A_555 = arith.addi %mul3A_553, %add3A_554 : i32
    %dma_wait3A_556 = arith.constant 0 : i32
    %dma_wait3A_557 = arith.constant 0 : i32
    %dma_wait3A_558 = arith.constant 0 : i32
    %dma_wait3A_559 = tpu.memref_slice %arg7[%dma_wait3A_556, %dma_wait3A_557, %dma_wait3A_558] : memref<4x48x128xf32, #tpu.memory_space<vmem>> -> memref<1x48x128xf32, #tpu.memory_space<vmem>>
    %dma_wait3A_560 = tpu.memref_squeeze %dma_wait3A_559 : memref<1x48x128xf32, #tpu.memory_space<vmem>> -> memref<48x128xf32, #tpu.memory_space<vmem>>
    %dma_wait3A_561 = arith.constant 0 : i32
    %dma_wait3A_562 = arith.constant 0 : i32
    %dma_wait3A_563 = tpu.memref_slice %dma_wait3A_560[%dma_wait3A_561, %dma_wait3A_562] : memref<48x128xf32, #tpu.memory_space<vmem>> -> memref<48x128xf32, #tpu.memory_space<vmem>>
    %dma_wait3A_564 = arith.constant 0 : i32
    %dma_wait3A_565 = tpu.memref_slice %arg11[%add3A_555, %dma_wait3A_564] : memref<10000x128xf32, #tpu.memory_space<vmem_shared>> -> memref<48x128xf32, #tpu.memory_space<vmem_shared>>
    %dma_wait3A_566 = arith.constant 0 : i32
    %dma_wait3A_567 = tpu.memref_slice %arg11[%add3A_555, %dma_wait3A_566] : memref<10000x128xf32, #tpu.memory_space<vmem_shared>> -> memref<48x128xf32, #tpu.memory_space<vmem_shared>>
    %dma_wait3A_568 = arith.constant 0 : i32
    %dma_wait3A_569 = arith.constant 0 : i32
    %dma_wait3A_570 = tpu.memref_slice %arg7[%dma_wait3A_556, %dma_wait3A_568, %dma_wait3A_569] : memref<4x48x128xf32, #tpu.memory_space<vmem>> -> memref<1x48x128xf32, #tpu.memory_space<vmem>>
    %dma_wait3A_571 = tpu.memref_squeeze %dma_wait3A_570 : memref<1x48x128xf32, #tpu.memory_space<vmem>> -> memref<48x128xf32, #tpu.memory_space<vmem>>
    %dma_wait3A_572 = arith.constant 0 : i32
    %dma_wait3A_573 = arith.constant 0 : i32
    %dma_wait3A_574 = tpu.memref_slice %dma_wait3A_571[%dma_wait3A_572, %dma_wait3A_573] : memref<48x128xf32, #tpu.memory_space<vmem>> -> memref<48x128xf32, #tpu.memory_space<vmem>>
    tpu.wait_dma2 semaphore(%arg10 : memref<!tpu.dma_semaphore, #tpu.memory_space<semaphore_mem>>) src(%dma_wait3A_574 : memref<48x128xf32, #tpu.memory_space<vmem>>) dst(%dma_wait3A_567 : memref<48x128xf32, #tpu.memory_space<vmem_shared>>)
    %mul3A_575 = arith.constant 625 : i32
    %mul3A_576 = arith.muli %arg1, %mul3A_575 : i32
    %add3A_577 = arith.constant 480 : i32
    %add3A_578 = arith.addi %mul3A_576, %add3A_577 : i32
    %dma_wait3A_579 = arith.constant 0 : i32
    %dma_wait3A_580 = arith.constant 0 : i32
    %dma_wait3A_581 = arith.constant 0 : i32
    %dma_wait3A_582 = tpu.memref_slice %arg7[%dma_wait3A_579, %dma_wait3A_580, %dma_wait3A_581] : memref<4x48x128xf32, #tpu.memory_space<vmem>> -> memref<1x48x128xf32, #tpu.memory_space<vmem>>
    %dma_wait3A_583 = tpu.memref_squeeze %dma_wait3A_582 : memref<1x48x128xf32, #tpu.memory_space<vmem>> -> memref<48x128xf32, #tpu.memory_space<vmem>>
    %dma_wait3A_584 = arith.constant 0 : i32
    %dma_wait3A_585 = arith.constant 0 : i32
    %dma_wait3A_586 = tpu.memref_slice %dma_wait3A_583[%dma_wait3A_584, %dma_wait3A_585] : memref<48x128xf32, #tpu.memory_space<vmem>> -> memref<48x128xf32, #tpu.memory_space<vmem>>
    %dma_wait3A_587 = arith.constant 0 : i32
    %dma_wait3A_588 = tpu.memref_slice %arg11[%add3A_578, %dma_wait3A_587] : memref<10000x128xf32, #tpu.memory_space<vmem_shared>> -> memref<48x128xf32, #tpu.memory_space<vmem_shared>>
    %dma_wait3A_589 = arith.constant 0 : i32
    %dma_wait3A_590 = tpu.memref_slice %arg11[%add3A_578, %dma_wait3A_589] : memref<10000x128xf32, #tpu.memory_space<vmem_shared>> -> memref<48x128xf32, #tpu.memory_space<vmem_shared>>
    %dma_wait3A_591 = arith.constant 0 : i32
    %dma_wait3A_592 = arith.constant 0 : i32
    %dma_wait3A_593 = tpu.memref_slice %arg7[%dma_wait3A_579, %dma_wait3A_591, %dma_wait3A_592] : memref<4x48x128xf32, #tpu.memory_space<vmem>> -> memref<1x48x128xf32, #tpu.memory_space<vmem>>
    %dma_wait3A_594 = tpu.memref_squeeze %dma_wait3A_593 : memref<1x48x128xf32, #tpu.memory_space<vmem>> -> memref<48x128xf32, #tpu.memory_space<vmem>>
    %dma_wait3A_595 = arith.constant 0 : i32
    %dma_wait3A_596 = arith.constant 0 : i32
    %dma_wait3A_597 = tpu.memref_slice %dma_wait3A_594[%dma_wait3A_595, %dma_wait3A_596] : memref<48x128xf32, #tpu.memory_space<vmem>> -> memref<48x128xf32, #tpu.memory_space<vmem>>
    tpu.wait_dma2 semaphore(%arg10 : memref<!tpu.dma_semaphore, #tpu.memory_space<semaphore_mem>>) src(%dma_wait3A_597 : memref<48x128xf32, #tpu.memory_space<vmem>>) dst(%dma_wait3A_590 : memref<48x128xf32, #tpu.memory_space<vmem_shared>>)
    %mul3A_598 = arith.constant 625 : i32
    %mul3A_599 = arith.muli %arg1, %mul3A_598 : i32
    %add3A_600 = arith.constant 528 : i32
    %add3A_601 = arith.addi %mul3A_599, %add3A_600 : i32
    %dma_wait3A_602 = arith.constant 0 : i32
    %dma_wait3A_603 = arith.constant 0 : i32
    %dma_wait3A_604 = arith.constant 0 : i32
    %dma_wait3A_605 = tpu.memref_slice %arg7[%dma_wait3A_602, %dma_wait3A_603, %dma_wait3A_604] : memref<4x48x128xf32, #tpu.memory_space<vmem>> -> memref<1x48x128xf32, #tpu.memory_space<vmem>>
    %dma_wait3A_606 = tpu.memref_squeeze %dma_wait3A_605 : memref<1x48x128xf32, #tpu.memory_space<vmem>> -> memref<48x128xf32, #tpu.memory_space<vmem>>
    %dma_wait3A_607 = arith.constant 0 : i32
    %dma_wait3A_608 = arith.constant 0 : i32
    %dma_wait3A_609 = tpu.memref_slice %dma_wait3A_606[%dma_wait3A_607, %dma_wait3A_608] : memref<48x128xf32, #tpu.memory_space<vmem>> -> memref<48x128xf32, #tpu.memory_space<vmem>>
    %dma_wait3A_610 = arith.constant 0 : i32
    %dma_wait3A_611 = tpu.memref_slice %arg11[%add3A_601, %dma_wait3A_610] : memref<10000x128xf32, #tpu.memory_space<vmem_shared>> -> memref<48x128xf32, #tpu.memory_space<vmem_shared>>
    %dma_wait3A_612 = arith.constant 0 : i32
    %dma_wait3A_613 = tpu.memref_slice %arg11[%add3A_601, %dma_wait3A_612] : memref<10000x128xf32, #tpu.memory_space<vmem_shared>> -> memref<48x128xf32, #tpu.memory_space<vmem_shared>>
    %dma_wait3A_614 = arith.constant 0 : i32
    %dma_wait3A_615 = arith.constant 0 : i32
    %dma_wait3A_616 = tpu.memref_slice %arg7[%dma_wait3A_602, %dma_wait3A_614, %dma_wait3A_615] : memref<4x48x128xf32, #tpu.memory_space<vmem>> -> memref<1x48x128xf32, #tpu.memory_space<vmem>>
    %dma_wait3A_617 = tpu.memref_squeeze %dma_wait3A_616 : memref<1x48x128xf32, #tpu.memory_space<vmem>> -> memref<48x128xf32, #tpu.memory_space<vmem>>
    %dma_wait3A_618 = arith.constant 0 : i32
    %dma_wait3A_619 = arith.constant 0 : i32
    %dma_wait3A_620 = tpu.memref_slice %dma_wait3A_617[%dma_wait3A_618, %dma_wait3A_619] : memref<48x128xf32, #tpu.memory_space<vmem>> -> memref<48x128xf32, #tpu.memory_space<vmem>>
    tpu.wait_dma2 semaphore(%arg10 : memref<!tpu.dma_semaphore, #tpu.memory_space<semaphore_mem>>) src(%dma_wait3A_620 : memref<48x128xf32, #tpu.memory_space<vmem>>) dst(%dma_wait3A_613 : memref<48x128xf32, #tpu.memory_space<vmem_shared>>)
    %mul3A_621 = arith.constant 625 : i32
    %mul3A_622 = arith.muli %arg1, %mul3A_621 : i32
    %add3A_623 = arith.constant 576 : i32
    %add3A_624 = arith.addi %mul3A_622, %add3A_623 : i32
    %dma_wait3A_625 = arith.constant 0 : i32
    %dma_wait3A_626 = arith.constant 0 : i32
    %dma_wait3A_627 = arith.constant 0 : i32
    %dma_wait3A_628 = tpu.memref_slice %arg7[%dma_wait3A_625, %dma_wait3A_626, %dma_wait3A_627] : memref<4x48x128xf32, #tpu.memory_space<vmem>> -> memref<1x48x128xf32, #tpu.memory_space<vmem>>
    %dma_wait3A_629 = tpu.memref_squeeze %dma_wait3A_628 : memref<1x48x128xf32, #tpu.memory_space<vmem>> -> memref<48x128xf32, #tpu.memory_space<vmem>>
    %dma_wait3A_630 = arith.constant 0 : i32
    %dma_wait3A_631 = arith.constant 0 : i32
    %dma_wait3A_632 = tpu.memref_slice %dma_wait3A_629[%dma_wait3A_630, %dma_wait3A_631] : memref<48x128xf32, #tpu.memory_space<vmem>> -> memref<48x128xf32, #tpu.memory_space<vmem>>
    %dma_wait3A_633 = arith.constant 0 : i32
    %dma_wait3A_634 = tpu.memref_slice %arg11[%add3A_624, %dma_wait3A_633] : memref<10000x128xf32, #tpu.memory_space<vmem_shared>> -> memref<48x128xf32, #tpu.memory_space<vmem_shared>>
    %dma_wait3A_635 = arith.constant 0 : i32
    %dma_wait3A_636 = tpu.memref_slice %arg11[%add3A_624, %dma_wait3A_635] : memref<10000x128xf32, #tpu.memory_space<vmem_shared>> -> memref<48x128xf32, #tpu.memory_space<vmem_shared>>
    %dma_wait3A_637 = arith.constant 0 : i32
    %dma_wait3A_638 = arith.constant 0 : i32
    %dma_wait3A_639 = tpu.memref_slice %arg7[%dma_wait3A_625, %dma_wait3A_637, %dma_wait3A_638] : memref<4x48x128xf32, #tpu.memory_space<vmem>> -> memref<1x48x128xf32, #tpu.memory_space<vmem>>
    %dma_wait3A_640 = tpu.memref_squeeze %dma_wait3A_639 : memref<1x48x128xf32, #tpu.memory_space<vmem>> -> memref<48x128xf32, #tpu.memory_space<vmem>>
    %dma_wait3A_641 = arith.constant 0 : i32
    %dma_wait3A_642 = arith.constant 0 : i32
    %dma_wait3A_643 = tpu.memref_slice %dma_wait3A_640[%dma_wait3A_641, %dma_wait3A_642] : memref<48x128xf32, #tpu.memory_space<vmem>> -> memref<48x128xf32, #tpu.memory_space<vmem>>
    tpu.wait_dma2 semaphore(%arg10 : memref<!tpu.dma_semaphore, #tpu.memory_space<semaphore_mem>>) src(%dma_wait3A_643 : memref<48x128xf32, #tpu.memory_space<vmem>>) dst(%dma_wait3A_636 : memref<48x128xf32, #tpu.memory_space<vmem_shared>>)
    %mul3A_644 = arith.constant 625 : i32
    %mul3A_645 = arith.muli %arg1, %mul3A_644 : i32
    %add3A_646 = arith.constant 577 : i32
    %add3A_647 = arith.addi %mul3A_645, %add3A_646 : i32
    %dma_wait3A_648 = arith.constant 0 : i32
    %dma_wait3A_649 = arith.constant 0 : i32
    %dma_wait3A_650 = arith.constant 0 : i32
    %dma_wait3A_651 = tpu.memref_slice %arg7[%dma_wait3A_648, %dma_wait3A_649, %dma_wait3A_650] : memref<4x48x128xf32, #tpu.memory_space<vmem>> -> memref<1x48x128xf32, #tpu.memory_space<vmem>>
    %dma_wait3A_652 = tpu.memref_squeeze %dma_wait3A_651 : memref<1x48x128xf32, #tpu.memory_space<vmem>> -> memref<48x128xf32, #tpu.memory_space<vmem>>
    %dma_wait3A_653 = arith.constant 0 : i32
    %dma_wait3A_654 = arith.constant 0 : i32
    %dma_wait3A_655 = tpu.memref_slice %dma_wait3A_652[%dma_wait3A_653, %dma_wait3A_654] : memref<48x128xf32, #tpu.memory_space<vmem>> -> memref<48x128xf32, #tpu.memory_space<vmem>>
    %dma_wait3A_656 = arith.constant 0 : i32
    %dma_wait3A_657 = tpu.memref_slice %arg11[%add3A_647, %dma_wait3A_656] : memref<10000x128xf32, #tpu.memory_space<vmem_shared>> -> memref<48x128xf32, #tpu.memory_space<vmem_shared>>
    %dma_wait3A_658 = arith.constant 0 : i32
    %dma_wait3A_659 = tpu.memref_slice %arg11[%add3A_647, %dma_wait3A_658] : memref<10000x128xf32, #tpu.memory_space<vmem_shared>> -> memref<48x128xf32, #tpu.memory_space<vmem_shared>>
    %dma_wait3A_660 = arith.constant 0 : i32
    %dma_wait3A_661 = arith.constant 0 : i32
    %dma_wait3A_662 = tpu.memref_slice %arg7[%dma_wait3A_648, %dma_wait3A_660, %dma_wait3A_661] : memref<4x48x128xf32, #tpu.memory_space<vmem>> -> memref<1x48x128xf32, #tpu.memory_space<vmem>>
    %dma_wait3A_663 = tpu.memref_squeeze %dma_wait3A_662 : memref<1x48x128xf32, #tpu.memory_space<vmem>> -> memref<48x128xf32, #tpu.memory_space<vmem>>
    %dma_wait3A_664 = arith.constant 0 : i32
    %dma_wait3A_665 = arith.constant 0 : i32
    %dma_wait3A_666 = tpu.memref_slice %dma_wait3A_663[%dma_wait3A_664, %dma_wait3A_665] : memref<48x128xf32, #tpu.memory_space<vmem>> -> memref<48x128xf32, #tpu.memory_space<vmem>>
    tpu.wait_dma2 semaphore(%arg10 : memref<!tpu.dma_semaphore, #tpu.memory_space<semaphore_mem>>) src(%dma_wait3A_666 : memref<48x128xf32, #tpu.memory_space<vmem>>) dst(%dma_wait3A_659 : memref<48x128xf32, #tpu.memory_space<vmem_shared>>)
    %dma_wait3A_667 = arith.constant 0 : i32
    %dma_wait3A_668 = arith.constant 0 : i32
    %dma_wait3A_669 = tpu.memref_slice %arg3[%dma_wait3A_667, %mul3A_2] : memref<2x320000xi32, #tpu.memory_space<hbm>> -> memref<1x10000xi32, #tpu.memory_space<hbm>>
    %dma_wait3A_670 = tpu.memref_squeeze %dma_wait3A_669 : memref<1x10000xi32, #tpu.memory_space<hbm>> -> memref<10000xi32, #tpu.memory_space<hbm>>
    %dma_wait3A_671 = tpu.memref_slice %arg8[%dma_wait3A_668] : memref<4x!tpu.dma_semaphore, #tpu.memory_space<semaphore_mem>> -> memref<1x!tpu.dma_semaphore, #tpu.memory_space<semaphore_mem>>
    %dma_wait3A_672 = tpu.memref_squeeze %dma_wait3A_671 : memref<1x!tpu.dma_semaphore, #tpu.memory_space<semaphore_mem>> -> memref<!tpu.dma_semaphore, #tpu.memory_space<semaphore_mem>>
    %dma_wait3A_673 = tpu.memref_slice %arg3[%dma_wait3A_667, %mul3A_2] : memref<2x320000xi32, #tpu.memory_space<hbm>> -> memref<1x10000xi32, #tpu.memory_space<hbm>>
    %dma_wait3A_674 = tpu.memref_squeeze %dma_wait3A_673 : memref<1x10000xi32, #tpu.memory_space<hbm>> -> memref<10000xi32, #tpu.memory_space<hbm>>
    tpu.wait_dma2 semaphore(%dma_wait3A_672 : memref<!tpu.dma_semaphore, #tpu.memory_space<semaphore_mem>>) src(%dma_wait3A_674 : memref<10000xi32, #tpu.memory_space<hbm>>) dst(%arg5 : memref<10000xi32, #tpu.memory_space<vmem>>)
    %dma_wait3A_675 = arith.constant 1 : i32
    %dma_wait3A_676 = arith.constant 1 : i32
    %dma_wait3A_677 = tpu.memref_slice %arg3[%dma_wait3A_675, %mul3A_2] : memref<2x320000xi32, #tpu.memory_space<hbm>> -> memref<1x10000xi32, #tpu.memory_space<hbm>>
    %dma_wait3A_678 = tpu.memref_squeeze %dma_wait3A_677 : memref<1x10000xi32, #tpu.memory_space<hbm>> -> memref<10000xi32, #tpu.memory_space<hbm>>
    %dma_wait3A_679 = tpu.memref_slice %arg8[%dma_wait3A_676] : memref<4x!tpu.dma_semaphore, #tpu.memory_space<semaphore_mem>> -> memref<1x!tpu.dma_semaphore, #tpu.memory_space<semaphore_mem>>
    %dma_wait3A_680 = tpu.memref_squeeze %dma_wait3A_679 : memref<1x!tpu.dma_semaphore, #tpu.memory_space<semaphore_mem>> -> memref<!tpu.dma_semaphore, #tpu.memory_space<semaphore_mem>>
    %dma_wait3A_681 = tpu.memref_slice %arg3[%dma_wait3A_675, %mul3A_2] : memref<2x320000xi32, #tpu.memory_space<hbm>> -> memref<1x10000xi32, #tpu.memory_space<hbm>>
    %dma_wait3A_682 = tpu.memref_squeeze %dma_wait3A_681 : memref<1x10000xi32, #tpu.memory_space<hbm>> -> memref<10000xi32, #tpu.memory_space<hbm>>
    tpu.wait_dma2 semaphore(%dma_wait3A_680 : memref<!tpu.dma_semaphore, #tpu.memory_space<semaphore_mem>>) src(%dma_wait3A_682 : memref<10000xi32, #tpu.memory_space<hbm>>) dst(%arg6 : memref<10000xi32, #tpu.memory_space<vmem>>)
    %barrier3A = arith.constant 0 : index
    tpu.barrier barrier_id(%barrier3A)
    %dma_start3A_683 = arith.constant 0 : i32
    %dma_start3A_684 = arith.constant 0 : i32
    %dma_start3A_685 = arith.constant 0 : i32
    %dma_start3A_686 = arith.constant 0 : i32
    %dma_start3A_687 = tpu.memref_slice %arg7[%dma_start3A_683, %dma_start3A_685, %dma_start3A_686] : memref<4x48x128xf32, #tpu.memory_space<vmem>> -> memref<1x48x128xf32, #tpu.memory_space<vmem>>
    %dma_start3A_688 = tpu.memref_squeeze %dma_start3A_687 : memref<1x48x128xf32, #tpu.memory_space<vmem>> -> memref<48x128xf32, #tpu.memory_space<vmem>>
    %dma_start3A_689 = arith.constant 0 : i32
    %dma_start3A_690 = tpu.memref_slice %arg5[%dma_start3A_689] : memref<10000xi32, #tpu.memory_space<vmem>> -> memref<48xi32, #tpu.memory_space<vmem>>
    %dma_start3A_691 = arith.constant 0 : i32
    %dma_start3A_692 = arith.constant 0 : i32
    %dma_start3A_693 = tpu.memref_slice %arg2[%dma_start3A_691, %dma_start3A_692] : memref<10000x128xf32, #tpu.memory_space<hbm>> -> memref<10000x128xf32, #tpu.memory_space<hbm>>
    %dma_start3A_694 = tpu.memref_slice %arg8[%dma_start3A_684] : memref<4x!tpu.dma_semaphore, #tpu.memory_space<semaphore_mem>> -> memref<1x!tpu.dma_semaphore, #tpu.memory_space<semaphore_mem>>
    %dma_start3A_695 = tpu.memref_squeeze %dma_start3A_694 : memref<1x!tpu.dma_semaphore, #tpu.memory_space<semaphore_mem>> -> memref<!tpu.dma_semaphore, #tpu.memory_space<semaphore_mem>>
    tpu.enqueue_indirect_dma source(%dma_start3A_693 : memref<10000x128xf32, #tpu.memory_space<hbm>>) target(%dma_start3A_688 : memref<48x128xf32, #tpu.memory_space<vmem>>) offsets(%dma_start3A_690 : memref<48xi32, #tpu.memory_space<vmem>>) semaphore(%dma_start3A_695 : memref<!tpu.dma_semaphore, #tpu.memory_space<semaphore_mem>>)
    %dma_start3A_696 = arith.constant 1 : i32
    %dma_start3A_697 = arith.constant 1 : i32
    %dma_start3A_698 = arith.constant 0 : i32
    %dma_start3A_699 = arith.constant 0 : i32
    %dma_start3A_700 = tpu.memref_slice %arg7[%dma_start3A_696, %dma_start3A_698, %dma_start3A_699] : memref<4x48x128xf32, #tpu.memory_space<vmem>> -> memref<1x48x128xf32, #tpu.memory_space<vmem>>
    %dma_start3A_701 = tpu.memref_squeeze %dma_start3A_700 : memref<1x48x128xf32, #tpu.memory_space<vmem>> -> memref<48x128xf32, #tpu.memory_space<vmem>>
    %dma_start3A_702 = arith.constant 48 : i32
    %dma_start3A_703 = tpu.memref_slice %arg5[%dma_start3A_702] : memref<10000xi32, #tpu.memory_space<vmem>> -> memref<48xi32, #tpu.memory_space<vmem>>
    %dma_start3A_704 = arith.constant 0 : i32
    %dma_start3A_705 = arith.constant 0 : i32
    %dma_start3A_706 = tpu.memref_slice %arg2[%dma_start3A_704, %dma_start3A_705] : memref<10000x128xf32, #tpu.memory_space<hbm>> -> memref<10000x128xf32, #tpu.memory_space<hbm>>
    %dma_start3A_707 = tpu.memref_slice %arg8[%dma_start3A_697] : memref<4x!tpu.dma_semaphore, #tpu.memory_space<semaphore_mem>> -> memref<1x!tpu.dma_semaphore, #tpu.memory_space<semaphore_mem>>
    %dma_start3A_708 = tpu.memref_squeeze %dma_start3A_707 : memref<1x!tpu.dma_semaphore, #tpu.memory_space<semaphore_mem>> -> memref<!tpu.dma_semaphore, #tpu.memory_space<semaphore_mem>>
    tpu.enqueue_indirect_dma source(%dma_start3A_706 : memref<10000x128xf32, #tpu.memory_space<hbm>>) target(%dma_start3A_701 : memref<48x128xf32, #tpu.memory_space<vmem>>) offsets(%dma_start3A_703 : memref<48xi32, #tpu.memory_space<vmem>>) semaphore(%dma_start3A_708 : memref<!tpu.dma_semaphore, #tpu.memory_space<semaphore_mem>>)
    %scan3A_709 = arith.constant 0 : i32
    %scan3A_710 = arith.constant 52 : i32
    %scan3A_711 = arith.addi %scan3A_709, %scan3A_710 : i32
    %scan3A_712 = arith.constant 1 : i32
    scf.for %scan3A_773 = %scan3A_709 to %scan3A_711 step %scan3A_712  : i32 {
      %mul3A_774 = arith.constant 4 : i32
      %mul3A_775 = arith.muli %scan3A_773, %mul3A_774 : i32
      %add3A_776 = arith.constant 0 : i32
      %add3A_777 = arith.addi %add3A_776, %mul3A_775 : i32
      %add3A_778 = arith.constant 0 : i32
      %add3A_779 = arith.addi %add3A_777, %add3A_778 : i32
      %ge3A = arith.constant 2 : i32
      %ge3A_780 = arith.cmpi sge, %add3A_779, %ge3A : i32
      %add3A_781 = arith.constant 2 : i32
      %add3A_782 = arith.addi %add3A_779, %add3A_781 : i32
      %lt3A = arith.constant 208 : i32
      %lt3A_783 = arith.cmpi slt, %add3A_782, %lt3A : i32
      %and3A = arith.andi %ge3A_780, %lt3A_783 : i1
      %convert_element_type3A = arith.extui %and3A : i1 to i32
      %cond3A = arith.constant 0 : i32
      %cond3A_784 = arith.cmpi ne, %convert_element_type3A, %cond3A : i32
      scf.if %cond3A_784 {
        %sub3A = arith.constant 2 : i32
        %sub3A_869 = arith.subi %add3A_779, %sub3A : i32
        %mul3A_870 = arith.constant 48 : i32
        %mul3A_871 = arith.muli %sub3A_869, %mul3A_870 : i32
        %dma_wait3A_872 = arith.constant 2 : i32
        %dma_wait3A_873 = arith.constant 2 : i32
        %dma_wait3A_874 = arith.constant 0 : i32
        %dma_wait3A_875 = arith.constant 0 : i32
        %dma_wait3A_876 = tpu.memref_slice %arg7[%dma_wait3A_872, %dma_wait3A_874, %dma_wait3A_875] : memref<4x48x128xf32, #tpu.memory_space<vmem>> -> memref<1x48x128xf32, #tpu.memory_space<vmem>>
        %dma_wait3A_877 = tpu.memref_squeeze %dma_wait3A_876 : memref<1x48x128xf32, #tpu.memory_space<vmem>> -> memref<48x128xf32, #tpu.memory_space<vmem>>
        %dma_wait3A_878 = tpu.memref_slice %arg6[%mul3A_871] : memref<10000xi32, #tpu.memory_space<vmem>> -> memref<48xi32, #tpu.memory_space<vmem>>
        %dma_wait3A_879 = arith.constant 0 : i32
        %dma_wait3A_880 = arith.constant 0 : i32
        %dma_wait3A_881 = tpu.memref_slice %arg11[%dma_wait3A_879, %dma_wait3A_880] : memref<10000x128xf32, #tpu.memory_space<vmem_shared>> -> memref<10000x128xf32, #tpu.memory_space<vmem_shared>>
        %dma_wait3A_882 = tpu.memref_slice %arg9[%dma_wait3A_873] : memref<4x!tpu.dma_semaphore, #tpu.memory_space<semaphore_mem>> -> memref<1x!tpu.dma_semaphore, #tpu.memory_space<semaphore_mem>>
        %dma_wait3A_883 = tpu.memref_squeeze %dma_wait3A_882 : memref<1x!tpu.dma_semaphore, #tpu.memory_space<semaphore_mem>> -> memref<!tpu.dma_semaphore, #tpu.memory_space<semaphore_mem>>
        tpu.wait_indirect_dma semaphore(%dma_wait3A_883 : memref<!tpu.dma_semaphore, #tpu.memory_space<semaphore_mem>>) src(%dma_wait3A_877 : memref<48x128xf32, #tpu.memory_space<vmem>>) dst(%dma_wait3A_881 : memref<10000x128xf32, #tpu.memory_space<vmem_shared>>)
      } else {
      }
      %add3A_785 = arith.constant 2 : i32
      %add3A_786 = arith.addi %add3A_779, %add3A_785 : i32
      %lt3A_787 = arith.constant 208 : i32
      %lt3A_788 = arith.cmpi slt, %add3A_786, %lt3A_787 : i32
      %convert_element_type3A_789 = arith.extui %lt3A_788 : i1 to i32
      %cond3A_790 = arith.constant 0 : i32
      %cond3A_791 = arith.cmpi ne, %convert_element_type3A_789, %cond3A_790 : i32
      scf.if %cond3A_791 {
        %add3A_869 = arith.constant 2 : i32
        %add3A_870 = arith.addi %add3A_779, %add3A_869 : i32
        %mul3A_871 = arith.constant 48 : i32
        %mul3A_872 = arith.muli %add3A_870, %mul3A_871 : i32
        %dma_start3A_873 = arith.constant 2 : i32
        %dma_start3A_874 = arith.constant 2 : i32
        %dma_start3A_875 = arith.constant 0 : i32
        %dma_start3A_876 = arith.constant 0 : i32
        %dma_start3A_877 = tpu.memref_slice %arg7[%dma_start3A_873, %dma_start3A_875, %dma_start3A_876] : memref<4x48x128xf32, #tpu.memory_space<vmem>> -> memref<1x48x128xf32, #tpu.memory_space<vmem>>
        %dma_start3A_878 = tpu.memref_squeeze %dma_start3A_877 : memref<1x48x128xf32, #tpu.memory_space<vmem>> -> memref<48x128xf32, #tpu.memory_space<vmem>>
        %dma_start3A_879 = tpu.memref_slice %arg5[%mul3A_872] : memref<10000xi32, #tpu.memory_space<vmem>> -> memref<48xi32, #tpu.memory_space<vmem>>
        %dma_start3A_880 = arith.constant 0 : i32
        %dma_start3A_881 = arith.constant 0 : i32
        %dma_start3A_882 = tpu.memref_slice %arg2[%dma_start3A_880, %dma_start3A_881] : memref<10000x128xf32, #tpu.memory_space<hbm>> -> memref<10000x128xf32, #tpu.memory_space<hbm>>
        %dma_start3A_883 = tpu.memref_slice %arg8[%dma_start3A_874] : memref<4x!tpu.dma_semaphore, #tpu.memory_space<semaphore_mem>> -> memref<1x!tpu.dma_semaphore, #tpu.memory_space<semaphore_mem>>
        %dma_start3A_884 = tpu.memref_squeeze %dma_start3A_883 : memref<1x!tpu.dma_semaphore, #tpu.memory_space<semaphore_mem>> -> memref<!tpu.dma_semaphore, #tpu.memory_space<semaphore_mem>>
        tpu.enqueue_indirect_dma source(%dma_start3A_882 : memref<10000x128xf32, #tpu.memory_space<hbm>>) target(%dma_start3A_878 : memref<48x128xf32, #tpu.memory_space<vmem>>) offsets(%dma_start3A_879 : memref<48xi32, #tpu.memory_space<vmem>>) semaphore(%dma_start3A_884 : memref<!tpu.dma_semaphore, #tpu.memory_space<semaphore_mem>>)
      } else {
      }
      %lt3A_792 = arith.constant 208 : i32
      %lt3A_793 = arith.cmpi slt, %add3A_779, %lt3A_792 : i32
      %convert_element_type3A_794 = arith.extui %lt3A_793 : i1 to i32
      %cond3A_795 = arith.constant 0 : i32
      %cond3A_796 = arith.cmpi ne, %convert_element_type3A_794, %cond3A_795 : i32
      scf.if %cond3A_796 {
        %mul3A_869 = arith.constant 48 : i32
        %mul3A_870 = arith.muli %add3A_779, %mul3A_869 : i32
        %dma_wait3A_871 = arith.constant 0 : i32
        %dma_wait3A_872 = arith.constant 0 : i32
        %dma_wait3A_873 = arith.constant 0 : i32
        %dma_wait3A_874 = arith.constant 0 : i32
        %dma_wait3A_875 = tpu.memref_slice %arg7[%dma_wait3A_871, %dma_wait3A_873, %dma_wait3A_874] : memref<4x48x128xf32, #tpu.memory_space<vmem>> -> memref<1x48x128xf32, #tpu.memory_space<vmem>>
        %dma_wait3A_876 = tpu.memref_squeeze %dma_wait3A_875 : memref<1x48x128xf32, #tpu.memory_space<vmem>> -> memref<48x128xf32, #tpu.memory_space<vmem>>
        %dma_wait3A_877 = tpu.memref_slice %arg5[%mul3A_870] : memref<10000xi32, #tpu.memory_space<vmem>> -> memref<48xi32, #tpu.memory_space<vmem>>
        %dma_wait3A_878 = arith.constant 0 : i32
        %dma_wait3A_879 = arith.constant 0 : i32
        %dma_wait3A_880 = tpu.memref_slice %arg2[%dma_wait3A_878, %dma_wait3A_879] : memref<10000x128xf32, #tpu.memory_space<hbm>> -> memref<10000x128xf32, #tpu.memory_space<hbm>>
        %dma_wait3A_881 = tpu.memref_slice %arg8[%dma_wait3A_872] : memref<4x!tpu.dma_semaphore, #tpu.memory_space<semaphore_mem>> -> memref<1x!tpu.dma_semaphore, #tpu.memory_space<semaphore_mem>>
        %dma_wait3A_882 = tpu.memref_squeeze %dma_wait3A_881 : memref<1x!tpu.dma_semaphore, #tpu.memory_space<semaphore_mem>> -> memref<!tpu.dma_semaphore, #tpu.memory_space<semaphore_mem>>
        tpu.wait_indirect_dma semaphore(%dma_wait3A_882 : memref<!tpu.dma_semaphore, #tpu.memory_space<semaphore_mem>>) src(%dma_wait3A_880 : memref<10000x128xf32, #tpu.memory_space<hbm>>) dst(%dma_wait3A_876 : memref<48x128xf32, #tpu.memory_space<vmem>>)
        %mul3A_883 = arith.constant 48 : i32
        %mul3A_884 = arith.muli %add3A_779, %mul3A_883 : i32
        %dma_start3A_885 = arith.constant 0 : i32
        %dma_start3A_886 = arith.constant 0 : i32
        %dma_start3A_887 = arith.constant 0 : i32
        %dma_start3A_888 = arith.constant 0 : i32
        %dma_start3A_889 = tpu.memref_slice %arg7[%dma_start3A_885, %dma_start3A_887, %dma_start3A_888] : memref<4x48x128xf32, #tpu.memory_space<vmem>> -> memref<1x48x128xf32, #tpu.memory_space<vmem>>
        %dma_start3A_890 = tpu.memref_squeeze %dma_start3A_889 : memref<1x48x128xf32, #tpu.memory_space<vmem>> -> memref<48x128xf32, #tpu.memory_space<vmem>>
        %dma_start3A_891 = tpu.memref_slice %arg6[%mul3A_884] : memref<10000xi32, #tpu.memory_space<vmem>> -> memref<48xi32, #tpu.memory_space<vmem>>
        %dma_start3A_892 = arith.constant 0 : i32
        %dma_start3A_893 = arith.constant 0 : i32
        %dma_start3A_894 = tpu.memref_slice %arg11[%dma_start3A_892, %dma_start3A_893] : memref<10000x128xf32, #tpu.memory_space<vmem_shared>> -> memref<10000x128xf32, #tpu.memory_space<vmem_shared>>
        %dma_start3A_895 = tpu.memref_slice %arg9[%dma_start3A_886] : memref<4x!tpu.dma_semaphore, #tpu.memory_space<semaphore_mem>> -> memref<1x!tpu.dma_semaphore, #tpu.memory_space<semaphore_mem>>
        %dma_start3A_896 = tpu.memref_squeeze %dma_start3A_895 : memref<1x!tpu.dma_semaphore, #tpu.memory_space<semaphore_mem>> -> memref<!tpu.dma_semaphore, #tpu.memory_space<semaphore_mem>>
        tpu.enqueue_indirect_dma source(%dma_start3A_890 : memref<48x128xf32, #tpu.memory_space<vmem>>) target(%dma_start3A_894 : memref<10000x128xf32, #tpu.memory_space<vmem_shared>>) offsets(%dma_start3A_891 : memref<48xi32, #tpu.memory_space<vmem>>) semaphore(%dma_start3A_896 : memref<!tpu.dma_semaphore, #tpu.memory_space<semaphore_mem>>) {add = true}
      } else {
      }
      %add3A_797 = arith.constant 1 : i32
      %add3A_798 = arith.addi %add3A_777, %add3A_797 : i32
      %ge3A_799 = arith.constant 2 : i32
      %ge3A_800 = arith.cmpi sge, %add3A_798, %ge3A_799 : i32
      %add3A_801 = arith.constant 2 : i32
      %add3A_802 = arith.addi %add3A_798, %add3A_801 : i32
      %lt3A_803 = arith.constant 208 : i32
      %lt3A_804 = arith.cmpi slt, %add3A_802, %lt3A_803 : i32
      %and3A_805 = arith.andi %ge3A_800, %lt3A_804 : i1
      %convert_element_type3A_806 = arith.extui %and3A_805 : i1 to i32
      %cond3A_807 = arith.constant 0 : i32
      %cond3A_808 = arith.cmpi ne, %convert_element_type3A_806, %cond3A_807 : i32
      scf.if %cond3A_808 {
        %sub3A = arith.constant 2 : i32
        %sub3A_869 = arith.subi %add3A_798, %sub3A : i32
        %mul3A_870 = arith.constant 48 : i32
        %mul3A_871 = arith.muli %sub3A_869, %mul3A_870 : i32
        %dma_wait3A_872 = arith.constant 3 : i32
        %dma_wait3A_873 = arith.constant 3 : i32
        %dma_wait3A_874 = arith.constant 0 : i32
        %dma_wait3A_875 = arith.constant 0 : i32
        %dma_wait3A_876 = tpu.memref_slice %arg7[%dma_wait3A_872, %dma_wait3A_874, %dma_wait3A_875] : memref<4x48x128xf32, #tpu.memory_space<vmem>> -> memref<1x48x128xf32, #tpu.memory_space<vmem>>
        %dma_wait3A_877 = tpu.memref_squeeze %dma_wait3A_876 : memref<1x48x128xf32, #tpu.memory_space<vmem>> -> memref<48x128xf32, #tpu.memory_space<vmem>>
        %dma_wait3A_878 = tpu.memref_slice %arg6[%mul3A_871] : memref<10000xi32, #tpu.memory_space<vmem>> -> memref<48xi32, #tpu.memory_space<vmem>>
        %dma_wait3A_879 = arith.constant 0 : i32
        %dma_wait3A_880 = arith.constant 0 : i32
        %dma_wait3A_881 = tpu.memref_slice %arg11[%dma_wait3A_879, %dma_wait3A_880] : memref<10000x128xf32, #tpu.memory_space<vmem_shared>> -> memref<10000x128xf32, #tpu.memory_space<vmem_shared>>
        %dma_wait3A_882 = tpu.memref_slice %arg9[%dma_wait3A_873] : memref<4x!tpu.dma_semaphore, #tpu.memory_space<semaphore_mem>> -> memref<1x!tpu.dma_semaphore, #tpu.memory_space<semaphore_mem>>
        %dma_wait3A_883 = tpu.memref_squeeze %dma_wait3A_882 : memref<1x!tpu.dma_semaphore, #tpu.memory_space<semaphore_mem>> -> memref<!tpu.dma_semaphore, #tpu.memory_space<semaphore_mem>>
        tpu.wait_indirect_dma semaphore(%dma_wait3A_883 : memref<!tpu.dma_semaphore, #tpu.memory_space<semaphore_mem>>) src(%dma_wait3A_877 : memref<48x128xf32, #tpu.memory_space<vmem>>) dst(%dma_wait3A_881 : memref<10000x128xf32, #tpu.memory_space<vmem_shared>>)
      } else {
      }
      %add3A_809 = arith.constant 2 : i32
      %add3A_810 = arith.addi %add3A_798, %add3A_809 : i32
      %lt3A_811 = arith.constant 208 : i32
      %lt3A_812 = arith.cmpi slt, %add3A_810, %lt3A_811 : i32
      %convert_element_type3A_813 = arith.extui %lt3A_812 : i1 to i32
      %cond3A_814 = arith.constant 0 : i32
      %cond3A_815 = arith.cmpi ne, %convert_element_type3A_813, %cond3A_814 : i32
      scf.if %cond3A_815 {
        %add3A_869 = arith.constant 2 : i32
        %add3A_870 = arith.addi %add3A_798, %add3A_869 : i32
        %mul3A_871 = arith.constant 48 : i32
        %mul3A_872 = arith.muli %add3A_870, %mul3A_871 : i32
        %dma_start3A_873 = arith.constant 3 : i32
        %dma_start3A_874 = arith.constant 3 : i32
        %dma_start3A_875 = arith.constant 0 : i32
        %dma_start3A_876 = arith.constant 0 : i32
        %dma_start3A_877 = tpu.memref_slice %arg7[%dma_start3A_873, %dma_start3A_875, %dma_start3A_876] : memref<4x48x128xf32, #tpu.memory_space<vmem>> -> memref<1x48x128xf32, #tpu.memory_space<vmem>>
        %dma_start3A_878 = tpu.memref_squeeze %dma_start3A_877 : memref<1x48x128xf32, #tpu.memory_space<vmem>> -> memref<48x128xf32, #tpu.memory_space<vmem>>
        %dma_start3A_879 = tpu.memref_slice %arg5[%mul3A_872] : memref<10000xi32, #tpu.memory_space<vmem>> -> memref<48xi32, #tpu.memory_space<vmem>>
        %dma_start3A_880 = arith.constant 0 : i32
        %dma_start3A_881 = arith.constant 0 : i32
        %dma_start3A_882 = tpu.memref_slice %arg2[%dma_start3A_880, %dma_start3A_881] : memref<10000x128xf32, #tpu.memory_space<hbm>> -> memref<10000x128xf32, #tpu.memory_space<hbm>>
        %dma_start3A_883 = tpu.memref_slice %arg8[%dma_start3A_874] : memref<4x!tpu.dma_semaphore, #tpu.memory_space<semaphore_mem>> -> memref<1x!tpu.dma_semaphore, #tpu.memory_space<semaphore_mem>>
        %dma_start3A_884 = tpu.memref_squeeze %dma_start3A_883 : memref<1x!tpu.dma_semaphore, #tpu.memory_space<semaphore_mem>> -> memref<!tpu.dma_semaphore, #tpu.memory_space<semaphore_mem>>
        tpu.enqueue_indirect_dma source(%dma_start3A_882 : memref<10000x128xf32, #tpu.memory_space<hbm>>) target(%dma_start3A_878 : memref<48x128xf32, #tpu.memory_space<vmem>>) offsets(%dma_start3A_879 : memref<48xi32, #tpu.memory_space<vmem>>) semaphore(%dma_start3A_884 : memref<!tpu.dma_semaphore, #tpu.memory_space<semaphore_mem>>)
      } else {
      }
      %lt3A_816 = arith.constant 208 : i32
      %lt3A_817 = arith.cmpi slt, %add3A_798, %lt3A_816 : i32
      %convert_element_type3A_818 = arith.extui %lt3A_817 : i1 to i32
      %cond3A_819 = arith.constant 0 : i32
      %cond3A_820 = arith.cmpi ne, %convert_element_type3A_818, %cond3A_819 : i32
      scf.if %cond3A_820 {
        %mul3A_869 = arith.constant 48 : i32
        %mul3A_870 = arith.muli %add3A_798, %mul3A_869 : i32
        %dma_wait3A_871 = arith.constant 1 : i32
        %dma_wait3A_872 = arith.constant 1 : i32
        %dma_wait3A_873 = arith.constant 0 : i32
        %dma_wait3A_874 = arith.constant 0 : i32
        %dma_wait3A_875 = tpu.memref_slice %arg7[%dma_wait3A_871, %dma_wait3A_873, %dma_wait3A_874] : memref<4x48x128xf32, #tpu.memory_space<vmem>> -> memref<1x48x128xf32, #tpu.memory_space<vmem>>
        %dma_wait3A_876 = tpu.memref_squeeze %dma_wait3A_875 : memref<1x48x128xf32, #tpu.memory_space<vmem>> -> memref<48x128xf32, #tpu.memory_space<vmem>>
        %dma_wait3A_877 = tpu.memref_slice %arg5[%mul3A_870] : memref<10000xi32, #tpu.memory_space<vmem>> -> memref<48xi32, #tpu.memory_space<vmem>>
        %dma_wait3A_878 = arith.constant 0 : i32
        %dma_wait3A_879 = arith.constant 0 : i32
        %dma_wait3A_880 = tpu.memref_slice %arg2[%dma_wait3A_878, %dma_wait3A_879] : memref<10000x128xf32, #tpu.memory_space<hbm>> -> memref<10000x128xf32, #tpu.memory_space<hbm>>
        %dma_wait3A_881 = tpu.memref_slice %arg8[%dma_wait3A_872] : memref<4x!tpu.dma_semaphore, #tpu.memory_space<semaphore_mem>> -> memref<1x!tpu.dma_semaphore, #tpu.memory_space<semaphore_mem>>
        %dma_wait3A_882 = tpu.memref_squeeze %dma_wait3A_881 : memref<1x!tpu.dma_semaphore, #tpu.memory_space<semaphore_mem>> -> memref<!tpu.dma_semaphore, #tpu.memory_space<semaphore_mem>>
        tpu.wait_indirect_dma semaphore(%dma_wait3A_882 : memref<!tpu.dma_semaphore, #tpu.memory_space<semaphore_mem>>) src(%dma_wait3A_880 : memref<10000x128xf32, #tpu.memory_space<hbm>>) dst(%dma_wait3A_876 : memref<48x128xf32, #tpu.memory_space<vmem>>)
        %mul3A_883 = arith.constant 48 : i32
        %mul3A_884 = arith.muli %add3A_798, %mul3A_883 : i32
        %dma_start3A_885 = arith.constant 1 : i32
        %dma_start3A_886 = arith.constant 1 : i32
        %dma_start3A_887 = arith.constant 0 : i32
        %dma_start3A_888 = arith.constant 0 : i32
        %dma_start3A_889 = tpu.memref_slice %arg7[%dma_start3A_885, %dma_start3A_887, %dma_start3A_888] : memref<4x48x128xf32, #tpu.memory_space<vmem>> -> memref<1x48x128xf32, #tpu.memory_space<vmem>>
        %dma_start3A_890 = tpu.memref_squeeze %dma_start3A_889 : memref<1x48x128xf32, #tpu.memory_space<vmem>> -> memref<48x128xf32, #tpu.memory_space<vmem>>
        %dma_start3A_891 = tpu.memref_slice %arg6[%mul3A_884] : memref<10000xi32, #tpu.memory_space<vmem>> -> memref<48xi32, #tpu.memory_space<vmem>>
        %dma_start3A_892 = arith.constant 0 : i32
        %dma_start3A_893 = arith.constant 0 : i32
        %dma_start3A_894 = tpu.memref_slice %arg11[%dma_start3A_892, %dma_start3A_893] : memref<10000x128xf32, #tpu.memory_space<vmem_shared>> -> memref<10000x128xf32, #tpu.memory_space<vmem_shared>>
        %dma_start3A_895 = tpu.memref_slice %arg9[%dma_start3A_886] : memref<4x!tpu.dma_semaphore, #tpu.memory_space<semaphore_mem>> -> memref<1x!tpu.dma_semaphore, #tpu.memory_space<semaphore_mem>>
        %dma_start3A_896 = tpu.memref_squeeze %dma_start3A_895 : memref<1x!tpu.dma_semaphore, #tpu.memory_space<semaphore_mem>> -> memref<!tpu.dma_semaphore, #tpu.memory_space<semaphore_mem>>
        tpu.enqueue_indirect_dma source(%dma_start3A_890 : memref<48x128xf32, #tpu.memory_space<vmem>>) target(%dma_start3A_894 : memref<10000x128xf32, #tpu.memory_space<vmem_shared>>) offsets(%dma_start3A_891 : memref<48xi32, #tpu.memory_space<vmem>>) semaphore(%dma_start3A_896 : memref<!tpu.dma_semaphore, #tpu.memory_space<semaphore_mem>>) {add = true}
      } else {
      }
      %add3A_821 = arith.constant 2 : i32
      %add3A_822 = arith.addi %add3A_777, %add3A_821 : i32
      %ge3A_823 = arith.constant 2 : i32
      %ge3A_824 = arith.cmpi sge, %add3A_822, %ge3A_823 : i32
      %add3A_825 = arith.constant 2 : i32
      %add3A_826 = arith.addi %add3A_822, %add3A_825 : i32
      %lt3A_827 = arith.constant 208 : i32
      %lt3A_828 = arith.cmpi slt, %add3A_826, %lt3A_827 : i32
      %and3A_829 = arith.andi %ge3A_824, %lt3A_828 : i1
      %convert_element_type3A_830 = arith.extui %and3A_829 : i1 to i32
      %cond3A_831 = arith.constant 0 : i32
      %cond3A_832 = arith.cmpi ne, %convert_element_type3A_830, %cond3A_831 : i32
      scf.if %cond3A_832 {
        %sub3A = arith.constant 2 : i32
        %sub3A_869 = arith.subi %add3A_822, %sub3A : i32
        %mul3A_870 = arith.constant 48 : i32
        %mul3A_871 = arith.muli %sub3A_869, %mul3A_870 : i32
        %dma_wait3A_872 = arith.constant 0 : i32
        %dma_wait3A_873 = arith.constant 0 : i32
        %dma_wait3A_874 = arith.constant 0 : i32
        %dma_wait3A_875 = arith.constant 0 : i32
        %dma_wait3A_876 = tpu.memref_slice %arg7[%dma_wait3A_872, %dma_wait3A_874, %dma_wait3A_875] : memref<4x48x128xf32, #tpu.memory_space<vmem>> -> memref<1x48x128xf32, #tpu.memory_space<vmem>>
        %dma_wait3A_877 = tpu.memref_squeeze %dma_wait3A_876 : memref<1x48x128xf32, #tpu.memory_space<vmem>> -> memref<48x128xf32, #tpu.memory_space<vmem>>
        %dma_wait3A_878 = tpu.memref_slice %arg6[%mul3A_871] : memref<10000xi32, #tpu.memory_space<vmem>> -> memref<48xi32, #tpu.memory_space<vmem>>
        %dma_wait3A_879 = arith.constant 0 : i32
        %dma_wait3A_880 = arith.constant 0 : i32
        %dma_wait3A_881 = tpu.memref_slice %arg11[%dma_wait3A_879, %dma_wait3A_880] : memref<10000x128xf32, #tpu.memory_space<vmem_shared>> -> memref<10000x128xf32, #tpu.memory_space<vmem_shared>>
        %dma_wait3A_882 = tpu.memref_slice %arg9[%dma_wait3A_873] : memref<4x!tpu.dma_semaphore, #tpu.memory_space<semaphore_mem>> -> memref<1x!tpu.dma_semaphore, #tpu.memory_space<semaphore_mem>>
        %dma_wait3A_883 = tpu.memref_squeeze %dma_wait3A_882 : memref<1x!tpu.dma_semaphore, #tpu.memory_space<semaphore_mem>> -> memref<!tpu.dma_semaphore, #tpu.memory_space<semaphore_mem>>
        tpu.wait_indirect_dma semaphore(%dma_wait3A_883 : memref<!tpu.dma_semaphore, #tpu.memory_space<semaphore_mem>>) src(%dma_wait3A_877 : memref<48x128xf32, #tpu.memory_space<vmem>>) dst(%dma_wait3A_881 : memref<10000x128xf32, #tpu.memory_space<vmem_shared>>)
      } else {
      }
      %add3A_833 = arith.constant 2 : i32
      %add3A_834 = arith.addi %add3A_822, %add3A_833 : i32
      %lt3A_835 = arith.constant 208 : i32
      %lt3A_836 = arith.cmpi slt, %add3A_834, %lt3A_835 : i32
      %convert_element_type3A_837 = arith.extui %lt3A_836 : i1 to i32
      %cond3A_838 = arith.constant 0 : i32
      %cond3A_839 = arith.cmpi ne, %convert_element_type3A_837, %cond3A_838 : i32
      scf.if %cond3A_839 {
        %add3A_869 = arith.constant 2 : i32
        %add3A_870 = arith.addi %add3A_822, %add3A_869 : i32
        %mul3A_871 = arith.constant 48 : i32
        %mul3A_872 = arith.muli %add3A_870, %mul3A_871 : i32
        %dma_start3A_873 = arith.constant 0 : i32
        %dma_start3A_874 = arith.constant 0 : i32
        %dma_start3A_875 = arith.constant 0 : i32
        %dma_start3A_876 = arith.constant 0 : i32
        %dma_start3A_877 = tpu.memref_slice %arg7[%dma_start3A_873, %dma_start3A_875, %dma_start3A_876] : memref<4x48x128xf32, #tpu.memory_space<vmem>> -> memref<1x48x128xf32, #tpu.memory_space<vmem>>
        %dma_start3A_878 = tpu.memref_squeeze %dma_start3A_877 : memref<1x48x128xf32, #tpu.memory_space<vmem>> -> memref<48x128xf32, #tpu.memory_space<vmem>>
        %dma_start3A_879 = tpu.memref_slice %arg5[%mul3A_872] : memref<10000xi32, #tpu.memory_space<vmem>> -> memref<48xi32, #tpu.memory_space<vmem>>
        %dma_start3A_880 = arith.constant 0 : i32
        %dma_start3A_881 = arith.constant 0 : i32
        %dma_start3A_882 = tpu.memref_slice %arg2[%dma_start3A_880, %dma_start3A_881] : memref<10000x128xf32, #tpu.memory_space<hbm>> -> memref<10000x128xf32, #tpu.memory_space<hbm>>
        %dma_start3A_883 = tpu.memref_slice %arg8[%dma_start3A_874] : memref<4x!tpu.dma_semaphore, #tpu.memory_space<semaphore_mem>> -> memref<1x!tpu.dma_semaphore, #tpu.memory_space<semaphore_mem>>
        %dma_start3A_884 = tpu.memref_squeeze %dma_start3A_883 : memref<1x!tpu.dma_semaphore, #tpu.memory_space<semaphore_mem>> -> memref<!tpu.dma_semaphore, #tpu.memory_space<semaphore_mem>>
        tpu.enqueue_indirect_dma source(%dma_start3A_882 : memref<10000x128xf32, #tpu.memory_space<hbm>>) target(%dma_start3A_878 : memref<48x128xf32, #tpu.memory_space<vmem>>) offsets(%dma_start3A_879 : memref<48xi32, #tpu.memory_space<vmem>>) semaphore(%dma_start3A_884 : memref<!tpu.dma_semaphore, #tpu.memory_space<semaphore_mem>>)
      } else {
      }
      %lt3A_840 = arith.constant 208 : i32
      %lt3A_841 = arith.cmpi slt, %add3A_822, %lt3A_840 : i32
      %convert_element_type3A_842 = arith.extui %lt3A_841 : i1 to i32
      %cond3A_843 = arith.constant 0 : i32
      %cond3A_844 = arith.cmpi ne, %convert_element_type3A_842, %cond3A_843 : i32
      scf.if %cond3A_844 {
        %mul3A_869 = arith.constant 48 : i32
        %mul3A_870 = arith.muli %add3A_822, %mul3A_869 : i32
        %dma_wait3A_871 = arith.constant 2 : i32
        %dma_wait3A_872 = arith.constant 2 : i32
        %dma_wait3A_873 = arith.constant 0 : i32
        %dma_wait3A_874 = arith.constant 0 : i32
        %dma_wait3A_875 = tpu.memref_slice %arg7[%dma_wait3A_871, %dma_wait3A_873, %dma_wait3A_874] : memref<4x48x128xf32, #tpu.memory_space<vmem>> -> memref<1x48x128xf32, #tpu.memory_space<vmem>>
        %dma_wait3A_876 = tpu.memref_squeeze %dma_wait3A_875 : memref<1x48x128xf32, #tpu.memory_space<vmem>> -> memref<48x128xf32, #tpu.memory_space<vmem>>
        %dma_wait3A_877 = tpu.memref_slice %arg5[%mul3A_870] : memref<10000xi32, #tpu.memory_space<vmem>> -> memref<48xi32, #tpu.memory_space<vmem>>
        %dma_wait3A_878 = arith.constant 0 : i32
        %dma_wait3A_879 = arith.constant 0 : i32
        %dma_wait3A_880 = tpu.memref_slice %arg2[%dma_wait3A_878, %dma_wait3A_879] : memref<10000x128xf32, #tpu.memory_space<hbm>> -> memref<10000x128xf32, #tpu.memory_space<hbm>>
        %dma_wait3A_881 = tpu.memref_slice %arg8[%dma_wait3A_872] : memref<4x!tpu.dma_semaphore, #tpu.memory_space<semaphore_mem>> -> memref<1x!tpu.dma_semaphore, #tpu.memory_space<semaphore_mem>>
        %dma_wait3A_882 = tpu.memref_squeeze %dma_wait3A_881 : memref<1x!tpu.dma_semaphore, #tpu.memory_space<semaphore_mem>> -> memref<!tpu.dma_semaphore, #tpu.memory_space<semaphore_mem>>
        tpu.wait_indirect_dma semaphore(%dma_wait3A_882 : memref<!tpu.dma_semaphore, #tpu.memory_space<semaphore_mem>>) src(%dma_wait3A_880 : memref<10000x128xf32, #tpu.memory_space<hbm>>) dst(%dma_wait3A_876 : memref<48x128xf32, #tpu.memory_space<vmem>>)
        %mul3A_883 = arith.constant 48 : i32
        %mul3A_884 = arith.muli %add3A_822, %mul3A_883 : i32
        %dma_start3A_885 = arith.constant 2 : i32
        %dma_start3A_886 = arith.constant 2 : i32
        %dma_start3A_887 = arith.constant 0 : i32
        %dma_start3A_888 = arith.constant 0 : i32
        %dma_start3A_889 = tpu.memref_slice %arg7[%dma_start3A_885, %dma_start3A_887, %dma_start3A_888] : memref<4x48x128xf32, #tpu.memory_space<vmem>> -> memref<1x48x128xf32, #tpu.memory_space<vmem>>
        %dma_start3A_890 = tpu.memref_squeeze %dma_start3A_889 : memref<1x48x128xf32, #tpu.memory_space<vmem>> -> memref<48x128xf32, #tpu.memory_space<vmem>>
        %dma_start3A_891 = tpu.memref_slice %arg6[%mul3A_884] : memref<10000xi32, #tpu.memory_space<vmem>> -> memref<48xi32, #tpu.memory_space<vmem>>
        %dma_start3A_892 = arith.constant 0 : i32
        %dma_start3A_893 = arith.constant 0 : i32
        %dma_start3A_894 = tpu.memref_slice %arg11[%dma_start3A_892, %dma_start3A_893] : memref<10000x128xf32, #tpu.memory_space<vmem_shared>> -> memref<10000x128xf32, #tpu.memory_space<vmem_shared>>
        %dma_start3A_895 = tpu.memref_slice %arg9[%dma_start3A_886] : memref<4x!tpu.dma_semaphore, #tpu.memory_space<semaphore_mem>> -> memref<1x!tpu.dma_semaphore, #tpu.memory_space<semaphore_mem>>
        %dma_start3A_896 = tpu.memref_squeeze %dma_start3A_895 : memref<1x!tpu.dma_semaphore, #tpu.memory_space<semaphore_mem>> -> memref<!tpu.dma_semaphore, #tpu.memory_space<semaphore_mem>>
        tpu.enqueue_indirect_dma source(%dma_start3A_890 : memref<48x128xf32, #tpu.memory_space<vmem>>) target(%dma_start3A_894 : memref<10000x128xf32, #tpu.memory_space<vmem_shared>>) offsets(%dma_start3A_891 : memref<48xi32, #tpu.memory_space<vmem>>) semaphore(%dma_start3A_896 : memref<!tpu.dma_semaphore, #tpu.memory_space<semaphore_mem>>) {add = true}
      } else {
      }
      %add3A_845 = arith.constant 3 : i32
      %add3A_846 = arith.addi %add3A_777, %add3A_845 : i32
      %ge3A_847 = arith.constant 2 : i32
      %ge3A_848 = arith.cmpi sge, %add3A_846, %ge3A_847 : i32
      %add3A_849 = arith.constant 2 : i32
      %add3A_850 = arith.addi %add3A_846, %add3A_849 : i32
      %lt3A_851 = arith.constant 208 : i32
      %lt3A_852 = arith.cmpi slt, %add3A_850, %lt3A_851 : i32
      %and3A_853 = arith.andi %ge3A_848, %lt3A_852 : i1
      %convert_element_type3A_854 = arith.extui %and3A_853 : i1 to i32
      %cond3A_855 = arith.constant 0 : i32
      %cond3A_856 = arith.cmpi ne, %convert_element_type3A_854, %cond3A_855 : i32
      scf.if %cond3A_856 {
        %sub3A = arith.constant 2 : i32
        %sub3A_869 = arith.subi %add3A_846, %sub3A : i32
        %mul3A_870 = arith.constant 48 : i32
        %mul3A_871 = arith.muli %sub3A_869, %mul3A_870 : i32
        %dma_wait3A_872 = arith.constant 1 : i32
        %dma_wait3A_873 = arith.constant 1 : i32
        %dma_wait3A_874 = arith.constant 0 : i32
        %dma_wait3A_875 = arith.constant 0 : i32
        %dma_wait3A_876 = tpu.memref_slice %arg7[%dma_wait3A_872, %dma_wait3A_874, %dma_wait3A_875] : memref<4x48x128xf32, #tpu.memory_space<vmem>> -> memref<1x48x128xf32, #tpu.memory_space<vmem>>
        %dma_wait3A_877 = tpu.memref_squeeze %dma_wait3A_876 : memref<1x48x128xf32, #tpu.memory_space<vmem>> -> memref<48x128xf32, #tpu.memory_space<vmem>>
        %dma_wait3A_878 = tpu.memref_slice %arg6[%mul3A_871] : memref<10000xi32, #tpu.memory_space<vmem>> -> memref<48xi32, #tpu.memory_space<vmem>>
        %dma_wait3A_879 = arith.constant 0 : i32
        %dma_wait3A_880 = arith.constant 0 : i32
        %dma_wait3A_881 = tpu.memref_slice %arg11[%dma_wait3A_879, %dma_wait3A_880] : memref<10000x128xf32, #tpu.memory_space<vmem_shared>> -> memref<10000x128xf32, #tpu.memory_space<vmem_shared>>
        %dma_wait3A_882 = tpu.memref_slice %arg9[%dma_wait3A_873] : memref<4x!tpu.dma_semaphore, #tpu.memory_space<semaphore_mem>> -> memref<1x!tpu.dma_semaphore, #tpu.memory_space<semaphore_mem>>
        %dma_wait3A_883 = tpu.memref_squeeze %dma_wait3A_882 : memref<1x!tpu.dma_semaphore, #tpu.memory_space<semaphore_mem>> -> memref<!tpu.dma_semaphore, #tpu.memory_space<semaphore_mem>>
        tpu.wait_indirect_dma semaphore(%dma_wait3A_883 : memref<!tpu.dma_semaphore, #tpu.memory_space<semaphore_mem>>) src(%dma_wait3A_877 : memref<48x128xf32, #tpu.memory_space<vmem>>) dst(%dma_wait3A_881 : memref<10000x128xf32, #tpu.memory_space<vmem_shared>>)
      } else {
      }
      %add3A_857 = arith.constant 2 : i32
      %add3A_858 = arith.addi %add3A_846, %add3A_857 : i32
      %lt3A_859 = arith.constant 208 : i32
      %lt3A_860 = arith.cmpi slt, %add3A_858, %lt3A_859 : i32
      %convert_element_type3A_861 = arith.extui %lt3A_860 : i1 to i32
      %cond3A_862 = arith.constant 0 : i32
      %cond3A_863 = arith.cmpi ne, %convert_element_type3A_861, %cond3A_862 : i32
      scf.if %cond3A_863 {
        %add3A_869 = arith.constant 2 : i32
        %add3A_870 = arith.addi %add3A_846, %add3A_869 : i32
        %mul3A_871 = arith.constant 48 : i32
        %mul3A_872 = arith.muli %add3A_870, %mul3A_871 : i32
        %dma_start3A_873 = arith.constant 1 : i32
        %dma_start3A_874 = arith.constant 1 : i32
        %dma_start3A_875 = arith.constant 0 : i32
        %dma_start3A_876 = arith.constant 0 : i32
        %dma_start3A_877 = tpu.memref_slice %arg7[%dma_start3A_873, %dma_start3A_875, %dma_start3A_876] : memref<4x48x128xf32, #tpu.memory_space<vmem>> -> memref<1x48x128xf32, #tpu.memory_space<vmem>>
        %dma_start3A_878 = tpu.memref_squeeze %dma_start3A_877 : memref<1x48x128xf32, #tpu.memory_space<vmem>> -> memref<48x128xf32, #tpu.memory_space<vmem>>
        %dma_start3A_879 = tpu.memref_slice %arg5[%mul3A_872] : memref<10000xi32, #tpu.memory_space<vmem>> -> memref<48xi32, #tpu.memory_space<vmem>>
        %dma_start3A_880 = arith.constant 0 : i32
        %dma_start3A_881 = arith.constant 0 : i32
        %dma_start3A_882 = tpu.memref_slice %arg2[%dma_start3A_880, %dma_start3A_881] : memref<10000x128xf32, #tpu.memory_space<hbm>> -> memref<10000x128xf32, #tpu.memory_space<hbm>>
        %dma_start3A_883 = tpu.memref_slice %arg8[%dma_start3A_874] : memref<4x!tpu.dma_semaphore, #tpu.memory_space<semaphore_mem>> -> memref<1x!tpu.dma_semaphore, #tpu.memory_space<semaphore_mem>>
        %dma_start3A_884 = tpu.memref_squeeze %dma_start3A_883 : memref<1x!tpu.dma_semaphore, #tpu.memory_space<semaphore_mem>> -> memref<!tpu.dma_semaphore, #tpu.memory_space<semaphore_mem>>
        tpu.enqueue_indirect_dma source(%dma_start3A_882 : memref<10000x128xf32, #tpu.memory_space<hbm>>) target(%dma_start3A_878 : memref<48x128xf32, #tpu.memory_space<vmem>>) offsets(%dma_start3A_879 : memref<48xi32, #tpu.memory_space<vmem>>) semaphore(%dma_start3A_884 : memref<!tpu.dma_semaphore, #tpu.memory_space<semaphore_mem>>)
      } else {
      }
      %lt3A_864 = arith.constant 208 : i32
      %lt3A_865 = arith.cmpi slt, %add3A_846, %lt3A_864 : i32
      %convert_element_type3A_866 = arith.extui %lt3A_865 : i1 to i32
      %cond3A_867 = arith.constant 0 : i32
      %cond3A_868 = arith.cmpi ne, %convert_element_type3A_866, %cond3A_867 : i32
      scf.if %cond3A_868 {
        %mul3A_869 = arith.constant 48 : i32
        %mul3A_870 = arith.muli %add3A_846, %mul3A_869 : i32
        %dma_wait3A_871 = arith.constant 3 : i32
        %dma_wait3A_872 = arith.constant 3 : i32
        %dma_wait3A_873 = arith.constant 0 : i32
        %dma_wait3A_874 = arith.constant 0 : i32
        %dma_wait3A_875 = tpu.memref_slice %arg7[%dma_wait3A_871, %dma_wait3A_873, %dma_wait3A_874] : memref<4x48x128xf32, #tpu.memory_space<vmem>> -> memref<1x48x128xf32, #tpu.memory_space<vmem>>
        %dma_wait3A_876 = tpu.memref_squeeze %dma_wait3A_875 : memref<1x48x128xf32, #tpu.memory_space<vmem>> -> memref<48x128xf32, #tpu.memory_space<vmem>>
        %dma_wait3A_877 = tpu.memref_slice %arg5[%mul3A_870] : memref<10000xi32, #tpu.memory_space<vmem>> -> memref<48xi32, #tpu.memory_space<vmem>>
        %dma_wait3A_878 = arith.constant 0 : i32
        %dma_wait3A_879 = arith.constant 0 : i32
        %dma_wait3A_880 = tpu.memref_slice %arg2[%dma_wait3A_878, %dma_wait3A_879] : memref<10000x128xf32, #tpu.memory_space<hbm>> -> memref<10000x128xf32, #tpu.memory_space<hbm>>
        %dma_wait3A_881 = tpu.memref_slice %arg8[%dma_wait3A_872] : memref<4x!tpu.dma_semaphore, #tpu.memory_space<semaphore_mem>> -> memref<1x!tpu.dma_semaphore, #tpu.memory_space<semaphore_mem>>
        %dma_wait3A_882 = tpu.memref_squeeze %dma_wait3A_881 : memref<1x!tpu.dma_semaphore, #tpu.memory_space<semaphore_mem>> -> memref<!tpu.dma_semaphore, #tpu.memory_space<semaphore_mem>>
        tpu.wait_indirect_dma semaphore(%dma_wait3A_882 : memref<!tpu.dma_semaphore, #tpu.memory_space<semaphore_mem>>) src(%dma_wait3A_880 : memref<10000x128xf32, #tpu.memory_space<hbm>>) dst(%dma_wait3A_876 : memref<48x128xf32, #tpu.memory_space<vmem>>)
        %mul3A_883 = arith.constant 48 : i32
        %mul3A_884 = arith.muli %add3A_846, %mul3A_883 : i32
        %dma_start3A_885 = arith.constant 3 : i32
        %dma_start3A_886 = arith.constant 3 : i32
        %dma_start3A_887 = arith.constant 0 : i32
        %dma_start3A_888 = arith.constant 0 : i32
        %dma_start3A_889 = tpu.memref_slice %arg7[%dma_start3A_885, %dma_start3A_887, %dma_start3A_888] : memref<4x48x128xf32, #tpu.memory_space<vmem>> -> memref<1x48x128xf32, #tpu.memory_space<vmem>>
        %dma_start3A_890 = tpu.memref_squeeze %dma_start3A_889 : memref<1x48x128xf32, #tpu.memory_space<vmem>> -> memref<48x128xf32, #tpu.memory_space<vmem>>
        %dma_start3A_891 = tpu.memref_slice %arg6[%mul3A_884] : memref<10000xi32, #tpu.memory_space<vmem>> -> memref<48xi32, #tpu.memory_space<vmem>>
        %dma_start3A_892 = arith.constant 0 : i32
        %dma_start3A_893 = arith.constant 0 : i32
        %dma_start3A_894 = tpu.memref_slice %arg11[%dma_start3A_892, %dma_start3A_893] : memref<10000x128xf32, #tpu.memory_space<vmem_shared>> -> memref<10000x128xf32, #tpu.memory_space<vmem_shared>>
        %dma_start3A_895 = tpu.memref_slice %arg9[%dma_start3A_886] : memref<4x!tpu.dma_semaphore, #tpu.memory_space<semaphore_mem>> -> memref<1x!tpu.dma_semaphore, #tpu.memory_space<semaphore_mem>>
        %dma_start3A_896 = tpu.memref_squeeze %dma_start3A_895 : memref<1x!tpu.dma_semaphore, #tpu.memory_space<semaphore_mem>> -> memref<!tpu.dma_semaphore, #tpu.memory_space<semaphore_mem>>
        tpu.enqueue_indirect_dma source(%dma_start3A_890 : memref<48x128xf32, #tpu.memory_space<vmem>>) target(%dma_start3A_894 : memref<10000x128xf32, #tpu.memory_space<vmem_shared>>) offsets(%dma_start3A_891 : memref<48xi32, #tpu.memory_space<vmem>>) semaphore(%dma_start3A_896 : memref<!tpu.dma_semaphore, #tpu.memory_space<semaphore_mem>>) {add = true}
      } else {
      }
    }
    %scan3A_713 = arith.constant 52 : i32
    %dma_wait3A_714 = arith.constant 0 : i32
    %dma_wait3A_715 = arith.constant 0 : i32
    %dma_wait3A_716 = arith.constant 0 : i32
    %dma_wait3A_717 = arith.constant 0 : i32
    %dma_wait3A_718 = tpu.memref_slice %arg7[%dma_wait3A_714, %dma_wait3A_716, %dma_wait3A_717] : memref<4x48x128xf32, #tpu.memory_space<vmem>> -> memref<1x48x128xf32, #tpu.memory_space<vmem>>
    %dma_wait3A_719 = tpu.memref_squeeze %dma_wait3A_718 : memref<1x48x128xf32, #tpu.memory_space<vmem>> -> memref<48x128xf32, #tpu.memory_space<vmem>>
    %dma_wait3A_720 = arith.constant 9792 : i32
    %dma_wait3A_721 = tpu.memref_slice %arg6[%dma_wait3A_720] : memref<10000xi32, #tpu.memory_space<vmem>> -> memref<48xi32, #tpu.memory_space<vmem>>
    %dma_wait3A_722 = arith.constant 0 : i32
    %dma_wait3A_723 = arith.constant 0 : i32
    %dma_wait3A_724 = tpu.memref_slice %arg11[%dma_wait3A_722, %dma_wait3A_723] : memref<10000x128xf32, #tpu.memory_space<vmem_shared>> -> memref<10000x128xf32, #tpu.memory_space<vmem_shared>>
    %dma_wait3A_725 = tpu.memref_slice %arg9[%dma_wait3A_715] : memref<4x!tpu.dma_semaphore, #tpu.memory_space<semaphore_mem>> -> memref<1x!tpu.dma_semaphore, #tpu.memory_space<semaphore_mem>>
    %dma_wait3A_726 = tpu.memref_squeeze %dma_wait3A_725 : memref<1x!tpu.dma_semaphore, #tpu.memory_space<semaphore_mem>> -> memref<!tpu.dma_semaphore, #tpu.memory_space<semaphore_mem>>
    tpu.wait_indirect_dma semaphore(%dma_wait3A_726 : memref<!tpu.dma_semaphore, #tpu.memory_space<semaphore_mem>>) src(%dma_wait3A_719 : memref<48x128xf32, #tpu.memory_space<vmem>>) dst(%dma_wait3A_724 : memref<10000x128xf32, #tpu.memory_space<vmem_shared>>)
    %dma_wait3A_727 = arith.constant 1 : i32
    %dma_wait3A_728 = arith.constant 1 : i32
    %dma_wait3A_729 = arith.constant 0 : i32
    %dma_wait3A_730 = arith.constant 0 : i32
    %dma_wait3A_731 = tpu.memref_slice %arg7[%dma_wait3A_727, %dma_wait3A_729, %dma_wait3A_730] : memref<4x48x128xf32, #tpu.memory_space<vmem>> -> memref<1x48x128xf32, #tpu.memory_space<vmem>>
    %dma_wait3A_732 = tpu.memref_squeeze %dma_wait3A_731 : memref<1x48x128xf32, #tpu.memory_space<vmem>> -> memref<48x128xf32, #tpu.memory_space<vmem>>
    %dma_wait3A_733 = arith.constant 9840 : i32
    %dma_wait3A_734 = tpu.memref_slice %arg6[%dma_wait3A_733] : memref<10000xi32, #tpu.memory_space<vmem>> -> memref<48xi32, #tpu.memory_space<vmem>>
    %dma_wait3A_735 = arith.constant 0 : i32
    %dma_wait3A_736 = arith.constant 0 : i32
    %dma_wait3A_737 = tpu.memref_slice %arg11[%dma_wait3A_735, %dma_wait3A_736] : memref<10000x128xf32, #tpu.memory_space<vmem_shared>> -> memref<10000x128xf32, #tpu.memory_space<vmem_shared>>
    %dma_wait3A_738 = tpu.memref_slice %arg9[%dma_wait3A_728] : memref<4x!tpu.dma_semaphore, #tpu.memory_space<semaphore_mem>> -> memref<1x!tpu.dma_semaphore, #tpu.memory_space<semaphore_mem>>
    %dma_wait3A_739 = tpu.memref_squeeze %dma_wait3A_738 : memref<1x!tpu.dma_semaphore, #tpu.memory_space<semaphore_mem>> -> memref<!tpu.dma_semaphore, #tpu.memory_space<semaphore_mem>>
    tpu.wait_indirect_dma semaphore(%dma_wait3A_739 : memref<!tpu.dma_semaphore, #tpu.memory_space<semaphore_mem>>) src(%dma_wait3A_732 : memref<48x128xf32, #tpu.memory_space<vmem>>) dst(%dma_wait3A_737 : memref<10000x128xf32, #tpu.memory_space<vmem_shared>>)
    %dma_wait3A_740 = arith.constant 2 : i32
    %dma_wait3A_741 = arith.constant 2 : i32
    %dma_wait3A_742 = arith.constant 0 : i32
    %dma_wait3A_743 = arith.constant 0 : i32
    %dma_wait3A_744 = tpu.memref_slice %arg7[%dma_wait3A_740, %dma_wait3A_742, %dma_wait3A_743] : memref<4x48x128xf32, #tpu.memory_space<vmem>> -> memref<1x48x128xf32, #tpu.memory_space<vmem>>
    %dma_wait3A_745 = tpu.memref_squeeze %dma_wait3A_744 : memref<1x48x128xf32, #tpu.memory_space<vmem>> -> memref<48x128xf32, #tpu.memory_space<vmem>>
    %dma_wait3A_746 = arith.constant 9888 : i32
    %dma_wait3A_747 = tpu.memref_slice %arg6[%dma_wait3A_746] : memref<10000xi32, #tpu.memory_space<vmem>> -> memref<48xi32, #tpu.memory_space<vmem>>
    %dma_wait3A_748 = arith.constant 0 : i32
    %dma_wait3A_749 = arith.constant 0 : i32
    %dma_wait3A_750 = tpu.memref_slice %arg11[%dma_wait3A_748, %dma_wait3A_749] : memref<10000x128xf32, #tpu.memory_space<vmem_shared>> -> memref<10000x128xf32, #tpu.memory_space<vmem_shared>>
    %dma_wait3A_751 = tpu.memref_slice %arg9[%dma_wait3A_741] : memref<4x!tpu.dma_semaphore, #tpu.memory_space<semaphore_mem>> -> memref<1x!tpu.dma_semaphore, #tpu.memory_space<semaphore_mem>>
    %dma_wait3A_752 = tpu.memref_squeeze %dma_wait3A_751 : memref<1x!tpu.dma_semaphore, #tpu.memory_space<semaphore_mem>> -> memref<!tpu.dma_semaphore, #tpu.memory_space<semaphore_mem>>
    tpu.wait_indirect_dma semaphore(%dma_wait3A_752 : memref<!tpu.dma_semaphore, #tpu.memory_space<semaphore_mem>>) src(%dma_wait3A_745 : memref<48x128xf32, #tpu.memory_space<vmem>>) dst(%dma_wait3A_750 : memref<10000x128xf32, #tpu.memory_space<vmem_shared>>)
    %dma_wait3A_753 = arith.constant 3 : i32
    %dma_wait3A_754 = arith.constant 3 : i32
    %dma_wait3A_755 = arith.constant 0 : i32
    %dma_wait3A_756 = arith.constant 0 : i32
    %dma_wait3A_757 = tpu.memref_slice %arg7[%dma_wait3A_753, %dma_wait3A_755, %dma_wait3A_756] : memref<4x48x128xf32, #tpu.memory_space<vmem>> -> memref<1x48x128xf32, #tpu.memory_space<vmem>>
    %dma_wait3A_758 = tpu.memref_squeeze %dma_wait3A_757 : memref<1x48x128xf32, #tpu.memory_space<vmem>> -> memref<48x128xf32, #tpu.memory_space<vmem>>
    %dma_wait3A_759 = arith.constant 9936 : i32
    %dma_wait3A_760 = tpu.memref_slice %arg6[%dma_wait3A_759] : memref<10000xi32, #tpu.memory_space<vmem>> -> memref<48xi32, #tpu.memory_space<vmem>>
    %dma_wait3A_761 = arith.constant 0 : i32
    %dma_wait3A_762 = arith.constant 0 : i32
    %dma_wait3A_763 = tpu.memref_slice %arg11[%dma_wait3A_761, %dma_wait3A_762] : memref<10000x128xf32, #tpu.memory_space<vmem_shared>> -> memref<10000x128xf32, #tpu.memory_space<vmem_shared>>
    %dma_wait3A_764 = tpu.memref_slice %arg9[%dma_wait3A_754] : memref<4x!tpu.dma_semaphore, #tpu.memory_space<semaphore_mem>> -> memref<1x!tpu.dma_semaphore, #tpu.memory_space<semaphore_mem>>
    %dma_wait3A_765 = tpu.memref_squeeze %dma_wait3A_764 : memref<1x!tpu.dma_semaphore, #tpu.memory_space<semaphore_mem>> -> memref<!tpu.dma_semaphore, #tpu.memory_space<semaphore_mem>>
    tpu.wait_indirect_dma semaphore(%dma_wait3A_765 : memref<!tpu.dma_semaphore, #tpu.memory_space<semaphore_mem>>) src(%dma_wait3A_758 : memref<48x128xf32, #tpu.memory_space<vmem>>) dst(%dma_wait3A_763 : memref<10000x128xf32, #tpu.memory_space<vmem_shared>>)
    %run_scoped3A = arith.constant 0 : i32
    "tpu.region"() ({
      %run_scoped3A_773 = tpu.sem_alloc : memref<!tpu.dma_semaphore, #tpu.memory_space<semaphore_mem>>
      %dma_start3A_774 = arith.constant 0 : i32
      %dma_start3A_775 = arith.constant 0 : i32
      %dma_start3A_776 = tpu.memref_slice %arg7[%run_scoped3A, %dma_start3A_774, %dma_start3A_775] : memref<4x48x128xf32, #tpu.memory_space<vmem>> -> memref<1x48x128xf32, #tpu.memory_space<vmem>>
      %dma_start3A_777 = tpu.memref_squeeze %dma_start3A_776 : memref<1x48x128xf32, #tpu.memory_space<vmem>> -> memref<48x128xf32, #tpu.memory_space<vmem>>
      %dma_start3A_778 = arith.constant 0 : i32
      %dma_start3A_779 = arith.constant 0 : i32
      %dma_start3A_780 = tpu.memref_slice %dma_start3A_777[%dma_start3A_778, %dma_start3A_779] : memref<48x128xf32, #tpu.memory_space<vmem>> -> memref<16x128xf32, #tpu.memory_space<vmem>>
      %dma_start3A_781 = arith.constant 9984 : i32
      %dma_start3A_782 = tpu.memref_slice %arg5[%dma_start3A_781] : memref<10000xi32, #tpu.memory_space<vmem>> -> memref<16xi32, #tpu.memory_space<vmem>>
      %dma_start3A_783 = arith.constant 0 : i32
      %dma_start3A_784 = arith.constant 0 : i32
      %dma_start3A_785 = tpu.memref_slice %arg2[%dma_start3A_783, %dma_start3A_784] : memref<10000x128xf32, #tpu.memory_space<hbm>> -> memref<10000x128xf32, #tpu.memory_space<hbm>>
      tpu.enqueue_indirect_dma source(%dma_start3A_785 : memref<10000x128xf32, #tpu.memory_space<hbm>>) target(%dma_start3A_780 : memref<16x128xf32, #tpu.memory_space<vmem>>) offsets(%dma_start3A_782 : memref<16xi32, #tpu.memory_space<vmem>>) semaphore(%run_scoped3A_773 : memref<!tpu.dma_semaphore, #tpu.memory_space<semaphore_mem>>)
      %dma_wait3A_786 = arith.constant 0 : i32
      %dma_wait3A_787 = arith.constant 0 : i32
      %dma_wait3A_788 = tpu.memref_slice %arg7[%run_scoped3A, %dma_wait3A_786, %dma_wait3A_787] : memref<4x48x128xf32, #tpu.memory_space<vmem>> -> memref<1x48x128xf32, #tpu.memory_space<vmem>>
      %dma_wait3A_789 = tpu.memref_squeeze %dma_wait3A_788 : memref<1x48x128xf32, #tpu.memory_space<vmem>> -> memref<48x128xf32, #tpu.memory_space<vmem>>
      %dma_wait3A_790 = arith.constant 0 : i32
      %dma_wait3A_791 = arith.constant 0 : i32
      %dma_wait3A_792 = tpu.memref_slice %dma_wait3A_789[%dma_wait3A_790, %dma_wait3A_791] : memref<48x128xf32, #tpu.memory_space<vmem>> -> memref<16x128xf32, #tpu.memory_space<vmem>>
      %dma_wait3A_793 = arith.constant 9984 : i32
      %dma_wait3A_794 = tpu.memref_slice %arg5[%dma_wait3A_793] : memref<10000xi32, #tpu.memory_space<vmem>> -> memref<16xi32, #tpu.memory_space<vmem>>
      %dma_wait3A_795 = arith.constant 0 : i32
      %dma_wait3A_796 = arith.constant 0 : i32
      %dma_wait3A_797 = tpu.memref_slice %arg2[%dma_wait3A_795, %dma_wait3A_796] : memref<10000x128xf32, #tpu.memory_space<hbm>> -> memref<10000x128xf32, #tpu.memory_space<hbm>>
      tpu.wait_indirect_dma semaphore(%run_scoped3A_773 : memref<!tpu.dma_semaphore, #tpu.memory_space<semaphore_mem>>) src(%dma_wait3A_797 : memref<10000x128xf32, #tpu.memory_space<hbm>>) dst(%dma_wait3A_792 : memref<16x128xf32, #tpu.memory_space<vmem>>)
      tpu.yield
    }) : () -> ()
    %run_scoped3A_766 = arith.constant 0 : i32
    "tpu.region"() ({
      %run_scoped3A_773 = tpu.sem_alloc : memref<!tpu.dma_semaphore, #tpu.memory_space<semaphore_mem>>
      %dma_start3A_774 = arith.constant 0 : i32
      %dma_start3A_775 = arith.constant 0 : i32
      %dma_start3A_776 = tpu.memref_slice %arg7[%run_scoped3A_766, %dma_start3A_774, %dma_start3A_775] : memref<4x48x128xf32, #tpu.memory_space<vmem>> -> memref<1x48x128xf32, #tpu.memory_space<vmem>>
      %dma_start3A_777 = tpu.memref_squeeze %dma_start3A_776 : memref<1x48x128xf32, #tpu.memory_space<vmem>> -> memref<48x128xf32, #tpu.memory_space<vmem>>
      %dma_start3A_778 = arith.constant 0 : i32
      %dma_start3A_779 = arith.constant 0 : i32
      %dma_start3A_780 = tpu.memref_slice %dma_start3A_777[%dma_start3A_778, %dma_start3A_779] : memref<48x128xf32, #tpu.memory_space<vmem>> -> memref<16x128xf32, #tpu.memory_space<vmem>>
      %dma_start3A_781 = arith.constant 9984 : i32
      %dma_start3A_782 = tpu.memref_slice %arg6[%dma_start3A_781] : memref<10000xi32, #tpu.memory_space<vmem>> -> memref<16xi32, #tpu.memory_space<vmem>>
      %dma_start3A_783 = arith.constant 0 : i32
      %dma_start3A_784 = arith.constant 0 : i32
      %dma_start3A_785 = tpu.memref_slice %arg11[%dma_start3A_783, %dma_start3A_784] : memref<10000x128xf32, #tpu.memory_space<vmem_shared>> -> memref<10000x128xf32, #tpu.memory_space<vmem_shared>>
      tpu.enqueue_indirect_dma source(%dma_start3A_780 : memref<16x128xf32, #tpu.memory_space<vmem>>) target(%dma_start3A_785 : memref<10000x128xf32, #tpu.memory_space<vmem_shared>>) offsets(%dma_start3A_782 : memref<16xi32, #tpu.memory_space<vmem>>) semaphore(%run_scoped3A_773 : memref<!tpu.dma_semaphore, #tpu.memory_space<semaphore_mem>>) {add = true}
      %dma_wait3A_786 = arith.constant 0 : i32
      %dma_wait3A_787 = arith.constant 0 : i32
      %dma_wait3A_788 = tpu.memref_slice %arg7[%run_scoped3A_766, %dma_wait3A_786, %dma_wait3A_787] : memref<4x48x128xf32, #tpu.memory_space<vmem>> -> memref<1x48x128xf32, #tpu.memory_space<vmem>>
      %dma_wait3A_789 = tpu.memref_squeeze %dma_wait3A_788 : memref<1x48x128xf32, #tpu.memory_space<vmem>> -> memref<48x128xf32, #tpu.memory_space<vmem>>
      %dma_wait3A_790 = arith.constant 0 : i32
      %dma_wait3A_791 = arith.constant 0 : i32
      %dma_wait3A_792 = tpu.memref_slice %dma_wait3A_789[%dma_wait3A_790, %dma_wait3A_791] : memref<48x128xf32, #tpu.memory_space<vmem>> -> memref<16x128xf32, #tpu.memory_space<vmem>>
      %dma_wait3A_793 = arith.constant 9984 : i32
      %dma_wait3A_794 = tpu.memref_slice %arg6[%dma_wait3A_793] : memref<10000xi32, #tpu.memory_space<vmem>> -> memref<16xi32, #tpu.memory_space<vmem>>
      %dma_wait3A_795 = arith.constant 0 : i32
      %dma_wait3A_796 = arith.constant 0 : i32
      %dma_wait3A_797 = tpu.memref_slice %arg11[%dma_wait3A_795, %dma_wait3A_796] : memref<10000x128xf32, #tpu.memory_space<vmem_shared>> -> memref<10000x128xf32, #tpu.memory_space<vmem_shared>>
      tpu.wait_indirect_dma semaphore(%run_scoped3A_773 : memref<!tpu.dma_semaphore, #tpu.memory_space<semaphore_mem>>) src(%dma_wait3A_792 : memref<16x128xf32, #tpu.memory_space<vmem>>) dst(%dma_wait3A_797 : memref<10000x128xf32, #tpu.memory_space<vmem_shared>>)
      tpu.yield
    }) : () -> ()
    %barrier3A_767 = arith.constant 0 : index
    tpu.barrier barrier_id(%barrier3A_767)
    %mul3A_768 = arith.constant 625 : i32
    %mul3A_769 = arith.muli %arg1, %mul3A_768 : i32
    %mul3A_770 = arith.constant 10000 : i32
    %mul3A_771 = arith.muli %arg0, %mul3A_770 : i32
    %add3A_772 = arith.addi %mul3A_771, %mul3A_769 : i32
    "tpu.region"() ({
      %run_scoped3A_773 = tpu.sem_alloc : memref<!tpu.dma_semaphore, #tpu.memory_space<semaphore_mem>>
      %dma_start3A_774 = arith.constant 0 : i32
      %dma_start3A_775 = tpu.memref_slice %arg4[%add3A_772, %dma_start3A_774] : memref<20000x128xf32, #tpu.memory_space<hbm>> -> memref<625x128xf32, #tpu.memory_space<hbm>>
      %dma_start3A_776 = arith.constant 0 : i32
      %dma_start3A_777 = tpu.memref_slice %arg11[%mul3A_769, %dma_start3A_776] : memref<10000x128xf32, #tpu.memory_space<vmem_shared>> -> memref<625x128xf32, #tpu.memory_space<vmem_shared>>
      tpu.enqueue_dma source(%dma_start3A_777 : memref<625x128xf32, #tpu.memory_space<vmem_shared>>) target(%dma_start3A_775 : memref<625x128xf32, #tpu.memory_space<hbm>>) target_semaphore(%run_scoped3A_773 : memref<!tpu.dma_semaphore, #tpu.memory_space<semaphore_mem>>)
      %dma_wait3A_778 = arith.constant 0 : i32
      %dma_wait3A_779 = tpu.memref_slice %arg4[%add3A_772, %dma_wait3A_778] : memref<20000x128xf32, #tpu.memory_space<hbm>> -> memref<625x128xf32, #tpu.memory_space<hbm>>
      %dma_wait3A_780 = arith.constant 0 : i32
      %dma_wait3A_781 = tpu.memref_slice %arg11[%mul3A_769, %dma_wait3A_780] : memref<10000x128xf32, #tpu.memory_space<vmem_shared>> -> memref<625x128xf32, #tpu.memory_space<vmem_shared>>
      tpu.wait_dma2 semaphore(%run_scoped3A_773 : memref<!tpu.dma_semaphore, #tpu.memory_space<semaphore_mem>>) src(%dma_wait3A_781 : memref<625x128xf32, #tpu.memory_space<vmem_shared>>) dst(%dma_wait3A_779 : memref<625x128xf32, #tpu.memory_space<hbm>>)
      tpu.yield
    }) : () -> ()
    return
  }
}

#map = affine_map<(d0, d1) -> (0, 0)>
#map1 = affine_map<(d0, d1) -> (0)>
module attributes {stable_mosaic.version = 14 : i64} {
  func.func @_deg_kernel_body(%arg0: i32, %arg1: i32, %arg2: memref<2x320000xi32, #tpu.memory_space<hbm>>, %arg3: memref<20480xf32, #tpu.memory_space<hbm>>, %arg4: memref<10000xi32, #tpu.memory_space<vmem>>, %arg5: memref<128xf32, #tpu.memory_space<vmem>>, %arg6: memref<640xf32, #tpu.memory_space<vmem>>, %arg7: memref<10240xf32, #tpu.memory_space<vmem_shared>>, %arg8: memref<!tpu.dma_semaphore, #tpu.memory_space<semaphore_mem>>) attributes {dimension_semantics = [#tpu.dimension_semantics<core_parallel>, #tpu.dimension_semantics<subcore_parallel>], iteration_bounds = array<i64: 2, 16>, scalar_prefetch = 0 : i64, scratch_operands = 5 : i64, tpu.core_type = #tpu.core_type<sc_vector_subcore>, window_params = [{transform_indices = #map}, {transform_indices = #map1}]} {
    %mul3A = arith.constant 16 : i32
    %mul3A_0 = arith.muli %arg0, %mul3A : i32
    %add3A = arith.addi %mul3A_0, %arg1 : i32
    %mul3A_1 = arith.constant 10000 : i32
    %mul3A_2 = arith.muli %add3A, %mul3A_1 : i32
    %run_scoped3A = arith.constant 1 : i32
    "tpu.region"() ({
      %run_scoped3A_68 = tpu.sem_alloc : memref<!tpu.dma_semaphore, #tpu.memory_space<semaphore_mem>>
      %dma_start3A = tpu.memref_slice %arg2[%run_scoped3A, %mul3A_2] : memref<2x320000xi32, #tpu.memory_space<hbm>> -> memref<1x10000xi32, #tpu.memory_space<hbm>>
      %dma_start3A_69 = tpu.memref_squeeze %dma_start3A : memref<1x10000xi32, #tpu.memory_space<hbm>> -> memref<10000xi32, #tpu.memory_space<hbm>>
      %dma_start3A_70 = tpu.memref_slice %arg2[%run_scoped3A, %mul3A_2] : memref<2x320000xi32, #tpu.memory_space<hbm>> -> memref<1x10000xi32, #tpu.memory_space<hbm>>
      %dma_start3A_71 = tpu.memref_squeeze %dma_start3A_70 : memref<1x10000xi32, #tpu.memory_space<hbm>> -> memref<10000xi32, #tpu.memory_space<hbm>>
      tpu.enqueue_dma source(%dma_start3A_71 : memref<10000xi32, #tpu.memory_space<hbm>>) target(%arg4 : memref<10000xi32, #tpu.memory_space<vmem>>) target_semaphore(%run_scoped3A_68 : memref<!tpu.dma_semaphore, #tpu.memory_space<semaphore_mem>>)
      %dma_wait3A = tpu.memref_slice %arg2[%run_scoped3A, %mul3A_2] : memref<2x320000xi32, #tpu.memory_space<hbm>> -> memref<1x10000xi32, #tpu.memory_space<hbm>>
      %dma_wait3A_72 = tpu.memref_squeeze %dma_wait3A : memref<1x10000xi32, #tpu.memory_space<hbm>> -> memref<10000xi32, #tpu.memory_space<hbm>>
      %dma_wait3A_73 = tpu.memref_slice %arg2[%run_scoped3A, %mul3A_2] : memref<2x320000xi32, #tpu.memory_space<hbm>> -> memref<1x10000xi32, #tpu.memory_space<hbm>>
      %dma_wait3A_74 = tpu.memref_squeeze %dma_wait3A_73 : memref<1x10000xi32, #tpu.memory_space<hbm>> -> memref<10000xi32, #tpu.memory_space<hbm>>
      tpu.wait_dma2 semaphore(%run_scoped3A_68 : memref<!tpu.dma_semaphore, #tpu.memory_space<semaphore_mem>>) src(%dma_wait3A_74 : memref<10000xi32, #tpu.memory_space<hbm>>) dst(%arg4 : memref<10000xi32, #tpu.memory_space<vmem>>)
      tpu.yield
    }) : () -> ()
    %broadcast_in_dim3A = arith.constant 1.000000e+00 : f32
    %broadcast_in_dim3A_3 = vector.broadcast %broadcast_in_dim3A : f32 to vector<16xf32>
    %swap3A = arith.constant 0 : index
    %swap3A_4 = tpu.vector_load %arg5[%swap3A] {strides = array<i32>} : memref<128xf32, #tpu.memory_space<vmem>>, vector<16xf32>,
    %swap3A_5 = vector.shape_cast %swap3A_4 : vector<16xf32> to vector<16xf32>
    %swap3A_6 = vector.shape_cast %broadcast_in_dim3A_3 : vector<16xf32> to vector<16xf32>
    tpu.vector_store %arg5[%swap3A], %swap3A_6 {strides = array<i32>} : memref<128xf32, #tpu.memory_space<vmem>>, vector<16xf32>,
    %broadcast_in_dim3A_7 = arith.constant 1.000000e+00 : f32
    %broadcast_in_dim3A_8 = vector.broadcast %broadcast_in_dim3A_7 : f32 to vector<16xf32>
    %swap3A_9 = arith.constant 16 : index
    %swap3A_10 = tpu.vector_load %arg5[%swap3A_9] {strides = array<i32>} : memref<128xf32, #tpu.memory_space<vmem>>, vector<16xf32>,
    %swap3A_11 = vector.shape_cast %swap3A_10 : vector<16xf32> to vector<16xf32>
    %swap3A_12 = vector.shape_cast %broadcast_in_dim3A_8 : vector<16xf32> to vector<16xf32>
    tpu.vector_store %arg5[%swap3A_9], %swap3A_12 {strides = array<i32>} : memref<128xf32, #tpu.memory_space<vmem>>, vector<16xf32>,
    %broadcast_in_dim3A_13 = arith.constant 1.000000e+00 : f32
    %broadcast_in_dim3A_14 = vector.broadcast %broadcast_in_dim3A_13 : f32 to vector<16xf32>
    %swap3A_15 = arith.constant 32 : index
    %swap3A_16 = tpu.vector_load %arg5[%swap3A_15] {strides = array<i32>} : memref<128xf32, #tpu.memory_space<vmem>>, vector<16xf32>,
    %swap3A_17 = vector.shape_cast %swap3A_16 : vector<16xf32> to vector<16xf32>
    %swap3A_18 = vector.shape_cast %broadcast_in_dim3A_14 : vector<16xf32> to vector<16xf32>
    tpu.vector_store %arg5[%swap3A_15], %swap3A_18 {strides = array<i32>} : memref<128xf32, #tpu.memory_space<vmem>>, vector<16xf32>,
    %broadcast_in_dim3A_19 = arith.constant 1.000000e+00 : f32
    %broadcast_in_dim3A_20 = vector.broadcast %broadcast_in_dim3A_19 : f32 to vector<16xf32>
    %swap3A_21 = arith.constant 48 : index
    %swap3A_22 = tpu.vector_load %arg5[%swap3A_21] {strides = array<i32>} : memref<128xf32, #tpu.memory_space<vmem>>, vector<16xf32>,
    %swap3A_23 = vector.shape_cast %swap3A_22 : vector<16xf32> to vector<16xf32>
    %swap3A_24 = vector.shape_cast %broadcast_in_dim3A_20 : vector<16xf32> to vector<16xf32>
    tpu.vector_store %arg5[%swap3A_21], %swap3A_24 {strides = array<i32>} : memref<128xf32, #tpu.memory_space<vmem>>, vector<16xf32>,
    %broadcast_in_dim3A_25 = arith.constant 1.000000e+00 : f32
    %broadcast_in_dim3A_26 = vector.broadcast %broadcast_in_dim3A_25 : f32 to vector<16xf32>
    %swap3A_27 = arith.constant 64 : index
    %swap3A_28 = tpu.vector_load %arg5[%swap3A_27] {strides = array<i32>} : memref<128xf32, #tpu.memory_space<vmem>>, vector<16xf32>,
    %swap3A_29 = vector.shape_cast %swap3A_28 : vector<16xf32> to vector<16xf32>
    %swap3A_30 = vector.shape_cast %broadcast_in_dim3A_26 : vector<16xf32> to vector<16xf32>
    tpu.vector_store %arg5[%swap3A_27], %swap3A_30 {strides = array<i32>} : memref<128xf32, #tpu.memory_space<vmem>>, vector<16xf32>,
    %broadcast_in_dim3A_31 = arith.constant 1.000000e+00 : f32
    %broadcast_in_dim3A_32 = vector.broadcast %broadcast_in_dim3A_31 : f32 to vector<16xf32>
    %swap3A_33 = arith.constant 80 : index
    %swap3A_34 = tpu.vector_load %arg5[%swap3A_33] {strides = array<i32>} : memref<128xf32, #tpu.memory_space<vmem>>, vector<16xf32>,
    %swap3A_35 = vector.shape_cast %swap3A_34 : vector<16xf32> to vector<16xf32>
    %swap3A_36 = vector.shape_cast %broadcast_in_dim3A_32 : vector<16xf32> to vector<16xf32>
    tpu.vector_store %arg5[%swap3A_33], %swap3A_36 {strides = array<i32>} : memref<128xf32, #tpu.memory_space<vmem>>, vector<16xf32>,
    %broadcast_in_dim3A_37 = arith.constant 1.000000e+00 : f32
    %broadcast_in_dim3A_38 = vector.broadcast %broadcast_in_dim3A_37 : f32 to vector<16xf32>
    %swap3A_39 = arith.constant 96 : index
    %swap3A_40 = tpu.vector_load %arg5[%swap3A_39] {strides = array<i32>} : memref<128xf32, #tpu.memory_space<vmem>>, vector<16xf32>,
    %swap3A_41 = vector.shape_cast %swap3A_40 : vector<16xf32> to vector<16xf32>
    %swap3A_42 = vector.shape_cast %broadcast_in_dim3A_38 : vector<16xf32> to vector<16xf32>
    tpu.vector_store %arg5[%swap3A_39], %swap3A_42 {strides = array<i32>} : memref<128xf32, #tpu.memory_space<vmem>>, vector<16xf32>,
    %broadcast_in_dim3A_43 = arith.constant 1.000000e+00 : f32
    %broadcast_in_dim3A_44 = vector.broadcast %broadcast_in_dim3A_43 : f32 to vector<16xf32>
    %swap3A_45 = arith.constant 112 : index
    %swap3A_46 = tpu.vector_load %arg5[%swap3A_45] {strides = array<i32>} : memref<128xf32, #tpu.memory_space<vmem>>, vector<16xf32>,
    %swap3A_47 = vector.shape_cast %swap3A_46 : vector<16xf32> to vector<16xf32>
    %swap3A_48 = vector.shape_cast %broadcast_in_dim3A_44 : vector<16xf32> to vector<16xf32>
    tpu.vector_store %arg5[%swap3A_45], %swap3A_48 {strides = array<i32>} : memref<128xf32, #tpu.memory_space<vmem>>, vector<16xf32>,
    %scan3A = arith.constant 0 : i32
    %scan3A_49 = arith.constant 40 : i32
    %scan3A_50 = arith.addi %scan3A, %scan3A_49 : i32
    %scan3A_51 = arith.constant 1 : i32
    scf.for %scan3A_68 = %scan3A to %scan3A_50 step %scan3A_51  : i32 {
      %mul3A_69 = arith.constant 1 : i32
      %mul3A_70 = arith.muli %scan3A_68, %mul3A_69 : i32
      %add3A_71 = arith.constant 0 : i32
      %add3A_72 = arith.addi %add3A_71, %mul3A_70 : i32
      %broadcast_in_dim3A_73 = arith.constant 0.000000e+00 : f32
      %broadcast_in_dim3A_74 = vector.broadcast %broadcast_in_dim3A_73 : f32 to vector<16xf32>
      %mul3A_75 = arith.constant 16 : i32
      %mul3A_76 = arith.muli %add3A_72, %mul3A_75 : i32
      %swap3A_77 = arith.index_cast %mul3A_76 : i32 to index
      %swap3A_78 = tpu.vector_load %arg6[%swap3A_77] {strides = array<i32>} : memref<640xf32, #tpu.memory_space<vmem>>, vector<16xf32>,
      %swap3A_79 = vector.shape_cast %swap3A_78 : vector<16xf32> to vector<16xf32>
      %swap3A_80 = vector.shape_cast %broadcast_in_dim3A_74 : vector<16xf32> to vector<16xf32>
      tpu.vector_store %arg6[%swap3A_77], %swap3A_80 {strides = array<i32>} : memref<640xf32, #tpu.memory_space<vmem>>, vector<16xf32>,
    }
    %scan3A_52 = arith.constant 40 : i32
    %mul3A_53 = arith.constant 640 : i32
    %mul3A_54 = arith.muli %arg1, %mul3A_53 : i32
    "tpu.region"() ({
      %run_scoped3A_68 = tpu.sem_alloc : memref<!tpu.dma_semaphore, #tpu.memory_space<semaphore_mem>>
      %dma_start3A = tpu.memref_slice %arg7[%mul3A_54] : memref<10240xf32, #tpu.memory_space<vmem_shared>> -> memref<640xf32, #tpu.memory_space<vmem_shared>>
      %dma_start3A_69 = tpu.memref_slice %arg7[%mul3A_54] : memref<10240xf32, #tpu.memory_space<vmem_shared>> -> memref<640xf32, #tpu.memory_space<vmem_shared>>
      tpu.enqueue_dma source(%arg6 : memref<640xf32, #tpu.memory_space<vmem>>) target(%dma_start3A_69 : memref<640xf32, #tpu.memory_space<vmem_shared>>) target_semaphore(%run_scoped3A_68 : memref<!tpu.dma_semaphore, #tpu.memory_space<semaphore_mem>>)
      %dma_wait3A = tpu.memref_slice %arg7[%mul3A_54] : memref<10240xf32, #tpu.memory_space<vmem_shared>> -> memref<640xf32, #tpu.memory_space<vmem_shared>>
      %dma_wait3A_70 = tpu.memref_slice %arg7[%mul3A_54] : memref<10240xf32, #tpu.memory_space<vmem_shared>> -> memref<640xf32, #tpu.memory_space<vmem_shared>>
      tpu.wait_dma2 semaphore(%run_scoped3A_68 : memref<!tpu.dma_semaphore, #tpu.memory_space<semaphore_mem>>) src(%arg6 : memref<640xf32, #tpu.memory_space<vmem>>) dst(%dma_wait3A_70 : memref<640xf32, #tpu.memory_space<vmem_shared>>)
      tpu.yield
    }) : () -> ()
    %barrier3A = arith.constant 0 : index
    tpu.barrier barrier_id(%barrier3A)
    %scan3A_55 = arith.constant 0 : i32
    %scan3A_56 = arith.constant 3 : i32
    %scan3A_57 = arith.addi %scan3A_55, %scan3A_56 : i32
    %scan3A_58 = arith.constant 1 : i32
    scf.for %scan3A_68 = %scan3A_55 to %scan3A_57 step %scan3A_58  : i32 {
      %mul3A_69 = arith.constant 1 : i32
      %mul3A_70 = arith.muli %scan3A_68, %mul3A_69 : i32
      %add3A_71 = arith.constant 0 : i32
      %add3A_72 = arith.addi %add3A_71, %mul3A_70 : i32
      %scan3A_73 = arith.constant 0 : i32
      %scan3A_74 = arith.constant 26 : i32
      %scan3A_75 = arith.addi %scan3A_73, %scan3A_74 : i32
      %scan3A_76 = arith.constant 1 : i32
      scf.for %scan3A_83 = %scan3A_73 to %scan3A_75 step %scan3A_76  : i32 {
        %mul3A_84 = arith.constant 1 : i32
        %mul3A_85 = arith.muli %scan3A_83, %mul3A_84 : i32
        %add3A_86 = arith.constant 0 : i32
        %add3A_87 = arith.addi %add3A_86, %mul3A_85 : i32
        %mul3A_88 = arith.constant 26 : i32
        %mul3A_89 = arith.muli %add3A_72, %mul3A_88 : i32
        %add3A_90 = arith.addi %mul3A_89, %add3A_87 : i32
        %mul3A_91 = arith.constant 128 : i32
        %mul3A_92 = arith.muli %add3A_90, %mul3A_91 : i32
        %dma_start3A = tpu.memref_slice %arg4[%mul3A_92] : memref<10000xi32, #tpu.memory_space<vmem>> -> memref<128xi32, #tpu.memory_space<vmem>>
        %dma_start3A_93 = arith.constant 0 : i32
        %dma_start3A_94 = tpu.memref_slice %arg7[%dma_start3A_93] : memref<10240xf32, #tpu.memory_space<vmem_shared>> -> memref<10240xf32, #tpu.memory_space<vmem_shared>>
        tpu.enqueue_indirect_dma source(%arg5 : memref<128xf32, #tpu.memory_space<vmem>>) target(%dma_start3A_94 : memref<10240xf32, #tpu.memory_space<vmem_shared>>) offsets(%dma_start3A : memref<128xi32, #tpu.memory_space<vmem>>) semaphore(%arg8 : memref<!tpu.dma_semaphore, #tpu.memory_space<semaphore_mem>>) {add = true}
      }
      %scan3A_77 = arith.constant 26 : i32
      %scan3A_78 = arith.constant 0 : i32
      %scan3A_79 = arith.constant 26 : i32
      %scan3A_80 = arith.addi %scan3A_78, %scan3A_79 : i32
      %scan3A_81 = arith.constant 1 : i32
      scf.for %scan3A_83 = %scan3A_78 to %scan3A_80 step %scan3A_81  : i32 {
        %mul3A_84 = arith.constant 1 : i32
        %mul3A_85 = arith.muli %scan3A_83, %mul3A_84 : i32
        %add3A_86 = arith.constant 0 : i32
        %add3A_87 = arith.addi %add3A_86, %mul3A_85 : i32
        %mul3A_88 = arith.constant 26 : i32
        %mul3A_89 = arith.muli %add3A_72, %mul3A_88 : i32
        %add3A_90 = arith.addi %mul3A_89, %add3A_87 : i32
        %mul3A_91 = arith.constant 128 : i32
        %mul3A_92 = arith.muli %add3A_90, %mul3A_91 : i32
        %dma_wait3A = tpu.memref_slice %arg4[%mul3A_92] : memref<10000xi32, #tpu.memory_space<vmem>> -> memref<128xi32, #tpu.memory_space<vmem>>
        %dma_wait3A_93 = arith.constant 0 : i32
        %dma_wait3A_94 = tpu.memref_slice %arg7[%dma_wait3A_93] : memref<10240xf32, #tpu.memory_space<vmem_shared>> -> memref<10240xf32, #tpu.memory_space<vmem_shared>>
        tpu.wait_indirect_dma semaphore(%arg8 : memref<!tpu.dma_semaphore, #tpu.memory_space<semaphore_mem>>) src(%arg5 : memref<128xf32, #tpu.memory_space<vmem>>) dst(%dma_wait3A_94 : memref<10240xf32, #tpu.memory_space<vmem_shared>>)
      }
      %scan3A_82 = arith.constant 26 : i32
    }
    %scan3A_59 = arith.constant 3 : i32
    "tpu.region"() ({
      %run_scoped3A_68 = tpu.sem_alloc : memref<!tpu.dma_semaphore, #tpu.memory_space<semaphore_mem>>
      %dma_start3A = arith.constant 0 : i32
      %dma_start3A_69 = tpu.memref_slice %arg5[%dma_start3A] : memref<128xf32, #tpu.memory_space<vmem>> -> memref<16xf32, #tpu.memory_space<vmem>>
      %dma_start3A_70 = arith.constant 9984 : i32
      %dma_start3A_71 = tpu.memref_slice %arg4[%dma_start3A_70] : memref<10000xi32, #tpu.memory_space<vmem>> -> memref<16xi32, #tpu.memory_space<vmem>>
      %dma_start3A_72 = arith.constant 0 : i32
      %dma_start3A_73 = tpu.memref_slice %arg7[%dma_start3A_72] : memref<10240xf32, #tpu.memory_space<vmem_shared>> -> memref<10240xf32, #tpu.memory_space<vmem_shared>>
      tpu.enqueue_indirect_dma source(%dma_start3A_69 : memref<16xf32, #tpu.memory_space<vmem>>) target(%dma_start3A_73 : memref<10240xf32, #tpu.memory_space<vmem_shared>>) offsets(%dma_start3A_71 : memref<16xi32, #tpu.memory_space<vmem>>) semaphore(%run_scoped3A_68 : memref<!tpu.dma_semaphore, #tpu.memory_space<semaphore_mem>>) {add = true}
      %dma_wait3A = arith.constant 0 : i32
      %dma_wait3A_74 = tpu.memref_slice %arg5[%dma_wait3A] : memref<128xf32, #tpu.memory_space<vmem>> -> memref<16xf32, #tpu.memory_space<vmem>>
      %dma_wait3A_75 = arith.constant 9984 : i32
      %dma_wait3A_76 = tpu.memref_slice %arg4[%dma_wait3A_75] : memref<10000xi32, #tpu.memory_space<vmem>> -> memref<16xi32, #tpu.memory_space<vmem>>
      %dma_wait3A_77 = arith.constant 0 : i32
      %dma_wait3A_78 = tpu.memref_slice %arg7[%dma_wait3A_77] : memref<10240xf32, #tpu.memory_space<vmem_shared>> -> memref<10240xf32, #tpu.memory_space<vmem_shared>>
      tpu.wait_indirect_dma semaphore(%run_scoped3A_68 : memref<!tpu.dma_semaphore, #tpu.memory_space<semaphore_mem>>) src(%dma_wait3A_74 : memref<16xf32, #tpu.memory_space<vmem>>) dst(%dma_wait3A_78 : memref<10240xf32, #tpu.memory_space<vmem_shared>>)
      tpu.yield
    }) : () -> ()
    %barrier3A_60 = arith.constant 0 : index
    tpu.barrier barrier_id(%barrier3A_60)
    %mul3A_61 = arith.constant 640 : i32
    %mul3A_62 = arith.muli %arg1, %mul3A_61 : i32
    %mul3A_63 = arith.constant 10240 : i32
    %mul3A_64 = arith.muli %arg0, %mul3A_63 : i32
    %mul3A_65 = arith.constant 640 : i32
    %mul3A_66 = arith.muli %arg1, %mul3A_65 : i32
    %add3A_67 = arith.addi %mul3A_64, %mul3A_66 : i32
    "tpu.region"() ({
      %run_scoped3A_68 = tpu.sem_alloc : memref<!tpu.dma_semaphore, #tpu.memory_space<semaphore_mem>>
      %dma_start3A = tpu.memref_slice %arg3[%add3A_67] : memref<20480xf32, #tpu.memory_space<hbm>> -> memref<640xf32, #tpu.memory_space<hbm>>
      %dma_start3A_69 = tpu.memref_slice %arg7[%mul3A_62] : memref<10240xf32, #tpu.memory_space<vmem_shared>> -> memref<640xf32, #tpu.memory_space<vmem_shared>>
      tpu.enqueue_dma source(%dma_start3A_69 : memref<640xf32, #tpu.memory_space<vmem_shared>>) target(%dma_start3A : memref<640xf32, #tpu.memory_space<hbm>>) target_semaphore(%run_scoped3A_68 : memref<!tpu.dma_semaphore, #tpu.memory_space<semaphore_mem>>)
      %dma_wait3A = tpu.memref_slice %arg3[%add3A_67] : memref<20480xf32, #tpu.memory_space<hbm>> -> memref<640xf32, #tpu.memory_space<hbm>>
      %dma_wait3A_70 = tpu.memref_slice %arg7[%mul3A_62] : memref<10240xf32, #tpu.memory_space<vmem_shared>> -> memref<640xf32, #tpu.memory_space<vmem_shared>>
      tpu.wait_dma2 semaphore(%run_scoped3A_68 : memref<!tpu.dma_semaphore, #tpu.memory_space<semaphore_mem>>) src(%dma_wait3A_70 : memref<640xf32, #tpu.memory_space<vmem_shared>>) dst(%dma_wait3A : memref<640xf32, #tpu.memory_space<hbm>>)
      tpu.yield
    }) : () -> ()
    return
  }
}

#map = affine_map<(d0, d1) -> (0, 0)>
module attributes {stable_mosaic.version = 14 : i64} {
  func.func @_spmm_body(%arg0: i32, %arg1: i32, %arg2: memref<10000x16xf32, #tpu.memory_space<hbm>>, %arg3: memref<2x320000xi32, #tpu.memory_space<hbm>>, %arg4: memref<20480x128xf32, #tpu.memory_space<hbm>>, %arg5: memref<10000xi32, #tpu.memory_space<vmem>>, %arg6: memref<10000xi32, #tpu.memory_space<vmem>>, %arg7: memref<4x1000x16xf32, #tpu.memory_space<vmem>>, %arg8: memref<4x!tpu.dma_semaphore, #tpu.memory_space<semaphore_mem>>, %arg9: memref<4x!tpu.dma_semaphore, #tpu.memory_space<semaphore_mem>>, %arg10: memref<!tpu.dma_semaphore, #tpu.memory_space<semaphore_mem>>, %arg11: memref<10240x16xf32, #tpu.memory_space<vmem_shared>>) attributes {dimension_semantics = [#tpu.dimension_semantics<core_parallel>, #tpu.dimension_semantics<subcore_parallel>], iteration_bounds = array<i64: 2, 16>, scalar_prefetch = 0 : i64, scratch_operands = 7 : i64, tpu.core_type = #tpu.core_type<sc_vector_subcore>, window_params = [{transform_indices = #map}, {transform_indices = #map}, {transform_indices = #map}]} {
    %mul3A = arith.constant 16 : i32
    %mul3A_0 = arith.muli %arg0, %mul3A : i32
    %add3A = arith.addi %mul3A_0, %arg1 : i32
    %mul3A_1 = arith.constant 10000 : i32
    %mul3A_2 = arith.muli %add3A, %mul3A_1 : i32
    %dma_start3A = arith.constant 0 : i32
    %dma_start3A_3 = arith.constant 0 : i32
    %dma_start3A_4 = tpu.memref_slice %arg3[%dma_start3A, %mul3A_2] : memref<2x320000xi32, #tpu.memory_space<hbm>> -> memref<1x10000xi32, #tpu.memory_space<hbm>>
    %dma_start3A_5 = tpu.memref_squeeze %dma_start3A_4 : memref<1x10000xi32, #tpu.memory_space<hbm>> -> memref<10000xi32, #tpu.memory_space<hbm>>
    %dma_start3A_6 = tpu.memref_slice %arg8[%dma_start3A_3] : memref<4x!tpu.dma_semaphore, #tpu.memory_space<semaphore_mem>> -> memref<1x!tpu.dma_semaphore, #tpu.memory_space<semaphore_mem>>
    %dma_start3A_7 = tpu.memref_squeeze %dma_start3A_6 : memref<1x!tpu.dma_semaphore, #tpu.memory_space<semaphore_mem>> -> memref<!tpu.dma_semaphore, #tpu.memory_space<semaphore_mem>>
    %dma_start3A_8 = tpu.memref_slice %arg3[%dma_start3A, %mul3A_2] : memref<2x320000xi32, #tpu.memory_space<hbm>> -> memref<1x10000xi32, #tpu.memory_space<hbm>>
    %dma_start3A_9 = tpu.memref_squeeze %dma_start3A_8 : memref<1x10000xi32, #tpu.memory_space<hbm>> -> memref<10000xi32, #tpu.memory_space<hbm>>
    tpu.enqueue_dma source(%dma_start3A_9 : memref<10000xi32, #tpu.memory_space<hbm>>) target(%arg5 : memref<10000xi32, #tpu.memory_space<vmem>>) target_semaphore(%dma_start3A_7 : memref<!tpu.dma_semaphore, #tpu.memory_space<semaphore_mem>>)
    %dma_start3A_10 = arith.constant 1 : i32
    %dma_start3A_11 = arith.constant 1 : i32
    %dma_start3A_12 = tpu.memref_slice %arg3[%dma_start3A_10, %mul3A_2] : memref<2x320000xi32, #tpu.memory_space<hbm>> -> memref<1x10000xi32, #tpu.memory_space<hbm>>
    %dma_start3A_13 = tpu.memref_squeeze %dma_start3A_12 : memref<1x10000xi32, #tpu.memory_space<hbm>> -> memref<10000xi32, #tpu.memory_space<hbm>>
    %dma_start3A_14 = tpu.memref_slice %arg8[%dma_start3A_11] : memref<4x!tpu.dma_semaphore, #tpu.memory_space<semaphore_mem>> -> memref<1x!tpu.dma_semaphore, #tpu.memory_space<semaphore_mem>>
    %dma_start3A_15 = tpu.memref_squeeze %dma_start3A_14 : memref<1x!tpu.dma_semaphore, #tpu.memory_space<semaphore_mem>> -> memref<!tpu.dma_semaphore, #tpu.memory_space<semaphore_mem>>
    %dma_start3A_16 = tpu.memref_slice %arg3[%dma_start3A_10, %mul3A_2] : memref<2x320000xi32, #tpu.memory_space<hbm>> -> memref<1x10000xi32, #tpu.memory_space<hbm>>
    %dma_start3A_17 = tpu.memref_squeeze %dma_start3A_16 : memref<1x10000xi32, #tpu.memory_space<hbm>> -> memref<10000xi32, #tpu.memory_space<hbm>>
    tpu.enqueue_dma source(%dma_start3A_17 : memref<10000xi32, #tpu.memory_space<hbm>>) target(%arg6 : memref<10000xi32, #tpu.memory_space<vmem>>) target_semaphore(%dma_start3A_15 : memref<!tpu.dma_semaphore, #tpu.memory_space<semaphore_mem>>)
    %broadcast_in_dim3A = arith.constant 0.000000e+00 : f32
    %broadcast_in_dim3A_18 = vector.broadcast %broadcast_in_dim3A : f32 to vector<16xf32>
    %scan3A = arith.constant 0 : i32
    %scan3A_19 = arith.constant 0 : i32
    %scan3A_20 = arith.constant 640 : i32
    %scan3A_21 = arith.addi %scan3A_19, %scan3A_20 : i32
    %scan3A_22 = arith.constant 1 : i32
    scf.for %scan3A_174 = %scan3A_19 to %scan3A_21 step %scan3A_22  : i32 {
      %mul3A_175 = arith.constant 1 : i32
      %mul3A_176 = arith.muli %scan3A_174, %mul3A_175 : i32
      %add3A_177 = arith.constant 0 : i32
      %add3A_178 = arith.addi %add3A_177, %mul3A_176 : i32
      %swap3A = arith.constant 0 : i32
      %swap3A_179 = arith.constant 0 : i32
      %swap3A_180 = tpu.memref_slice %arg7[%scan3A, %swap3A, %swap3A_179] : memref<4x1000x16xf32, #tpu.memory_space<vmem>> -> memref<1x1000x16xf32, #tpu.memory_space<vmem>>
      %swap3A_181 = tpu.memref_squeeze %swap3A_180 : memref<1x1000x16xf32, #tpu.memory_space<vmem>> -> memref<1000x16xf32, #tpu.memory_space<vmem>>
      %swap3A_182 = arith.index_cast %add3A_178 : i32 to index
      %swap3A_183 = arith.constant 0 : index
      %swap3A_184 = tpu.vector_load %swap3A_181[%swap3A_182, %swap3A_183] {strides = array<i32>} : memref<1000x16xf32, #tpu.memory_space<vmem>>, vector<1x16xf32>,
      %swap3A_185 = vector.shape_cast %swap3A_184 : vector<1x16xf32> to vector<16xf32>
      %swap3A_186 = vector.shape_cast %broadcast_in_dim3A_18 : vector<16xf32> to vector<1x16xf32>
      tpu.vector_store %swap3A_181[%swap3A_182, %swap3A_183], %swap3A_186 {strides = array<i32>} : memref<1000x16xf32, #tpu.memory_space<vmem>>, vector<1x16xf32>,
    }
    %scan3A_23 = arith.constant 640 : i32
    %mul3A_24 = arith.constant 640 : i32
    %mul3A_25 = arith.muli %arg1, %mul3A_24 : i32
    %add3A_26 = arith.constant 0 : i32
    %add3A_27 = arith.addi %mul3A_25, %add3A_26 : i32
    %dma_start3A_28 = arith.constant 0 : i32
    %dma_start3A_29 = arith.constant 0 : i32
    %dma_start3A_30 = arith.constant 0 : i32
    %dma_start3A_31 = tpu.memref_slice %arg7[%dma_start3A_28, %dma_start3A_29, %dma_start3A_30] : memref<4x1000x16xf32, #tpu.memory_space<vmem>> -> memref<1x1000x16xf32, #tpu.memory_space<vmem>>
    %dma_start3A_32 = tpu.memref_squeeze %dma_start3A_31 : memref<1x1000x16xf32, #tpu.memory_space<vmem>> -> memref<1000x16xf32, #tpu.memory_space<vmem>>
    %dma_start3A_33 = arith.constant 0 : i32
    %dma_start3A_34 = arith.constant 0 : i32
    %dma_start3A_35 = tpu.memref_slice %dma_start3A_32[%dma_start3A_33, %dma_start3A_34] : memref<1000x16xf32, #tpu.memory_space<vmem>> -> memref<640x16xf32, #tpu.memory_space<vmem>>
    %dma_start3A_36 = arith.constant 0 : i32
    %dma_start3A_37 = tpu.memref_slice %arg11[%add3A_27, %dma_start3A_36] : memref<10240x16xf32, #tpu.memory_space<vmem_shared>> -> memref<640x16xf32, #tpu.memory_space<vmem_shared>>
    %dma_start3A_38 = arith.constant 0 : i32
    %dma_start3A_39 = tpu.memref_slice %arg11[%add3A_27, %dma_start3A_38] : memref<10240x16xf32, #tpu.memory_space<vmem_shared>> -> memref<640x16xf32, #tpu.memory_space<vmem_shared>>
    %dma_start3A_40 = arith.constant 0 : i32
    %dma_start3A_41 = arith.constant 0 : i32
    %dma_start3A_42 = tpu.memref_slice %arg7[%dma_start3A_28, %dma_start3A_40, %dma_start3A_41] : memref<4x1000x16xf32, #tpu.memory_space<vmem>> -> memref<1x1000x16xf32, #tpu.memory_space<vmem>>
    %dma_start3A_43 = tpu.memref_squeeze %dma_start3A_42 : memref<1x1000x16xf32, #tpu.memory_space<vmem>> -> memref<1000x16xf32, #tpu.memory_space<vmem>>
    %dma_start3A_44 = arith.constant 0 : i32
    %dma_start3A_45 = arith.constant 0 : i32
    %dma_start3A_46 = tpu.memref_slice %dma_start3A_43[%dma_start3A_44, %dma_start3A_45] : memref<1000x16xf32, #tpu.memory_space<vmem>> -> memref<640x16xf32, #tpu.memory_space<vmem>>
    tpu.enqueue_dma source(%dma_start3A_46 : memref<640x16xf32, #tpu.memory_space<vmem>>) target(%dma_start3A_39 : memref<640x16xf32, #tpu.memory_space<vmem_shared>>) target_semaphore(%arg10 : memref<!tpu.dma_semaphore, #tpu.memory_space<semaphore_mem>>)
    %mul3A_47 = arith.constant 640 : i32
    %mul3A_48 = arith.muli %arg1, %mul3A_47 : i32
    %add3A_49 = arith.constant 0 : i32
    %add3A_50 = arith.addi %mul3A_48, %add3A_49 : i32
    %dma_wait3A = arith.constant 0 : i32
    %dma_wait3A_51 = arith.constant 0 : i32
    %dma_wait3A_52 = arith.constant 0 : i32
    %dma_wait3A_53 = tpu.memref_slice %arg7[%dma_wait3A, %dma_wait3A_51, %dma_wait3A_52] : memref<4x1000x16xf32, #tpu.memory_space<vmem>> -> memref<1x1000x16xf32, #tpu.memory_space<vmem>>
    %dma_wait3A_54 = tpu.memref_squeeze %dma_wait3A_53 : memref<1x1000x16xf32, #tpu.memory_space<vmem>> -> memref<1000x16xf32, #tpu.memory_space<vmem>>
    %dma_wait3A_55 = arith.constant 0 : i32
    %dma_wait3A_56 = arith.constant 0 : i32
    %dma_wait3A_57 = tpu.memref_slice %dma_wait3A_54[%dma_wait3A_55, %dma_wait3A_56] : memref<1000x16xf32, #tpu.memory_space<vmem>> -> memref<640x16xf32, #tpu.memory_space<vmem>>
    %dma_wait3A_58 = arith.constant 0 : i32
    %dma_wait3A_59 = tpu.memref_slice %arg11[%add3A_50, %dma_wait3A_58] : memref<10240x16xf32, #tpu.memory_space<vmem_shared>> -> memref<640x16xf32, #tpu.memory_space<vmem_shared>>
    %dma_wait3A_60 = arith.constant 0 : i32
    %dma_wait3A_61 = tpu.memref_slice %arg11[%add3A_50, %dma_wait3A_60] : memref<10240x16xf32, #tpu.memory_space<vmem_shared>> -> memref<640x16xf32, #tpu.memory_space<vmem_shared>>
    %dma_wait3A_62 = arith.constant 0 : i32
    %dma_wait3A_63 = arith.constant 0 : i32
    %dma_wait3A_64 = tpu.memref_slice %arg7[%dma_wait3A, %dma_wait3A_62, %dma_wait3A_63] : memref<4x1000x16xf32, #tpu.memory_space<vmem>> -> memref<1x1000x16xf32, #tpu.memory_space<vmem>>
    %dma_wait3A_65 = tpu.memref_squeeze %dma_wait3A_64 : memref<1x1000x16xf32, #tpu.memory_space<vmem>> -> memref<1000x16xf32, #tpu.memory_space<vmem>>
    %dma_wait3A_66 = arith.constant 0 : i32
    %dma_wait3A_67 = arith.constant 0 : i32
    %dma_wait3A_68 = tpu.memref_slice %dma_wait3A_65[%dma_wait3A_66, %dma_wait3A_67] : memref<1000x16xf32, #tpu.memory_space<vmem>> -> memref<640x16xf32, #tpu.memory_space<vmem>>
    tpu.wait_dma2 semaphore(%arg10 : memref<!tpu.dma_semaphore, #tpu.memory_space<semaphore_mem>>) src(%dma_wait3A_68 : memref<640x16xf32, #tpu.memory_space<vmem>>) dst(%dma_wait3A_61 : memref<640x16xf32, #tpu.memory_space<vmem_shared>>)
    %dma_wait3A_69 = arith.constant 0 : i32
    %dma_wait3A_70 = arith.constant 0 : i32
    %dma_wait3A_71 = tpu.memref_slice %arg3[%dma_wait3A_69, %mul3A_2] : memref<2x320000xi32, #tpu.memory_space<hbm>> -> memref<1x10000xi32, #tpu.memory_space<hbm>>
    %dma_wait3A_72 = tpu.memref_squeeze %dma_wait3A_71 : memref<1x10000xi32, #tpu.memory_space<hbm>> -> memref<10000xi32, #tpu.memory_space<hbm>>
    %dma_wait3A_73 = tpu.memref_slice %arg8[%dma_wait3A_70] : memref<4x!tpu.dma_semaphore, #tpu.memory_space<semaphore_mem>> -> memref<1x!tpu.dma_semaphore, #tpu.memory_space<semaphore_mem>>
    %dma_wait3A_74 = tpu.memref_squeeze %dma_wait3A_73 : memref<1x!tpu.dma_semaphore, #tpu.memory_space<semaphore_mem>> -> memref<!tpu.dma_semaphore, #tpu.memory_space<semaphore_mem>>
    %dma_wait3A_75 = tpu.memref_slice %arg3[%dma_wait3A_69, %mul3A_2] : memref<2x320000xi32, #tpu.memory_space<hbm>> -> memref<1x10000xi32, #tpu.memory_space<hbm>>
    %dma_wait3A_76 = tpu.memref_squeeze %dma_wait3A_75 : memref<1x10000xi32, #tpu.memory_space<hbm>> -> memref<10000xi32, #tpu.memory_space<hbm>>
    tpu.wait_dma2 semaphore(%dma_wait3A_74 : memref<!tpu.dma_semaphore, #tpu.memory_space<semaphore_mem>>) src(%dma_wait3A_76 : memref<10000xi32, #tpu.memory_space<hbm>>) dst(%arg5 : memref<10000xi32, #tpu.memory_space<vmem>>)
    %dma_wait3A_77 = arith.constant 1 : i32
    %dma_wait3A_78 = arith.constant 1 : i32
    %dma_wait3A_79 = tpu.memref_slice %arg3[%dma_wait3A_77, %mul3A_2] : memref<2x320000xi32, #tpu.memory_space<hbm>> -> memref<1x10000xi32, #tpu.memory_space<hbm>>
    %dma_wait3A_80 = tpu.memref_squeeze %dma_wait3A_79 : memref<1x10000xi32, #tpu.memory_space<hbm>> -> memref<10000xi32, #tpu.memory_space<hbm>>
    %dma_wait3A_81 = tpu.memref_slice %arg8[%dma_wait3A_78] : memref<4x!tpu.dma_semaphore, #tpu.memory_space<semaphore_mem>> -> memref<1x!tpu.dma_semaphore, #tpu.memory_space<semaphore_mem>>
    %dma_wait3A_82 = tpu.memref_squeeze %dma_wait3A_81 : memref<1x!tpu.dma_semaphore, #tpu.memory_space<semaphore_mem>> -> memref<!tpu.dma_semaphore, #tpu.memory_space<semaphore_mem>>
    %dma_wait3A_83 = tpu.memref_slice %arg3[%dma_wait3A_77, %mul3A_2] : memref<2x320000xi32, #tpu.memory_space<hbm>> -> memref<1x10000xi32, #tpu.memory_space<hbm>>
    %dma_wait3A_84 = tpu.memref_squeeze %dma_wait3A_83 : memref<1x10000xi32, #tpu.memory_space<hbm>> -> memref<10000xi32, #tpu.memory_space<hbm>>
    tpu.wait_dma2 semaphore(%dma_wait3A_82 : memref<!tpu.dma_semaphore, #tpu.memory_space<semaphore_mem>>) src(%dma_wait3A_84 : memref<10000xi32, #tpu.memory_space<hbm>>) dst(%arg6 : memref<10000xi32, #tpu.memory_space<vmem>>)
    %barrier3A = arith.constant 0 : index
    tpu.barrier barrier_id(%barrier3A)
    %dma_start3A_85 = arith.constant 0 : i32
    %dma_start3A_86 = arith.constant 0 : i32
    %dma_start3A_87 = arith.constant 0 : i32
    %dma_start3A_88 = arith.constant 0 : i32
    %dma_start3A_89 = tpu.memref_slice %arg7[%dma_start3A_85, %dma_start3A_87, %dma_start3A_88] : memref<4x1000x16xf32, #tpu.memory_space<vmem>> -> memref<1x1000x16xf32, #tpu.memory_space<vmem>>
    %dma_start3A_90 = tpu.memref_squeeze %dma_start3A_89 : memref<1x1000x16xf32, #tpu.memory_space<vmem>> -> memref<1000x16xf32, #tpu.memory_space<vmem>>
    %dma_start3A_91 = arith.constant 0 : i32
    %dma_start3A_92 = tpu.memref_slice %arg5[%dma_start3A_91] : memref<10000xi32, #tpu.memory_space<vmem>> -> memref<1000xi32, #tpu.memory_space<vmem>>
    %dma_start3A_93 = arith.constant 0 : i32
    %dma_start3A_94 = arith.constant 0 : i32
    %dma_start3A_95 = tpu.memref_slice %arg2[%dma_start3A_93, %dma_start3A_94] : memref<10000x16xf32, #tpu.memory_space<hbm>> -> memref<10000x16xf32, #tpu.memory_space<hbm>>
    %dma_start3A_96 = tpu.memref_slice %arg8[%dma_start3A_86] : memref<4x!tpu.dma_semaphore, #tpu.memory_space<semaphore_mem>> -> memref<1x!tpu.dma_semaphore, #tpu.memory_space<semaphore_mem>>
    %dma_start3A_97 = tpu.memref_squeeze %dma_start3A_96 : memref<1x!tpu.dma_semaphore, #tpu.memory_space<semaphore_mem>> -> memref<!tpu.dma_semaphore, #tpu.memory_space<semaphore_mem>>
    tpu.enqueue_indirect_dma source(%dma_start3A_95 : memref<10000x16xf32, #tpu.memory_space<hbm>>) target(%dma_start3A_90 : memref<1000x16xf32, #tpu.memory_space<vmem>>) offsets(%dma_start3A_92 : memref<1000xi32, #tpu.memory_space<vmem>>) semaphore(%dma_start3A_97 : memref<!tpu.dma_semaphore, #tpu.memory_space<semaphore_mem>>)
    %dma_start3A_98 = arith.constant 1 : i32
    %dma_start3A_99 = arith.constant 1 : i32
    %dma_start3A_100 = arith.constant 0 : i32
    %dma_start3A_101 = arith.constant 0 : i32
    %dma_start3A_102 = tpu.memref_slice %arg7[%dma_start3A_98, %dma_start3A_100, %dma_start3A_101] : memref<4x1000x16xf32, #tpu.memory_space<vmem>> -> memref<1x1000x16xf32, #tpu.memory_space<vmem>>
    %dma_start3A_103 = tpu.memref_squeeze %dma_start3A_102 : memref<1x1000x16xf32, #tpu.memory_space<vmem>> -> memref<1000x16xf32, #tpu.memory_space<vmem>>
    %dma_start3A_104 = arith.constant 1000 : i32
    %dma_start3A_105 = tpu.memref_slice %arg5[%dma_start3A_104] : memref<10000xi32, #tpu.memory_space<vmem>> -> memref<1000xi32, #tpu.memory_space<vmem>>
    %dma_start3A_106 = arith.constant 0 : i32
    %dma_start3A_107 = arith.constant 0 : i32
    %dma_start3A_108 = tpu.memref_slice %arg2[%dma_start3A_106, %dma_start3A_107] : memref<10000x16xf32, #tpu.memory_space<hbm>> -> memref<10000x16xf32, #tpu.memory_space<hbm>>
    %dma_start3A_109 = tpu.memref_slice %arg8[%dma_start3A_99] : memref<4x!tpu.dma_semaphore, #tpu.memory_space<semaphore_mem>> -> memref<1x!tpu.dma_semaphore, #tpu.memory_space<semaphore_mem>>
    %dma_start3A_110 = tpu.memref_squeeze %dma_start3A_109 : memref<1x!tpu.dma_semaphore, #tpu.memory_space<semaphore_mem>> -> memref<!tpu.dma_semaphore, #tpu.memory_space<semaphore_mem>>
    tpu.enqueue_indirect_dma source(%dma_start3A_108 : memref<10000x16xf32, #tpu.memory_space<hbm>>) target(%dma_start3A_103 : memref<1000x16xf32, #tpu.memory_space<vmem>>) offsets(%dma_start3A_105 : memref<1000xi32, #tpu.memory_space<vmem>>) semaphore(%dma_start3A_110 : memref<!tpu.dma_semaphore, #tpu.memory_space<semaphore_mem>>)
    %scan3A_111 = arith.constant 0 : i32
    %scan3A_112 = arith.constant 3 : i32
    %scan3A_113 = arith.addi %scan3A_111, %scan3A_112 : i32
    %scan3A_114 = arith.constant 1 : i32
    scf.for %scan3A_174 = %scan3A_111 to %scan3A_113 step %scan3A_114  : i32 {
      %mul3A_175 = arith.constant 4 : i32
      %mul3A_176 = arith.muli %scan3A_174, %mul3A_175 : i32
      %add3A_177 = arith.constant 0 : i32
      %add3A_178 = arith.addi %add3A_177, %mul3A_176 : i32
      %add3A_179 = arith.constant 0 : i32
      %add3A_180 = arith.addi %add3A_178, %add3A_179 : i32
      %ge3A = arith.constant 2 : i32
      %ge3A_181 = arith.cmpi sge, %add3A_180, %ge3A : i32
      %add3A_182 = arith.constant 2 : i32
      %add3A_183 = arith.addi %add3A_180, %add3A_182 : i32
      %lt3A = arith.constant 10 : i32
      %lt3A_184 = arith.cmpi slt, %add3A_183, %lt3A : i32
      %and3A = arith.andi %ge3A_181, %lt3A_184 : i1
      %convert_element_type3A = arith.extui %and3A : i1 to i32
      %cond3A = arith.constant 0 : i32
      %cond3A_185 = arith.cmpi ne, %convert_element_type3A, %cond3A : i32
      scf.if %cond3A_185 {
        %sub3A = arith.constant 2 : i32
        %sub3A_270 = arith.subi %add3A_180, %sub3A : i32
        %mul3A_271 = arith.constant 1000 : i32
        %mul3A_272 = arith.muli %sub3A_270, %mul3A_271 : i32
        %dma_wait3A_273 = arith.constant 2 : i32
        %dma_wait3A_274 = arith.constant 2 : i32
        %dma_wait3A_275 = arith.constant 0 : i32
        %dma_wait3A_276 = arith.constant 0 : i32
        %dma_wait3A_277 = tpu.memref_slice %arg7[%dma_wait3A_273, %dma_wait3A_275, %dma_wait3A_276] : memref<4x1000x16xf32, #tpu.memory_space<vmem>> -> memref<1x1000x16xf32, #tpu.memory_space<vmem>>
        %dma_wait3A_278 = tpu.memref_squeeze %dma_wait3A_277 : memref<1x1000x16xf32, #tpu.memory_space<vmem>> -> memref<1000x16xf32, #tpu.memory_space<vmem>>
        %dma_wait3A_279 = tpu.memref_slice %arg6[%mul3A_272] : memref<10000xi32, #tpu.memory_space<vmem>> -> memref<1000xi32, #tpu.memory_space<vmem>>
        %dma_wait3A_280 = arith.constant 0 : i32
        %dma_wait3A_281 = arith.constant 0 : i32
        %dma_wait3A_282 = tpu.memref_slice %arg11[%dma_wait3A_280, %dma_wait3A_281] : memref<10240x16xf32, #tpu.memory_space<vmem_shared>> -> memref<10240x16xf32, #tpu.memory_space<vmem_shared>>
        %dma_wait3A_283 = tpu.memref_slice %arg9[%dma_wait3A_274] : memref<4x!tpu.dma_semaphore, #tpu.memory_space<semaphore_mem>> -> memref<1x!tpu.dma_semaphore, #tpu.memory_space<semaphore_mem>>
        %dma_wait3A_284 = tpu.memref_squeeze %dma_wait3A_283 : memref<1x!tpu.dma_semaphore, #tpu.memory_space<semaphore_mem>> -> memref<!tpu.dma_semaphore, #tpu.memory_space<semaphore_mem>>
        tpu.wait_indirect_dma semaphore(%dma_wait3A_284 : memref<!tpu.dma_semaphore, #tpu.memory_space<semaphore_mem>>) src(%dma_wait3A_278 : memref<1000x16xf32, #tpu.memory_space<vmem>>) dst(%dma_wait3A_282 : memref<10240x16xf32, #tpu.memory_space<vmem_shared>>)
      } else {
      }
      %add3A_186 = arith.constant 2 : i32
      %add3A_187 = arith.addi %add3A_180, %add3A_186 : i32
      %lt3A_188 = arith.constant 10 : i32
      %lt3A_189 = arith.cmpi slt, %add3A_187, %lt3A_188 : i32
      %convert_element_type3A_190 = arith.extui %lt3A_189 : i1 to i32
      %cond3A_191 = arith.constant 0 : i32
      %cond3A_192 = arith.cmpi ne, %convert_element_type3A_190, %cond3A_191 : i32
      scf.if %cond3A_192 {
        %add3A_270 = arith.constant 2 : i32
        %add3A_271 = arith.addi %add3A_180, %add3A_270 : i32
        %mul3A_272 = arith.constant 1000 : i32
        %mul3A_273 = arith.muli %add3A_271, %mul3A_272 : i32
        %dma_start3A_274 = arith.constant 2 : i32
        %dma_start3A_275 = arith.constant 2 : i32
        %dma_start3A_276 = arith.constant 0 : i32
        %dma_start3A_277 = arith.constant 0 : i32
        %dma_start3A_278 = tpu.memref_slice %arg7[%dma_start3A_274, %dma_start3A_276, %dma_start3A_277] : memref<4x1000x16xf32, #tpu.memory_space<vmem>> -> memref<1x1000x16xf32, #tpu.memory_space<vmem>>
        %dma_start3A_279 = tpu.memref_squeeze %dma_start3A_278 : memref<1x1000x16xf32, #tpu.memory_space<vmem>> -> memref<1000x16xf32, #tpu.memory_space<vmem>>
        %dma_start3A_280 = tpu.memref_slice %arg5[%mul3A_273] : memref<10000xi32, #tpu.memory_space<vmem>> -> memref<1000xi32, #tpu.memory_space<vmem>>
        %dma_start3A_281 = arith.constant 0 : i32
        %dma_start3A_282 = arith.constant 0 : i32
        %dma_start3A_283 = tpu.memref_slice %arg2[%dma_start3A_281, %dma_start3A_282] : memref<10000x16xf32, #tpu.memory_space<hbm>> -> memref<10000x16xf32, #tpu.memory_space<hbm>>
        %dma_start3A_284 = tpu.memref_slice %arg8[%dma_start3A_275] : memref<4x!tpu.dma_semaphore, #tpu.memory_space<semaphore_mem>> -> memref<1x!tpu.dma_semaphore, #tpu.memory_space<semaphore_mem>>
        %dma_start3A_285 = tpu.memref_squeeze %dma_start3A_284 : memref<1x!tpu.dma_semaphore, #tpu.memory_space<semaphore_mem>> -> memref<!tpu.dma_semaphore, #tpu.memory_space<semaphore_mem>>
        tpu.enqueue_indirect_dma source(%dma_start3A_283 : memref<10000x16xf32, #tpu.memory_space<hbm>>) target(%dma_start3A_279 : memref<1000x16xf32, #tpu.memory_space<vmem>>) offsets(%dma_start3A_280 : memref<1000xi32, #tpu.memory_space<vmem>>) semaphore(%dma_start3A_285 : memref<!tpu.dma_semaphore, #tpu.memory_space<semaphore_mem>>)
      } else {
      }
      %lt3A_193 = arith.constant 10 : i32
      %lt3A_194 = arith.cmpi slt, %add3A_180, %lt3A_193 : i32
      %convert_element_type3A_195 = arith.extui %lt3A_194 : i1 to i32
      %cond3A_196 = arith.constant 0 : i32
      %cond3A_197 = arith.cmpi ne, %convert_element_type3A_195, %cond3A_196 : i32
      scf.if %cond3A_197 {
        %mul3A_270 = arith.constant 1000 : i32
        %mul3A_271 = arith.muli %add3A_180, %mul3A_270 : i32
        %dma_wait3A_272 = arith.constant 0 : i32
        %dma_wait3A_273 = arith.constant 0 : i32
        %dma_wait3A_274 = arith.constant 0 : i32
        %dma_wait3A_275 = arith.constant 0 : i32
        %dma_wait3A_276 = tpu.memref_slice %arg7[%dma_wait3A_272, %dma_wait3A_274, %dma_wait3A_275] : memref<4x1000x16xf32, #tpu.memory_space<vmem>> -> memref<1x1000x16xf32, #tpu.memory_space<vmem>>
        %dma_wait3A_277 = tpu.memref_squeeze %dma_wait3A_276 : memref<1x1000x16xf32, #tpu.memory_space<vmem>> -> memref<1000x16xf32, #tpu.memory_space<vmem>>
        %dma_wait3A_278 = tpu.memref_slice %arg5[%mul3A_271] : memref<10000xi32, #tpu.memory_space<vmem>> -> memref<1000xi32, #tpu.memory_space<vmem>>
        %dma_wait3A_279 = arith.constant 0 : i32
        %dma_wait3A_280 = arith.constant 0 : i32
        %dma_wait3A_281 = tpu.memref_slice %arg2[%dma_wait3A_279, %dma_wait3A_280] : memref<10000x16xf32, #tpu.memory_space<hbm>> -> memref<10000x16xf32, #tpu.memory_space<hbm>>
        %dma_wait3A_282 = tpu.memref_slice %arg8[%dma_wait3A_273] : memref<4x!tpu.dma_semaphore, #tpu.memory_space<semaphore_mem>> -> memref<1x!tpu.dma_semaphore, #tpu.memory_space<semaphore_mem>>
        %dma_wait3A_283 = tpu.memref_squeeze %dma_wait3A_282 : memref<1x!tpu.dma_semaphore, #tpu.memory_space<semaphore_mem>> -> memref<!tpu.dma_semaphore, #tpu.memory_space<semaphore_mem>>
        tpu.wait_indirect_dma semaphore(%dma_wait3A_283 : memref<!tpu.dma_semaphore, #tpu.memory_space<semaphore_mem>>) src(%dma_wait3A_281 : memref<10000x16xf32, #tpu.memory_space<hbm>>) dst(%dma_wait3A_277 : memref<1000x16xf32, #tpu.memory_space<vmem>>)
        %mul3A_284 = arith.constant 1000 : i32
        %mul3A_285 = arith.muli %add3A_180, %mul3A_284 : i32
        %dma_start3A_286 = arith.constant 0 : i32
        %dma_start3A_287 = arith.constant 0 : i32
        %dma_start3A_288 = arith.constant 0 : i32
        %dma_start3A_289 = arith.constant 0 : i32
        %dma_start3A_290 = tpu.memref_slice %arg7[%dma_start3A_286, %dma_start3A_288, %dma_start3A_289] : memref<4x1000x16xf32, #tpu.memory_space<vmem>> -> memref<1x1000x16xf32, #tpu.memory_space<vmem>>
        %dma_start3A_291 = tpu.memref_squeeze %dma_start3A_290 : memref<1x1000x16xf32, #tpu.memory_space<vmem>> -> memref<1000x16xf32, #tpu.memory_space<vmem>>
        %dma_start3A_292 = tpu.memref_slice %arg6[%mul3A_285] : memref<10000xi32, #tpu.memory_space<vmem>> -> memref<1000xi32, #tpu.memory_space<vmem>>
        %dma_start3A_293 = arith.constant 0 : i32
        %dma_start3A_294 = arith.constant 0 : i32
        %dma_start3A_295 = tpu.memref_slice %arg11[%dma_start3A_293, %dma_start3A_294] : memref<10240x16xf32, #tpu.memory_space<vmem_shared>> -> memref<10240x16xf32, #tpu.memory_space<vmem_shared>>
        %dma_start3A_296 = tpu.memref_slice %arg9[%dma_start3A_287] : memref<4x!tpu.dma_semaphore, #tpu.memory_space<semaphore_mem>> -> memref<1x!tpu.dma_semaphore, #tpu.memory_space<semaphore_mem>>
        %dma_start3A_297 = tpu.memref_squeeze %dma_start3A_296 : memref<1x!tpu.dma_semaphore, #tpu.memory_space<semaphore_mem>> -> memref<!tpu.dma_semaphore, #tpu.memory_space<semaphore_mem>>
        tpu.enqueue_indirect_dma source(%dma_start3A_291 : memref<1000x16xf32, #tpu.memory_space<vmem>>) target(%dma_start3A_295 : memref<10240x16xf32, #tpu.memory_space<vmem_shared>>) offsets(%dma_start3A_292 : memref<1000xi32, #tpu.memory_space<vmem>>) semaphore(%dma_start3A_297 : memref<!tpu.dma_semaphore, #tpu.memory_space<semaphore_mem>>) {add = true}
      } else {
      }
      %add3A_198 = arith.constant 1 : i32
      %add3A_199 = arith.addi %add3A_178, %add3A_198 : i32
      %ge3A_200 = arith.constant 2 : i32
      %ge3A_201 = arith.cmpi sge, %add3A_199, %ge3A_200 : i32
      %add3A_202 = arith.constant 2 : i32
      %add3A_203 = arith.addi %add3A_199, %add3A_202 : i32
      %lt3A_204 = arith.constant 10 : i32
      %lt3A_205 = arith.cmpi slt, %add3A_203, %lt3A_204 : i32
      %and3A_206 = arith.andi %ge3A_201, %lt3A_205 : i1
      %convert_element_type3A_207 = arith.extui %and3A_206 : i1 to i32
      %cond3A_208 = arith.constant 0 : i32
      %cond3A_209 = arith.cmpi ne, %convert_element_type3A_207, %cond3A_208 : i32
      scf.if %cond3A_209 {
        %sub3A = arith.constant 2 : i32
        %sub3A_270 = arith.subi %add3A_199, %sub3A : i32
        %mul3A_271 = arith.constant 1000 : i32
        %mul3A_272 = arith.muli %sub3A_270, %mul3A_271 : i32
        %dma_wait3A_273 = arith.constant 3 : i32
        %dma_wait3A_274 = arith.constant 3 : i32
        %dma_wait3A_275 = arith.constant 0 : i32
        %dma_wait3A_276 = arith.constant 0 : i32
        %dma_wait3A_277 = tpu.memref_slice %arg7[%dma_wait3A_273, %dma_wait3A_275, %dma_wait3A_276] : memref<4x1000x16xf32, #tpu.memory_space<vmem>> -> memref<1x1000x16xf32, #tpu.memory_space<vmem>>
        %dma_wait3A_278 = tpu.memref_squeeze %dma_wait3A_277 : memref<1x1000x16xf32, #tpu.memory_space<vmem>> -> memref<1000x16xf32, #tpu.memory_space<vmem>>
        %dma_wait3A_279 = tpu.memref_slice %arg6[%mul3A_272] : memref<10000xi32, #tpu.memory_space<vmem>> -> memref<1000xi32, #tpu.memory_space<vmem>>
        %dma_wait3A_280 = arith.constant 0 : i32
        %dma_wait3A_281 = arith.constant 0 : i32
        %dma_wait3A_282 = tpu.memref_slice %arg11[%dma_wait3A_280, %dma_wait3A_281] : memref<10240x16xf32, #tpu.memory_space<vmem_shared>> -> memref<10240x16xf32, #tpu.memory_space<vmem_shared>>
        %dma_wait3A_283 = tpu.memref_slice %arg9[%dma_wait3A_274] : memref<4x!tpu.dma_semaphore, #tpu.memory_space<semaphore_mem>> -> memref<1x!tpu.dma_semaphore, #tpu.memory_space<semaphore_mem>>
        %dma_wait3A_284 = tpu.memref_squeeze %dma_wait3A_283 : memref<1x!tpu.dma_semaphore, #tpu.memory_space<semaphore_mem>> -> memref<!tpu.dma_semaphore, #tpu.memory_space<semaphore_mem>>
        tpu.wait_indirect_dma semaphore(%dma_wait3A_284 : memref<!tpu.dma_semaphore, #tpu.memory_space<semaphore_mem>>) src(%dma_wait3A_278 : memref<1000x16xf32, #tpu.memory_space<vmem>>) dst(%dma_wait3A_282 : memref<10240x16xf32, #tpu.memory_space<vmem_shared>>)
      } else {
      }
      %add3A_210 = arith.constant 2 : i32
      %add3A_211 = arith.addi %add3A_199, %add3A_210 : i32
      %lt3A_212 = arith.constant 10 : i32
      %lt3A_213 = arith.cmpi slt, %add3A_211, %lt3A_212 : i32
      %convert_element_type3A_214 = arith.extui %lt3A_213 : i1 to i32
      %cond3A_215 = arith.constant 0 : i32
      %cond3A_216 = arith.cmpi ne, %convert_element_type3A_214, %cond3A_215 : i32
      scf.if %cond3A_216 {
        %add3A_270 = arith.constant 2 : i32
        %add3A_271 = arith.addi %add3A_199, %add3A_270 : i32
        %mul3A_272 = arith.constant 1000 : i32
        %mul3A_273 = arith.muli %add3A_271, %mul3A_272 : i32
        %dma_start3A_274 = arith.constant 3 : i32
        %dma_start3A_275 = arith.constant 3 : i32
        %dma_start3A_276 = arith.constant 0 : i32
        %dma_start3A_277 = arith.constant 0 : i32
        %dma_start3A_278 = tpu.memref_slice %arg7[%dma_start3A_274, %dma_start3A_276, %dma_start3A_277] : memref<4x1000x16xf32, #tpu.memory_space<vmem>> -> memref<1x1000x16xf32, #tpu.memory_space<vmem>>
        %dma_start3A_279 = tpu.memref_squeeze %dma_start3A_278 : memref<1x1000x16xf32, #tpu.memory_space<vmem>> -> memref<1000x16xf32, #tpu.memory_space<vmem>>
        %dma_start3A_280 = tpu.memref_slice %arg5[%mul3A_273] : memref<10000xi32, #tpu.memory_space<vmem>> -> memref<1000xi32, #tpu.memory_space<vmem>>
        %dma_start3A_281 = arith.constant 0 : i32
        %dma_start3A_282 = arith.constant 0 : i32
        %dma_start3A_283 = tpu.memref_slice %arg2[%dma_start3A_281, %dma_start3A_282] : memref<10000x16xf32, #tpu.memory_space<hbm>> -> memref<10000x16xf32, #tpu.memory_space<hbm>>
        %dma_start3A_284 = tpu.memref_slice %arg8[%dma_start3A_275] : memref<4x!tpu.dma_semaphore, #tpu.memory_space<semaphore_mem>> -> memref<1x!tpu.dma_semaphore, #tpu.memory_space<semaphore_mem>>
        %dma_start3A_285 = tpu.memref_squeeze %dma_start3A_284 : memref<1x!tpu.dma_semaphore, #tpu.memory_space<semaphore_mem>> -> memref<!tpu.dma_semaphore, #tpu.memory_space<semaphore_mem>>
        tpu.enqueue_indirect_dma source(%dma_start3A_283 : memref<10000x16xf32, #tpu.memory_space<hbm>>) target(%dma_start3A_279 : memref<1000x16xf32, #tpu.memory_space<vmem>>) offsets(%dma_start3A_280 : memref<1000xi32, #tpu.memory_space<vmem>>) semaphore(%dma_start3A_285 : memref<!tpu.dma_semaphore, #tpu.memory_space<semaphore_mem>>)
      } else {
      }
      %lt3A_217 = arith.constant 10 : i32
      %lt3A_218 = arith.cmpi slt, %add3A_199, %lt3A_217 : i32
      %convert_element_type3A_219 = arith.extui %lt3A_218 : i1 to i32
      %cond3A_220 = arith.constant 0 : i32
      %cond3A_221 = arith.cmpi ne, %convert_element_type3A_219, %cond3A_220 : i32
      scf.if %cond3A_221 {
        %mul3A_270 = arith.constant 1000 : i32
        %mul3A_271 = arith.muli %add3A_199, %mul3A_270 : i32
        %dma_wait3A_272 = arith.constant 1 : i32
        %dma_wait3A_273 = arith.constant 1 : i32
        %dma_wait3A_274 = arith.constant 0 : i32
        %dma_wait3A_275 = arith.constant 0 : i32
        %dma_wait3A_276 = tpu.memref_slice %arg7[%dma_wait3A_272, %dma_wait3A_274, %dma_wait3A_275] : memref<4x1000x16xf32, #tpu.memory_space<vmem>> -> memref<1x1000x16xf32, #tpu.memory_space<vmem>>
        %dma_wait3A_277 = tpu.memref_squeeze %dma_wait3A_276 : memref<1x1000x16xf32, #tpu.memory_space<vmem>> -> memref<1000x16xf32, #tpu.memory_space<vmem>>
        %dma_wait3A_278 = tpu.memref_slice %arg5[%mul3A_271] : memref<10000xi32, #tpu.memory_space<vmem>> -> memref<1000xi32, #tpu.memory_space<vmem>>
        %dma_wait3A_279 = arith.constant 0 : i32
        %dma_wait3A_280 = arith.constant 0 : i32
        %dma_wait3A_281 = tpu.memref_slice %arg2[%dma_wait3A_279, %dma_wait3A_280] : memref<10000x16xf32, #tpu.memory_space<hbm>> -> memref<10000x16xf32, #tpu.memory_space<hbm>>
        %dma_wait3A_282 = tpu.memref_slice %arg8[%dma_wait3A_273] : memref<4x!tpu.dma_semaphore, #tpu.memory_space<semaphore_mem>> -> memref<1x!tpu.dma_semaphore, #tpu.memory_space<semaphore_mem>>
        %dma_wait3A_283 = tpu.memref_squeeze %dma_wait3A_282 : memref<1x!tpu.dma_semaphore, #tpu.memory_space<semaphore_mem>> -> memref<!tpu.dma_semaphore, #tpu.memory_space<semaphore_mem>>
        tpu.wait_indirect_dma semaphore(%dma_wait3A_283 : memref<!tpu.dma_semaphore, #tpu.memory_space<semaphore_mem>>) src(%dma_wait3A_281 : memref<10000x16xf32, #tpu.memory_space<hbm>>) dst(%dma_wait3A_277 : memref<1000x16xf32, #tpu.memory_space<vmem>>)
        %mul3A_284 = arith.constant 1000 : i32
        %mul3A_285 = arith.muli %add3A_199, %mul3A_284 : i32
        %dma_start3A_286 = arith.constant 1 : i32
        %dma_start3A_287 = arith.constant 1 : i32
        %dma_start3A_288 = arith.constant 0 : i32
        %dma_start3A_289 = arith.constant 0 : i32
        %dma_start3A_290 = tpu.memref_slice %arg7[%dma_start3A_286, %dma_start3A_288, %dma_start3A_289] : memref<4x1000x16xf32, #tpu.memory_space<vmem>> -> memref<1x1000x16xf32, #tpu.memory_space<vmem>>
        %dma_start3A_291 = tpu.memref_squeeze %dma_start3A_290 : memref<1x1000x16xf32, #tpu.memory_space<vmem>> -> memref<1000x16xf32, #tpu.memory_space<vmem>>
        %dma_start3A_292 = tpu.memref_slice %arg6[%mul3A_285] : memref<10000xi32, #tpu.memory_space<vmem>> -> memref<1000xi32, #tpu.memory_space<vmem>>
        %dma_start3A_293 = arith.constant 0 : i32
        %dma_start3A_294 = arith.constant 0 : i32
        %dma_start3A_295 = tpu.memref_slice %arg11[%dma_start3A_293, %dma_start3A_294] : memref<10240x16xf32, #tpu.memory_space<vmem_shared>> -> memref<10240x16xf32, #tpu.memory_space<vmem_shared>>
        %dma_start3A_296 = tpu.memref_slice %arg9[%dma_start3A_287] : memref<4x!tpu.dma_semaphore, #tpu.memory_space<semaphore_mem>> -> memref<1x!tpu.dma_semaphore, #tpu.memory_space<semaphore_mem>>
        %dma_start3A_297 = tpu.memref_squeeze %dma_start3A_296 : memref<1x!tpu.dma_semaphore, #tpu.memory_space<semaphore_mem>> -> memref<!tpu.dma_semaphore, #tpu.memory_space<semaphore_mem>>
        tpu.enqueue_indirect_dma source(%dma_start3A_291 : memref<1000x16xf32, #tpu.memory_space<vmem>>) target(%dma_start3A_295 : memref<10240x16xf32, #tpu.memory_space<vmem_shared>>) offsets(%dma_start3A_292 : memref<1000xi32, #tpu.memory_space<vmem>>) semaphore(%dma_start3A_297 : memref<!tpu.dma_semaphore, #tpu.memory_space<semaphore_mem>>) {add = true}
      } else {
      }
      %add3A_222 = arith.constant 2 : i32
      %add3A_223 = arith.addi %add3A_178, %add3A_222 : i32
      %ge3A_224 = arith.constant 2 : i32
      %ge3A_225 = arith.cmpi sge, %add3A_223, %ge3A_224 : i32
      %add3A_226 = arith.constant 2 : i32
      %add3A_227 = arith.addi %add3A_223, %add3A_226 : i32
      %lt3A_228 = arith.constant 10 : i32
      %lt3A_229 = arith.cmpi slt, %add3A_227, %lt3A_228 : i32
      %and3A_230 = arith.andi %ge3A_225, %lt3A_229 : i1
      %convert_element_type3A_231 = arith.extui %and3A_230 : i1 to i32
      %cond3A_232 = arith.constant 0 : i32
      %cond3A_233 = arith.cmpi ne, %convert_element_type3A_231, %cond3A_232 : i32
      scf.if %cond3A_233 {
        %sub3A = arith.constant 2 : i32
        %sub3A_270 = arith.subi %add3A_223, %sub3A : i32
        %mul3A_271 = arith.constant 1000 : i32
        %mul3A_272 = arith.muli %sub3A_270, %mul3A_271 : i32
        %dma_wait3A_273 = arith.constant 0 : i32
        %dma_wait3A_274 = arith.constant 0 : i32
        %dma_wait3A_275 = arith.constant 0 : i32
        %dma_wait3A_276 = arith.constant 0 : i32
        %dma_wait3A_277 = tpu.memref_slice %arg7[%dma_wait3A_273, %dma_wait3A_275, %dma_wait3A_276] : memref<4x1000x16xf32, #tpu.memory_space<vmem>> -> memref<1x1000x16xf32, #tpu.memory_space<vmem>>
        %dma_wait3A_278 = tpu.memref_squeeze %dma_wait3A_277 : memref<1x1000x16xf32, #tpu.memory_space<vmem>> -> memref<1000x16xf32, #tpu.memory_space<vmem>>
        %dma_wait3A_279 = tpu.memref_slice %arg6[%mul3A_272] : memref<10000xi32, #tpu.memory_space<vmem>> -> memref<1000xi32, #tpu.memory_space<vmem>>
        %dma_wait3A_280 = arith.constant 0 : i32
        %dma_wait3A_281 = arith.constant 0 : i32
        %dma_wait3A_282 = tpu.memref_slice %arg11[%dma_wait3A_280, %dma_wait3A_281] : memref<10240x16xf32, #tpu.memory_space<vmem_shared>> -> memref<10240x16xf32, #tpu.memory_space<vmem_shared>>
        %dma_wait3A_283 = tpu.memref_slice %arg9[%dma_wait3A_274] : memref<4x!tpu.dma_semaphore, #tpu.memory_space<semaphore_mem>> -> memref<1x!tpu.dma_semaphore, #tpu.memory_space<semaphore_mem>>
        %dma_wait3A_284 = tpu.memref_squeeze %dma_wait3A_283 : memref<1x!tpu.dma_semaphore, #tpu.memory_space<semaphore_mem>> -> memref<!tpu.dma_semaphore, #tpu.memory_space<semaphore_mem>>
        tpu.wait_indirect_dma semaphore(%dma_wait3A_284 : memref<!tpu.dma_semaphore, #tpu.memory_space<semaphore_mem>>) src(%dma_wait3A_278 : memref<1000x16xf32, #tpu.memory_space<vmem>>) dst(%dma_wait3A_282 : memref<10240x16xf32, #tpu.memory_space<vmem_shared>>)
      } else {
      }
      %add3A_234 = arith.constant 2 : i32
      %add3A_235 = arith.addi %add3A_223, %add3A_234 : i32
      %lt3A_236 = arith.constant 10 : i32
      %lt3A_237 = arith.cmpi slt, %add3A_235, %lt3A_236 : i32
      %convert_element_type3A_238 = arith.extui %lt3A_237 : i1 to i32
      %cond3A_239 = arith.constant 0 : i32
      %cond3A_240 = arith.cmpi ne, %convert_element_type3A_238, %cond3A_239 : i32
      scf.if %cond3A_240 {
        %add3A_270 = arith.constant 2 : i32
        %add3A_271 = arith.addi %add3A_223, %add3A_270 : i32
        %mul3A_272 = arith.constant 1000 : i32
        %mul3A_273 = arith.muli %add3A_271, %mul3A_272 : i32
        %dma_start3A_274 = arith.constant 0 : i32
        %dma_start3A_275 = arith.constant 0 : i32
        %dma_start3A_276 = arith.constant 0 : i32
        %dma_start3A_277 = arith.constant 0 : i32
        %dma_start3A_278 = tpu.memref_slice %arg7[%dma_start3A_274, %dma_start3A_276, %dma_start3A_277] : memref<4x1000x16xf32, #tpu.memory_space<vmem>> -> memref<1x1000x16xf32, #tpu.memory_space<vmem>>
        %dma_start3A_279 = tpu.memref_squeeze %dma_start3A_278 : memref<1x1000x16xf32, #tpu.memory_space<vmem>> -> memref<1000x16xf32, #tpu.memory_space<vmem>>
        %dma_start3A_280 = tpu.memref_slice %arg5[%mul3A_273] : memref<10000xi32, #tpu.memory_space<vmem>> -> memref<1000xi32, #tpu.memory_space<vmem>>
        %dma_start3A_281 = arith.constant 0 : i32
        %dma_start3A_282 = arith.constant 0 : i32
        %dma_start3A_283 = tpu.memref_slice %arg2[%dma_start3A_281, %dma_start3A_282] : memref<10000x16xf32, #tpu.memory_space<hbm>> -> memref<10000x16xf32, #tpu.memory_space<hbm>>
        %dma_start3A_284 = tpu.memref_slice %arg8[%dma_start3A_275] : memref<4x!tpu.dma_semaphore, #tpu.memory_space<semaphore_mem>> -> memref<1x!tpu.dma_semaphore, #tpu.memory_space<semaphore_mem>>
        %dma_start3A_285 = tpu.memref_squeeze %dma_start3A_284 : memref<1x!tpu.dma_semaphore, #tpu.memory_space<semaphore_mem>> -> memref<!tpu.dma_semaphore, #tpu.memory_space<semaphore_mem>>
        tpu.enqueue_indirect_dma source(%dma_start3A_283 : memref<10000x16xf32, #tpu.memory_space<hbm>>) target(%dma_start3A_279 : memref<1000x16xf32, #tpu.memory_space<vmem>>) offsets(%dma_start3A_280 : memref<1000xi32, #tpu.memory_space<vmem>>) semaphore(%dma_start3A_285 : memref<!tpu.dma_semaphore, #tpu.memory_space<semaphore_mem>>)
      } else {
      }
      %lt3A_241 = arith.constant 10 : i32
      %lt3A_242 = arith.cmpi slt, %add3A_223, %lt3A_241 : i32
      %convert_element_type3A_243 = arith.extui %lt3A_242 : i1 to i32
      %cond3A_244 = arith.constant 0 : i32
      %cond3A_245 = arith.cmpi ne, %convert_element_type3A_243, %cond3A_244 : i32
      scf.if %cond3A_245 {
        %mul3A_270 = arith.constant 1000 : i32
        %mul3A_271 = arith.muli %add3A_223, %mul3A_270 : i32
        %dma_wait3A_272 = arith.constant 2 : i32
        %dma_wait3A_273 = arith.constant 2 : i32
        %dma_wait3A_274 = arith.constant 0 : i32
        %dma_wait3A_275 = arith.constant 0 : i32
        %dma_wait3A_276 = tpu.memref_slice %arg7[%dma_wait3A_272, %dma_wait3A_274, %dma_wait3A_275] : memref<4x1000x16xf32, #tpu.memory_space<vmem>> -> memref<1x1000x16xf32, #tpu.memory_space<vmem>>
        %dma_wait3A_277 = tpu.memref_squeeze %dma_wait3A_276 : memref<1x1000x16xf32, #tpu.memory_space<vmem>> -> memref<1000x16xf32, #tpu.memory_space<vmem>>
        %dma_wait3A_278 = tpu.memref_slice %arg5[%mul3A_271] : memref<10000xi32, #tpu.memory_space<vmem>> -> memref<1000xi32, #tpu.memory_space<vmem>>
        %dma_wait3A_279 = arith.constant 0 : i32
        %dma_wait3A_280 = arith.constant 0 : i32
        %dma_wait3A_281 = tpu.memref_slice %arg2[%dma_wait3A_279, %dma_wait3A_280] : memref<10000x16xf32, #tpu.memory_space<hbm>> -> memref<10000x16xf32, #tpu.memory_space<hbm>>
        %dma_wait3A_282 = tpu.memref_slice %arg8[%dma_wait3A_273] : memref<4x!tpu.dma_semaphore, #tpu.memory_space<semaphore_mem>> -> memref<1x!tpu.dma_semaphore, #tpu.memory_space<semaphore_mem>>
        %dma_wait3A_283 = tpu.memref_squeeze %dma_wait3A_282 : memref<1x!tpu.dma_semaphore, #tpu.memory_space<semaphore_mem>> -> memref<!tpu.dma_semaphore, #tpu.memory_space<semaphore_mem>>
        tpu.wait_indirect_dma semaphore(%dma_wait3A_283 : memref<!tpu.dma_semaphore, #tpu.memory_space<semaphore_mem>>) src(%dma_wait3A_281 : memref<10000x16xf32, #tpu.memory_space<hbm>>) dst(%dma_wait3A_277 : memref<1000x16xf32, #tpu.memory_space<vmem>>)
        %mul3A_284 = arith.constant 1000 : i32
        %mul3A_285 = arith.muli %add3A_223, %mul3A_284 : i32
        %dma_start3A_286 = arith.constant 2 : i32
        %dma_start3A_287 = arith.constant 2 : i32
        %dma_start3A_288 = arith.constant 0 : i32
        %dma_start3A_289 = arith.constant 0 : i32
        %dma_start3A_290 = tpu.memref_slice %arg7[%dma_start3A_286, %dma_start3A_288, %dma_start3A_289] : memref<4x1000x16xf32, #tpu.memory_space<vmem>> -> memref<1x1000x16xf32, #tpu.memory_space<vmem>>
        %dma_start3A_291 = tpu.memref_squeeze %dma_start3A_290 : memref<1x1000x16xf32, #tpu.memory_space<vmem>> -> memref<1000x16xf32, #tpu.memory_space<vmem>>
        %dma_start3A_292 = tpu.memref_slice %arg6[%mul3A_285] : memref<10000xi32, #tpu.memory_space<vmem>> -> memref<1000xi32, #tpu.memory_space<vmem>>
        %dma_start3A_293 = arith.constant 0 : i32
        %dma_start3A_294 = arith.constant 0 : i32
        %dma_start3A_295 = tpu.memref_slice %arg11[%dma_start3A_293, %dma_start3A_294] : memref<10240x16xf32, #tpu.memory_space<vmem_shared>> -> memref<10240x16xf32, #tpu.memory_space<vmem_shared>>
        %dma_start3A_296 = tpu.memref_slice %arg9[%dma_start3A_287] : memref<4x!tpu.dma_semaphore, #tpu.memory_space<semaphore_mem>> -> memref<1x!tpu.dma_semaphore, #tpu.memory_space<semaphore_mem>>
        %dma_start3A_297 = tpu.memref_squeeze %dma_start3A_296 : memref<1x!tpu.dma_semaphore, #tpu.memory_space<semaphore_mem>> -> memref<!tpu.dma_semaphore, #tpu.memory_space<semaphore_mem>>
        tpu.enqueue_indirect_dma source(%dma_start3A_291 : memref<1000x16xf32, #tpu.memory_space<vmem>>) target(%dma_start3A_295 : memref<10240x16xf32, #tpu.memory_space<vmem_shared>>) offsets(%dma_start3A_292 : memref<1000xi32, #tpu.memory_space<vmem>>) semaphore(%dma_start3A_297 : memref<!tpu.dma_semaphore, #tpu.memory_space<semaphore_mem>>) {add = true}
      } else {
      }
      %add3A_246 = arith.constant 3 : i32
      %add3A_247 = arith.addi %add3A_178, %add3A_246 : i32
      %ge3A_248 = arith.constant 2 : i32
      %ge3A_249 = arith.cmpi sge, %add3A_247, %ge3A_248 : i32
      %add3A_250 = arith.constant 2 : i32
      %add3A_251 = arith.addi %add3A_247, %add3A_250 : i32
      %lt3A_252 = arith.constant 10 : i32
      %lt3A_253 = arith.cmpi slt, %add3A_251, %lt3A_252 : i32
      %and3A_254 = arith.andi %ge3A_249, %lt3A_253 : i1
      %convert_element_type3A_255 = arith.extui %and3A_254 : i1 to i32
      %cond3A_256 = arith.constant 0 : i32
      %cond3A_257 = arith.cmpi ne, %convert_element_type3A_255, %cond3A_256 : i32
      scf.if %cond3A_257 {
        %sub3A = arith.constant 2 : i32
        %sub3A_270 = arith.subi %add3A_247, %sub3A : i32
        %mul3A_271 = arith.constant 1000 : i32
        %mul3A_272 = arith.muli %sub3A_270, %mul3A_271 : i32
        %dma_wait3A_273 = arith.constant 1 : i32
        %dma_wait3A_274 = arith.constant 1 : i32
        %dma_wait3A_275 = arith.constant 0 : i32
        %dma_wait3A_276 = arith.constant 0 : i32
        %dma_wait3A_277 = tpu.memref_slice %arg7[%dma_wait3A_273, %dma_wait3A_275, %dma_wait3A_276] : memref<4x1000x16xf32, #tpu.memory_space<vmem>> -> memref<1x1000x16xf32, #tpu.memory_space<vmem>>
        %dma_wait3A_278 = tpu.memref_squeeze %dma_wait3A_277 : memref<1x1000x16xf32, #tpu.memory_space<vmem>> -> memref<1000x16xf32, #tpu.memory_space<vmem>>
        %dma_wait3A_279 = tpu.memref_slice %arg6[%mul3A_272] : memref<10000xi32, #tpu.memory_space<vmem>> -> memref<1000xi32, #tpu.memory_space<vmem>>
        %dma_wait3A_280 = arith.constant 0 : i32
        %dma_wait3A_281 = arith.constant 0 : i32
        %dma_wait3A_282 = tpu.memref_slice %arg11[%dma_wait3A_280, %dma_wait3A_281] : memref<10240x16xf32, #tpu.memory_space<vmem_shared>> -> memref<10240x16xf32, #tpu.memory_space<vmem_shared>>
        %dma_wait3A_283 = tpu.memref_slice %arg9[%dma_wait3A_274] : memref<4x!tpu.dma_semaphore, #tpu.memory_space<semaphore_mem>> -> memref<1x!tpu.dma_semaphore, #tpu.memory_space<semaphore_mem>>
        %dma_wait3A_284 = tpu.memref_squeeze %dma_wait3A_283 : memref<1x!tpu.dma_semaphore, #tpu.memory_space<semaphore_mem>> -> memref<!tpu.dma_semaphore, #tpu.memory_space<semaphore_mem>>
        tpu.wait_indirect_dma semaphore(%dma_wait3A_284 : memref<!tpu.dma_semaphore, #tpu.memory_space<semaphore_mem>>) src(%dma_wait3A_278 : memref<1000x16xf32, #tpu.memory_space<vmem>>) dst(%dma_wait3A_282 : memref<10240x16xf32, #tpu.memory_space<vmem_shared>>)
      } else {
      }
      %add3A_258 = arith.constant 2 : i32
      %add3A_259 = arith.addi %add3A_247, %add3A_258 : i32
      %lt3A_260 = arith.constant 10 : i32
      %lt3A_261 = arith.cmpi slt, %add3A_259, %lt3A_260 : i32
      %convert_element_type3A_262 = arith.extui %lt3A_261 : i1 to i32
      %cond3A_263 = arith.constant 0 : i32
      %cond3A_264 = arith.cmpi ne, %convert_element_type3A_262, %cond3A_263 : i32
      scf.if %cond3A_264 {
        %add3A_270 = arith.constant 2 : i32
        %add3A_271 = arith.addi %add3A_247, %add3A_270 : i32
        %mul3A_272 = arith.constant 1000 : i32
        %mul3A_273 = arith.muli %add3A_271, %mul3A_272 : i32
        %dma_start3A_274 = arith.constant 1 : i32
        %dma_start3A_275 = arith.constant 1 : i32
        %dma_start3A_276 = arith.constant 0 : i32
        %dma_start3A_277 = arith.constant 0 : i32
        %dma_start3A_278 = tpu.memref_slice %arg7[%dma_start3A_274, %dma_start3A_276, %dma_start3A_277] : memref<4x1000x16xf32, #tpu.memory_space<vmem>> -> memref<1x1000x16xf32, #tpu.memory_space<vmem>>
        %dma_start3A_279 = tpu.memref_squeeze %dma_start3A_278 : memref<1x1000x16xf32, #tpu.memory_space<vmem>> -> memref<1000x16xf32, #tpu.memory_space<vmem>>
        %dma_start3A_280 = tpu.memref_slice %arg5[%mul3A_273] : memref<10000xi32, #tpu.memory_space<vmem>> -> memref<1000xi32, #tpu.memory_space<vmem>>
        %dma_start3A_281 = arith.constant 0 : i32
        %dma_start3A_282 = arith.constant 0 : i32
        %dma_start3A_283 = tpu.memref_slice %arg2[%dma_start3A_281, %dma_start3A_282] : memref<10000x16xf32, #tpu.memory_space<hbm>> -> memref<10000x16xf32, #tpu.memory_space<hbm>>
        %dma_start3A_284 = tpu.memref_slice %arg8[%dma_start3A_275] : memref<4x!tpu.dma_semaphore, #tpu.memory_space<semaphore_mem>> -> memref<1x!tpu.dma_semaphore, #tpu.memory_space<semaphore_mem>>
        %dma_start3A_285 = tpu.memref_squeeze %dma_start3A_284 : memref<1x!tpu.dma_semaphore, #tpu.memory_space<semaphore_mem>> -> memref<!tpu.dma_semaphore, #tpu.memory_space<semaphore_mem>>
        tpu.enqueue_indirect_dma source(%dma_start3A_283 : memref<10000x16xf32, #tpu.memory_space<hbm>>) target(%dma_start3A_279 : memref<1000x16xf32, #tpu.memory_space<vmem>>) offsets(%dma_start3A_280 : memref<1000xi32, #tpu.memory_space<vmem>>) semaphore(%dma_start3A_285 : memref<!tpu.dma_semaphore, #tpu.memory_space<semaphore_mem>>)
      } else {
      }
      %lt3A_265 = arith.constant 10 : i32
      %lt3A_266 = arith.cmpi slt, %add3A_247, %lt3A_265 : i32
      %convert_element_type3A_267 = arith.extui %lt3A_266 : i1 to i32
      %cond3A_268 = arith.constant 0 : i32
      %cond3A_269 = arith.cmpi ne, %convert_element_type3A_267, %cond3A_268 : i32
      scf.if %cond3A_269 {
        %mul3A_270 = arith.constant 1000 : i32
        %mul3A_271 = arith.muli %add3A_247, %mul3A_270 : i32
        %dma_wait3A_272 = arith.constant 3 : i32
        %dma_wait3A_273 = arith.constant 3 : i32
        %dma_wait3A_274 = arith.constant 0 : i32
        %dma_wait3A_275 = arith.constant 0 : i32
        %dma_wait3A_276 = tpu.memref_slice %arg7[%dma_wait3A_272, %dma_wait3A_274, %dma_wait3A_275] : memref<4x1000x16xf32, #tpu.memory_space<vmem>> -> memref<1x1000x16xf32, #tpu.memory_space<vmem>>
        %dma_wait3A_277 = tpu.memref_squeeze %dma_wait3A_276 : memref<1x1000x16xf32, #tpu.memory_space<vmem>> -> memref<1000x16xf32, #tpu.memory_space<vmem>>
        %dma_wait3A_278 = tpu.memref_slice %arg5[%mul3A_271] : memref<10000xi32, #tpu.memory_space<vmem>> -> memref<1000xi32, #tpu.memory_space<vmem>>
        %dma_wait3A_279 = arith.constant 0 : i32
        %dma_wait3A_280 = arith.constant 0 : i32
        %dma_wait3A_281 = tpu.memref_slice %arg2[%dma_wait3A_279, %dma_wait3A_280] : memref<10000x16xf32, #tpu.memory_space<hbm>> -> memref<10000x16xf32, #tpu.memory_space<hbm>>
        %dma_wait3A_282 = tpu.memref_slice %arg8[%dma_wait3A_273] : memref<4x!tpu.dma_semaphore, #tpu.memory_space<semaphore_mem>> -> memref<1x!tpu.dma_semaphore, #tpu.memory_space<semaphore_mem>>
        %dma_wait3A_283 = tpu.memref_squeeze %dma_wait3A_282 : memref<1x!tpu.dma_semaphore, #tpu.memory_space<semaphore_mem>> -> memref<!tpu.dma_semaphore, #tpu.memory_space<semaphore_mem>>
        tpu.wait_indirect_dma semaphore(%dma_wait3A_283 : memref<!tpu.dma_semaphore, #tpu.memory_space<semaphore_mem>>) src(%dma_wait3A_281 : memref<10000x16xf32, #tpu.memory_space<hbm>>) dst(%dma_wait3A_277 : memref<1000x16xf32, #tpu.memory_space<vmem>>)
        %mul3A_284 = arith.constant 1000 : i32
        %mul3A_285 = arith.muli %add3A_247, %mul3A_284 : i32
        %dma_start3A_286 = arith.constant 3 : i32
        %dma_start3A_287 = arith.constant 3 : i32
        %dma_start3A_288 = arith.constant 0 : i32
        %dma_start3A_289 = arith.constant 0 : i32
        %dma_start3A_290 = tpu.memref_slice %arg7[%dma_start3A_286, %dma_start3A_288, %dma_start3A_289] : memref<4x1000x16xf32, #tpu.memory_space<vmem>> -> memref<1x1000x16xf32, #tpu.memory_space<vmem>>
        %dma_start3A_291 = tpu.memref_squeeze %dma_start3A_290 : memref<1x1000x16xf32, #tpu.memory_space<vmem>> -> memref<1000x16xf32, #tpu.memory_space<vmem>>
        %dma_start3A_292 = tpu.memref_slice %arg6[%mul3A_285] : memref<10000xi32, #tpu.memory_space<vmem>> -> memref<1000xi32, #tpu.memory_space<vmem>>
        %dma_start3A_293 = arith.constant 0 : i32
        %dma_start3A_294 = arith.constant 0 : i32
        %dma_start3A_295 = tpu.memref_slice %arg11[%dma_start3A_293, %dma_start3A_294] : memref<10240x16xf32, #tpu.memory_space<vmem_shared>> -> memref<10240x16xf32, #tpu.memory_space<vmem_shared>>
        %dma_start3A_296 = tpu.memref_slice %arg9[%dma_start3A_287] : memref<4x!tpu.dma_semaphore, #tpu.memory_space<semaphore_mem>> -> memref<1x!tpu.dma_semaphore, #tpu.memory_space<semaphore_mem>>
        %dma_start3A_297 = tpu.memref_squeeze %dma_start3A_296 : memref<1x!tpu.dma_semaphore, #tpu.memory_space<semaphore_mem>> -> memref<!tpu.dma_semaphore, #tpu.memory_space<semaphore_mem>>
        tpu.enqueue_indirect_dma source(%dma_start3A_291 : memref<1000x16xf32, #tpu.memory_space<vmem>>) target(%dma_start3A_295 : memref<10240x16xf32, #tpu.memory_space<vmem_shared>>) offsets(%dma_start3A_292 : memref<1000xi32, #tpu.memory_space<vmem>>) semaphore(%dma_start3A_297 : memref<!tpu.dma_semaphore, #tpu.memory_space<semaphore_mem>>) {add = true}
      } else {
      }
    }
    %scan3A_115 = arith.constant 3 : i32
    %dma_wait3A_116 = arith.constant 2 : i32
    %dma_wait3A_117 = arith.constant 2 : i32
    %dma_wait3A_118 = arith.constant 0 : i32
    %dma_wait3A_119 = arith.constant 0 : i32
    %dma_wait3A_120 = tpu.memref_slice %arg7[%dma_wait3A_116, %dma_wait3A_118, %dma_wait3A_119] : memref<4x1000x16xf32, #tpu.memory_space<vmem>> -> memref<1x1000x16xf32, #tpu.memory_space<vmem>>
    %dma_wait3A_121 = tpu.memref_squeeze %dma_wait3A_120 : memref<1x1000x16xf32, #tpu.memory_space<vmem>> -> memref<1000x16xf32, #tpu.memory_space<vmem>>
    %dma_wait3A_122 = arith.constant 6000 : i32
    %dma_wait3A_123 = tpu.memref_slice %arg6[%dma_wait3A_122] : memref<10000xi32, #tpu.memory_space<vmem>> -> memref<1000xi32, #tpu.memory_space<vmem>>
    %dma_wait3A_124 = arith.constant 0 : i32
    %dma_wait3A_125 = arith.constant 0 : i32
    %dma_wait3A_126 = tpu.memref_slice %arg11[%dma_wait3A_124, %dma_wait3A_125] : memref<10240x16xf32, #tpu.memory_space<vmem_shared>> -> memref<10240x16xf32, #tpu.memory_space<vmem_shared>>
    %dma_wait3A_127 = tpu.memref_slice %arg9[%dma_wait3A_117] : memref<4x!tpu.dma_semaphore, #tpu.memory_space<semaphore_mem>> -> memref<1x!tpu.dma_semaphore, #tpu.memory_space<semaphore_mem>>
    %dma_wait3A_128 = tpu.memref_squeeze %dma_wait3A_127 : memref<1x!tpu.dma_semaphore, #tpu.memory_space<semaphore_mem>> -> memref<!tpu.dma_semaphore, #tpu.memory_space<semaphore_mem>>
    tpu.wait_indirect_dma semaphore(%dma_wait3A_128 : memref<!tpu.dma_semaphore, #tpu.memory_space<semaphore_mem>>) src(%dma_wait3A_121 : memref<1000x16xf32, #tpu.memory_space<vmem>>) dst(%dma_wait3A_126 : memref<10240x16xf32, #tpu.memory_space<vmem_shared>>)
    %dma_wait3A_129 = arith.constant 3 : i32
    %dma_wait3A_130 = arith.constant 3 : i32
    %dma_wait3A_131 = arith.constant 0 : i32
    %dma_wait3A_132 = arith.constant 0 : i32
    %dma_wait3A_133 = tpu.memref_slice %arg7[%dma_wait3A_129, %dma_wait3A_131, %dma_wait3A_132] : memref<4x1000x16xf32, #tpu.memory_space<vmem>> -> memref<1x1000x16xf32, #tpu.memory_space<vmem>>
    %dma_wait3A_134 = tpu.memref_squeeze %dma_wait3A_133 : memref<1x1000x16xf32, #tpu.memory_space<vmem>> -> memref<1000x16xf32, #tpu.memory_space<vmem>>
    %dma_wait3A_135 = arith.constant 7000 : i32
    %dma_wait3A_136 = tpu.memref_slice %arg6[%dma_wait3A_135] : memref<10000xi32, #tpu.memory_space<vmem>> -> memref<1000xi32, #tpu.memory_space<vmem>>
    %dma_wait3A_137 = arith.constant 0 : i32
    %dma_wait3A_138 = arith.constant 0 : i32
    %dma_wait3A_139 = tpu.memref_slice %arg11[%dma_wait3A_137, %dma_wait3A_138] : memref<10240x16xf32, #tpu.memory_space<vmem_shared>> -> memref<10240x16xf32, #tpu.memory_space<vmem_shared>>
    %dma_wait3A_140 = tpu.memref_slice %arg9[%dma_wait3A_130] : memref<4x!tpu.dma_semaphore, #tpu.memory_space<semaphore_mem>> -> memref<1x!tpu.dma_semaphore, #tpu.memory_space<semaphore_mem>>
    %dma_wait3A_141 = tpu.memref_squeeze %dma_wait3A_140 : memref<1x!tpu.dma_semaphore, #tpu.memory_space<semaphore_mem>> -> memref<!tpu.dma_semaphore, #tpu.memory_space<semaphore_mem>>
    tpu.wait_indirect_dma semaphore(%dma_wait3A_141 : memref<!tpu.dma_semaphore, #tpu.memory_space<semaphore_mem>>) src(%dma_wait3A_134 : memref<1000x16xf32, #tpu.memory_space<vmem>>) dst(%dma_wait3A_139 : memref<10240x16xf32, #tpu.memory_space<vmem_shared>>)
    %dma_wait3A_142 = arith.constant 0 : i32
    %dma_wait3A_143 = arith.constant 0 : i32
    %dma_wait3A_144 = arith.constant 0 : i32
    %dma_wait3A_145 = arith.constant 0 : i32
    %dma_wait3A_146 = tpu.memref_slice %arg7[%dma_wait3A_142, %dma_wait3A_144, %dma_wait3A_145] : memref<4x1000x16xf32, #tpu.memory_space<vmem>> -> memref<1x1000x16xf32, #tpu.memory_space<vmem>>
    %dma_wait3A_147 = tpu.memref_squeeze %dma_wait3A_146 : memref<1x1000x16xf32, #tpu.memory_space<vmem>> -> memref<1000x16xf32, #tpu.memory_space<vmem>>
    %dma_wait3A_148 = arith.constant 8000 : i32
    %dma_wait3A_149 = tpu.memref_slice %arg6[%dma_wait3A_148] : memref<10000xi32, #tpu.memory_space<vmem>> -> memref<1000xi32, #tpu.memory_space<vmem>>
    %dma_wait3A_150 = arith.constant 0 : i32
    %dma_wait3A_151 = arith.constant 0 : i32
    %dma_wait3A_152 = tpu.memref_slice %arg11[%dma_wait3A_150, %dma_wait3A_151] : memref<10240x16xf32, #tpu.memory_space<vmem_shared>> -> memref<10240x16xf32, #tpu.memory_space<vmem_shared>>
    %dma_wait3A_153 = tpu.memref_slice %arg9[%dma_wait3A_143] : memref<4x!tpu.dma_semaphore, #tpu.memory_space<semaphore_mem>> -> memref<1x!tpu.dma_semaphore, #tpu.memory_space<semaphore_mem>>
    %dma_wait3A_154 = tpu.memref_squeeze %dma_wait3A_153 : memref<1x!tpu.dma_semaphore, #tpu.memory_space<semaphore_mem>> -> memref<!tpu.dma_semaphore, #tpu.memory_space<semaphore_mem>>
    tpu.wait_indirect_dma semaphore(%dma_wait3A_154 : memref<!tpu.dma_semaphore, #tpu.memory_space<semaphore_mem>>) src(%dma_wait3A_147 : memref<1000x16xf32, #tpu.memory_space<vmem>>) dst(%dma_wait3A_152 : memref<10240x16xf32, #tpu.memory_space<vmem_shared>>)
    %dma_wait3A_155 = arith.constant 1 : i32
    %dma_wait3A_156 = arith.constant 1 : i32
    %dma_wait3A_157 = arith.constant 0 : i32
    %dma_wait3A_158 = arith.constant 0 : i32
    %dma_wait3A_159 = tpu.memref_slice %arg7[%dma_wait3A_155, %dma_wait3A_157, %dma_wait3A_158] : memref<4x1000x16xf32, #tpu.memory_space<vmem>> -> memref<1x1000x16xf32, #tpu.memory_space<vmem>>
    %dma_wait3A_160 = tpu.memref_squeeze %dma_wait3A_159 : memref<1x1000x16xf32, #tpu.memory_space<vmem>> -> memref<1000x16xf32, #tpu.memory_space<vmem>>
    %dma_wait3A_161 = arith.constant 9000 : i32
    %dma_wait3A_162 = tpu.memref_slice %arg6[%dma_wait3A_161] : memref<10000xi32, #tpu.memory_space<vmem>> -> memref<1000xi32, #tpu.memory_space<vmem>>
    %dma_wait3A_163 = arith.constant 0 : i32
    %dma_wait3A_164 = arith.constant 0 : i32
    %dma_wait3A_165 = tpu.memref_slice %arg11[%dma_wait3A_163, %dma_wait3A_164] : memref<10240x16xf32, #tpu.memory_space<vmem_shared>> -> memref<10240x16xf32, #tpu.memory_space<vmem_shared>>
    %dma_wait3A_166 = tpu.memref_slice %arg9[%dma_wait3A_156] : memref<4x!tpu.dma_semaphore, #tpu.memory_space<semaphore_mem>> -> memref<1x!tpu.dma_semaphore, #tpu.memory_space<semaphore_mem>>
    %dma_wait3A_167 = tpu.memref_squeeze %dma_wait3A_166 : memref<1x!tpu.dma_semaphore, #tpu.memory_space<semaphore_mem>> -> memref<!tpu.dma_semaphore, #tpu.memory_space<semaphore_mem>>
    tpu.wait_indirect_dma semaphore(%dma_wait3A_167 : memref<!tpu.dma_semaphore, #tpu.memory_space<semaphore_mem>>) src(%dma_wait3A_160 : memref<1000x16xf32, #tpu.memory_space<vmem>>) dst(%dma_wait3A_165 : memref<10240x16xf32, #tpu.memory_space<vmem_shared>>)
    %barrier3A_168 = arith.constant 0 : index
    tpu.barrier barrier_id(%barrier3A_168)
    %mul3A_169 = arith.constant 640 : i32
    %mul3A_170 = arith.muli %arg1, %mul3A_169 : i32
    %mul3A_171 = arith.constant 10240 : i32
    %mul3A_172 = arith.muli %arg0, %mul3A_171 : i32
    %add3A_173 = arith.addi %mul3A_172, %mul3A_170 : i32
    "tpu.region"() ({
      %run_scoped3A = tpu.sem_alloc : memref<!tpu.dma_semaphore, #tpu.memory_space<semaphore_mem>>
      %dma_start3A_174 = arith.constant 0 : i32
      %dma_start3A_175 = tpu.memref_slice %arg4[%add3A_173, %dma_start3A_174] : memref<20480x128xf32, #tpu.memory_space<hbm>> -> memref<640x16xf32, #tpu.memory_space<hbm>>
      %dma_start3A_176 = arith.constant 0 : i32
      %dma_start3A_177 = tpu.memref_slice %arg11[%mul3A_170, %dma_start3A_176] : memref<10240x16xf32, #tpu.memory_space<vmem_shared>> -> memref<640x16xf32, #tpu.memory_space<vmem_shared>>
      tpu.enqueue_dma source(%dma_start3A_177 : memref<640x16xf32, #tpu.memory_space<vmem_shared>>) target(%dma_start3A_175 : memref<640x16xf32, #tpu.memory_space<hbm>>) target_semaphore(%run_scoped3A : memref<!tpu.dma_semaphore, #tpu.memory_space<semaphore_mem>>)
      %dma_wait3A_178 = arith.constant 0 : i32
      %dma_wait3A_179 = tpu.memref_slice %arg4[%add3A_173, %dma_wait3A_178] : memref<20480x128xf32, #tpu.memory_space<hbm>> -> memref<640x16xf32, #tpu.memory_space<hbm>>
      %dma_wait3A_180 = arith.constant 0 : i32
      %dma_wait3A_181 = tpu.memref_slice %arg11[%mul3A_170, %dma_wait3A_180] : memref<10240x16xf32, #tpu.memory_space<vmem_shared>> -> memref<640x16xf32, #tpu.memory_space<vmem_shared>>
      tpu.wait_dma2 semaphore(%run_scoped3A : memref<!tpu.dma_semaphore, #tpu.memory_space<semaphore_mem>>) src(%dma_wait3A_181 : memref<640x16xf32, #tpu.memory_space<vmem_shared>>) dst(%dma_wait3A_179 : memref<640x16xf32, #tpu.memory_space<hbm>>)
      tpu.yield
    }) : () -> ()
    return
  }
}

module attributes {stable_mosaic.version = 14 : i64} {
  func.func @_tc1_body(%arg0: memref<160x128xf32, #tpu.memory_space<vmem>>, %arg1: memref<10000x128xf32, #tpu.memory_space<vmem>>, %arg2: memref<128x128xf32, #tpu.memory_space<vmem>>, %arg3: memref<10000x128xf32, #tpu.memory_space<vmem>>) attributes {dimension_semantics = [], scalar_prefetch = 0 : i64, scratch_operands = 0 : i64, tpu.core_type = #tpu.core_type<tc>} {
    %get3A = arith.constant 0 : index
    %get3A_0 = arith.constant 0 : index
    %get3A_1 = vector.load %arg0[%get3A, %get3A_0] : memref<160x128xf32, #tpu.memory_space<vmem>>, vector<160x128xf32>
    %reshape3A = vector.shape_cast %get3A_1 : vector<160x128xf32> to vector<2x10240xf32>
    %slice3A = vector.extract_strided_slice %reshape3A {offsets = [0, 0], sizes = [1, 10240], strides = [1, 1]} : vector<2x10240xf32> to vector<1x10240xf32>
    %squeeze3A = vector.shape_cast %slice3A : vector<1x10240xf32> to vector<10240xf32>
    %slice3A_2 = vector.extract_strided_slice %reshape3A {offsets = [1, 0], sizes = [1, 10240], strides = [1, 1]} : vector<2x10240xf32> to vector<1x10240xf32>
    %squeeze3A_3 = vector.shape_cast %slice3A_2 : vector<1x10240xf32> to vector<10240xf32>
    %add3A = arith.addf %squeeze3A, %squeeze3A_3 : vector<10240xf32>
    %gt3A = arith.constant 0.000000e+00 : f32
    %gt3A_4 = vector.broadcast %gt3A : f32 to vector<10240xf32>
    %gt3A_5 = arith.cmpf ogt, %add3A, %gt3A_4 : vector<10240xf32>
    %jit3A = arith.constant 1.000000e+00 : f32
    %broadcast_in_dim3A = vector.broadcast %jit3A : f32 to vector<10240xf32>
    %select_n3A = arith.select %gt3A_5, %add3A, %broadcast_in_dim3A : vector<10240xi1>, vector<10240xf32>
    %gt3A_6 = arith.constant 0.000000e+00 : f32
    %gt3A_7 = vector.broadcast %gt3A_6 : f32 to vector<10240xf32>
    %gt3A_8 = arith.cmpf ogt, %add3A, %gt3A_7 : vector<10240xf32>
    %rsqrt3A = math.rsqrt %select_n3A : vector<10240xf32>
    %jit3A_9 = arith.constant 0.000000e+00 : f32
    %broadcast_in_dim3A_10 = vector.broadcast %jit3A_9 : f32 to vector<10240xf32>
    %select_n3A_11 = arith.select %gt3A_8, %rsqrt3A, %broadcast_in_dim3A_10 : vector<10240xi1>, vector<10240xf32>
    %broadcast_in_dim3A_12 = vector.shape_cast %select_n3A_11 : vector<10240xf32> to vector<10240x1xf32>
    %broadcast_in_dim3A_13 = vector.broadcast %broadcast_in_dim3A_12 : vector<10240x1xf32> to vector<10240x128xf32>
    %slice3A_14 = vector.extract_strided_slice %broadcast_in_dim3A_13 {offsets = [0, 0], sizes = [10000, 128], strides = [1, 1]} : vector<10240x128xf32> to vector<10000x128xf32>
    %get3A_15 = arith.constant 0 : index
    %get3A_16 = arith.constant 0 : index
    %get3A_17 = vector.load %arg1[%get3A_15, %get3A_16] : memref<10000x128xf32, #tpu.memory_space<vmem>>, vector<10000x128xf32>
    %get3A_18 = arith.constant 0 : index
    %get3A_19 = arith.constant 0 : index
    %get3A_20 = vector.load %arg2[%get3A_18, %get3A_19] : memref<128x128xf32, #tpu.memory_space<vmem>>, vector<128x128xf32>
    %dot_general3A = arith.constant dense<0.000000e+00> : vector<10000x128xf32>
    %dot_general3A_21 = tpu.matmul %get3A_17, %get3A_20, %dot_general3A {dimension_numbers = #tpu.dot_dimension_numbers<[1], [0], [0], [1], [0, 0, 1, 1], [], []>, transpose_lhs_hint = false} : vector<10000x128xf32>, vector<128x128xf32>, vector<10000x128xf32> -> vector<10000x128xf32>
    %mul3A = arith.mulf %dot_general3A_21, %slice3A_14 : vector<10000x128xf32>
    %swap3A = arith.constant 0 : index
    %swap3A_22 = arith.constant 0 : index
    %swap3A_23 = vector.load %arg3[%swap3A, %swap3A_22] : memref<10000x128xf32, #tpu.memory_space<vmem>>, vector<10000x128xf32>
    tpu.vector_store %arg3[%swap3A, %swap3A_22], %mul3A {strides = array<i32>} : memref<10000x128xf32, #tpu.memory_space<vmem>>, vector<10000x128xf32>,
    return
  }
}

module attributes {stable_mosaic.version = 14 : i64} {
  func.func @_tc2_body(%arg0: i32, %arg1: memref<160x128xf32, #tpu.memory_space<vmem>>, %arg2: memref<10000x128xf32, #tpu.memory_space<vmem>>, %arg3: memref<10000x128xf32, #tpu.memory_space<vmem>>, %arg4: memref<1x128xf32, #tpu.memory_space<vmem>>, %arg5: memref<128x16xf32, #tpu.memory_space<vmem>>, %arg6: memref<10000x16xf32, #tpu.memory_space<vmem>>) attributes {dimension_semantics = [#tpu.dimension_semantics<arbitrary>], iteration_bounds = array<i64: 1>, scalar_prefetch = 0 : i64, scratch_operands = 0 : i64, tpu.core_type = #tpu.core_type<tc>, window_params = [{pipeline_mode = #tpu.pipeline_mode<synchronous>, transform_indices = @transform_0, window_bounds = array<i64: 160, 128>}, {transform_indices = @transform_1, window_bounds = array<i64: 10000, 128>}, {transform_indices = @transform_2, window_bounds = array<i64: 10000, 128>}, {pipeline_mode = #tpu.pipeline_mode<synchronous>, transform_indices = @transform_3, window_bounds = array<i64: 1, 128>}, {pipeline_mode = #tpu.pipeline_mode<synchronous>, transform_indices = @transform_4, window_bounds = array<i64: 128, 16>}, {pipeline_mode = #tpu.pipeline_mode<synchronous>, transform_indices = @transform_5, window_bounds = array<i64: 10000, 16>}]} {
    %get3A = arith.constant 0 : index
    %get3A_0 = arith.constant 0 : index
    %get3A_1 = vector.load %arg1[%get3A, %get3A_0] : memref<160x128xf32, #tpu.memory_space<vmem>>, vector<160x128xf32>
    %reshape3A = vector.shape_cast %get3A_1 : vector<160x128xf32> to vector<2x10240xf32>
    %slice3A = vector.extract_strided_slice %reshape3A {offsets = [0, 0], sizes = [1, 10240], strides = [1, 1]} : vector<2x10240xf32> to vector<1x10240xf32>
    %squeeze3A = vector.shape_cast %slice3A : vector<1x10240xf32> to vector<10240xf32>
    %slice3A_2 = vector.extract_strided_slice %reshape3A {offsets = [1, 0], sizes = [1, 10240], strides = [1, 1]} : vector<2x10240xf32> to vector<1x10240xf32>
    %squeeze3A_3 = vector.shape_cast %slice3A_2 : vector<1x10240xf32> to vector<10240xf32>
    %add3A = arith.addf %squeeze3A, %squeeze3A_3 : vector<10240xf32>
    %gt3A = arith.constant 0.000000e+00 : f32
    %gt3A_4 = vector.broadcast %gt3A : f32 to vector<10240xf32>
    %gt3A_5 = arith.cmpf ogt, %add3A, %gt3A_4 : vector<10240xf32>
    %jit3A = arith.constant 1.000000e+00 : f32
    %broadcast_in_dim3A = vector.broadcast %jit3A : f32 to vector<10240xf32>
    %select_n3A = arith.select %gt3A_5, %add3A, %broadcast_in_dim3A : vector<10240xi1>, vector<10240xf32>
    %gt3A_6 = arith.constant 0.000000e+00 : f32
    %gt3A_7 = vector.broadcast %gt3A_6 : f32 to vector<10240xf32>
    %gt3A_8 = arith.cmpf ogt, %add3A, %gt3A_7 : vector<10240xf32>
    %rsqrt3A = math.rsqrt %select_n3A : vector<10240xf32>
    %jit3A_9 = arith.constant 0.000000e+00 : f32
    %broadcast_in_dim3A_10 = vector.broadcast %jit3A_9 : f32 to vector<10240xf32>
    %select_n3A_11 = arith.select %gt3A_8, %rsqrt3A, %broadcast_in_dim3A_10 : vector<10240xi1>, vector<10240xf32>
    %broadcast_in_dim3A_12 = vector.shape_cast %select_n3A_11 : vector<10240xf32> to vector<10240x1xf32>
    %broadcast_in_dim3A_13 = vector.broadcast %broadcast_in_dim3A_12 : vector<10240x1xf32> to vector<10240x128xf32>
    %slice3A_14 = vector.extract_strided_slice %broadcast_in_dim3A_13 {offsets = [0, 0], sizes = [10000, 128], strides = [1, 1]} : vector<10240x128xf32> to vector<10000x128xf32>
    %get3A_15 = arith.constant 0 : index
    %get3A_16 = arith.constant 0 : index
    %get3A_17 = vector.load %arg2[%get3A_15, %get3A_16] : memref<10000x128xf32, #tpu.memory_space<vmem>>, vector<10000x128xf32>
    %get3A_18 = arith.constant 0 : index
    %get3A_19 = arith.constant 0 : index
    %get3A_20 = vector.load %arg3[%get3A_18, %get3A_19] : memref<10000x128xf32, #tpu.memory_space<vmem>>, vector<10000x128xf32>
    %add3A_21 = arith.addf %get3A_17, %get3A_20 : vector<10000x128xf32>
    %mul3A = arith.mulf %add3A_21, %slice3A_14 : vector<10000x128xf32>
    %get3A_22 = arith.constant 0 : index
    %get3A_23 = arith.constant 0 : index
    %get3A_24 = vector.load %arg4[%get3A_22, %get3A_23] : memref<1x128xf32, #tpu.memory_space<vmem>>, vector<1x128xf32>
    %add3A_25 = vector.broadcast %get3A_24 : vector<1x128xf32> to vector<10000x128xf32>
    %add3A_26 = arith.addf %mul3A, %add3A_25 : vector<10000x128xf32>
    %max3A = arith.constant 0.000000e+00 : f32
    %max3A_27 = vector.broadcast %max3A : f32 to vector<10000x128xf32>
    %max3A_28 = arith.maximumf %add3A_26, %max3A_27 : vector<10000x128xf32>
    %get3A_29 = arith.constant 0 : index
    %get3A_30 = arith.constant 0 : index
    %get3A_31 = vector.load %arg5[%get3A_29, %get3A_30] : memref<128x16xf32, #tpu.memory_space<vmem>>, vector<128x16xf32>
    %dot_general3A = arith.constant dense<0.000000e+00> : vector<10000x16xf32>
    %dot_general3A_32 = tpu.matmul %max3A_28, %get3A_31, %dot_general3A {dimension_numbers = #tpu.dot_dimension_numbers<[1], [0], [0], [1], [0, 0, 1, 1], [], []>, transpose_lhs_hint = false} : vector<10000x128xf32>, vector<128x16xf32>, vector<10000x16xf32> -> vector<10000x16xf32>
    %slice3A_33 = vector.extract_strided_slice %slice3A_14 {offsets = [0, 0], sizes = [10000, 16], strides = [1, 1]} : vector<10000x128xf32> to vector<10000x16xf32>
    %mul3A_34 = arith.mulf %dot_general3A_32, %slice3A_33 : vector<10000x16xf32>
    %swap3A = arith.constant 0 : index
    %swap3A_35 = arith.constant 0 : index
    %swap3A_36 = vector.load %arg6[%swap3A, %swap3A_35] : memref<10000x16xf32, #tpu.memory_space<vmem>>, vector<10000x16xf32>
    tpu.vector_store %arg6[%swap3A, %swap3A_35], %mul3A_34 {strides = array<i32>} : memref<10000x16xf32, #tpu.memory_space<vmem>>, vector<10000x16xf32>,
    return
  }
  func.func @transform_0(%arg0: i32) -> (i32, i32) {
    %c0_i32 = arith.constant 0 : i32
    %c0_i32_0 = arith.constant 0 : i32
    %c0_i32_1 = arith.constant 0 : i32
    return %c0_i32, %c0_i32_0 : i32, i32
  }
  func.func @transform_1(%arg0: i32) -> (i32, i32) {
    %c0_i32 = arith.constant 0 : i32
    %c0_i32_0 = arith.constant 0 : i32
    %c0_i32_1 = arith.constant 0 : i32
    return %c0_i32, %c0_i32_0 : i32, i32
  }
  func.func @transform_2(%arg0: i32) -> (i32, i32) {
    %c1_i32 = arith.constant 1 : i32
    %c0_i32 = arith.constant 0 : i32
    %c0_i32_0 = arith.constant 0 : i32
    return %c1_i32, %c0_i32 : i32, i32
  }
  func.func @transform_3(%arg0: i32) -> (i32, i32) {
    %c0_i32 = arith.constant 0 : i32
    %c0_i32_0 = arith.constant 0 : i32
    %c0_i32_1 = arith.constant 0 : i32
    return %c0_i32, %c0_i32_0 : i32, i32
  }
  func.func @transform_4(%arg0: i32) -> (i32, i32) {
    %c0_i32 = arith.constant 0 : i32
    %c0_i32_0 = arith.constant 0 : i32
    %c0_i32_1 = arith.constant 0 : i32
    return %c0_i32, %c0_i32_0 : i32, i32
  }
  func.func @transform_5(%arg0: i32) -> (i32, i32) {
    %c0_i32 = arith.constant 0 : i32
    %c0_i32_0 = arith.constant 0 : i32
    %c0_i32_1 = arith.constant 0 : i32
    return %c0_i32, %c0_i32_0 : i32, i32
  }
}

module attributes {stable_mosaic.version = 14 : i64} {
  func.func @_tc3_body(%arg0: i32, %arg1: memref<160x128xf32, #tpu.memory_space<vmem>>, %arg2: memref<10240x128xf32, #tpu.memory_space<vmem>>, %arg3: memref<10240x128xf32, #tpu.memory_space<vmem>>, %arg4: memref<1x16xf32, #tpu.memory_space<vmem>>, %arg5: memref<10000x16xf32, #tpu.memory_space<vmem>>) attributes {dimension_semantics = [#tpu.dimension_semantics<arbitrary>], iteration_bounds = array<i64: 1>, scalar_prefetch = 0 : i64, scratch_operands = 0 : i64, tpu.core_type = #tpu.core_type<tc>, window_params = [{pipeline_mode = #tpu.pipeline_mode<synchronous>, transform_indices = @transform_0, window_bounds = array<i64: 160, 128>}, {transform_indices = @transform_1, window_bounds = array<i64: 10240, 128>}, {transform_indices = @transform_2, window_bounds = array<i64: 10240, 128>}, {pipeline_mode = #tpu.pipeline_mode<synchronous>, transform_indices = @transform_3, window_bounds = array<i64: 1, 16>}, {pipeline_mode = #tpu.pipeline_mode<synchronous>, transform_indices = @transform_4, window_bounds = array<i64: 10000, 16>}]} {
    %get3A = arith.constant 0 : index
    %get3A_0 = arith.constant 0 : index
    %get3A_1 = vector.load %arg1[%get3A, %get3A_0] : memref<160x128xf32, #tpu.memory_space<vmem>>, vector<160x128xf32>
    %reshape3A = vector.shape_cast %get3A_1 : vector<160x128xf32> to vector<2x10240xf32>
    %slice3A = vector.extract_strided_slice %reshape3A {offsets = [0, 0], sizes = [1, 10240], strides = [1, 1]} : vector<2x10240xf32> to vector<1x10240xf32>
    %squeeze3A = vector.shape_cast %slice3A : vector<1x10240xf32> to vector<10240xf32>
    %slice3A_2 = vector.extract_strided_slice %reshape3A {offsets = [1, 0], sizes = [1, 10240], strides = [1, 1]} : vector<2x10240xf32> to vector<1x10240xf32>
    %squeeze3A_3 = vector.shape_cast %slice3A_2 : vector<1x10240xf32> to vector<10240xf32>
    %add3A = arith.addf %squeeze3A, %squeeze3A_3 : vector<10240xf32>
    %gt3A = arith.constant 0.000000e+00 : f32
    %gt3A_4 = vector.broadcast %gt3A : f32 to vector<10240xf32>
    %gt3A_5 = arith.cmpf ogt, %add3A, %gt3A_4 : vector<10240xf32>
    %jit3A = arith.constant 1.000000e+00 : f32
    %broadcast_in_dim3A = vector.broadcast %jit3A : f32 to vector<10240xf32>
    %select_n3A = arith.select %gt3A_5, %add3A, %broadcast_in_dim3A : vector<10240xi1>, vector<10240xf32>
    %gt3A_6 = arith.constant 0.000000e+00 : f32
    %gt3A_7 = vector.broadcast %gt3A_6 : f32 to vector<10240xf32>
    %gt3A_8 = arith.cmpf ogt, %add3A, %gt3A_7 : vector<10240xf32>
    %rsqrt3A = math.rsqrt %select_n3A : vector<10240xf32>
    %jit3A_9 = arith.constant 0.000000e+00 : f32
    %broadcast_in_dim3A_10 = vector.broadcast %jit3A_9 : f32 to vector<10240xf32>
    %select_n3A_11 = arith.select %gt3A_8, %rsqrt3A, %broadcast_in_dim3A_10 : vector<10240xi1>, vector<10240xf32>
    %broadcast_in_dim3A_12 = vector.shape_cast %select_n3A_11 : vector<10240xf32> to vector<10240x1xf32>
    %broadcast_in_dim3A_13 = vector.broadcast %broadcast_in_dim3A_12 : vector<10240x1xf32> to vector<10240x16xf32>
    %slice3A_14 = vector.extract_strided_slice %broadcast_in_dim3A_13 {offsets = [0, 0], sizes = [10000, 16], strides = [1, 1]} : vector<10240x16xf32> to vector<10000x16xf32>
    %get3A_15 = arith.constant 0 : index
    %get3A_16 = arith.constant 0 : index
    %get3A_17 = vector.load %arg2[%get3A_15, %get3A_16] : memref<10240x128xf32, #tpu.memory_space<vmem>>, vector<10240x128xf32>
    %slice3A_18 = vector.extract_strided_slice %get3A_17 {offsets = [0, 0], sizes = [10000, 16], strides = [1, 1]} : vector<10240x128xf32> to vector<10000x16xf32>
    %get3A_19 = arith.constant 0 : index
    %get3A_20 = arith.constant 0 : index
    %get3A_21 = vector.load %arg3[%get3A_19, %get3A_20] : memref<10240x128xf32, #tpu.memory_space<vmem>>, vector<10240x128xf32>
    %slice3A_22 = vector.extract_strided_slice %get3A_21 {offsets = [0, 0], sizes = [10000, 16], strides = [1, 1]} : vector<10240x128xf32> to vector<10000x16xf32>
    %add3A_23 = arith.addf %slice3A_18, %slice3A_22 : vector<10000x16xf32>
    %mul3A = arith.mulf %add3A_23, %slice3A_14 : vector<10000x16xf32>
    %get3A_24 = arith.constant 0 : index
    %get3A_25 = arith.constant 0 : index
    %get3A_26 = vector.load %arg4[%get3A_24, %get3A_25] : memref<1x16xf32, #tpu.memory_space<vmem>>, vector<1x16xf32>
    %add3A_27 = vector.broadcast %get3A_26 : vector<1x16xf32> to vector<10000x16xf32>
    %add3A_28 = arith.addf %mul3A, %add3A_27 : vector<10000x16xf32>
    %swap3A = arith.constant 0 : index
    %swap3A_29 = arith.constant 0 : index
    %swap3A_30 = vector.load %arg5[%swap3A, %swap3A_29] : memref<10000x16xf32, #tpu.memory_space<vmem>>, vector<10000x16xf32>
    tpu.vector_store %arg5[%swap3A, %swap3A_29], %add3A_28 {strides = array<i32>} : memref<10000x16xf32, #tpu.memory_space<vmem>>, vector<10000x16xf32>,
    return
  }
  func.func @transform_0(%arg0: i32) -> (i32, i32) {
    %c0_i32 = arith.constant 0 : i32
    %c0_i32_0 = arith.constant 0 : i32
    %c0_i32_1 = arith.constant 0 : i32
    return %c0_i32, %c0_i32_0 : i32, i32
  }
  func.func @transform_1(%arg0: i32) -> (i32, i32) {
    %c0_i32 = arith.constant 0 : i32
    %c0_i32_0 = arith.constant 0 : i32
    %c0_i32_1 = arith.constant 0 : i32
    return %c0_i32, %c0_i32_0 : i32, i32
  }
  func.func @transform_2(%arg0: i32) -> (i32, i32) {
    %c1_i32 = arith.constant 1 : i32
    %c0_i32 = arith.constant 0 : i32
    %c0_i32_0 = arith.constant 0 : i32
    return %c1_i32, %c0_i32 : i32, i32
  }
  func.func @transform_3(%arg0: i32) -> (i32, i32) {
    %c0_i32 = arith.constant 0 : i32
    %c0_i32_0 = arith.constant 0 : i32
    %c0_i32_1 = arith.constant 0 : i32
    return %c0_i32, %c0_i32_0 : i32, i32
  }
  func.func @transform_4(%arg0: i32) -> (i32, i32) {
    %c0_i32 = arith.constant 0 : i32
    %c0_i32_0 = arith.constant 0 : i32
    %c0_i32_1 = arith.constant 0 : i32
    return %c0_i32, %c0_i32_0 : i32, i32
  }
}

</mosaic_0001>

<sc_bundles>
// kernel: kernel.11.cloned.1.call-start
scs
__scs_entry_jumppad:
0x0: {  	(pc) =	sbr.rel $0x88, $3  }
0x1: {  	(tag) =	ssettag $0x0;
	lr =	simm.s32 $0x1  }
0x2: {  	[smem:$0x3F9B] =	sst lr;
	_ =	strace $0xD0000000  }
0x3: {  	_ = 	snop  }
0x4: {  	_ = 	snop  }
0x5: {  	_ = 	snop  }
0x6: {  	_ = 	snop  }
0x7: {  	_ = 	snop  }
__scs_overlays_trampoline_lowered:
0x8: {  	[smem:$0x3FAA] =	sst s0  }
0x9: {  	[smem:$0x3FAB] =	sst s1  }
0xa: {  	[smem:$0x3FAC] =	sst s2  }
0xb: {  	[smem:$0x3FAD] =	sst s3  }
0xc: {  	[smem:$0x3FAE] =	sst s4  }
0xd: {  	[smem:$0x3FAF] =	sst s5  }
0xe: {  	[smem:$0x3FB0] =	sst s6  }
0xf: {  	[smem:$0x3FB1] =	sst s7  }
0x10: {  	[smem:$0x3FB2] =	sst s8  }
0x11: {  	[smem:$0x3FB3] =	sst s9;
	s0 =	simm.s32 @!p0 $0x0  }
0x12: {  	s1 =	sld [smem:$0x3F99];
	s0 =	simm.s32 @p0 $0x1  }
0x13: {  	[smem:$0x3FB4] =	sst s0;
	s0 =	simm.s32 @!p1 $0x0  }
0x14: {  	s2 =	sld [smem:$0x3F98];
	s0 =	simm.s32 @p1 $0x1  }
0x15: {  	[smem:$0x3FB5] =	sst s0;
	s0 =	simm.s32 @!p2 $0x0  }
0x16: {  	s3 =	sld [smem:$0x3FDB];
	s0 =	simm.s32 @p2 $0x1  }
0x17: {  	s4 =	simm.s32 $0x1BF5;
	[smem:$0x3FB7] =	sst s0  }
0x18: {  	s0 =	sld [smem:$0x3F9A];
	_ =	swait.ge [sflag:s4], $0x0  }
0x19: {  	s7 =	sld [smem:$0x3F9B]  }
0x1a: {  	s8 =	sadd.s32 $0xFFFFE003, lr  }
0x1b: {  	s9 =	sadd.s32 $0xFFFFFEF7, lr;
	s5 =	simm.s32 $0xFFFFFFFF;
	p2 =	slt.u32 s8, $0xFFFFF086  }
0x1c: {  	p1 =	slt.u32 s9, $0xF7A;
	s5 =	simm.s32 @!p2 $0x0  }
0x1d: {  	s5 =	simm.s32 @p1 $0x1;
	p0 =	seq.s32 s7, s2  }
0x1e: {  	s7 =	smul.u32 @!p0 $0xF7A, s2;
	p2 =	seq.s32 @!p0 s5, $0x0  }
0x1f: {  	s9 =	smul.u32 $0xF7A, s1;
	s8 =	simm.s32 @!p0 $0x1BF5;
	p2 =	por !p2, p0  }
0x20: {  	[sflag:s8] =	ssyncset.s32 @!p0 $0xFFFFF086;
	s6 =	sadd.s32 @!p0 s3, s7;
	s7 =	simm.s32 @!p0 $0x108  }
0x21: {  	s3 =	sadd.s32 s3, s9;
	s6 =	sadd.s32 @!p0 $0x88, s6;
	s7 =	simm.s32 @p2 $0x1082  }
0x22: {  	[simem:s7], [sflag:s8] =	dma.local @!p0 [hbm:s6], $0xF7A  }
0x23: {  	s9 =	sor.u32 $0xD0000000, s2;
	s6 =	simm.s32 $0x108;
	_ =	swait.ge @!p0 [sflag:s8], $0x0  }
0x24: {  	s3 =	sadd.s32 $0x88, s3;
	s6 =	simm.s32 @!p1 $0x1082;
	[sflag:s4] =	ssyncset.s32 $0xFFFFF086  }
0x25: {  	[simem:s6], [sflag:s4] =	dma.local [hbm:s3], $0xF7A  }
0x26: {  	[smem:$0x3F9B] =	sst s1;
	(tag) =	ssettag s2;
	_ =	strace s9  }
0x27: {  	s1 =	sld [smem:$0x3FAB]  }
0x28: {  	s2 =	sld [smem:$0x3FAC]  }
0x29: {  	s4 =	sld [smem:$0x3FAE]  }
0x2a: {  	p0 =	seq.s32 s5, $0x0;
	s5 =	sld [smem:$0x3FAF]  }
0x2b: {  	s6 =	sld [smem:$0x3FB0]  }
0x2c: {  	s7 =	sld [smem:$0x3FB1]  }
0x2d: {  	s3 =	simm.s32 $0x108;
	s8 =	sld [smem:$0x3FB2]  }
0x2e: {  	s3 =	simm.s32 @!p0 $0x1082;
	s9 =	sld [smem:$0x3FB3]  }
0x2f: {  	lr =	sadd.s32 s0, s3;
	s0 =	sld [smem:$0x3FAA]  }
0x30: {  	s3 =	sld [smem:$0x3FAD]  }
0x31: {  	[smem:$0x3FB6] =	sst s10  }
0x32: {  	s10 =	sld [smem:$0x3FB4];
	_ =	sdelay $0x3  }
0x33: {  	p0 =	seq.s32 s10, $0x1;
	s10 =	sld [smem:$0x3FB6];
	_ =	sdelay $0x3  }
0x34: {  	[smem:$0x3FB6] =	sst s10  }
0x35: {  	s10 =	sld [smem:$0x3FB5];
	_ =	sdelay $0x3  }
0x36: {  	p1 =	seq.s32 s10, $0x1;
	s10 =	sld [smem:$0x3FB6];
	_ =	sdelay $0x3  }
0x37: {  	[smem:$0x3FB6] =	sst s10  }
0x38: {  	s10 =	sld [smem:$0x3FB7]  }
0x39: {  	_ = 	snop;
	(pc) =	sbr.ind lr, $3  }
0x3a: {  	_ = 	snop  }
0x3b: {  	_ = 	snop  }
0x3c: {  	p2 =	seq.s32 s10, $0x1;
	s10 =	sld [smem:$0x3FB6]  }
0x3d: {  	_ =	shalt  }
0x3e: {  	_ =	shalt  }
0x3f: {  	_ =	shalt  }
0x40: {  	_ =	shalt  }
0x41: {  	_ =	shalt  }
0x42: {  	_ =	shalt  }
0x43: {  	_ =	shalt  }
0x44: {  	_ =	shalt  }
0x45: {  	_ =	shalt  }
0x46: {  	_ =	shalt  }
0x47: {  	_ =	shalt  }
0x48: {  	_ =	shalt  }
0x49: {  	_ =	shalt  }
0x4a: {  	_ =	shalt  }
0x4b: {  	_ =	shalt  }
0x4c: {  	_ =	shalt  }
0x4d: {  	_ =	shalt  }
0x4e: {  	_ =	shalt  }
0x4f: {  	_ =	shalt  }
0x50: {  	_ =	shalt  }
0x51: {  	_ =	shalt  }
0x52: {  	_ =	shalt  }
0x53: {  	_ =	shalt  }
0x54: {  	_ =	shalt  }
0x55: {  	_ =	shalt  }
0x56: {  	_ =	shalt  }
0x57: {  	_ =	shalt  }
0x58: {  	_ =	shalt  }
0x59: {  	_ =	shalt  }
0x5a: {  	_ =	shalt  }
0x5b: {  	_ =	shalt  }
0x5c: {  	_ =	shalt  }
0x5d: {  	_ =	shalt  }
0x5e: {  	_ =	shalt  }
0x5f: {  	_ =	shalt  }
0x60: {  	_ =	shalt  }
0x61: {  	_ =	shalt  }
0x62: {  	_ =	shalt  }
0x63: {  	_ =	shalt  }
0x64: {  	_ =	shalt  }
0x65: {  	_ =	shalt  }
0x66: {  	_ =	shalt  }
0x67: {  	_ =	shalt  }
0x68: {  	_ =	shalt  }
0x69: {  	_ =	shalt  }
0x6a: {  	_ =	shalt  }
0x6b: {  	_ =	shalt  }
0x6c: {  	_ =	shalt  }
0x6d: {  	_ =	shalt  }
0x6e: {  	_ =	shalt  }
0x6f: {  	_ =	shalt  }
0x70: {  	_ =	shalt  }
0x71: {  	_ =	shalt  }
0x72: {  	_ =	shalt  }
0x73: {  	_ =	shalt  }
0x74: {  	_ =	shalt  }
0x75: {  	_ =	shalt  }
0x76: {  	_ =	shalt  }
0x77: {  	_ =	shalt  }
0x78: {  	_ =	shalt  }
0x79: {  	_ =	shalt  }
0x7a: {  	_ =	shalt  }
0x7b: {  	_ =	shalt  }
0x7c: {  	_ =	shalt  }
0x7d: {  	_ =	shalt  }
0x7e: {  	_ =	shalt  }
0x7f: {  	_ =	shalt  }
0x80: {  	_ =	shalt  }
0x81: {  	_ =	shalt  }
0x82: {  	_ =	shalt  }
0x83: {  	_ =	shalt  }
0x84: {  	_ =	shalt  }
0x85: {  	_ =	shalt  }
0x86: {  	_ =	shalt  }
0x87: {  	_ =	shalt  }
.Lfunc_end0:
.L_simem_size_0:
called_computation.1_lowered:
.L_overlay_start_0:
0x88: {  	s2 =	sld [smem:$0x3FD9]  }
0x89: {  	s3 =	sld [smem:$0x3FFE];
	_ =	sdelay $0x1  }
0x8a: {  	s1 =	srdreg.scid  }
0x8b: {  	s0 =	sand.u32 $0x1, s1  }
0x8c: {  	s16 =	sshll.u32 s0, $0xA;
	s2 =	sadd.s32 s3, s2  }
0x8d: {  	s2 =	sadd.s32 s2, s16  }
0x8e: {  	[smem:$0x3FC2] =	sst s2  }
0x8f: {  	_ = 	snop  }
0x90: {  	(tm) =	ssettm $0x1  }
0x91: {  	s17 =	sld [smem:$0x3FFB];
	_ =	sdelay $0x3  }
0x92: {  	_ =	strace s17  }
0x93: {  	s2 =	sld [smem:$0x3FFC];
	_ =	sdelay $0x3  }
0x94: {  	_ =	strace s2  }
0x95: {  	s2 =	sld [smem:$0x3FFD];
	_ =	sdelay $0x3  }
0x96: {  	_ =	strace s2  }
0x97: {  	_ =	strace $0x8FFFFFFF  }
0x98: {  	s18 =	sld [smem:$0x3FDB];
	_ =	sdelay $0x1  }
0x99: {  	s19 =	simm.s32 $_scs_section_size  }
0x9a: {  	s4 =	simm.s32 $_size__tile_overlayer_lowered;
	s5 =	simm.s32 $_tile_overlayer_lowered  }
0x9b: {  	s22 =	simm.s32 $0x1BFF;
	s21 =	sshll.u32 s5, $0x1;
	s2 =	sadd.s32 s19, s18  }
0x9c: {  	s6 =	simm.s32 $0x0;
	s20 =	sshll.u32 s4, $0x1;
	s4 =	sadd.s32 s21, s2  }
0x9d: {  	[timem:s6], [sflag:s22] =	dma.local [hbm:s4], s20  }
0x9e: {  	_ =	swait.ge [sflag:s22], s20  }
0x9f: {  	s3 =	ssub.s32 $0x0, s20;
	[sflag:s22] =	ssyncset.done $0x0  }
0xa0: {  	[sflag:s22] =	ssyncadd.s32 s3;
	_ =	sdelay $0x1  }
0xa1: {  	s23 =	simm.s32 $0x1B8B  }
0xa2: {  	_ =	swait.ge [sflag:s23], $0x1  }
0xa3: {  	[sflag:s23] =	ssyncset.done $0x0  }
0xa4: {  	s25 =	simm.s32 $0x1B8E;
	s24 =	sld [smem:$0x3FFE];
	[sflag:s23] =	ssyncadd.s32 $0xFFFFFFFF  }
0xa5: {  	s26 =	simm.s32 $execute0_lowered;
	[smem:$0x3FD2] =	sst s25  }
0xa6: {  	s4 =	sshll.u32 s26, $0x1;
	_ =	strace $0x80000049;
	[dreg:$0x1] =	wrdreg $0xFFFFFFFF  }
0xa7: {  	s28 =	simm.s32 $_size_execute0_lowered;
	s2 =	sadd.s32 s2, s4;
	[dreg:$0x0] =	wrdreg $0x0  }
0xa8: {  	s4 =	sshll.u32 s28, $0x1;
	[dreg:$0x2] =	wrdreg s2  }
0xa9: {  	[dreg:$0x3] =	wrdreg s4  }
0xaa: {  	[dreg:$0x4] =	wrdreg $0xC0  }
0xab: {  	_ =	task [dreg:s6], $0x5FFFF  }
0xac: {  	[dreg:$0x1] =	wrdreg $0xFFFFFFFF  }
0xad: {  	[dreg:$0x0] =	wrdreg $0x60  }
0xae: {  	[dreg:$0x2] =	wrdreg s24  }
0xaf: {  	[dreg:$0x3] =	wrdreg $0xAE200  }
0xb0: {  	[dreg:$0x4] =	wrdreg $0x9  }
0xb1: {  	_ =	task.clear_ibuf [dreg:s6], $0x5FFFF;
	_ =	strace $0x90000049  }
0xb2: {  	s29 =	simm.s32 $0x9;
	_ =	strace $0x8000004B  }
0xb3: {  	_ =	swait.ge [sflag:s29], $0x1  }
0xb4: {  	[sflag:s29] =	ssyncadd.s32 $0xFFFFFFFF  }
0xb5: {  	_ =	strace $0x9000004B  }
0xb6: {  	_ =	sfence  }
0xb7: {  	s30 =	sld [smem:$0x0];
	_ =	sdelay $0x2  }
0xb8: {  	s31 =	sshll.u32 s1, $0xD;
	s1 =	sshrl.u32 s1, $0x2  }
0xb9: {  	s3 =	sand.u32 $0x4000, s31;
	s1 =	sadd.s32 s1, s30  }
0xba: {  	s0 =	sor.u32 s3, s0;
	s1 =	sshll.u32 s1, $0x11  }
0xbb: {  	s0 =	sor.u32 s1, s0  }
0xbc: {  	s0 =	sadd.s32 $0x8F2B, s0  }
0xbd: {  	[sflag:s0] =	ssyncadd.remote.s32 $0x1  }
0xbe: {  	_ =	sfence.sel $0xFFFF  }
0xbf: {  	[dreg:$0x0] =	wrdreg $0xFFFFFFFF;
	(pc) =	sbr.abs _section_cstart, $3  }
0xc0: {  	[dreg:$0x1] =	wrdreg $0xFFFFFFFF  }
0xc1: {  	_ =	task.clear_ibuf [dreg:s6], $0x2FFFF;
	_ =	strace $0x9FFFFFFF  }
0xc2: {  	(tm) =	ssettm $0x7FFFFFFF  }
0xc3: {  	_ =	shalt  }
tec
execute0_lowered:
.L_overlay_start_1:
0x0: {  	(tag) =	ssettag $0x1  }
0x1: {  	s0 =	srdreg.scid  }
0x2: {  	s1 =	rddreg [dreg:$0x0];
	s7 =	stileid.u32  }
0x3: {  	s2 =	rddreg [dreg:$0x1];
	s4 =	simm.s32 $0x0;
	s28 =	simm.s32 $0x2  }
0x4: {  	s29 =	simm.s32 $0x30;
	s30 =	simm.s32 $0x6620;
	s31 =	simm.s32 $0x9620  }
0x5: {  	s8 =	simm.s32 $0x7;
	s9 =	simm.s32 $0x8;
	s10 =	simm.s32 $0x10  }
0x6: {  	s11 =	simm.s32 $0xA;
	s12 =	simm.s32 $0x0;
	s0 =	sand.u32 $0x1, s0  }
0x7: {  	[smem:$0x7FF] =	sst s4;
	s5 =	smul.u32 $0x2710, s7;
	s3 =	sshll.u32 s0, $0x4  }
0x8: {  	s4 =	sadd.s32 $0x15E00, s1;
	s3 =	sor.u32 s7, s3;
	s7 =	smul.u32 $0x4E200, s7  }
0x9: {  	_ =	strace $0x8000004A;
	s6 =	smul.u32 $0x27100, s0;
	s0 =	ssub.s32 $0x2, s0  }
0xa: {  	s16 =	sshrl.u32 s0, $0x1;
	s3 =	smul.u32 $0x2710, s3;
	s17 =	sshrl.u32 s7, $0x2  }
0xb: {  	s5 =	sadd.s32 s5, s6;
	s0 =	ssub.s32 s0, s16;
	s6 =	sadd.s32 s17, s2  }
0xc: {  	s7 =	simm.s32 $0x4;
	s3 =	sshrl.u32 s3, $0x3;
	s19 =	sadd.s32 $0x1800, s6  }
0xd: {  	s3 =	sadd.s32 s3, s1;
	s20 =	sadd.s32 $0x3000, s6;
	[dreg:$0x5] =	wrdreg s19  }
0xe: {  	s1 =	sadd.s32 s5, s1;
	s21 =	sadd.s32 $0x4800, s6;
	[dreg:$0x6] =	wrdreg s20  }
0xf: {  	s22 =	sadd.s32 $0x6000, s6;
	s23 =	sadd.s32 $0x7800, s6;
	[dreg:$0x7] =	wrdreg s21  }
0x10: {  	s24 =	sadd.s32 $0x9000, s6;
	s25 =	sadd.s32 $0xA800, s6;
	[dreg:$0x8] =	wrdreg s22  }
0x11: {  	s26 =	sadd.s32 $0xC000, s6;
	s16 =	sadd.s32 $0xD800, s6;
	[dreg:$0x9] =	wrdreg s23  }
0x12: {  	s17 =	sadd.s32 $0xF000, s6;
	s5 =	simm.s32 $0x6;
	[dreg:$0xa] =	wrdreg s24  }
0x13: {  	s18 =	sadd.s32 $0x2400, s3;
	s3 =	sadd.s32 $0xC040, s3;
	[dreg:$0xb] =	wrdreg s25  }
0x14: {  	[dreg:$0xc] =	wrdreg s26;
	s19 =	sadd.s32 $0x12000, s6;
	s20 =	sadd.s32 $0x12080, s6  }
0x15: {  	s21 =	sadd.s32 $0x3D000, s1;
	s22 =	smax.u32 s0, $0x1;
	s23 =	simm.s32 $0x2710  }
0x16: {  	s24 =	simm.s32 $0x4E20;
	s25 =	simm.s32 $0x9;
	s26 =	simm.s32 $0x1  }
0x17: {  	s1 =	simm.s32 $0x7E20;
	s0 =	simm.s32 $0x5;
	[dreg:$0x3] =	wrdreg s18  }
0x18: {  	v0 =	vimm.f32 $0.0e+00;
	[dreg:$0x4] =	wrdreg s3;
	s18 =	sadd.s32 $0x10800, s6;
	s3 =	simm.s32 $0x3  }
.LBB2_1:
0x19: {  	s13 =	simm.s32 $0x0;
	s14 =	rddreg [dreg:$0x3]  }
0x1a: {  	[tilespmem:s13], [sflag:$0x1] =	stream.linear.gather [hbm4b:s14+s13], $0x2710, $0x38;
	[tilespmem:$0x1E6A0] =	vst v63  }
0x1b: {  	s15 =	rddreg [dreg:$0x4]  }
0x1c: {  	[tilespmem:s23], [sflag:$0x2] =	stream.linear.gather [hbm4b:s15+s13], $0x2710, $0x38;
	[tilespmem:$0x1E6A0] =	vst v63  }
0x1d: {  	s14 =	simm.s32 $0x200;
	s13 =	simm.s32 $0x0  }
.LBB2_2:
0x1e: {  	p0 =	sne.s32 s14, $0x5E00;
	[tilespmem:s13+$0x4E90] =	vst v0  }
0x1f: {  	[tilespmem:s13+$0x4E20] =	vst v0  }
0x20: {  	[tilespmem:s13+$0x4E30] =	vst v0  }
.Ltmp0:
0x21: {  	[tilespmem:s13+$0x4E40] =	vst v0;
	(pc) =	sbr.rel @p0 .LBB2_2-.Ltmp0, $4  }
0x22: {  	[tilespmem:s13+$0x4E50] =	vst v0  }
0x23: {  	[tilespmem:s13+$0x4E60] =	vst v0  }
0x24: {  	[tilespmem:s13+$0x4E70] =	vst v0  }
0x25: {  	[tilespmem:s13+$0x4E80] =	vst v0;
	s13 =	sshra.s32 s14, $0x2;
	s14 =	sadd.s32 $0x200, s14  }
0x26: {  	[tilespmem:s13+$0x4E90] =	vst v0  }
0x27: {  	[tilespmem:s13+$0x4E20] =	vst v0  }
0x28: {  	[tilespmem:s13+$0x4E30] =	vst v0  }
0x29: {  	[tilespmem:s13+$0x4E40] =	vst v0  }
0x2a: {  	[tilespmem:s13+$0x4E50] =	vst v0  }
0x2b: {  	[tilespmem:s13+$0x4E60] =	vst v0  }
0x2c: {  	[tilespmem:s13+$0x4E70] =	vst v0  }
0x2d: {  	[tilespmem:s13+$0x4E80] =	vst v0  }
0x2e: {  	[spmem:s6] =	stream.linear.scatter [tilespmem:s24], [sflag:$0x9], $0x1800, $0x38;
	[tilespmem:$0x1E6A0] =	vst v63  }
0x2f: {  	s15 =	rddreg [dreg:$0x5]  }
0x30: {  	[spmem:s15] =	stream.linear.scatter [tilespmem:s24], [sflag:$0x9], $0x1800, $0x38;
	[tilespmem:$0x1E6A0] =	vst v63  }
0x31: {  	s14 =	rddreg [dreg:$0x6]  }
0x32: {  	[spmem:s14] =	stream.linear.scatter [tilespmem:s24], [sflag:$0x9], $0x1800, $0x38;
	[tilespmem:$0x1E6A0] =	vst v63  }
0x33: {  	s15 =	rddreg [dreg:$0x7]  }
0x34: {  	[spmem:s15] =	stream.linear.scatter [tilespmem:s24], [sflag:$0x9], $0x1800, $0x38;
	[tilespmem:$0x1E6A0] =	vst v63  }
0x35: {  	s14 =	rddreg [dreg:$0x8]  }
0x36: {  	[spmem:s14] =	stream.linear.scatter [tilespmem:s24], [sflag:$0x9], $0x1800, $0x38;
	[tilespmem:$0x1E6A0] =	vst v63  }
0x37: {  	s15 =	rddreg [dreg:$0x9]  }
0x38: {  	[spmem:s15] =	stream.linear.scatter [tilespmem:s24], [sflag:$0x9], $0x1800, $0x38;
	[tilespmem:$0x1E6A0] =	vst v63  }
0x39: {  	s14 =	rddreg [dreg:$0xa]  }
0x3a: {  	[spmem:s14] =	stream.linear.scatter [tilespmem:s24], [sflag:$0x9], $0x1800, $0x38;
	[tilespmem:$0x1E6A0] =	vst v63  }
0x3b: {  	s15 =	rddreg [dreg:$0xb]  }
0x3c: {  	[spmem:s15] =	stream.linear.scatter [tilespmem:s24], [sflag:$0x9], $0x1800, $0x38;
	[tilespmem:$0x1E6A0] =	vst v63  }
0x3d: {  	s14 =	rddreg [dreg:$0xc]  }
0x3e: {  	[spmem:s14] =	stream.linear.scatter [tilespmem:s24], [sflag:$0x9], $0x1800, $0x38;
	[tilespmem:$0x1E6A0] =	vst v63  }
0x3f: {  	_ = 	snop  }
0x40: {  	[spmem:s16] =	stream.linear.scatter [tilespmem:s24], [sflag:$0x9], $0x1800, $0x38;
	[tilespmem:$0x1E6A0] =	vst v63  }
0x41: {  	_ = 	snop  }
0x42: {  	[spmem:s17] =	stream.linear.scatter [tilespmem:s24], [sflag:$0x9], $0x1800, $0x38;
	[tilespmem:$0x1E6A0] =	vst v63  }
0x43: {  	_ = 	snop  }
0x44: {  	[spmem:s18] =	stream.linear.scatter [tilespmem:s24], [sflag:$0x9], $0x1800, $0x38;
	[tilespmem:$0x1E6A0] =	vst v63  }
0x45: {  	_ = 	snop  }
0x46: {  	[spmem:s19] =	stream.linear.scatter [tilespmem:s24], [sflag:$0x9], $0x1800, $0x38;
	[tilespmem:$0x1E6A0] =	vst v63  }
0x47: {  	_ = 	snop  }
0x48: {  	[spmem:s20] =	stream.linear.scatter [tilespmem:s24], [sflag:$0x9], $0x1800, $0x38;
	[tilespmem:$0x1E6A0] =	vst v63  }
0x49: {  	_ =	swait.ge [sflag:s25], $0x1800  }
0x4a: {  	[sflag:s25] =	ssyncset.done $0x0  }
0x4b: {  	[sflag:s25] =	ssyncadd.s32 $0xFFFFE800  }
0x4c: {  	_ =	swait.ge [sflag:s25], $0x1800  }
0x4d: {  	[sflag:s25] =	ssyncset.done $0x0  }
0x4e: {  	[sflag:s25] =	ssyncadd.s32 $0xFFFFE800  }
0x4f: {  	_ =	swait.ge [sflag:s25], $0x1800  }
0x50: {  	[sflag:s25] =	ssyncset.done $0x0  }
0x51: {  	[sflag:s25] =	ssyncadd.s32 $0xFFFFE800  }
0x52: {  	_ =	swait.ge [sflag:s25], $0x1800  }
0x53: {  	[sflag:s25] =	ssyncset.done $0x0  }
0x54: {  	[sflag:s25] =	ssyncadd.s32 $0xFFFFE800  }
0x55: {  	_ =	swait.ge [sflag:s25], $0x1800  }
0x56: {  	[sflag:s25] =	ssyncset.done $0x0  }
0x57: {  	[sflag:s25] =	ssyncadd.s32 $0xFFFFE800  }
0x58: {  	_ =	swait.ge [sflag:s25], $0x1800  }
0x59: {  	[sflag:s25] =	ssyncset.done $0x0  }
0x5a: {  	[sflag:s25] =	ssyncadd.s32 $0xFFFFE800  }
0x5b: {  	_ =	swait.ge [sflag:s25], $0x1800  }
0x5c: {  	[sflag:s25] =	ssyncset.done $0x0  }
0x5d: {  	[sflag:s25] =	ssyncadd.s32 $0xFFFFE800  }
0x5e: {  	_ =	swait.ge [sflag:s25], $0x1800  }
0x5f: {  	[sflag:s25] =	ssyncset.done $0x0  }
0x60: {  	[sflag:s25] =	ssyncadd.s32 $0xFFFFE800  }
0x61: {  	_ =	swait.ge [sflag:s25], $0x1800  }
0x62: {  	[sflag:s25] =	ssyncset.done $0x0  }
0x63: {  	[sflag:s25] =	ssyncadd.s32 $0xFFFFE800  }
0x64: {  	_ =	swait.ge [sflag:s25], $0x1800  }
0x65: {  	[sflag:s25] =	ssyncset.done $0x0  }
0x66: {  	[sflag:s25] =	ssyncadd.s32 $0xFFFFE800  }
0x67: {  	_ =	swait.ge [sflag:s25], $0x1800  }
0x68: {  	[sflag:s25] =	ssyncset.done $0x0  }
0x69: {  	[sflag:s25] =	ssyncadd.s32 $0xFFFFE800  }
0x6a: {  	_ =	swait.ge [sflag:s25], $0x1800  }
0x6b: {  	[sflag:s25] =	ssyncset.done $0x0  }
0x6c: {  	[sflag:s25] =	ssyncadd.s32 $0xFFFFE800  }
0x6d: {  	_ =	swait.ge [sflag:s25], $0x1800  }
0x6e: {  	[sflag:s25] =	ssyncset.done $0x0  }
0x6f: {  	[sflag:s25] =	ssyncadd.s32 $0xFFFFE800  }
0x70: {  	_ =	swait.ge [sflag:s25], $0x1800  }
0x71: {  	[sflag:s25] =	ssyncset.done $0x0  }
0x72: {  	[sflag:s25] =	ssyncadd.s32 $0xFFFFE800  }
0x73: {  	_ =	swait.ge [sflag:s26], $0x2710  }
0x74: {  	[sflag:s26] =	ssyncset.done $0x0  }
0x75: {  	[sflag:s26] =	ssyncadd.s32 $0xFFFFD8F0  }
0x76: {  	_ =	swait.ge [sflag:s28], $0x2710  }
0x77: {  	[sflag:s28] =	ssyncset.done $0x0  }
0x78: {  	[sflag:s28] =	ssyncadd.s32 $0xFFFFD8F0  }
0x79: {  	s15 =	simm.s32 $0x0;
	[bflag:$0x0] =	sbarrier.arrive $0xFFFF  }
0x7a: {  	[tilespmem:s24], [sflag:$0x1] =	stream.indirect.gather [hbm4b:s4+s29], $0x80, s15, s29, $0xb8;
	[tilespmem:$0x1E6A0] =	vst v63  }
0x7b: {  	_ = 	snop  }
0x7c: {  	[tilespmem:s30], [sflag:$0x2] =	stream.indirect.gather [hbm4b:s4+s29], $0x80, s29, s29, $0xb8;
	[tilespmem:$0x1E6A0] =	vst v63  }
0x7d: {  	s14 =	simm.s32 $0x60  }
0x7e: {  	[tilespmem:s1], [sflag:$0x3] =	stream.indirect.gather [hbm4b:s4+s29], $0x80, s14, s29, $0xb8;
	[tilespmem:$0x1E6A0] =	vst v63  }
0x7f: {  	_ =	swait.ge [sflag:s26], $0x1800  }
0x80: {  	[sflag:s26] =	ssyncset.done $0x0  }
0x81: {  	[sflag:s26] =	ssyncadd.s32 $0xFFFFE800  }
0x82: {  	[spmem:s2] =	stream.indirect.scatter.add.f32 [tilespmem:s24], [sflag:$0x5], $0x80, s23, s29, $0xb8;
	[tilespmem:$0x1E6A0] =	vst v63  }
0x83: {  	s15 =	simm.s32 $0x90  }
0x84: {  	[tilespmem:s31], [sflag:$0x4] =	stream.indirect.gather [hbm4b:s4+s29], $0x80, s15, s29, $0xb8;
	[tilespmem:$0x1E6A0] =	vst v63  }
0x85: {  	_ =	swait.ge [sflag:s28], $0x1800  }
0x86: {  	[sflag:s28] =	ssyncset.done $0x0  }
0x87: {  	s14 =	simm.s32 $0x2740;
	[sflag:s28] =	ssyncadd.s32 $0xFFFFE800  }
0x88: {  	[spmem:s2] =	stream.indirect.scatter.add.f32 [tilespmem:s30], [sflag:$0x6], $0x80, s14, s29, $0xb8;
	[tilespmem:$0x1E6A0] =	vst v63  }
0x89: {  	_ =	swait.ge [sflag:s0], $0x1800  }
0x8a: {  	[sflag:s0] =	ssyncset.done $0x0  }
0x8b: {  	s15 =	simm.s32 $0xC0;
	[sflag:s0] =	ssyncadd.s32 $0xFFFFE800  }
0x8c: {  	[tilespmem:s24], [sflag:$0x1] =	stream.indirect.gather [hbm4b:s4+s29], $0x80, s15, s29, $0xb8;
	[tilespmem:$0x1E6A0] =	vst v63  }
0x8d: {  	_ =	swait.ge [sflag:s3], $0x1800  }
0x8e: {  	[sflag:s3] =	ssyncset.done $0x0  }
0x8f: {  	s14 =	simm.s32 $0x2770;
	[sflag:s3] =	ssyncadd.s32 $0xFFFFE800  }
0x90: {  	[spmem:s2] =	stream.indirect.scatter.add.f32 [tilespmem:s1], [sflag:$0x7], $0x80, s14, s29, $0xb8;
	[tilespmem:$0x1E6A0] =	vst v63  }
0x91: {  	_ =	swait.ge [sflag:s5], $0x1800  }
0x92: {  	[sflag:s5] =	ssyncset.done $0x0  }
0x93: {  	s15 =	simm.s32 $0xF0;
	[sflag:s5] =	ssyncadd.s32 $0xFFFFE800  }
0x94: {  	[tilespmem:s30], [sflag:$0x2] =	stream.indirect.gather [hbm4b:s4+s29], $0x80, s15, s29, $0xb8;
	[tilespmem:$0x1E6A0] =	vst v63  }
0x95: {  	_ =	swait.ge [sflag:s7], $0x1800  }
0x96: {  	[sflag:s7] =	ssyncset.done $0x0  }
0x97: {  	s14 =	simm.s32 $0x27A0;
	[sflag:s7] =	ssyncadd.s32 $0xFFFFE800  }
0x98: {  	[spmem:s2] =	stream.indirect.scatter.add.f32 [tilespmem:s31], [sflag:$0x8], $0x80, s14, s29, $0xb8;
	[tilespmem:$0x1E6A0] =	vst v63  }
0x99: {  	_ =	swait.ge [sflag:s8], $0x1800  }
0x9a: {  	[sflag:s8] =	ssyncset.done $0x0  }
0x9b: {  	s15 =	simm.s32 $0x120;
	[sflag:s8] =	ssyncadd.s32 $0xFFFFE800  }
0x9c: {  	[tilespmem:s1], [sflag:$0x3] =	stream.indirect.gather [hbm4b:s4+s29], $0x80, s15, s29, $0xb8;
	[tilespmem:$0x1E6A0] =	vst v63  }
0x9d: {  	_ =	swait.ge [sflag:s26], $0x1800  }
0x9e: {  	[sflag:s26] =	ssyncset.done $0x0  }
0x9f: {  	s14 =	simm.s32 $0x27D0;
	[sflag:s26] =	ssyncadd.s32 $0xFFFFE800  }
0xa0: {  	[spmem:s2] =	stream.indirect.scatter.add.f32 [tilespmem:s24], [sflag:$0x5], $0x80, s14, s29, $0xb8;
	[tilespmem:$0x1E6A0] =	vst v63  }
0xa1: {  	_ =	swait.ge [sflag:s9], $0x1800  }
0xa2: {  	[sflag:s9] =	ssyncset.done $0x0  }
0xa3: {  	s15 =	simm.s32 $0x150;
	[sflag:s9] =	ssyncadd.s32 $0xFFFFE800  }
0xa4: {  	[tilespmem:s31], [sflag:$0x4] =	stream.indirect.gather [hbm4b:s4+s29], $0x80, s15, s29, $0xb8;
	[tilespmem:$0x1E6A0] =	vst v63  }
0xa5: {  	_ =	swait.ge [sflag:s28], $0x1800  }
0xa6: {  	[sflag:s28] =	ssyncset.done $0x0  }
0xa7: {  	s14 =	simm.s32 $0x2800;
	[sflag:s28] =	ssyncadd.s32 $0xFFFFE800  }
0xa8: {  	[spmem:s2] =	stream.indirect.scatter.add.f32 [tilespmem:s30], [sflag:$0x6], $0x80, s14, s29, $0xb8;
	[tilespmem:$0x1E6A0] =	vst v63  }
0xa9: {  	_ =	swait.ge [sflag:s0], $0x1800  }
0xaa: {  	[sflag:s0] =	ssyncset.done $0x0  }
0xab: {  	s15 =	simm.s32 $0x180;
	[sflag:s0] =	ssyncadd.s32 $0xFFFFE800  }
0xac: {  	[tilespmem:s24], [sflag:$0x1] =	stream.indirect.gather [hbm4b:s4+s29], $0x80, s15, s29, $0xb8;
	[tilespmem:$0x1E6A0] =	vst v63  }
0xad: {  	_ =	swait.ge [sflag:s3], $0x1800  }
0xae: {  	[sflag:s3] =	ssyncset.done $0x0  }
0xaf: {  	s14 =	simm.s32 $0x2830;
	[sflag:s3] =	ssyncadd.s32 $0xFFFFE800  }
0xb0: {  	[spmem:s2] =	stream.indirect.scatter.add.f32 [tilespmem:s1], [sflag:$0x7], $0x80, s14, s29, $0xb8;
	[tilespmem:$0x1E6A0] =	vst v63  }
0xb1: {  	_ =	swait.ge [sflag:s5], $0x1800  }
0xb2: {  	[sflag:s5] =	ssyncset.done $0x0  }
0xb3: {  	s15 =	simm.s32 $0x1B0;
	[sflag:s5] =	ssyncadd.s32 $0xFFFFE800  }
0xb4: {  	[tilespmem:s30], [sflag:$0x2] =	stream.indirect.gather [hbm4b:s4+s29], $0x80, s15, s29, $0xb8;
	[tilespmem:$0x1E6A0] =	vst v63  }
0xb5: {  	_ =	swait.ge [sflag:s7], $0x1800  }
0xb6: {  	[sflag:s7] =	ssyncset.done $0x0  }
0xb7: {  	s13 =	simm.s32 $0x300;
	s14 =	simm.s32 $0x2860;
	[sflag:s7] =	ssyncadd.s32 $0xFFFFE800  }
.LBB2_4:
0xb8: {  	[spmem:s2] =	stream.indirect.scatter.add.f32 [tilespmem:s31], [sflag:$0x8], $0x80, s14, s29, $0xb8;
	[tilespmem:$0x1E6A0] =	vst v63  }
0xb9: {  	s14 =	smov.u32 s13;
	s13 =	sadd.s32 $0x300, s13;
	_ =	swait.ge [sflag:s8], $0x1800  }
0xba: {  	s14 =	sshra.s32 s14, $0x2;
	p0 =	sne.s32 s13, $0x9600;
	[sflag:s8] =	ssyncset.done $0x0  }
0xbb: {  	s15 =	sadd.s32 $0x120, s14;
	[sflag:s8] =	ssyncadd.s32 $0xFFFFE800  }
0xbc: {  	[tilespmem:s1], [sflag:$0x3] =	stream.indirect.gather [hbm4b:s4+s29], $0x80, s15, s29, $0xb8;
	[tilespmem:$0x1E6A0] =	vst v63  }
0xbd: {  	_ =	swait.ge [sflag:s26], $0x1800  }
0xbe: {  	[sflag:s26] =	ssyncset.done $0x0  }
0xbf: {  	s15 =	sadd.s32 $0x27D0, s14;
	[sflag:s26] =	ssyncadd.s32 $0xFFFFE800  }
0xc0: {  	[spmem:s2] =	stream.indirect.scatter.add.f32 [tilespmem:s24], [sflag:$0x5], $0x80, s15, s29, $0xb8;
	[tilespmem:$0x1E6A0] =	vst v63  }
0xc1: {  	_ =	swait.ge [sflag:s9], $0x1800  }
0xc2: {  	[sflag:s9] =	ssyncset.done $0x0  }
0xc3: {  	s15 =	sadd.s32 $0x150, s14;
	[sflag:s9] =	ssyncadd.s32 $0xFFFFE800  }
0xc4: {  	[tilespmem:s31], [sflag:$0x4] =	stream.indirect.gather [hbm4b:s4+s29], $0x80, s15, s29, $0xb8;
	[tilespmem:$0x1E6A0] =	vst v63  }
0xc5: {  	_ =	swait.ge [sflag:s28], $0x1800  }
0xc6: {  	[sflag:s28] =	ssyncset.done $0x0  }
0xc7: {  	s15 =	sadd.s32 $0x2800, s14;
	[sflag:s28] =	ssyncadd.s32 $0xFFFFE800  }
0xc8: {  	[spmem:s2] =	stream.indirect.scatter.add.f32 [tilespmem:s30], [sflag:$0x6], $0x80, s15, s29, $0xb8;
	[tilespmem:$0x1E6A0] =	vst v63  }
0xc9: {  	_ =	swait.ge [sflag:s0], $0x1800  }
0xca: {  	[sflag:s0] =	ssyncset.done $0x0  }
0xcb: {  	s15 =	sadd.s32 $0x180, s14;
	[sflag:s0] =	ssyncadd.s32 $0xFFFFE800  }
0xcc: {  	[tilespmem:s24], [sflag:$0x1] =	stream.indirect.gather [hbm4b:s4+s29], $0x80, s15, s29, $0xb8;
	[tilespmem:$0x1E6A0] =	vst v63  }
0xcd: {  	_ =	swait.ge [sflag:s3], $0x1800  }
0xce: {  	[sflag:s3] =	ssyncset.done $0x0  }
0xcf: {  	s15 =	sadd.s32 $0x2830, s14;
	[sflag:s3] =	ssyncadd.s32 $0xFFFFE800  }
0xd0: {  	[spmem:s2] =	stream.indirect.scatter.add.f32 [tilespmem:s1], [sflag:$0x7], $0x80, s15, s29, $0xb8;
	[tilespmem:$0x1E6A0] =	vst v63  }
0xd1: {  	_ =	swait.ge [sflag:s5], $0x1800  }
0xd2: {  	[sflag:s5] =	ssyncset.done $0x0  }
.Ltmp1:
0xd3: {  	s15 =	sadd.s32 $0x1B0, s14;
	[sflag:s5] =	ssyncadd.s32 $0xFFFFE800;
	(pc) =	sbr.rel @p0 .LBB2_4-.Ltmp1, $4  }
0xd4: {  	[tilespmem:s30], [sflag:$0x2] =	stream.indirect.gather [hbm4b:s4+s29], $0x80, s15, s29, $0xb8;
	[tilespmem:$0x1E6A0] =	vst v63  }
0xd5: {  	_ =	swait.ge [sflag:s7], $0x1800  }
0xd6: {  	[sflag:s7] =	ssyncset.done $0x0  }
0xd7: {  	s14 =	sadd.s32 $0x2860, s14;
	[sflag:s7] =	ssyncadd.s32 $0xFFFFE800  }
0xd8: {  	[spmem:s2] =	stream.indirect.scatter.add.f32 [tilespmem:s31], [sflag:$0x8], $0x80, s14, s29, $0xb8;
	[tilespmem:$0x1E6A0] =	vst v63  }
0xd9: {  	_ =	swait.ge [sflag:s8], $0x1800  }
0xda: {  	s13 =	sshra.s32 s13, $0x2;
	[sflag:s8] =	ssyncset.done $0x0  }
0xdb: {  	s15 =	sadd.s32 $0x120, s13;
	[sflag:s8] =	ssyncadd.s32 $0xFFFFE800  }
0xdc: {  	[tilespmem:s1], [sflag:$0x3] =	stream.indirect.gather [hbm4b:s4+s29], $0x80, s15, s29, $0xb8;
	[tilespmem:$0x1E6A0] =	vst v63  }
0xdd: {  	_ =	swait.ge [sflag:s26], $0x1800  }
0xde: {  	[sflag:s26] =	ssyncset.done $0x0  }
0xdf: {  	s15 =	sadd.s32 $0x27D0, s13;
	[sflag:s26] =	ssyncadd.s32 $0xFFFFE800  }
0xe0: {  	[spmem:s2] =	stream.indirect.scatter.add.f32 [tilespmem:s24], [sflag:$0x5], $0x80, s15, s29, $0xb8;
	[tilespmem:$0x1E6A0] =	vst v63  }
0xe1: {  	_ =	swait.ge [sflag:s9], $0x1800  }
0xe2: {  	[sflag:s9] =	ssyncset.done $0x0  }
0xe3: {  	s15 =	simm.s32 $0x26D0;
	[sflag:s9] =	ssyncadd.s32 $0xFFFFE800  }
0xe4: {  	[tilespmem:s31], [sflag:$0x4] =	stream.indirect.gather [hbm4b:s4+s29], $0x80, s15, s29, $0xb8;
	[tilespmem:$0x1E6A0] =	vst v63  }
0xe5: {  	_ =	swait.ge [sflag:s28], $0x1800  }
0xe6: {  	[sflag:s28] =	ssyncset.done $0x0  }
0xe7: {  	s15 =	sadd.s32 $0x2800, s13;
	[sflag:s28] =	ssyncadd.s32 $0xFFFFE800  }
0xe8: {  	[spmem:s2] =	stream.indirect.scatter.add.f32 [tilespmem:s30], [sflag:$0x6], $0x80, s15, s29, $0xb8;
	[tilespmem:$0x1E6A0] =	vst v63  }
0xe9: {  	_ =	swait.ge [sflag:s3], $0x1800  }
0xea: {  	[sflag:s3] =	ssyncset.done $0x0  }
0xeb: {  	s13 =	sadd.s32 $0x2830, s13;
	[sflag:s3] =	ssyncadd.s32 $0xFFFFE800  }
0xec: {  	[spmem:s2] =	stream.indirect.scatter.add.f32 [tilespmem:s1], [sflag:$0x7], $0x80, s13, s29, $0xb8;
	[tilespmem:$0x1E6A0] =	vst v63  }
0xed: {  	_ =	swait.ge [sflag:s7], $0x1800  }
0xee: {  	[sflag:s7] =	ssyncset.done $0x0  }
0xef: {  	s15 =	simm.s32 $0x4DE0;
	[sflag:s7] =	ssyncadd.s32 $0xFFFFE800  }
0xf0: {  	[spmem:s2] =	stream.indirect.scatter.add.f32 [tilespmem:s31], [sflag:$0x8], $0x80, s15, s29, $0xb8;
	[tilespmem:$0x1E6A0] =	vst v63  }
0xf1: {  	_ =	swait.ge [sflag:s0], $0x1800  }
0xf2: {  	[sflag:s0] =	ssyncset.done $0x0  }
0xf3: {  	[sflag:s0] =	ssyncadd.s32 $0xFFFFE800  }
0xf4: {  	_ =	swait.ge [sflag:s5], $0x1800  }
0xf5: {  	[sflag:s5] =	ssyncset.done $0x0  }
0xf6: {  	[sflag:s5] =	ssyncadd.s32 $0xFFFFE800  }
0xf7: {  	_ =	swait.ge [sflag:s8], $0x1800  }
0xf8: {  	[sflag:s8] =	ssyncset.done $0x0  }
0xf9: {  	[sflag:s8] =	ssyncadd.s32 $0xFFFFE800  }
0xfa: {  	_ =	swait.ge [sflag:s9], $0x1800  }
0xfb: {  	[sflag:s9] =	ssyncset.done $0x0  }
0xfc: {  	s14 =	simm.s32 $0x2700;
	[sflag:s9] =	ssyncadd.s32 $0xFFFFE800  }
0xfd: {  	[tilespmem:s24], [sflag:$0xA] =	stream.indirect.gather [hbm4b:s4+s10], $0x80, s14, s10, $0xb8;
	[tilespmem:$0x1E6A0] =	vst v63  }
0xfe: {  	_ =	swait.ge [sflag:s11], $0x800  }
0xff: {  	[sflag:s11] =	ssyncset.done $0x0  }
0x100: {  	s15 =	simm.s32 $0x4E10;
	[sflag:s11] =	ssyncadd.s32 $0xFFFFF800  }
0x101: {  	[spmem:s2] =	stream.indirect.scatter.add.f32 [tilespmem:s24], [sflag:$0xA], $0x80, s15, s10, $0xb8;
	[tilespmem:$0x1E6A0] =	vst v63  }
0x102: {  	s14 =	stileid.u32;
	_ =	swait.ge [sflag:s11], $0x800  }
0x103: {  	s12 =	sadd.s32 $0x1, s12;
	s13 =	sshll.u32 s14, $0x6;
	[sflag:s11] =	ssyncset.done $0x0  }
0x104: {  	p0 =	sne.s32 s12, s22;
	s13 =	sor.u32 $0x1C0A, s13;
	[sflag:s11] =	ssyncadd.s32 $0xFFFFF800  }
.Ltmp2:
0x105: {  	s15 =	sshrl.u32 s6, $0x3;
	[bflag:$0x0] =	sbarrier.arrive $0xFFFF;
	(pc) =	sbr.rel @p0 .LBB2_1-.Ltmp2, $4  }
0x106: {  	[hbm:s21], [sflag:s13] =	dma.local [spmem:s15], $0x2710  }
0x107: {  	_ =	swait.ge [sflag:s11], $0x2710  }
0x108: {  	[sflag:s11] =	ssyncset.done $0x0  }
0x109: {  	[sflag:s11] =	ssyncadd.s32 $0xFFFFD8F0  }
0x10a: {  	_ =	sfence.sel $0x180000  }
0x10b: {  	[bflag:$0x0] =	sbarrier.arrive $0xFFFF  }
0x10c: {  	_ =	strace $0x9000004A  }
0x10d: {  	s0 =	stileid.u32;
	[bflag:$0x2] =	sbarrier.arrive $0xFFFF  }
0x10e: {  	p0 =	sne.s32 s0, $0x0;
	s0 =	rddreg [dreg:$0x2]  }
0x10f: {  	s0 =	sadd.s32 @!p0 $0x100000, s0  }
0x110: {  	[sflag:s0] =	ssyncadd.tile.s32 @!p0 $0x1;
	_ =	shalt  }
.Lfunc_end2:
_tile_overlayer_lowered:
.L_overlay_start_2:
0x111: {  	(tag) =	ssettag $0x2  }
0x112: {  	s0 =	rddreg [dreg:$0x0];
	s2 =	stileid.u32  }
0x113: {  	s1 =	rddreg [dreg:$0x1];
	p0 =	sne.s32 s2, $0x0  }
0x114: {  	s3 =	rddreg [dreg:$0x2];
	[bflag:$0x3] =	sbarrier.arrive $0xFFFF;
	s2 =	simm.s32 @!p0 $0x1C0A  }
0x115: {  	[timem:s3], [sflag:s2] =	dma.local @!p0 [hbm:s0], s1  }
0x116: {  	s0 =	simm.s32 @!p0 $0xA  }
0x117: {  	_ =	swait.ge @!p0 [sflag:s0], s1  }
0x118: {  	s1 =	ssub.s32 @!p0 $0x0, s1;
	[sflag:s0] =	ssyncset.done @!p0 $0x0  }
0x119: {  	[sflag:s0] =	ssyncadd.s32 @!p0 s1  }
0x11a: {  	[bflag:$0x3] =	sbarrier.arrive $0xFFFF  }
0x11b: {  	_ =	shalt  }

// kernel: kernel.14.cloned.1.call-start
scs
__scs_entry_jumppad:
0x0: {  	(pc) =	sbr.rel $0x88, $3  }
0x1: {  	(tag) =	ssettag $0x0;
	lr =	simm.s32 $0x1  }
0x2: {  	[smem:$0x3F9B] =	sst lr;
	_ =	strace $0xD0000000  }
0x3: {  	_ = 	snop  }
0x4: {  	_ = 	snop  }
0x5: {  	_ = 	snop  }
0x6: {  	_ = 	snop  }
0x7: {  	_ = 	snop  }
__scs_overlays_trampoline_lowered:
0x8: {  	[smem:$0x3FAA] =	sst s0  }
0x9: {  	[smem:$0x3FAB] =	sst s1  }
0xa: {  	[smem:$0x3FAC] =	sst s2  }
0xb: {  	[smem:$0x3FAD] =	sst s3  }
0xc: {  	[smem:$0x3FAE] =	sst s4  }
0xd: {  	[smem:$0x3FAF] =	sst s5  }
0xe: {  	[smem:$0x3FB0] =	sst s6  }
0xf: {  	[smem:$0x3FB1] =	sst s7  }
0x10: {  	[smem:$0x3FB2] =	sst s8  }
0x11: {  	[smem:$0x3FB3] =	sst s9;
	s0 =	simm.s32 @!p0 $0x0  }
0x12: {  	s1 =	sld [smem:$0x3F99];
	s0 =	simm.s32 @p0 $0x1  }
0x13: {  	[smem:$0x3FB4] =	sst s0;
	s0 =	simm.s32 @!p1 $0x0  }
0x14: {  	s2 =	sld [smem:$0x3F98];
	s0 =	simm.s32 @p1 $0x1  }
0x15: {  	[smem:$0x3FB5] =	sst s0;
	s0 =	simm.s32 @!p2 $0x0  }
0x16: {  	s3 =	sld [smem:$0x3FDB];
	s0 =	simm.s32 @p2 $0x1  }
0x17: {  	s4 =	simm.s32 $0x1BF5;
	[smem:$0x3FB7] =	sst s0  }
0x18: {  	s0 =	sld [smem:$0x3F9A];
	_ =	swait.ge [sflag:s4], $0x0  }
0x19: {  	s7 =	sld [smem:$0x3F9B]  }
0x1a: {  	s8 =	sadd.s32 $0xFFFFE003, lr  }
0x1b: {  	s9 =	sadd.s32 $0xFFFFFEF7, lr;
	s5 =	simm.s32 $0xFFFFFFFF;
	p2 =	slt.u32 s8, $0xFFFFF086  }
0x1c: {  	p1 =	slt.u32 s9, $0xF7A;
	s5 =	simm.s32 @!p2 $0x0  }
0x1d: {  	s5 =	simm.s32 @p1 $0x1;
	p0 =	seq.s32 s7, s2  }
0x1e: {  	s7 =	smul.u32 @!p0 $0xF7A, s2;
	p2 =	seq.s32 @!p0 s5, $0x0  }
0x1f: {  	s9 =	smul.u32 $0xF7A, s1;
	s8 =	simm.s32 @!p0 $0x1BF5;
	p2 =	por !p2, p0  }
0x20: {  	[sflag:s8] =	ssyncset.s32 @!p0 $0xFFFFF086;
	s6 =	sadd.s32 @!p0 s3, s7;
	s7 =	simm.s32 @!p0 $0x108  }
0x21: {  	s3 =	sadd.s32 s3, s9;
	s6 =	sadd.s32 @!p0 $0x88, s6;
	s7 =	simm.s32 @p2 $0x1082  }
0x22: {  	[simem:s7], [sflag:s8] =	dma.local @!p0 [hbm:s6], $0xF7A  }
0x23: {  	s9 =	sor.u32 $0xD0000000, s2;
	s6 =	simm.s32 $0x108;
	_ =	swait.ge @!p0 [sflag:s8], $0x0  }
0x24: {  	s3 =	sadd.s32 $0x88, s3;
	s6 =	simm.s32 @!p1 $0x1082;
	[sflag:s4] =	ssyncset.s32 $0xFFFFF086  }
0x25: {  	[simem:s6], [sflag:s4] =	dma.local [hbm:s3], $0xF7A  }
0x26: {  	[smem:$0x3F9B] =	sst s1;
	(tag) =	ssettag s2;
	_ =	strace s9  }
0x27: {  	s1 =	sld [smem:$0x3FAB]  }
0x28: {  	s2 =	sld [smem:$0x3FAC]  }
0x29: {  	s4 =	sld [smem:$0x3FAE]  }
0x2a: {  	p0 =	seq.s32 s5, $0x0;
	s5 =	sld [smem:$0x3FAF]  }
0x2b: {  	s6 =	sld [smem:$0x3FB0]  }
0x2c: {  	s7 =	sld [smem:$0x3FB1]  }
0x2d: {  	s3 =	simm.s32 $0x108;
	s8 =	sld [smem:$0x3FB2]  }
0x2e: {  	s3 =	simm.s32 @!p0 $0x1082;
	s9 =	sld [smem:$0x3FB3]  }
0x2f: {  	lr =	sadd.s32 s0, s3;
	s0 =	sld [smem:$0x3FAA]  }
0x30: {  	s3 =	sld [smem:$0x3FAD]  }
0x31: {  	[smem:$0x3FB6] =	sst s10  }
0x32: {  	s10 =	sld [smem:$0x3FB4];
	_ =	sdelay $0x3  }
0x33: {  	p0 =	seq.s32 s10, $0x1;
	s10 =	sld [smem:$0x3FB6];
	_ =	sdelay $0x3  }
0x34: {  	[smem:$0x3FB6] =	sst s10  }
0x35: {  	s10 =	sld [smem:$0x3FB5];
	_ =	sdelay $0x3  }
0x36: {  	p1 =	seq.s32 s10, $0x1;
	s10 =	sld [smem:$0x3FB6];
	_ =	sdelay $0x3  }
0x37: {  	[smem:$0x3FB6] =	sst s10  }
0x38: {  	s10 =	sld [smem:$0x3FB7]  }
0x39: {  	_ = 	snop;
	(pc) =	sbr.ind lr, $3  }
0x3a: {  	_ = 	snop  }
0x3b: {  	_ = 	snop  }
0x3c: {  	p2 =	seq.s32 s10, $0x1;
	s10 =	sld [smem:$0x3FB6]  }
0x3d: {  	_ =	shalt  }
0x3e: {  	_ =	shalt  }
0x3f: {  	_ =	shalt  }
0x40: {  	_ =	shalt  }
0x41: {  	_ =	shalt  }
0x42: {  	_ =	shalt  }
0x43: {  	_ =	shalt  }
0x44: {  	_ =	shalt  }
0x45: {  	_ =	shalt  }
0x46: {  	_ =	shalt  }
0x47: {  	_ =	shalt  }
0x48: {  	_ =	shalt  }
0x49: {  	_ =	shalt  }
0x4a: {  	_ =	shalt  }
0x4b: {  	_ =	shalt  }
0x4c: {  	_ =	shalt  }
0x4d: {  	_ =	shalt  }
0x4e: {  	_ =	shalt  }
0x4f: {  	_ =	shalt  }
0x50: {  	_ =	shalt  }
0x51: {  	_ =	shalt  }
0x52: {  	_ =	shalt  }
0x53: {  	_ =	shalt  }
0x54: {  	_ =	shalt  }
0x55: {  	_ =	shalt  }
0x56: {  	_ =	shalt  }
0x57: {  	_ =	shalt  }
0x58: {  	_ =	shalt  }
0x59: {  	_ =	shalt  }
0x5a: {  	_ =	shalt  }
0x5b: {  	_ =	shalt  }
0x5c: {  	_ =	shalt  }
0x5d: {  	_ =	shalt  }
0x5e: {  	_ =	shalt  }
0x5f: {  	_ =	shalt  }
0x60: {  	_ =	shalt  }
0x61: {  	_ =	shalt  }
0x62: {  	_ =	shalt  }
0x63: {  	_ =	shalt  }
0x64: {  	_ =	shalt  }
0x65: {  	_ =	shalt  }
0x66: {  	_ =	shalt  }
0x67: {  	_ =	shalt  }
0x68: {  	_ =	shalt  }
0x69: {  	_ =	shalt  }
0x6a: {  	_ =	shalt  }
0x6b: {  	_ =	shalt  }
0x6c: {  	_ =	shalt  }
0x6d: {  	_ =	shalt  }
0x6e: {  	_ =	shalt  }
0x6f: {  	_ =	shalt  }
0x70: {  	_ =	shalt  }
0x71: {  	_ =	shalt  }
0x72: {  	_ =	shalt  }
0x73: {  	_ =	shalt  }
0x74: {  	_ =	shalt  }
0x75: {  	_ =	shalt  }
0x76: {  	_ =	shalt  }
0x77: {  	_ =	shalt  }
0x78: {  	_ =	shalt  }
0x79: {  	_ =	shalt  }
0x7a: {  	_ =	shalt  }
0x7b: {  	_ =	shalt  }
0x7c: {  	_ =	shalt  }
0x7d: {  	_ =	shalt  }
0x7e: {  	_ =	shalt  }
0x7f: {  	_ =	shalt  }
0x80: {  	_ =	shalt  }
0x81: {  	_ =	shalt  }
0x82: {  	_ =	shalt  }
0x83: {  	_ =	shalt  }
0x84: {  	_ =	shalt  }
0x85: {  	_ =	shalt  }
0x86: {  	_ =	shalt  }
0x87: {  	_ =	shalt  }
.Lfunc_end0:
.L_simem_size_0:
called_computation.2_lowered:
.L_overlay_start_0:
0x88: {  	s2 =	sld [smem:$0x3FD9]  }
0x89: {  	s3 =	sld [smem:$0x3FFE];
	_ =	sdelay $0x1  }
0x8a: {  	s1 =	srdreg.scid  }
0x8b: {  	s0 =	sand.u32 $0x1, s1  }
0x8c: {  	s17 =	sshll.u32 s0, $0xA;
	s2 =	sadd.s32 s3, s2  }
0x8d: {  	s2 =	sadd.s32 s2, s17  }
0x8e: {  	[smem:$0x3FC2] =	sst s2  }
0x8f: {  	_ = 	snop  }
0x90: {  	s2 =	sld [smem:$0x3FD0];
	(tm) =	ssettm $0x1  }
0x91: {  	s18 =	sld [smem:$0x3FFB];
	_ =	sdelay $0x3  }
0x92: {  	_ =	strace s18  }
0x93: {  	s3 =	sld [smem:$0x3FFC];
	_ =	sdelay $0x3  }
0x94: {  	_ =	strace s3  }
0x95: {  	s3 =	sld [smem:$0x3FFD];
	_ =	sdelay $0x3  }
0x96: {  	_ =	strace s3  }
0x97: {  	_ =	strace $0x8FFFFFFF  }
0x98: {  	s19 =	sld [smem:$0x3FDB];
	_ =	sdelay $0x1  }
0x99: {  	s4 =	simm.s32 $_scs_section_size  }
0x9a: {  	s5 =	simm.s32 $_size__tile_overlayer_lowered;
	s6 =	simm.s32 $_tile_overlayer_lowered  }
0x9b: {  	s22 =	simm.s32 $0x1BFF;
	s21 =	sshll.u32 s6, $0x1;
	s3 =	sadd.s32 s4, s19  }
0x9c: {  	s7 =	simm.s32 $0x0;
	s20 =	sshll.u32 s5, $0x1;
	s5 =	sadd.s32 s21, s3  }
0x9d: {  	[timem:s7], [sflag:s22] =	dma.local [hbm:s5], s20  }
0x9e: {  	_ =	swait.ge [sflag:s22], s20  }
0x9f: {  	s4 =	ssub.s32 $0x0, s20;
	[sflag:s22] =	ssyncset.done $0x0  }
0xa0: {  	[sflag:s22] =	ssyncadd.s32 s4;
	_ =	sdelay $0x1  }
0xa1: {  	s23 =	simm.s32 $0x1B8B  }
0xa2: {  	_ =	swait.ge [sflag:s23], $0x1  }
0xa3: {  	[sflag:s23] =	ssyncset.done $0x0  }
0xa4: {  	s25 =	simm.s32 $0x1B8E;
	s24 =	sld [smem:$0x3FFE];
	[sflag:s23] =	ssyncadd.s32 $0xFFFFFFFF  }
0xa5: {  	s26 =	simm.s32 $execute0_lowered;
	[smem:$0x3FD2] =	sst s25  }
0xa6: {  	s5 =	sshll.u32 s26, $0x1;
	_ =	strace $0x8000004C;
	[dreg:$0x1] =	wrdreg $0xFFFFFFFF  }
0xa7: {  	s28 =	simm.s32 $_size_execute0_lowered;
	s3 =	sadd.s32 s3, s5;
	[dreg:$0x0] =	wrdreg $0x0  }
0xa8: {  	s5 =	sshll.u32 s28, $0x1;
	[dreg:$0x2] =	wrdreg s3  }
0xa9: {  	[dreg:$0x3] =	wrdreg s5  }
0xaa: {  	[dreg:$0x4] =	wrdreg $0xC0  }
0xab: {  	_ =	task [dreg:s7], $0x5FFFF  }
0xac: {  	[dreg:$0x1] =	wrdreg $0xFFFFFFFF  }
0xad: {  	[dreg:$0x0] =	wrdreg $0x60  }
0xae: {  	[dreg:$0x2] =	wrdreg s2  }
0xaf: {  	[dreg:$0x3] =	wrdreg s24  }
0xb0: {  	[dreg:$0x4] =	wrdreg $0x148200  }
0xb1: {  	[dreg:$0x5] =	wrdreg $0x9  }
0xb2: {  	_ =	task.clear_ibuf [dreg:s7], $0x6FFFF;
	_ =	strace $0x9000004C  }
0xb3: {  	s29 =	simm.s32 $0x9;
	_ =	strace $0x8000004E  }
0xb4: {  	_ =	swait.ge [sflag:s29], $0x1  }
0xb5: {  	[sflag:s29] =	ssyncadd.s32 $0xFFFFFFFF  }
0xb6: {  	_ =	strace $0x9000004E  }
0xb7: {  	_ =	sfence  }
0xb8: {  	s30 =	sld [smem:$0x0];
	_ =	sdelay $0x2  }
0xb9: {  	s31 =	sshll.u32 s1, $0xD;
	s1 =	sshrl.u32 s1, $0x2  }
0xba: {  	s3 =	sand.u32 $0x4000, s31;
	s1 =	sadd.s32 s1, s30  }
0xbb: {  	s0 =	sor.u32 s3, s0;
	s1 =	sshll.u32 s1, $0x11  }
0xbc: {  	s0 =	sor.u32 s1, s0  }
0xbd: {  	s0 =	sadd.s32 $0x8F2B, s0  }
0xbe: {  	[sflag:s0] =	ssyncadd.remote.s32 $0x1  }
0xbf: {  	_ =	sfence.sel $0xFFFF  }
0xc0: {  	[dreg:$0x0] =	wrdreg $0xFFFFFFFF;
	(pc) =	sbr.abs _section_cstart, $3  }
0xc1: {  	[dreg:$0x1] =	wrdreg $0xFFFFFFFF  }
0xc2: {  	_ =	task.clear_ibuf [dreg:s7], $0x2FFFF;
	_ =	strace $0x9FFFFFFF  }
0xc3: {  	(tm) =	ssettm $0x7FFFFFFF  }
tec
execute0_lowered:
.L_overlay_start_1:
0x0: {  	(tag) =	ssettag $0x1  }
0x1: {  	s0 =	srdreg.scid;
	s1 =	rddreg [dreg:$0x0]  }
0x2: {  	s8 =	stileid.u32;
	s5 =	rddreg [dreg:$0x1]  }
0x3: {  	s3 =	rddreg [dreg:$0x2];
	s4 =	simm.s32 $0x0;
	s10 =	simm.s32 $0x2710  }
0x4: {  	s11 =	simm.s32 $0x4E20;
	s12 =	simm.s32 $0x9;
	s13 =	simm.s32 $0x1  }
0x5: {  	s14 =	simm.s32 $0x2;
	s15 =	simm.s32 $0x3E8;
	s16 =	simm.s32 $0x8CA0  }
0x6: {  	s18 =	simm.s32 $0xCB20;
	s20 =	simm.s32 $0x109A0;
	s22 =	simm.s32 $0x5  }
0x7: {  	s24 =	simm.s32 $0x3;
	s29 =	simm.s32 $0x4;
	s31 =	simm.s32 $0x7  }
0x8: {  	s17 =	simm.s32 $0x8;
	s30 =	simm.s32 $0x4268;
	s19 =	simm.s32 $0x10  }
0x9: {  	s21 =	simm.s32 $0xA;
	s23 =	simm.s32 $0x0;
	s6 =	smul.u32 $0x2800, s8  }
0xa: {  	s0 =	sand.u32 $0x1, s0;
	[smem:$0x7FF] =	sst s4;
	s25 =	smul.u32 $0xA000, s8  }
0xb: {  	s2 =	sshll.u32 s0, $0x4;
	s7 =	smul.u32 $0x28000, s0;
	s0 =	ssub.s32 $0x2, s0  }
0xc: {  	_ =	strace $0x8000004D;
	s2 =	sor.u32 s8, s2;
	s28 =	sshrl.u32 s0, $0x1  }
0xd: {  	s2 =	smul.u32 $0x2710, s2;
	s6 =	sadd.s32 s6, s7;
	s7 =	sshrl.u32 s25, $0x2  }
0xe: {  	s0 =	ssub.s32 s0, s28;
	s26 =	sadd.s32 s6, s5;
	s7 =	sadd.s32 s7, s3  }
0xf: {  	s9 =	smax.u32 s0, $0x1;
	s0 =	simm.s32 $0x4A38;
	s2 =	sshrl.u32 s2, $0x3  }
0x10: {  	s8 =	sadd.s32 $0x15E00, s26;
	s26 =	simm.s32 $0x6;
	s2 =	sadd.s32 s2, s5  }
0x11: {  	v0 =	vimm.f32 $0.0e+00;
	s5 =	sadd.s32 $0x2400, s2;
	s6 =	sadd.s32 $0xC040, s2;
	s2 =	simm.s32 $0x4650  }
.LBB2_1:
0x12: {  	[tilespmem:s4], [sflag:$0x1] =	stream.linear.gather [hbm4b:s5+s4], $0x2710, $0x38;
	[tilespmem:$0x17020] =	vst v63  }
0x13: {  	s25 =	simm.s32 $0x40;
	s28 =	simm.s32 $0x0  }
0x14: {  	[tilespmem:s10], [sflag:$0x2] =	stream.linear.gather [hbm4b:s6+s4], $0x2710, $0x38;
	[tilespmem:$0x17020] =	vst v63  }
.LBB2_2:
0x15: {  	p0 =	sne.s32 s25, $0x9FC0;
	[tilespmem:s28+$0x4E20] =	vst v0;
	s28 =	smov.u32 s25;
	s25 =	sadd.s32 $0x40, s25  }
.Ltmp0:
0x16: {  	(pc) =	sbr.rel @p0 .LBB2_2-.Ltmp0, $2  }
0x17: {  	_ =	sdelay $0x2  }
0x18: {  	s28 =	sshra.s32 s28, $0x2  }
0x19: {  	[tilespmem:s28+$0x4E20] =	vst v0  }
0x1a: {  	[spmem:s7] =	stream.linear.scatter [tilespmem:s11], [sflag:$0x9], $0x2800, $0x38;
	[tilespmem:$0x17020] =	vst v63  }
0x1b: {  	_ =	swait.ge [sflag:s12], $0x2800  }
0x1c: {  	[sflag:s12] =	ssyncset.done $0x0  }
0x1d: {  	[sflag:s12] =	ssyncadd.s32 $0xFFFFD800  }
0x1e: {  	_ =	swait.ge [sflag:s13], $0x2710  }
0x1f: {  	[sflag:s13] =	ssyncset.done $0x0  }
0x20: {  	[sflag:s13] =	ssyncadd.s32 $0xFFFFD8F0  }
0x21: {  	_ =	swait.ge [sflag:s14], $0x2710  }
0x22: {  	[sflag:s14] =	ssyncset.done $0x0  }
0x23: {  	[sflag:s14] =	ssyncadd.s32 $0xFFFFD8F0  }
0x24: {  	[bflag:$0x0] =	sbarrier.arrive $0xFFFF  }
0x25: {  	[tilespmem:s11], [sflag:$0x1] =	stream.indirect.gather [hbm4b:s1+s15], $0x10, s4, s15, $0xb8;
	[tilespmem:$0x17020] =	vst v63  }
0x26: {  	_ = 	snop  }
0x27: {  	[tilespmem:s16], [sflag:$0x2] =	stream.indirect.gather [hbm4b:s1+s15], $0x10, s15, s15, $0xb8;
	[tilespmem:$0x17020] =	vst v63  }
0x28: {  	s25 =	simm.s32 $0x7D0  }
0x29: {  	[tilespmem:s18], [sflag:$0x3] =	stream.indirect.gather [hbm4b:s1+s15], $0x10, s25, s15, $0xb8;
	[tilespmem:$0x17020] =	vst v63  }
0x2a: {  	_ =	swait.ge [sflag:s13], $0x3E80  }
0x2b: {  	[sflag:s13] =	ssyncset.done $0x0  }
0x2c: {  	[sflag:s13] =	ssyncadd.s32 $0xFFFFC180  }
0x2d: {  	[spmem:s3] =	stream.indirect.scatter.add.f32 [tilespmem:s11], [sflag:$0x5], $0x10, s10, s15, $0xb8;
	[tilespmem:$0x17020] =	vst v63  }
0x2e: {  	s28 =	simm.s32 $0xBB8  }
0x2f: {  	[tilespmem:s20], [sflag:$0x4] =	stream.indirect.gather [hbm4b:s1+s15], $0x10, s28, s15, $0xb8;
	[tilespmem:$0x17020] =	vst v63  }
0x30: {  	_ =	swait.ge [sflag:s14], $0x3E80  }
0x31: {  	[sflag:s14] =	ssyncset.done $0x0  }
0x32: {  	s28 =	simm.s32 $0x2AF8;
	[sflag:s14] =	ssyncadd.s32 $0xFFFFC180  }
0x33: {  	[spmem:s3] =	stream.indirect.scatter.add.f32 [tilespmem:s16], [sflag:$0x6], $0x10, s28, s15, $0xb8;
	[tilespmem:$0x17020] =	vst v63  }
0x34: {  	_ =	swait.ge [sflag:s22], $0x3E80  }
0x35: {  	[sflag:s22] =	ssyncset.done $0x0  }
0x36: {  	s28 =	simm.s32 $0xFA0;
	[sflag:s22] =	ssyncadd.s32 $0xFFFFC180  }
0x37: {  	[tilespmem:s11], [sflag:$0x1] =	stream.indirect.gather [hbm4b:s1+s15], $0x10, s28, s15, $0xb8;
	[tilespmem:$0x17020] =	vst v63  }
0x38: {  	_ =	swait.ge [sflag:s24], $0x3E80  }
0x39: {  	[sflag:s24] =	ssyncset.done $0x0  }
0x3a: {  	s28 =	simm.s32 $0x2EE0;
	[sflag:s24] =	ssyncadd.s32 $0xFFFFC180  }
0x3b: {  	[spmem:s3] =	stream.indirect.scatter.add.f32 [tilespmem:s18], [sflag:$0x7], $0x10, s28, s15, $0xb8;
	[tilespmem:$0x17020] =	vst v63  }
0x3c: {  	_ =	swait.ge [sflag:s26], $0x3E80  }
0x3d: {  	[sflag:s26] =	ssyncset.done $0x0  }
0x3e: {  	s28 =	simm.s32 $0x1388;
	[sflag:s26] =	ssyncadd.s32 $0xFFFFC180  }
0x3f: {  	[tilespmem:s16], [sflag:$0x2] =	stream.indirect.gather [hbm4b:s1+s15], $0x10, s28, s15, $0xb8;
	[tilespmem:$0x17020] =	vst v63  }
0x40: {  	_ =	swait.ge [sflag:s29], $0x3E80  }
0x41: {  	[sflag:s29] =	ssyncset.done $0x0  }
0x42: {  	s28 =	simm.s32 $0x32C8;
	[sflag:s29] =	ssyncadd.s32 $0xFFFFC180  }
0x43: {  	[spmem:s3] =	stream.indirect.scatter.add.f32 [tilespmem:s20], [sflag:$0x8], $0x10, s28, s15, $0xb8;
	[tilespmem:$0x17020] =	vst v63  }
0x44: {  	_ =	swait.ge [sflag:s31], $0x3E80  }
0x45: {  	[sflag:s31] =	ssyncset.done $0x0  }
0x46: {  	s28 =	simm.s32 $0x1770;
	[sflag:s31] =	ssyncadd.s32 $0xFFFFC180  }
0x47: {  	[tilespmem:s18], [sflag:$0x3] =	stream.indirect.gather [hbm4b:s1+s15], $0x10, s28, s15, $0xb8;
	[tilespmem:$0x17020] =	vst v63  }
0x48: {  	_ =	swait.ge [sflag:s13], $0x3E80  }
0x49: {  	[sflag:s13] =	ssyncset.done $0x0  }
0x4a: {  	s28 =	simm.s32 $0x36B0;
	[sflag:s13] =	ssyncadd.s32 $0xFFFFC180  }
0x4b: {  	[spmem:s3] =	stream.indirect.scatter.add.f32 [tilespmem:s11], [sflag:$0x5], $0x10, s28, s15, $0xb8;
	[tilespmem:$0x17020] =	vst v63  }
0x4c: {  	_ =	swait.ge [sflag:s17], $0x3E80  }
0x4d: {  	[sflag:s17] =	ssyncset.done $0x0  }
0x4e: {  	s28 =	simm.s32 $0x1B58;
	[sflag:s17] =	ssyncadd.s32 $0xFFFFC180  }
0x4f: {  	[tilespmem:s20], [sflag:$0x4] =	stream.indirect.gather [hbm4b:s1+s15], $0x10, s28, s15, $0xb8;
	[tilespmem:$0x17020] =	vst v63  }
0x50: {  	_ =	swait.ge [sflag:s14], $0x3E80  }
0x51: {  	[sflag:s14] =	ssyncset.done $0x0  }
0x52: {  	s28 =	simm.s32 $0x3A98;
	[sflag:s14] =	ssyncadd.s32 $0xFFFFC180  }
0x53: {  	[spmem:s3] =	stream.indirect.scatter.add.f32 [tilespmem:s16], [sflag:$0x6], $0x10, s28, s15, $0xb8;
	[tilespmem:$0x17020] =	vst v63  }
0x54: {  	_ =	swait.ge [sflag:s22], $0x3E80  }
0x55: {  	[sflag:s22] =	ssyncset.done $0x0  }
0x56: {  	s28 =	simm.s32 $0x1F40;
	[sflag:s22] =	ssyncadd.s32 $0xFFFFC180  }
0x57: {  	[tilespmem:s11], [sflag:$0x1] =	stream.indirect.gather [hbm4b:s1+s15], $0x10, s28, s15, $0xb8;
	[tilespmem:$0x17020] =	vst v63  }
0x58: {  	_ =	swait.ge [sflag:s24], $0x3E80  }
0x59: {  	[sflag:s24] =	ssyncset.done $0x0  }
0x5a: {  	s28 =	simm.s32 $0x3E80;
	[sflag:s24] =	ssyncadd.s32 $0xFFFFC180  }
0x5b: {  	[spmem:s3] =	stream.indirect.scatter.add.f32 [tilespmem:s18], [sflag:$0x7], $0x10, s28, s15, $0xb8;
	[tilespmem:$0x17020] =	vst v63  }
0x5c: {  	_ =	swait.ge [sflag:s26], $0x3E80  }
0x5d: {  	[sflag:s26] =	ssyncset.done $0x0  }
0x5e: {  	s28 =	simm.s32 $0x2328;
	[sflag:s26] =	ssyncadd.s32 $0xFFFFC180  }
0x5f: {  	[tilespmem:s16], [sflag:$0x2] =	stream.indirect.gather [hbm4b:s1+s15], $0x10, s28, s15, $0xb8;
	[tilespmem:$0x17020] =	vst v63  }
0x60: {  	_ =	swait.ge [sflag:s29], $0x3E80  }
0x61: {  	[sflag:s29] =	ssyncset.done $0x0  }
0x62: {  	[sflag:s29] =	ssyncadd.s32 $0xFFFFC180  }
0x63: {  	[spmem:s3] =	stream.indirect.scatter.add.f32 [tilespmem:s20], [sflag:$0x8], $0x10, s30, s15, $0xb8;
	[tilespmem:$0x17020] =	vst v63  }
0x64: {  	_ =	swait.ge [sflag:s13], $0x3E80  }
0x65: {  	[sflag:s13] =	ssyncset.done $0x0  }
0x66: {  	[sflag:s13] =	ssyncadd.s32 $0xFFFFC180  }
0x67: {  	[spmem:s3] =	stream.indirect.scatter.add.f32 [tilespmem:s11], [sflag:$0x5], $0x10, s2, s15, $0xb8;
	[tilespmem:$0x17020] =	vst v63  }
0x68: {  	_ =	swait.ge [sflag:s14], $0x3E80  }
0x69: {  	[sflag:s14] =	ssyncset.done $0x0  }
0x6a: {  	[sflag:s14] =	ssyncadd.s32 $0xFFFFC180  }
0x6b: {  	[spmem:s3] =	stream.indirect.scatter.add.f32 [tilespmem:s16], [sflag:$0x6], $0x10, s0, s15, $0xb8;
	[tilespmem:$0x17020] =	vst v63  }
0x6c: {  	_ =	swait.ge [sflag:s31], $0x3E80  }
0x6d: {  	[sflag:s31] =	ssyncset.done $0x0  }
0x6e: {  	[sflag:s31] =	ssyncadd.s32 $0xFFFFC180  }
0x6f: {  	_ =	swait.ge [sflag:s17], $0x3E80  }
0x70: {  	[sflag:s17] =	ssyncset.done $0x0  }
0x71: {  	[sflag:s17] =	ssyncadd.s32 $0xFFFFC180  }
0x72: {  	_ =	swait.ge [sflag:s22], $0x3E80  }
0x73: {  	[sflag:s22] =	ssyncset.done $0x0  }
0x74: {  	[sflag:s22] =	ssyncadd.s32 $0xFFFFC180  }
0x75: {  	s23 =	sadd.s32 $0x1, s23;
	_ =	swait.ge [sflag:s26], $0x3E80  }
0x76: {  	p0 =	sne.s32 s23, s9;
	s28 =	stileid.u32;
	[sflag:s26] =	ssyncset.done $0x0  }
0x77: {  	s25 =	sshll.u32 s28, $0x6;
	s28 =	sshrl.u32 s7, $0x3;
	[sflag:s26] =	ssyncadd.s32 $0xFFFFC180  }
.Ltmp1:
0x78: {  	s25 =	sor.u32 $0x1C0A, s25;
	[bflag:$0x0] =	sbarrier.arrive $0xFFFF;
	(pc) =	sbr.rel @p0 .LBB2_1-.Ltmp1, $4  }
0x79: {  	[hbm:s8@s19], [sflag:s25] =	dma.strided [spmem:s28@s14], $0x500, s13, $0x2   }
0x7a: {  	_ =	swait.ge [sflag:s21], $0x500  }
0x7b: {  	[sflag:s21] =	ssyncset.done $0x0  }
0x7c: {  	[sflag:s21] =	ssyncadd.s32 $0xFFFFFB00  }
0x7d: {  	_ =	sfence.sel $0x180000  }
0x7e: {  	[bflag:$0x0] =	sbarrier.arrive $0xFFFF  }
0x7f: {  	_ =	strace $0x9000004D  }
0x80: {  	s0 =	stileid.u32;
	[bflag:$0x2] =	sbarrier.arrive $0xFFFF  }
0x81: {  	p0 =	sne.s32 s0, $0x0;
	s0 =	rddreg [dreg:$0x3]  }
0x82: {  	s0 =	sadd.s32 @!p0 $0x100000, s0  }
0x83: {  	[sflag:s0] =	ssyncadd.tile.s32 @!p0 $0x1;
	_ =	shalt  }
.Lfunc_end2:
_tile_overlayer_lowered:
.L_overlay_start_2:
0x84: {  	(tag) =	ssettag $0x2  }
0x85: {  	s0 =	rddreg [dreg:$0x0];
	s2 =	stileid.u32  }
0x86: {  	s1 =	rddreg [dreg:$0x1];
	p0 =	sne.s32 s2, $0x0  }
0x87: {  	s3 =	rddreg [dreg:$0x2];
	[bflag:$0x3] =	sbarrier.arrive $0xFFFF;
	s2 =	simm.s32 @!p0 $0x1C0A  }
0x88: {  	[timem:s3], [sflag:s2] =	dma.local @!p0 [hbm:s0], s1  }
0x89: {  	s0 =	simm.s32 @!p0 $0xA  }
0x8a: {  	_ =	swait.ge @!p0 [sflag:s0], s1  }
0x8b: {  	s1 =	ssub.s32 @!p0 $0x0, s1;
	[sflag:s0] =	ssyncset.done @!p0 $0x0  }
0x8c: {  	[sflag:s0] =	ssyncadd.s32 @!p0 s1  }
0x8d: {  	[bflag:$0x3] =	sbarrier.arrive $0xFFFF  }
0x8e: {  	_ =	shalt  }

// kernel: kernel.8.cloned.1.call-start
scs
__scs_entry_jumppad:
0x0: {  	(pc) =	sbr.rel $0x88, $3  }
0x1: {  	(tag) =	ssettag $0x0;
	lr =	simm.s32 $0x1  }
0x2: {  	[smem:$0x3F9B] =	sst lr;
	_ =	strace $0xD0000000  }
0x3: {  	_ = 	snop  }
0x4: {  	_ = 	snop  }
0x5: {  	_ = 	snop  }
0x6: {  	_ = 	snop  }
0x7: {  	_ = 	snop  }
__scs_overlays_trampoline_lowered:
0x8: {  	[smem:$0x3FAA] =	sst s0  }
0x9: {  	[smem:$0x3FAB] =	sst s1  }
0xa: {  	[smem:$0x3FAC] =	sst s2  }
0xb: {  	[smem:$0x3FAD] =	sst s3  }
0xc: {  	[smem:$0x3FAE] =	sst s4  }
0xd: {  	[smem:$0x3FAF] =	sst s5  }
0xe: {  	[smem:$0x3FB0] =	sst s6  }
0xf: {  	[smem:$0x3FB1] =	sst s7  }
0x10: {  	[smem:$0x3FB2] =	sst s8  }
0x11: {  	[smem:$0x3FB3] =	sst s9;
	s0 =	simm.s32 @!p0 $0x0  }
0x12: {  	s1 =	sld [smem:$0x3F99];
	s0 =	simm.s32 @p0 $0x1  }
0x13: {  	[smem:$0x3FB4] =	sst s0;
	s0 =	simm.s32 @!p1 $0x0  }
0x14: {  	s2 =	sld [smem:$0x3F98];
	s0 =	simm.s32 @p1 $0x1  }
0x15: {  	[smem:$0x3FB5] =	sst s0;
	s0 =	simm.s32 @!p2 $0x0  }
0x16: {  	s3 =	sld [smem:$0x3FDB];
	s0 =	simm.s32 @p2 $0x1  }
0x17: {  	s4 =	simm.s32 $0x1BF5;
	[smem:$0x3FB7] =	sst s0  }
0x18: {  	s0 =	sld [smem:$0x3F9A];
	_ =	swait.ge [sflag:s4], $0x0  }
0x19: {  	s7 =	sld [smem:$0x3F9B]  }
0x1a: {  	s8 =	sadd.s32 $0xFFFFE003, lr  }
0x1b: {  	s9 =	sadd.s32 $0xFFFFFEF7, lr;
	s5 =	simm.s32 $0xFFFFFFFF;
	p2 =	slt.u32 s8, $0xFFFFF086  }
0x1c: {  	p1 =	slt.u32 s9, $0xF7A;
	s5 =	simm.s32 @!p2 $0x0  }
0x1d: {  	s5 =	simm.s32 @p1 $0x1;
	p0 =	seq.s32 s7, s2  }
0x1e: {  	s7 =	smul.u32 @!p0 $0xF7A, s2;
	p2 =	seq.s32 @!p0 s5, $0x0  }
0x1f: {  	s9 =	smul.u32 $0xF7A, s1;
	s8 =	simm.s32 @!p0 $0x1BF5;
	p2 =	por !p2, p0  }
0x20: {  	[sflag:s8] =	ssyncset.s32 @!p0 $0xFFFFF086;
	s6 =	sadd.s32 @!p0 s3, s7;
	s7 =	simm.s32 @!p0 $0x108  }
0x21: {  	s3 =	sadd.s32 s3, s9;
	s6 =	sadd.s32 @!p0 $0x88, s6;
	s7 =	simm.s32 @p2 $0x1082  }
0x22: {  	[simem:s7], [sflag:s8] =	dma.local @!p0 [hbm:s6], $0xF7A  }
0x23: {  	s9 =	sor.u32 $0xD0000000, s2;
	s6 =	simm.s32 $0x108;
	_ =	swait.ge @!p0 [sflag:s8], $0x0  }
0x24: {  	s3 =	sadd.s32 $0x88, s3;
	s6 =	simm.s32 @!p1 $0x1082;
	[sflag:s4] =	ssyncset.s32 $0xFFFFF086  }
0x25: {  	[simem:s6], [sflag:s4] =	dma.local [hbm:s3], $0xF7A  }
0x26: {  	[smem:$0x3F9B] =	sst s1;
	(tag) =	ssettag s2;
	_ =	strace s9  }
0x27: {  	s1 =	sld [smem:$0x3FAB]  }
0x28: {  	s2 =	sld [smem:$0x3FAC]  }
0x29: {  	s4 =	sld [smem:$0x3FAE]  }
0x2a: {  	p0 =	seq.s32 s5, $0x0;
	s5 =	sld [smem:$0x3FAF]  }
0x2b: {  	s6 =	sld [smem:$0x3FB0]  }
0x2c: {  	s7 =	sld [smem:$0x3FB1]  }
0x2d: {  	s3 =	simm.s32 $0x108;
	s8 =	sld [smem:$0x3FB2]  }
0x2e: {  	s3 =	simm.s32 @!p0 $0x1082;
	s9 =	sld [smem:$0x3FB3]  }
0x2f: {  	lr =	sadd.s32 s0, s3;
	s0 =	sld [smem:$0x3FAA]  }
0x30: {  	s3 =	sld [smem:$0x3FAD]  }
0x31: {  	[smem:$0x3FB6] =	sst s10  }
0x32: {  	s10 =	sld [smem:$0x3FB4];
	_ =	sdelay $0x3  }
0x33: {  	p0 =	seq.s32 s10, $0x1;
	s10 =	sld [smem:$0x3FB6];
	_ =	sdelay $0x3  }
0x34: {  	[smem:$0x3FB6] =	sst s10  }
0x35: {  	s10 =	sld [smem:$0x3FB5];
	_ =	sdelay $0x3  }
0x36: {  	p1 =	seq.s32 s10, $0x1;
	s10 =	sld [smem:$0x3FB6];
	_ =	sdelay $0x3  }
0x37: {  	[smem:$0x3FB6] =	sst s10  }
0x38: {  	s10 =	sld [smem:$0x3FB7]  }
0x39: {  	_ = 	snop;
	(pc) =	sbr.ind lr, $3  }
0x3a: {  	_ = 	snop  }
0x3b: {  	_ = 	snop  }
0x3c: {  	p2 =	seq.s32 s10, $0x1;
	s10 =	sld [smem:$0x3FB6]  }
0x3d: {  	_ =	shalt  }
0x3e: {  	_ =	shalt  }
0x3f: {  	_ =	shalt  }
0x40: {  	_ =	shalt  }
0x41: {  	_ =	shalt  }
0x42: {  	_ =	shalt  }
0x43: {  	_ =	shalt  }
0x44: {  	_ =	shalt  }
0x45: {  	_ =	shalt  }
0x46: {  	_ =	shalt  }
0x47: {  	_ =	shalt  }
0x48: {  	_ =	shalt  }
0x49: {  	_ =	shalt  }
0x4a: {  	_ =	shalt  }
0x4b: {  	_ =	shalt  }
0x4c: {  	_ =	shalt  }
0x4d: {  	_ =	shalt  }
0x4e: {  	_ =	shalt  }
0x4f: {  	_ =	shalt  }
0x50: {  	_ =	shalt  }
0x51: {  	_ =	shalt  }
0x52: {  	_ =	shalt  }
0x53: {  	_ =	shalt  }
0x54: {  	_ =	shalt  }
0x55: {  	_ =	shalt  }
0x56: {  	_ =	shalt  }
0x57: {  	_ =	shalt  }
0x58: {  	_ =	shalt  }
0x59: {  	_ =	shalt  }
0x5a: {  	_ =	shalt  }
0x5b: {  	_ =	shalt  }
0x5c: {  	_ =	shalt  }
0x5d: {  	_ =	shalt  }
0x5e: {  	_ =	shalt  }
0x5f: {  	_ =	shalt  }
0x60: {  	_ =	shalt  }
0x61: {  	_ =	shalt  }
0x62: {  	_ =	shalt  }
0x63: {  	_ =	shalt  }
0x64: {  	_ =	shalt  }
0x65: {  	_ =	shalt  }
0x66: {  	_ =	shalt  }
0x67: {  	_ =	shalt  }
0x68: {  	_ =	shalt  }
0x69: {  	_ =	shalt  }
0x6a: {  	_ =	shalt  }
0x6b: {  	_ =	shalt  }
0x6c: {  	_ =	shalt  }
0x6d: {  	_ =	shalt  }
0x6e: {  	_ =	shalt  }
0x6f: {  	_ =	shalt  }
0x70: {  	_ =	shalt  }
0x71: {  	_ =	shalt  }
0x72: {  	_ =	shalt  }
0x73: {  	_ =	shalt  }
0x74: {  	_ =	shalt  }
0x75: {  	_ =	shalt  }
0x76: {  	_ =	shalt  }
0x77: {  	_ =	shalt  }
0x78: {  	_ =	shalt  }
0x79: {  	_ =	shalt  }
0x7a: {  	_ =	shalt  }
0x7b: {  	_ =	shalt  }
0x7c: {  	_ =	shalt  }
0x7d: {  	_ =	shalt  }
0x7e: {  	_ =	shalt  }
0x7f: {  	_ =	shalt  }
0x80: {  	_ =	shalt  }
0x81: {  	_ =	shalt  }
0x82: {  	_ =	shalt  }
0x83: {  	_ =	shalt  }
0x84: {  	_ =	shalt  }
0x85: {  	_ =	shalt  }
0x86: {  	_ =	shalt  }
0x87: {  	_ =	shalt  }
.Lfunc_end0:
.L_simem_size_0:
called_computation_lowered:
.L_overlay_start_0:
0x88: {  	s2 =	sld [smem:$0x3FD9]  }
0x89: {  	s3 =	sld [smem:$0x3FFE];
	_ =	sdelay $0x1  }
0x8a: {  	s1 =	srdreg.scid  }
0x8b: {  	s0 =	sand.u32 $0x1, s1  }
0x8c: {  	s17 =	sshll.u32 s0, $0xA;
	s2 =	sadd.s32 s3, s2  }
0x8d: {  	s2 =	sadd.s32 s2, s17  }
0x8e: {  	[smem:$0x3FC2] =	sst s2  }
0x8f: {  	_ = 	snop  }
0x90: {  	s2 =	sld [smem:$0x3FD0];
	(tm) =	ssettm $0x1  }
0x91: {  	s18 =	sld [smem:$0x3FFB];
	_ =	sdelay $0x3  }
0x92: {  	_ =	strace s18  }
0x93: {  	s3 =	sld [smem:$0x3FFC];
	_ =	sdelay $0x3  }
0x94: {  	_ =	strace s3  }
0x95: {  	s3 =	sld [smem:$0x3FFD];
	_ =	sdelay $0x3  }
0x96: {  	_ =	strace s3  }
0x97: {  	_ =	strace $0x8FFFFFFF  }
0x98: {  	s19 =	sld [smem:$0x3FDB];
	_ =	sdelay $0x1  }
0x99: {  	s4 =	simm.s32 $_scs_section_size  }
0x9a: {  	s5 =	simm.s32 $_size__tile_overlayer_lowered;
	s6 =	simm.s32 $_tile_overlayer_lowered  }
0x9b: {  	s22 =	simm.s32 $0x1BFF;
	s21 =	sshll.u32 s6, $0x1;
	s3 =	sadd.s32 s4, s19  }
0x9c: {  	s7 =	simm.s32 $0x0;
	s20 =	sshll.u32 s5, $0x1;
	s5 =	sadd.s32 s21, s3  }
0x9d: {  	[timem:s7], [sflag:s22] =	dma.local [hbm:s5], s20  }
0x9e: {  	_ =	swait.ge [sflag:s22], s20  }
0x9f: {  	s4 =	ssub.s32 $0x0, s20;
	[sflag:s22] =	ssyncset.done $0x0  }
0xa0: {  	[sflag:s22] =	ssyncadd.s32 s4;
	_ =	sdelay $0x1  }
0xa1: {  	s23 =	simm.s32 $0x1B8B  }
0xa2: {  	_ =	swait.ge [sflag:s23], $0x1  }
0xa3: {  	[sflag:s23] =	ssyncset.done $0x0  }
0xa4: {  	s25 =	simm.s32 $0x1B8E;
	s24 =	sld [smem:$0x3FFE];
	[sflag:s23] =	ssyncadd.s32 $0xFFFFFFFF  }
0xa5: {  	s26 =	simm.s32 $execute0_lowered;
	[smem:$0x3FD2] =	sst s25  }
0xa6: {  	s5 =	sshll.u32 s26, $0x1;
	_ =	strace $0x80000046;
	[dreg:$0x1] =	wrdreg $0xFFFFFFFF  }
0xa7: {  	s28 =	simm.s32 $_size_execute0_lowered;
	s3 =	sadd.s32 s3, s5;
	[dreg:$0x0] =	wrdreg $0x0  }
0xa8: {  	s5 =	sshll.u32 s28, $0x1;
	[dreg:$0x2] =	wrdreg s3  }
0xa9: {  	[dreg:$0x3] =	wrdreg s5  }
0xaa: {  	[dreg:$0x4] =	wrdreg $0xC0  }
0xab: {  	_ =	task [dreg:s7], $0x5FFFF  }
0xac: {  	[dreg:$0x1] =	wrdreg $0xFFFFFFFF  }
0xad: {  	[dreg:$0x0] =	wrdreg $0x60  }
0xae: {  	[dreg:$0x2] =	wrdreg s24  }
0xaf: {  	[dreg:$0x3] =	wrdreg s2  }
0xb0: {  	[dreg:$0x4] =	wrdreg $0x2A100  }
0xb1: {  	[dreg:$0x5] =	wrdreg $0x9  }
0xb2: {  	_ =	task.clear_ibuf [dreg:s7], $0x6FFFF;
	_ =	strace $0x90000046  }
0xb3: {  	s29 =	simm.s32 $0x9;
	_ =	strace $0x80000048  }
0xb4: {  	_ =	swait.ge [sflag:s29], $0x1  }
0xb5: {  	[sflag:s29] =	ssyncadd.s32 $0xFFFFFFFF  }
0xb6: {  	_ =	strace $0x90000048  }
0xb7: {  	_ =	sfence  }
0xb8: {  	s30 =	sld [smem:$0x0];
	_ =	sdelay $0x2  }
0xb9: {  	s31 =	sshll.u32 s1, $0xD;
	s1 =	sshrl.u32 s1, $0x2  }
0xba: {  	s3 =	sand.u32 $0x4000, s31;
	s1 =	sadd.s32 s1, s30  }
0xbb: {  	s0 =	sor.u32 s3, s0;
	s1 =	sshll.u32 s1, $0x11  }
0xbc: {  	s0 =	sor.u32 s1, s0  }
0xbd: {  	s0 =	sadd.s32 $0x8F2B, s0  }
0xbe: {  	[sflag:s0] =	ssyncadd.remote.s32 $0x1  }
0xbf: {  	_ =	sfence.sel $0xFFFF  }
0xc0: {  	[dreg:$0x0] =	wrdreg $0xFFFFFFFF;
	(pc) =	sbr.abs _section_cstart, $3  }
0xc1: {  	[dreg:$0x1] =	wrdreg $0xFFFFFFFF  }
0xc2: {  	_ =	task.clear_ibuf [dreg:s7], $0x2FFFF;
	_ =	strace $0x9FFFFFFF  }
0xc3: {  	(tm) =	ssettm $0x7FFFFFFF  }
tec
execute0_lowered:
.L_overlay_start_1:
0x0: {  	(tag) =	ssettag $0x1  }
0x1: {  	s5 =	rddreg [dreg:$0x0]  }
0x2: {  	s6 =	rddreg [dreg:$0x1]  }
0x3: {  	s0 =	srdreg.scid;
	s2 =	rddreg [dreg:$0x2]  }
0x4: {  	s3 =	simm.s32 $0x0;
	s11 =	simm.s32 $0x2710;
	s12 =	simm.s32 $0x1  }
0x5: {  	s13 =	simm.s32 $0x10;
	s4 =	sand.u32 $0x1, s0;
	s0 =	stileid.u32  }
0x6: {  	s14 =	simm.s32 $0x2700;
	s17 =	simm.s32 $0x0;
	s8 =	smul.u32 $0x280, s0  }
0x7: {  	[smem:$0x7FF] =	sst s3;
	s1 =	sshll.u32 s4, $0x4;
	s9 =	smul.u32 $0x2800, s4  }
0x8: {  	s4 =	ssub.s32 $0x2, s4;
	s15 =	sshll.u32 s0, $0x6;
	s1 =	sor.u32 s0, s1  }
0x9: {  	s10 =	sshrl.u32 s4, $0x1;
	s15 =	sor.u32 $0x1C02, s15;
	s7 =	smul.u32 $0x2710, s1  }
0xa: {  	s1 =	rddreg [dreg:$0x3];
	_ =	strace $0x80000047;
	s9 =	sadd.s32 s8, s9  }
0xb: {  	s10 =	ssub.s32 s4, s10;
	s31 =	sshrl.u32 s9, $0x3;
	s7 =	sshrl.u32 s7, $0x3  }
0xc: {  	s9 =	simm.s32 $0x2790;
	s6 =	sadd.s32 s6, s31;
	s30 =	sadd.s32 s5, s7  }
0xd: {  	s5 =	sadd.s32 s8, s2;
	s7 =	smax.u32 s10, $0x1;
	s8 =	simm.s32 $0x2  }
0xe: {  	v0 =	vimm.f32 $1.000000000e+00;
	v1 =	vimm.f32 $0.0e+00;
	s10 =	simm.s32 $0x80;
	s4 =	sadd.s32 $0xC040, s30;
	s16 =	sshrl.u32 s5, $0x3  }
.LBB2_1:
0xf: {  	[tilespmem:s3], [sflag:$0x2] =	stream.linear.gather [hbm4b:s4+s3], $0x2710, $0x38;
	[tilespmem:$0x2C90] =	vst v63  }
0x10: {  	_ =	swait.ge [sflag:s8], $0x2710  }
0x11: {  	[sflag:s8] =	ssyncset.done $0x0  }
0x12: {  	[sflag:s8] =	ssyncadd.s32 $0xFFFFD8F0  }
0x13: {  	[tilespmem:$0x2710] =	vst v0  }
0x14: {  	[tilespmem:$0x2720] =	vst v0  }
0x15: {  	[tilespmem:$0x2730] =	vst v0  }
0x16: {  	[tilespmem:$0x2740] =	vst v0  }
0x17: {  	[tilespmem:$0x2750] =	vst v0  }
0x18: {  	[tilespmem:$0x2760] =	vst v0  }
0x19: {  	[tilespmem:$0x2770] =	vst v0  }
0x1a: {  	[tilespmem:$0x2780] =	vst v0  }
0x1b: {  	[tilespmem:$0x2790] =	vst v1  }
0x1c: {  	[tilespmem:$0x27A0] =	vst v1  }
0x1d: {  	[tilespmem:$0x27B0] =	vst v1  }
0x1e: {  	[tilespmem:$0x27C0] =	vst v1  }
0x1f: {  	[tilespmem:$0x27D0] =	vst v1  }
0x20: {  	[tilespmem:$0x27E0] =	vst v1  }
0x21: {  	[tilespmem:$0x27F0] =	vst v1  }
0x22: {  	[tilespmem:$0x2800] =	vst v1  }
0x23: {  	[tilespmem:$0x2810] =	vst v1  }
0x24: {  	[tilespmem:$0x2820] =	vst v1  }
0x25: {  	[tilespmem:$0x2830] =	vst v1  }
0x26: {  	[tilespmem:$0x2840] =	vst v1  }
0x27: {  	[tilespmem:$0x2850] =	vst v1  }
0x28: {  	[tilespmem:$0x2860] =	vst v1  }
0x29: {  	[tilespmem:$0x2870] =	vst v1  }
0x2a: {  	[tilespmem:$0x2880] =	vst v1  }
0x2b: {  	[tilespmem:$0x2890] =	vst v1  }
0x2c: {  	[tilespmem:$0x28A0] =	vst v1  }
0x2d: {  	[tilespmem:$0x28B0] =	vst v1  }
0x2e: {  	[tilespmem:$0x28C0] =	vst v1  }
0x2f: {  	[tilespmem:$0x28D0] =	vst v1  }
0x30: {  	[tilespmem:$0x28E0] =	vst v1  }
0x31: {  	[tilespmem:$0x28F0] =	vst v1  }
0x32: {  	[tilespmem:$0x2900] =	vst v1  }
0x33: {  	[tilespmem:$0x2910] =	vst v1  }
0x34: {  	[tilespmem:$0x2920] =	vst v1  }
0x35: {  	[tilespmem:$0x2930] =	vst v1  }
0x36: {  	[tilespmem:$0x2940] =	vst v1  }
0x37: {  	[tilespmem:$0x2950] =	vst v1  }
0x38: {  	[tilespmem:$0x2960] =	vst v1  }
0x39: {  	[tilespmem:$0x2970] =	vst v1  }
0x3a: {  	[tilespmem:$0x2980] =	vst v1  }
0x3b: {  	[tilespmem:$0x2990] =	vst v1  }
0x3c: {  	[tilespmem:$0x29A0] =	vst v1  }
0x3d: {  	[tilespmem:$0x29B0] =	vst v1  }
0x3e: {  	[tilespmem:$0x29C0] =	vst v1  }
0x3f: {  	[tilespmem:$0x29D0] =	vst v1  }
0x40: {  	[tilespmem:$0x29E0] =	vst v1  }
0x41: {  	[tilespmem:$0x29F0] =	vst v1  }
0x42: {  	[tilespmem:$0x2A00] =	vst v1  }
0x43: {  	[spmem:s5] =	stream.linear.scatter [tilespmem:s9], [sflag:$0x2], $0x280, $0x38;
	[tilespmem:$0x2C90] =	vst v63  }
0x44: {  	_ =	swait.ge [sflag:s8], $0x280  }
0x45: {  	[sflag:s8] =	ssyncset.done $0x0  }
0x46: {  	[sflag:s8] =	ssyncadd.s32 $0xFFFFFD80  }
0x47: {  	s18 =	simm.s32 $0x0;
	[bflag:$0x0] =	sbarrier.arrive $0xFFFF  }
0x48: {  	[spmem:s2] =	stream.indirect.scatter.add.f32 [tilespmem:s11], [sflag:$0x1], $0x1, s18, s10, $0xb8;
	[tilespmem:$0x2C90] =	vst v63  }
0x49: {  	s31 =	simm.s32 $0x80  }
0x4a: {  	[spmem:s2] =	stream.indirect.scatter.add.f32 [tilespmem:s11], [sflag:$0x1], $0x1, s31, s10, $0xb8;
	[tilespmem:$0x2C90] =	vst v63  }
0x4b: {  	s19 =	simm.s32 $0x100  }
0x4c: {  	[spmem:s2] =	stream.indirect.scatter.add.f32 [tilespmem:s11], [sflag:$0x1], $0x1, s19, s10, $0xb8;
	[tilespmem:$0x2C90] =	vst v63  }
0x4d: {  	s20 =	simm.s32 $0x180  }
0x4e: {  	[spmem:s2] =	stream.indirect.scatter.add.f32 [tilespmem:s11], [sflag:$0x1], $0x1, s20, s10, $0xb8;
	[tilespmem:$0x2C90] =	vst v63  }
0x4f: {  	s21 =	simm.s32 $0x200  }
0x50: {  	[spmem:s2] =	stream.indirect.scatter.add.f32 [tilespmem:s11], [sflag:$0x1], $0x1, s21, s10, $0xb8;
	[tilespmem:$0x2C90] =	vst v63  }
0x51: {  	s22 =	simm.s32 $0x280  }
0x52: {  	[spmem:s2] =	stream.indirect.scatter.add.f32 [tilespmem:s11], [sflag:$0x1], $0x1, s22, s10, $0xb8;
	[tilespmem:$0x2C90] =	vst v63  }
0x53: {  	s23 =	simm.s32 $0x300  }
0x54: {  	[spmem:s2] =	stream.indirect.scatter.add.f32 [tilespmem:s11], [sflag:$0x1], $0x1, s23, s10, $0xb8;
	[tilespmem:$0x2C90] =	vst v63  }
0x55: {  	s24 =	simm.s32 $0x380  }
0x56: {  	[spmem:s2] =	stream.indirect.scatter.add.f32 [tilespmem:s11], [sflag:$0x1], $0x1, s24, s10, $0xb8;
	[tilespmem:$0x2C90] =	vst v63  }
0x57: {  	s25 =	simm.s32 $0x400  }
0x58: {  	[spmem:s2] =	stream.indirect.scatter.add.f32 [tilespmem:s11], [sflag:$0x1], $0x1, s25, s10, $0xb8;
	[tilespmem:$0x2C90] =	vst v63  }
0x59: {  	s26 =	simm.s32 $0x480  }
0x5a: {  	[spmem:s2] =	stream.indirect.scatter.add.f32 [tilespmem:s11], [sflag:$0x1], $0x1, s26, s10, $0xb8;
	[tilespmem:$0x2C90] =	vst v63  }
0x5b: {  	s28 =	simm.s32 $0x500  }
0x5c: {  	[spmem:s2] =	stream.indirect.scatter.add.f32 [tilespmem:s11], [sflag:$0x1], $0x1, s28, s10, $0xb8;
	[tilespmem:$0x2C90] =	vst v63  }
0x5d: {  	s29 =	simm.s32 $0x580  }
0x5e: {  	[spmem:s2] =	stream.indirect.scatter.add.f32 [tilespmem:s11], [sflag:$0x1], $0x1, s29, s10, $0xb8;
	[tilespmem:$0x2C90] =	vst v63  }
0x5f: {  	s30 =	simm.s32 $0x600  }
0x60: {  	[spmem:s2] =	stream.indirect.scatter.add.f32 [tilespmem:s11], [sflag:$0x1], $0x1, s30, s10, $0xb8;
	[tilespmem:$0x2C90] =	vst v63  }
0x61: {  	s31 =	simm.s32 $0x680  }
0x62: {  	[spmem:s2] =	stream.indirect.scatter.add.f32 [tilespmem:s11], [sflag:$0x1], $0x1, s31, s10, $0xb8;
	[tilespmem:$0x2C90] =	vst v63  }
0x63: {  	s19 =	simm.s32 $0x700  }
0x64: {  	[spmem:s2] =	stream.indirect.scatter.add.f32 [tilespmem:s11], [sflag:$0x1], $0x1, s19, s10, $0xb8;
	[tilespmem:$0x2C90] =	vst v63  }
0x65: {  	s20 =	simm.s32 $0x780  }
0x66: {  	[spmem:s2] =	stream.indirect.scatter.add.f32 [tilespmem:s11], [sflag:$0x1], $0x1, s20, s10, $0xb8;
	[tilespmem:$0x2C90] =	vst v63  }
0x67: {  	s21 =	simm.s32 $0x800  }
0x68: {  	[spmem:s2] =	stream.indirect.scatter.add.f32 [tilespmem:s11], [sflag:$0x1], $0x1, s21, s10, $0xb8;
	[tilespmem:$0x2C90] =	vst v63  }
0x69: {  	s22 =	simm.s32 $0x880  }
0x6a: {  	[spmem:s2] =	stream.indirect.scatter.add.f32 [tilespmem:s11], [sflag:$0x1], $0x1, s22, s10, $0xb8;
	[tilespmem:$0x2C90] =	vst v63  }
0x6b: {  	s23 =	simm.s32 $0x900  }
0x6c: {  	[spmem:s2] =	stream.indirect.scatter.add.f32 [tilespmem:s11], [sflag:$0x1], $0x1, s23, s10, $0xb8;
	[tilespmem:$0x2C90] =	vst v63  }
0x6d: {  	s24 =	simm.s32 $0x980  }
0x6e: {  	[spmem:s2] =	stream.indirect.scatter.add.f32 [tilespmem:s11], [sflag:$0x1], $0x1, s24, s10, $0xb8;
	[tilespmem:$0x2C90] =	vst v63  }
0x6f: {  	s25 =	simm.s32 $0xA00  }
0x70: {  	[spmem:s2] =	stream.indirect.scatter.add.f32 [tilespmem:s11], [sflag:$0x1], $0x1, s25, s10, $0xb8;
	[tilespmem:$0x2C90] =	vst v63  }
0x71: {  	s26 =	simm.s32 $0xA80  }
0x72: {  	[spmem:s2] =	stream.indirect.scatter.add.f32 [tilespmem:s11], [sflag:$0x1], $0x1, s26, s10, $0xb8;
	[tilespmem:$0x2C90] =	vst v63  }
0x73: {  	s28 =	simm.s32 $0xB00  }
0x74: {  	[spmem:s2] =	stream.indirect.scatter.add.f32 [tilespmem:s11], [sflag:$0x1], $0x1, s28, s10, $0xb8;
	[tilespmem:$0x2C90] =	vst v63  }
0x75: {  	s29 =	simm.s32 $0xB80  }
0x76: {  	[spmem:s2] =	stream.indirect.scatter.add.f32 [tilespmem:s11], [sflag:$0x1], $0x1, s29, s10, $0xb8;
	[tilespmem:$0x2C90] =	vst v63  }
0x77: {  	s30 =	simm.s32 $0xC00  }
0x78: {  	[spmem:s2] =	stream.indirect.scatter.add.f32 [tilespmem:s11], [sflag:$0x1], $0x1, s30, s10, $0xb8;
	[tilespmem:$0x2C90] =	vst v63  }
0x79: {  	s31 =	simm.s32 $0xC80  }
0x7a: {  	[spmem:s2] =	stream.indirect.scatter.add.f32 [tilespmem:s11], [sflag:$0x1], $0x1, s31, s10, $0xb8;
	[tilespmem:$0x2C90] =	vst v63  }
0x7b: {  	_ =	swait.ge [sflag:s12], $0x80  }
0x7c: {  	[sflag:s12] =	ssyncset.done $0x0  }
0x7d: {  	[sflag:s12] =	ssyncadd.s32 $0xFFFFFF80  }
0x7e: {  	_ =	swait.ge [sflag:s12], $0x80  }
0x7f: {  	[sflag:s12] =	ssyncset.done $0x0  }
0x80: {  	[sflag:s12] =	ssyncadd.s32 $0xFFFFFF80  }
0x81: {  	_ =	swait.ge [sflag:s12], $0x80  }
0x82: {  	[sflag:s12] =	ssyncset.done $0x0  }
0x83: {  	[sflag:s12] =	ssyncadd.s32 $0xFFFFFF80  }
0x84: {  	_ =	swait.ge [sflag:s12], $0x80  }
0x85: {  	[sflag:s12] =	ssyncset.done $0x0  }
0x86: {  	[sflag:s12] =	ssyncadd.s32 $0xFFFFFF80  }
0x87: {  	_ =	swait.ge [sflag:s12], $0x80  }
0x88: {  	[sflag:s12] =	ssyncset.done $0x0  }
0x89: {  	[sflag:s12] =	ssyncadd.s32 $0xFFFFFF80  }
0x8a: {  	_ =	swait.ge [sflag:s12], $0x80  }
0x8b: {  	[sflag:s12] =	ssyncset.done $0x0  }
0x8c: {  	[sflag:s12] =	ssyncadd.s32 $0xFFFFFF80  }
0x8d: {  	_ =	swait.ge [sflag:s12], $0x80  }
0x8e: {  	[sflag:s12] =	ssyncset.done $0x0  }
0x8f: {  	[sflag:s12] =	ssyncadd.s32 $0xFFFFFF80  }
0x90: {  	_ =	swait.ge [sflag:s12], $0x80  }
0x91: {  	[sflag:s12] =	ssyncset.done $0x0  }
0x92: {  	[sflag:s12] =	ssyncadd.s32 $0xFFFFFF80  }
0x93: {  	_ =	swait.ge [sflag:s12], $0x80  }
0x94: {  	[sflag:s12] =	ssyncset.done $0x0  }
0x95: {  	[sflag:s12] =	ssyncadd.s32 $0xFFFFFF80  }
0x96: {  	_ =	swait.ge [sflag:s12], $0x80  }
0x97: {  	[sflag:s12] =	ssyncset.done $0x0  }
0x98: {  	[sflag:s12] =	ssyncadd.s32 $0xFFFFFF80  }
0x99: {  	_ =	swait.ge [sflag:s12], $0x80  }
0x9a: {  	[sflag:s12] =	ssyncset.done $0x0  }
0x9b: {  	[sflag:s12] =	ssyncadd.s32 $0xFFFFFF80  }
0x9c: {  	_ =	swait.ge [sflag:s12], $0x80  }
0x9d: {  	[sflag:s12] =	ssyncset.done $0x0  }
0x9e: {  	[sflag:s12] =	ssyncadd.s32 $0xFFFFFF80  }
0x9f: {  	_ =	swait.ge [sflag:s12], $0x80  }
0xa0: {  	[sflag:s12] =	ssyncset.done $0x0  }
0xa1: {  	[sflag:s12] =	ssyncadd.s32 $0xFFFFFF80  }
0xa2: {  	_ =	swait.ge [sflag:s12], $0x80  }
0xa3: {  	[sflag:s12] =	ssyncset.done $0x0  }
0xa4: {  	[sflag:s12] =	ssyncadd.s32 $0xFFFFFF80  }
0xa5: {  	_ =	swait.ge [sflag:s12], $0x80  }
0xa6: {  	[sflag:s12] =	ssyncset.done $0x0  }
0xa7: {  	[sflag:s12] =	ssyncadd.s32 $0xFFFFFF80  }
0xa8: {  	_ =	swait.ge [sflag:s12], $0x80  }
0xa9: {  	[sflag:s12] =	ssyncset.done $0x0  }
0xaa: {  	[sflag:s12] =	ssyncadd.s32 $0xFFFFFF80  }
0xab: {  	_ =	swait.ge [sflag:s12], $0x80  }
0xac: {  	[sflag:s12] =	ssyncset.done $0x0  }
0xad: {  	[sflag:s12] =	ssyncadd.s32 $0xFFFFFF80  }
0xae: {  	_ =	swait.ge [sflag:s12], $0x80  }
0xaf: {  	[sflag:s12] =	ssyncset.done $0x0  }
0xb0: {  	[sflag:s12] =	ssyncadd.s32 $0xFFFFFF80  }
0xb1: {  	_ =	swait.ge [sflag:s12], $0x80  }
0xb2: {  	[sflag:s12] =	ssyncset.done $0x0  }
0xb3: {  	[sflag:s12] =	ssyncadd.s32 $0xFFFFFF80  }
0xb4: {  	_ =	swait.ge [sflag:s12], $0x80  }
0xb5: {  	[sflag:s12] =	ssyncset.done $0x0  }
0xb6: {  	[sflag:s12] =	ssyncadd.s32 $0xFFFFFF80  }
0xb7: {  	_ =	swait.ge [sflag:s12], $0x80  }
0xb8: {  	[sflag:s12] =	ssyncset.done $0x0  }
0xb9: {  	[sflag:s12] =	ssyncadd.s32 $0xFFFFFF80  }
0xba: {  	_ =	swait.ge [sflag:s12], $0x80  }
0xbb: {  	[sflag:s12] =	ssyncset.done $0x0  }
0xbc: {  	[sflag:s12] =	ssyncadd.s32 $0xFFFFFF80  }
0xbd: {  	_ =	swait.ge [sflag:s12], $0x80  }
0xbe: {  	[sflag:s12] =	ssyncset.done $0x0  }
0xbf: {  	[sflag:s12] =	ssyncadd.s32 $0xFFFFFF80  }
0xc0: {  	_ =	swait.ge [sflag:s12], $0x80  }
0xc1: {  	[sflag:s12] =	ssyncset.done $0x0  }
0xc2: {  	[sflag:s12] =	ssyncadd.s32 $0xFFFFFF80  }
0xc3: {  	_ =	swait.ge [sflag:s12], $0x80  }
0xc4: {  	[sflag:s12] =	ssyncset.done $0x0  }
0xc5: {  	[sflag:s12] =	ssyncadd.s32 $0xFFFFFF80  }
0xc6: {  	_ =	swait.ge [sflag:s12], $0x80  }
0xc7: {  	s18 =	simm.s32 $0x3400;
	[sflag:s12] =	ssyncset.done $0x0  }
.LBB2_2:
0xc8: {  	p0 =	sne.s32 s18, $0x6800  }
0xc9: {  	[sflag:s12] =	ssyncadd.s32 $0xFFFFFF80;
	s19 =	smov.u32 s18;
	s18 =	sadd.s32 $0x3400, s18  }
0xca: {  	s19 =	sshra.s32 s19, $0x2  }
0xcb: {  	[spmem:s2] =	stream.indirect.scatter.add.f32 [tilespmem:s11], [sflag:$0x1], $0x1, s19, s10, $0xb8;
	[tilespmem:$0x2C90] =	vst v63  }
0xcc: {  	s20 =	sadd.s32 $0x80, s19  }
0xcd: {  	[spmem:s2] =	stream.indirect.scatter.add.f32 [tilespmem:s11], [sflag:$0x1], $0x1, s20, s10, $0xb8;
	[tilespmem:$0x2C90] =	vst v63  }
0xce: {  	s20 =	sadd.s32 $0x100, s19  }
0xcf: {  	[spmem:s2] =	stream.indirect.scatter.add.f32 [tilespmem:s11], [sflag:$0x1], $0x1, s20, s10, $0xb8;
	[tilespmem:$0x2C90] =	vst v63  }
0xd0: {  	s20 =	sadd.s32 $0x180, s19  }
0xd1: {  	[spmem:s2] =	stream.indirect.scatter.add.f32 [tilespmem:s11], [sflag:$0x1], $0x1, s20, s10, $0xb8;
	[tilespmem:$0x2C90] =	vst v63  }
0xd2: {  	s20 =	sadd.s32 $0x200, s19  }
0xd3: {  	[spmem:s2] =	stream.indirect.scatter.add.f32 [tilespmem:s11], [sflag:$0x1], $0x1, s20, s10, $0xb8;
	[tilespmem:$0x2C90] =	vst v63  }
0xd4: {  	s20 =	sadd.s32 $0x280, s19  }
0xd5: {  	[spmem:s2] =	stream.indirect.scatter.add.f32 [tilespmem:s11], [sflag:$0x1], $0x1, s20, s10, $0xb8;
	[tilespmem:$0x2C90] =	vst v63  }
0xd6: {  	s20 =	sadd.s32 $0x300, s19  }
0xd7: {  	[spmem:s2] =	stream.indirect.scatter.add.f32 [tilespmem:s11], [sflag:$0x1], $0x1, s20, s10, $0xb8;
	[tilespmem:$0x2C90] =	vst v63  }
0xd8: {  	s20 =	sadd.s32 $0x380, s19  }
0xd9: {  	[spmem:s2] =	stream.indirect.scatter.add.f32 [tilespmem:s11], [sflag:$0x1], $0x1, s20, s10, $0xb8;
	[tilespmem:$0x2C90] =	vst v63  }
0xda: {  	s20 =	sadd.s32 $0x400, s19  }
0xdb: {  	[spmem:s2] =	stream.indirect.scatter.add.f32 [tilespmem:s11], [sflag:$0x1], $0x1, s20, s10, $0xb8;
	[tilespmem:$0x2C90] =	vst v63  }
0xdc: {  	s20 =	sadd.s32 $0x480, s19  }
0xdd: {  	[spmem:s2] =	stream.indirect.scatter.add.f32 [tilespmem:s11], [sflag:$0x1], $0x1, s20, s10, $0xb8;
	[tilespmem:$0x2C90] =	vst v63  }
0xde: {  	s20 =	sadd.s32 $0x500, s19  }
0xdf: {  	[spmem:s2] =	stream.indirect.scatter.add.f32 [tilespmem:s11], [sflag:$0x1], $0x1, s20, s10, $0xb8;
	[tilespmem:$0x2C90] =	vst v63  }
0xe0: {  	s20 =	sadd.s32 $0x580, s19  }
0xe1: {  	[spmem:s2] =	stream.indirect.scatter.add.f32 [tilespmem:s11], [sflag:$0x1], $0x1, s20, s10, $0xb8;
	[tilespmem:$0x2C90] =	vst v63  }
0xe2: {  	s20 =	sadd.s32 $0x600, s19  }
0xe3: {  	[spmem:s2] =	stream.indirect.scatter.add.f32 [tilespmem:s11], [sflag:$0x1], $0x1, s20, s10, $0xb8;
	[tilespmem:$0x2C90] =	vst v63  }
0xe4: {  	s20 =	sadd.s32 $0x680, s19  }
0xe5: {  	[spmem:s2] =	stream.indirect.scatter.add.f32 [tilespmem:s11], [sflag:$0x1], $0x1, s20, s10, $0xb8;
	[tilespmem:$0x2C90] =	vst v63  }
0xe6: {  	s20 =	sadd.s32 $0x700, s19  }
0xe7: {  	[spmem:s2] =	stream.indirect.scatter.add.f32 [tilespmem:s11], [sflag:$0x1], $0x1, s20, s10, $0xb8;
	[tilespmem:$0x2C90] =	vst v63  }
0xe8: {  	s20 =	sadd.s32 $0x780, s19  }
0xe9: {  	[spmem:s2] =	stream.indirect.scatter.add.f32 [tilespmem:s11], [sflag:$0x1], $0x1, s20, s10, $0xb8;
	[tilespmem:$0x2C90] =	vst v63  }
0xea: {  	s20 =	sadd.s32 $0x800, s19  }
0xeb: {  	[spmem:s2] =	stream.indirect.scatter.add.f32 [tilespmem:s11], [sflag:$0x1], $0x1, s20, s10, $0xb8;
	[tilespmem:$0x2C90] =	vst v63  }
0xec: {  	s20 =	sadd.s32 $0x880, s19  }
0xed: {  	[spmem:s2] =	stream.indirect.scatter.add.f32 [tilespmem:s11], [sflag:$0x1], $0x1, s20, s10, $0xb8;
	[tilespmem:$0x2C90] =	vst v63  }
0xee: {  	s20 =	sadd.s32 $0x900, s19  }
0xef: {  	[spmem:s2] =	stream.indirect.scatter.add.f32 [tilespmem:s11], [sflag:$0x1], $0x1, s20, s10, $0xb8;
	[tilespmem:$0x2C90] =	vst v63  }
0xf0: {  	s20 =	sadd.s32 $0x980, s19  }
0xf1: {  	[spmem:s2] =	stream.indirect.scatter.add.f32 [tilespmem:s11], [sflag:$0x1], $0x1, s20, s10, $0xb8;
	[tilespmem:$0x2C90] =	vst v63  }
0xf2: {  	s20 =	sadd.s32 $0xA00, s19  }
0xf3: {  	[spmem:s2] =	stream.indirect.scatter.add.f32 [tilespmem:s11], [sflag:$0x1], $0x1, s20, s10, $0xb8;
	[tilespmem:$0x2C90] =	vst v63  }
0xf4: {  	s20 =	sadd.s32 $0xA80, s19  }
0xf5: {  	[spmem:s2] =	stream.indirect.scatter.add.f32 [tilespmem:s11], [sflag:$0x1], $0x1, s20, s10, $0xb8;
	[tilespmem:$0x2C90] =	vst v63  }
0xf6: {  	s20 =	sadd.s32 $0xB00, s19  }
0xf7: {  	[spmem:s2] =	stream.indirect.scatter.add.f32 [tilespmem:s11], [sflag:$0x1], $0x1, s20, s10, $0xb8;
	[tilespmem:$0x2C90] =	vst v63  }
0xf8: {  	s20 =	sadd.s32 $0xB80, s19  }
0xf9: {  	[spmem:s2] =	stream.indirect.scatter.add.f32 [tilespmem:s11], [sflag:$0x1], $0x1, s20, s10, $0xb8;
	[tilespmem:$0x2C90] =	vst v63  }
0xfa: {  	s20 =	sadd.s32 $0xC00, s19  }
0xfb: {  	[spmem:s2] =	stream.indirect.scatter.add.f32 [tilespmem:s11], [sflag:$0x1], $0x1, s20, s10, $0xb8;
	[tilespmem:$0x2C90] =	vst v63  }
0xfc: {  	s19 =	sadd.s32 $0xC80, s19  }
0xfd: {  	[spmem:s2] =	stream.indirect.scatter.add.f32 [tilespmem:s11], [sflag:$0x1], $0x1, s19, s10, $0xb8;
	[tilespmem:$0x2C90] =	vst v63  }
0xfe: {  	_ =	swait.ge [sflag:s12], $0x80  }
0xff: {  	[sflag:s12] =	ssyncset.done $0x0  }
0x100: {  	[sflag:s12] =	ssyncadd.s32 $0xFFFFFF80  }
0x101: {  	_ =	swait.ge [sflag:s12], $0x80  }
0x102: {  	[sflag:s12] =	ssyncset.done $0x0  }
0x103: {  	[sflag:s12] =	ssyncadd.s32 $0xFFFFFF80  }
0x104: {  	_ =	swait.ge [sflag:s12], $0x80  }
0x105: {  	[sflag:s12] =	ssyncset.done $0x0  }
0x106: {  	[sflag:s12] =	ssyncadd.s32 $0xFFFFFF80  }
0x107: {  	_ =	swait.ge [sflag:s12], $0x80  }
0x108: {  	[sflag:s12] =	ssyncset.done $0x0  }
0x109: {  	[sflag:s12] =	ssyncadd.s32 $0xFFFFFF80  }
0x10a: {  	_ =	swait.ge [sflag:s12], $0x80  }
0x10b: {  	[sflag:s12] =	ssyncset.done $0x0  }
0x10c: {  	[sflag:s12] =	ssyncadd.s32 $0xFFFFFF80  }
0x10d: {  	_ =	swait.ge [sflag:s12], $0x80  }
0x10e: {  	[sflag:s12] =	ssyncset.done $0x0  }
0x10f: {  	[sflag:s12] =	ssyncadd.s32 $0xFFFFFF80  }
0x110: {  	_ =	swait.ge [sflag:s12], $0x80  }
0x111: {  	[sflag:s12] =	ssyncset.done $0x0  }
0x112: {  	[sflag:s12] =	ssyncadd.s32 $0xFFFFFF80  }
0x113: {  	_ =	swait.ge [sflag:s12], $0x80  }
0x114: {  	[sflag:s12] =	ssyncset.done $0x0  }
0x115: {  	[sflag:s12] =	ssyncadd.s32 $0xFFFFFF80  }
0x116: {  	_ =	swait.ge [sflag:s12], $0x80  }
0x117: {  	[sflag:s12] =	ssyncset.done $0x0  }
0x118: {  	[sflag:s12] =	ssyncadd.s32 $0xFFFFFF80  }
0x119: {  	_ =	swait.ge [sflag:s12], $0x80  }
0x11a: {  	[sflag:s12] =	ssyncset.done $0x0  }
0x11b: {  	[sflag:s12] =	ssyncadd.s32 $0xFFFFFF80  }
0x11c: {  	_ =	swait.ge [sflag:s12], $0x80  }
0x11d: {  	[sflag:s12] =	ssyncset.done $0x0  }
0x11e: {  	[sflag:s12] =	ssyncadd.s32 $0xFFFFFF80  }
0x11f: {  	_ =	swait.ge [sflag:s12], $0x80  }
0x120: {  	[sflag:s12] =	ssyncset.done $0x0  }
0x121: {  	[sflag:s12] =	ssyncadd.s32 $0xFFFFFF80  }
0x122: {  	_ =	swait.ge [sflag:s12], $0x80  }
0x123: {  	[sflag:s12] =	ssyncset.done $0x0  }
0x124: {  	[sflag:s12] =	ssyncadd.s32 $0xFFFFFF80  }
0x125: {  	_ =	swait.ge [sflag:s12], $0x80  }
0x126: {  	[sflag:s12] =	ssyncset.done $0x0  }
0x127: {  	[sflag:s12] =	ssyncadd.s32 $0xFFFFFF80  }
0x128: {  	_ =	swait.ge [sflag:s12], $0x80  }
0x129: {  	[sflag:s12] =	ssyncset.done $0x0  }
0x12a: {  	[sflag:s12] =	ssyncadd.s32 $0xFFFFFF80  }
0x12b: {  	_ =	swait.ge [sflag:s12], $0x80  }
0x12c: {  	[sflag:s12] =	ssyncset.done $0x0  }
0x12d: {  	[sflag:s12] =	ssyncadd.s32 $0xFFFFFF80  }
0x12e: {  	_ =	swait.ge [sflag:s12], $0x80  }
0x12f: {  	[sflag:s12] =	ssyncset.done $0x0  }
0x130: {  	[sflag:s12] =	ssyncadd.s32 $0xFFFFFF80  }
0x131: {  	_ =	swait.ge [sflag:s12], $0x80  }
0x132: {  	[sflag:s12] =	ssyncset.done $0x0  }
0x133: {  	[sflag:s12] =	ssyncadd.s32 $0xFFFFFF80  }
0x134: {  	_ =	swait.ge [sflag:s12], $0x80  }
0x135: {  	[sflag:s12] =	ssyncset.done $0x0  }
0x136: {  	[sflag:s12] =	ssyncadd.s32 $0xFFFFFF80  }
0x137: {  	_ =	swait.ge [sflag:s12], $0x80  }
0x138: {  	[sflag:s12] =	ssyncset.done $0x0  }
0x139: {  	[sflag:s12] =	ssyncadd.s32 $0xFFFFFF80  }
0x13a: {  	_ =	swait.ge [sflag:s12], $0x80  }
0x13b: {  	[sflag:s12] =	ssyncset.done $0x0  }
0x13c: {  	[sflag:s12] =	ssyncadd.s32 $0xFFFFFF80  }
0x13d: {  	_ =	swait.ge [sflag:s12], $0x80  }
0x13e: {  	[sflag:s12] =	ssyncset.done $0x0  }
0x13f: {  	[sflag:s12] =	ssyncadd.s32 $0xFFFFFF80  }
0x140: {  	_ =	swait.ge [sflag:s12], $0x80  }
0x141: {  	[sflag:s12] =	ssyncset.done $0x0  }
0x142: {  	[sflag:s12] =	ssyncadd.s32 $0xFFFFFF80  }
0x143: {  	_ =	swait.ge [sflag:s12], $0x80  }
0x144: {  	[sflag:s12] =	ssyncset.done $0x0  }
0x145: {  	[sflag:s12] =	ssyncadd.s32 $0xFFFFFF80  }
.Ltmp0:
0x146: {  	_ =	swait.ge [sflag:s12], $0x80;
	(pc) =	sbr.rel @p0 .LBB2_2-.Ltmp0, $4  }
0x147: {  	[sflag:s12] =	ssyncset.done $0x0  }
0x148: {  	[sflag:s12] =	ssyncadd.s32 $0xFFFFFF80  }
0x149: {  	_ =	swait.ge [sflag:s12], $0x80  }
0x14a: {  	[sflag:s12] =	ssyncset.done $0x0  }
0x14b: {  	[sflag:s12] =	ssyncadd.s32 $0xFFFFFF80  }
0x14c: {  	[spmem:s2] =	stream.indirect.scatter.add.f32 [tilespmem:s11], [sflag:$0x2], $0x1, s14, s13, $0xb8;
	[tilespmem:$0x2C90] =	vst v63  }
0x14d: {  	_ =	swait.ge [sflag:s8], $0x10  }
0x14e: {  	s17 =	sadd.s32 $0x1, s17;
	[sflag:s8] =	ssyncset.done $0x0  }
0x14f: {  	p0 =	sne.s32 s17, s7;
	[sflag:s8] =	ssyncadd.s32 $0xFFFFFFF0  }
.Ltmp1:
0x150: {  	[bflag:$0x0] =	sbarrier.arrive $0xFFFF;
	(pc) =	sbr.rel @p0 .LBB2_1-.Ltmp1, $4  }
0x151: {  	[hbm:s6], [sflag:s15] =	dma.local [spmem:s16], $0x50  }
0x152: {  	_ =	swait.ge [sflag:s8], $0x50  }
0x153: {  	[sflag:s8] =	ssyncset.done $0x0  }
0x154: {  	[sflag:s8] =	ssyncadd.s32 $0xFFFFFFB0  }
0x155: {  	_ =	sfence.sel $0x180000  }
0x156: {  	[bflag:$0x0] =	sbarrier.arrive $0xFFFF  }
0x157: {  	p0 =	sne.s32 s0, $0x0;
	_ =	strace $0x90000047  }
0x158: {  	s0 =	sadd.s32 @!p0 $0x100000, s1;
	[bflag:$0x2] =	sbarrier.arrive $0xFFFF  }
0x159: {  	[sflag:s0] =	ssyncadd.tile.s32 @!p0 $0x1;
	_ =	shalt  }
.Lfunc_end2:
_tile_overlayer_lowered:
.L_overlay_start_2:
0x15a: {  	(tag) =	ssettag $0x2  }
0x15b: {  	s0 =	rddreg [dreg:$0x0];
	s2 =	stileid.u32  }
0x15c: {  	s1 =	rddreg [dreg:$0x1];
	p0 =	sne.s32 s2, $0x0  }
0x15d: {  	s3 =	rddreg [dreg:$0x2];
	[bflag:$0x3] =	sbarrier.arrive $0xFFFF;
	s2 =	simm.s32 @!p0 $0x1C02  }
0x15e: {  	[timem:s3], [sflag:s2] =	dma.local @!p0 [hbm:s0], s1  }
0x15f: {  	s0 =	simm.s32 @!p0 $0x2  }
0x160: {  	_ =	swait.ge @!p0 [sflag:s0], s1  }
0x161: {  	s1 =	ssub.s32 @!p0 $0x0, s1;
	[sflag:s0] =	ssyncset.done @!p0 $0x0  }
0x162: {  	[sflag:s0] =	ssyncadd.s32 @!p0 s1  }
0x163: {  	[bflag:$0x3] =	sbarrier.arrive $0xFFFF  }
0x164: {  	_ =	shalt  }

</sc_bundles>
